<compile_context>
chip_gen: v7x
topology: tpu7x:2x2x1
jax: 0.10.2.dev20260603
libtpu: 0.0.44.dev20260713+nightly
codegen_flags: <defaults>
</compile_context>

<pallas_src>
import functools

import numpy as np
import jax
import jax.numpy as jnp
from jax import lax
from jax.experimental import pallas as pl
from jax.experimental.pallas import tpu as pltpu
from jax.experimental.pallas import tpu_sc as plsc

_B = 8
_N = 128
_FEAT = 32
_HID = 256
_K = 32
_HEADS = 4
_DH = _HID // _HEADS
_P = _N * (_N - 1) // 2
_PPAD = 8192
_NBLK = 16
_BP = _PPAD // _NBLK
_CHUNKS = _P // 16
_NEG = np.float32(-3.0e38)

_SQ = _N * _N
_BI = 8
_NIB = _N // _BI

_row_np, _col_np = np.triu_indices(_N, k=1)
_ROW = _row_np.astype(np.int32)
_COL = _col_np.astype(np.int32)
_PIDX = (_ROW * _N + _COL).astype(np.int32)


def _enc_body(x_ref, w1, b1, w2, b2, nw1, nb1, nw2, nb2, hid_o, npj_o):
    h = jnp.maximum(x_ref[...] @ w1[...] + b1[...], 0.0)
    hid = h @ w2[...] + b2[...]
    hid_o[...] = hid
    n1 = jnp.maximum(hid @ nw1[...] + nb1[...], 0.0)
    npj_o[...] = n1 @ nw2[...] + nb2[...]


def _enc_call(x2, enc, npp):
    out = pl.pallas_call(
        _enc_body,
        out_shape=(
            jax.ShapeDtypeStruct((_B * _N, _HID), jnp.float32),
            jax.ShapeDtypeStruct((_B * _N, _HID), jnp.float32),
        ),
    )(x2, enc["W1"], enc["b1"].reshape(1, _HID), enc["W2"],
      enc["b2"].reshape(1, _HID),
      npp["W1"], npp["b1"].reshape(1, _HID), npp["W2"],
      npp["b2"].reshape(1, _HID))
    return out


def _edge_body(hi_ref, hf_ref, ew1, eb1, ew2, eb2, cw1, cb1, cw2, cb2_s,
               pred_o):
    hi = hi_ref[...]
    hf = hf_ref[...]
    pair = (hi[:, None, :] + hf[None, :, :]).reshape(_BI * _N, _HID)
    h1 = jnp.maximum(pair @ ew1[...] + eb1[...], 0.0)
    rep = h1 @ ew2[...] + eb2[...]
    c1 = jnp.maximum(rep @ cw1[...] + cb1[...], 0.0)
    pv = c1 @ cw2[...] + cb2_s[0]
    pred_o[...] = pv[None, :, :]


def _edge_call(hidden, en, ec):
    const2 = lambda b, i: (0, 0)
    pred = pl.pallas_call(
        _edge_body,
        grid=(_B, _NIB),
        in_specs=[
            pl.BlockSpec((_BI, _HID), lambda b, i: (b * _NIB + i, 0)),
            pl.BlockSpec((_N, _HID), lambda b, i: (b, 0)),
            pl.BlockSpec((_HID, _HID), const2),
            pl.BlockSpec((1, _HID), const2),
            pl.BlockSpec((_HID, _HID), const2),
            pl.BlockSpec((1, _HID), const2),
            pl.BlockSpec((_HID, _HID), const2),
            pl.BlockSpec((1, _HID), const2),
            pl.BlockSpec((_HID, 1), const2),
            pl.BlockSpec(memory_space=pltpu.SMEM),
        ],
        out_specs=pl.BlockSpec((1, _BI * _N, 1),
                               lambda b, i: (b * _NIB + i, 0, 0)),
        out_shape=jax.ShapeDtypeStruct((_B * _NIB, _BI * _N, 1), jnp.float32),
    )(hidden, hidden, en["W1"], en["b1"].reshape(1, _HID), en["W2"],
      en["b2"].reshape(1, _HID), ec["W1"], ec["b1"].reshape(1, _HID),
      ec["W2"], ec["b2"])
    return pred


def _sc_body(pf_hbm, hid_hbm, pidx_hbm, row_hbm, col_hbm,
             ep_o, tv_o, mrow_o, mcol_o, mask_o, pa_o, pb_o,
             pf_v, pidx_v, vals_v, row_v, col_v, tv_v, ti_v,
             ra_v, ca_v, mrow_v, mcol_v, mask_v, rowsa_v, rowsb_v,
             tmpv_v, tmpi_v, sem, sem2):
    wid = lax.axis_index("s") * 2 + lax.axis_index("c")

    @pl.when(wid < _B)
    def _():
        b = wid
        pltpu.sync_copy(pf_hbm.at[b], pf_v)
        pltpu.sync_copy(pidx_hbm, pidx_v)
        pltpu.sync_copy(row_hbm, row_v)
        pltpu.sync_copy(col_hbm, col_v)

        def gather_tri(c, _):
            sl = pl.ds(c * 16, 16)
            vals_v[sl] = plsc.load_gather(pf_v, [pidx_v[sl]])
            return 0

        lax.fori_loop(0, _CHUNKS, gather_tri, 0, unroll=4)
        pltpu.sync_copy(vals_v, ep_o.at[b])
        lanes = lax.iota(jnp.int32, 16)
        lane0 = lanes == 0

        def round_body(k, _carry):
            def chunk(c, carry):
                bv, bi = carry
                v = vals_v[pl.ds(c * 16, 16)]
                idx = c * 16 + lanes
                p = v > bv
                return jnp.where(p, v, bv), jnp.where(p, idx, bi)

            bv, bi = lax.fori_loop(
                0, _CHUNKS, chunk,
                (jnp.full((16,), _NEG, jnp.float32),
                 jnp.zeros((16,), jnp.int32)),
                unroll=4)
            for d in (8, 4, 2, 1):
                tmpv_v[pl.ds(0, 16)] = bv
                tmpi_v[pl.ds(0, 16)] = bi
                sh = jnp.bitwise_and(lanes + d, 15)
                gv = plsc.load_gather(tmpv_v, [sh])
                gi = plsc.load_gather(tmpi_v, [sh])
                t = (gv > bv) | ((gv == bv) & (gi < bi))
                bv = jnp.where(t, gv, bv)
                bi = jnp.where(t, gi, bi)
            kvec = jnp.full((16,), k, jnp.int32)
            plsc.store_scatter(tv_v, [kvec], bv, mask=lane0)
            plsc.store_scatter(ti_v, [kvec], bi, mask=lane0)
            plsc.store_scatter(vals_v, [bi],
                               jnp.full((16,), _NEG, jnp.float32), mask=lane0)
            return 0

        lax.fori_loop(0, _K, round_body, 0)

        for c in range(2):
            sl = pl.ds(c * 16, 16)
            iv = ti_v[sl]
            rg = plsc.load_gather(row_v, [iv])
            cg = plsc.load_gather(col_v, [iv])
            ra_v[sl] = rg + b * _N
            ca_v[sl] = cg + b * _N
            mk = tv_v[sl] > 0.0
            neg1 = jnp.full((16,), -1, jnp.int32)
            mrow_v[sl] = jnp.where(mk, rg, neg1)
            mcol_v[sl] = jnp.where(mk, cg, neg1)
            mask_v[sl] = mk.astype(jnp.int32)

        cpa = pltpu.async_copy(hid_hbm.at[ra_v], rowsa_v, sem)
        cpb = pltpu.async_copy(hid_hbm.at[ca_v], rowsb_v, sem2)
        pltpu.sync_copy(tv_v, tv_o.at[b])
        pltpu.sync_copy(mrow_v, mrow_o.at[b])
        pltpu.sync_copy(mcol_v, mcol_o.at[b])
        pltpu.sync_copy(mask_v, mask_o.at[b])
        cpa.wait()
        pltpu.sync_copy(rowsa_v, pa_o.at[b])
        cpb.wait()
        pltpu.sync_copy(rowsb_v, pb_o.at[b])


def _sc_topk_call(pred_full, hid2d, pidxlut, rowlut, collut):
    mesh = plsc.VectorSubcoreMesh(core_axis_name="c", subcore_axis_name="s")
    kern = functools.partial(
        pl.kernel,
        mesh=mesh,
        compiler_params=pltpu.CompilerParams(needs_layout_passes=False),
        out_type=[
            jax.ShapeDtypeStruct((_B, _P), jnp.float32),
            jax.ShapeDtypeStruct((_B, _K), jnp.float32),
            jax.ShapeDtypeStruct((_B, _K), jnp.int32),
            jax.ShapeDtypeStruct((_B, _K), jnp.int32),
            jax.ShapeDtypeStruct((_B, _K), jnp.int32),
            jax.ShapeDtypeStruct((_B, _K, _HID), jnp.float32),
            jax.ShapeDtypeStruct((_B, _K, _HID), jnp.float32),
        ],
        scratch_types=[
            pltpu.VMEM((_SQ,), jnp.float32),
            pltpu.VMEM((_P,), jnp.int32),
            pltpu.VMEM((_P,), jnp.float32),
            pltpu.VMEM((_P,), jnp.int32),
            pltpu.VMEM((_P,), jnp.int32),
            pltpu.VMEM((_K,), jnp.float32),
            pltpu.VMEM((_K,), jnp.int32),
            pltpu.VMEM((_K,), jnp.int32),
            pltpu.VMEM((_K,), jnp.int32),
            pltpu.VMEM((_K,), jnp.int32),
            pltpu.VMEM((_K,), jnp.int32),
            pltpu.VMEM((_K,), jnp.int32),
            pltpu.VMEM((_K, _HID), jnp.float32),
            pltpu.VMEM((_K, _HID), jnp.float32),
            pltpu.VMEM((16,), jnp.float32),
            pltpu.VMEM((16,), jnp.int32),
            pltpu.SemaphoreType.DMA,
            pltpu.SemaphoreType.DMA,
        ],
    )(_sc_body)
    return kern(pred_full, hid2d, pidxlut, rowlut, collut)


def _ln(x):
    m = jnp.mean(x, axis=-1, keepdims=True)
    v = jnp.mean((x - m) ** 2, axis=-1, keepdims=True)
    return (x - m) * lax.rsqrt(v + 1e-6)


def _softmax(x):
    mx = jnp.max(x, axis=-1, keepdims=True)
    e = jnp.exp(x - mx)
    return e / jnp.sum(e, axis=-1, keepdims=True)


def _dit_body(npj_ref, pa_ref, pb_ref, tvc_ref, maskc_ref, maskr_ref,
              nsc_ref, eW1, eb1, eW2, eb2,
              mW1m, mw1l, mb1, mW2, mb2,
              l0, l1, Wout, bout, e2W1,
              u1n_o, u1m_o):
    b = pl.program_id(0)
    pair_sel = pa_ref[...] + pb_ref[...]
    eh = jnp.maximum(pair_sel @ eW1[...] + eb1[...], 0.0)
    mnod = eh @ eW2[...] + eb2[...]
    tvc = tvc_ref[...].reshape(_K, 1)
    maskc = maskc_ref[...].reshape(_K, 1)
    maskr = maskr_ref[...].reshape(1, _K)

    meta_h = jnp.maximum(mnod @ mW1m[...] + tvc * mw1l[...] + mb1[...], 0.0)
    meta_proj = meta_h @ mW2[...] + mb2[...]
    merged = jnp.concatenate([npj_ref[...], meta_proj], axis=0)

    qf_col = jnp.concatenate([jnp.ones((_N, 1), jnp.float32), maskc], axis=0)
    qf_row = jnp.concatenate([jnp.ones((1, _N), jnp.float32), maskr], axis=1)
    mcnt = jnp.sum(maskc)
    cnt = jnp.float32(_N) + mcnt
    ctx = jnp.sum(merged * qf_col, axis=0, keepdims=True) / cnt
    nsc = nsc_ref[b]
    nmeta = mcnt / jnp.float32(_K)
    inval_pen = (1.0 - qf_row) * 1e9

    q = merged
    for (Wm, wn, wk, bmod, Wq, bq, Wk_, bk, Wv, bv, Wo, bo,
         Wm1, bm1, Wm2, bm2) in (l0, l1):
        mod = ctx @ Wm[...] + nsc * wn[...] + nmeta * wk[...] + bmod[...]
        s1 = mod[:, 0:_HID]
        sc1 = mod[:, _HID:2 * _HID]
        g1 = mod[:, 2 * _HID:3 * _HID]
        s2 = mod[:, 3 * _HID:4 * _HID]
        sc2 = mod[:, 4 * _HID:5 * _HID]
        g2 = mod[:, 5 * _HID:6 * _HID]

        h = _ln(q) * (1.0 + sc1) + s1
        qq = h @ Wq[...] + bq[...]
        kk = h @ Wk_[...] + bk[...]
        vv = h @ Wv[...] + bv[...]
        outs = []
        for hh in range(_HEADS):
            s = slice(hh * _DH, (hh + 1) * _DH)
            lg = lax.dot_general(qq[:, s], kk[:, s],
                                 (((1,), (1,)), ((), ()))) * (1.0 / np.sqrt(_DH))
            a = _softmax(lg - inval_pen)
            outs.append(a @ vv[:, s])
        att = jnp.concatenate(outs, axis=1) @ Wo[...] + bo[...]
        q = q + g1 * att
        h = _ln(q) * (1.0 + sc2) + s2
        m1 = jnp.maximum(h @ Wm1[...] + bm1[...], 0.0)
        q = q + g2 * (m1 @ Wm2[...] + bm2[...])

    upd = (_ln(q) @ Wout[...] + bout[...]) * qf_col
    u1n_o[...] = upd[:_N]
    u1m_o[...] = upd[_N:]


def _dit_call(npj, pa2, pb2, tvc, maskc, maskr, nsc, en, mp, layers,
              Wout, bout, e2W1):
    const2 = lambda b: (0, 0)

    def w2(shape):
        return pl.BlockSpec(shape, const2)

    layer_arrs = []
    layer_specs = []
    for lyr in layers:
        arrs = (lyr["Wmod"][:_HID], lyr["Wmod"][_HID:_HID + 1],
                lyr["Wmod"][_HID + 1:_HID + 2], lyr["bmod"].reshape(1, -1),
                lyr["Wq"], lyr["bq"].reshape(1, -1),
                lyr["Wk"], lyr["bk"].reshape(1, -1),
                lyr["Wv"], lyr["bv"].reshape(1, -1),
                lyr["Wo"], lyr["bo"].reshape(1, -1),
                lyr["Wm1"], lyr["bm1"].reshape(1, -1),
                lyr["Wm2"], lyr["bm2"].reshape(1, -1))
        layer_arrs.append(arrs)
        layer_specs.append(tuple(w2(a.shape) for a in arrs))

    in_specs = [
        pl.BlockSpec((_N, _HID), lambda b: (b, 0)),
        pl.BlockSpec((_K, _HID), lambda b: (b, 0)),
        pl.BlockSpec((_K, _HID), lambda b: (b, 0)),
        pl.BlockSpec((1, _K, 1), lambda b: (b, 0, 0)),
        pl.BlockSpec((1, _K, 1), lambda b: (b, 0, 0)),
        pl.BlockSpec((1, 1, _K), lambda b: (b, 0, 0)),
        pl.BlockSpec(memory_space=pltpu.SMEM),
        w2((_HID, _HID)), w2((1, _HID)), w2((_HID, _HID)), w2((1, _HID)),
        w2((_HID, _HID)), w2((1, _HID)), w2((1, _HID)),
        w2((_HID, _HID)), w2((1, _HID)),
        layer_specs[0], layer_specs[1],
        w2((_HID, _HID)), w2((1, _HID)),
        w2((_HID, _HID)),
    ]
    u1n, u1m = pl.pallas_call(
        _dit_body,
        grid=(_B,),
        in_specs=in_specs,
        out_specs=(
            pl.BlockSpec((_N, _HID), lambda b: (b, 0)),
            pl.BlockSpec((_K, _HID), lambda b: (b, 0)),
        ),
        out_shape=(
            jax.ShapeDtypeStruct((_B * _N, _HID), jnp.float32),
            jax.ShapeDtypeStruct((_B * _K, _HID), jnp.float32),
        ),
    )(npj, pa2, pb2, tvc, maskc, maskr, nsc,
      en["W1"], en["b1"].reshape(1, -1), en["W2"], en["b2"].reshape(1, -1),
      mp["W1"][:_HID], mp["W1"][_HID:_HID + 1], mp["b1"].reshape(1, -1),
      mp["W2"], mp["b2"].reshape(1, -1),
      layer_arrs[0], layer_arrs[1],
      Wout, bout.reshape(1, -1), e2W1)
    return u1n, u1m


def _edge2_body(u1n_ref, u1m_ref, ew1, eb1, ew2, eb2, cw1, cb1, cw2, cb2_s,
                out_ref):
    un = u1n_ref[...]
    um = u1m_ref[...]
    for j in range(_K):
        pair = un + um[j:j + 1]
        h1 = jnp.maximum(pair @ ew1[...] + eb1[...], 0.0)
        rep = h1 @ ew2[...] + eb2[...]
        c = jnp.maximum(rep @ cw1[...] + cb1[...], 0.0)
        pj = c @ cw2[...] + cb2_s[0]
        out_ref[:, :, j:j + 1] = pj[None, :, :]


def _edge2_call(u1n, u1m, en2, ec2):
    const2 = lambda b: (0, 0)
    out = pl.pallas_call(
        _edge2_body,
        grid=(_B,),
        in_specs=[
            pl.BlockSpec((_N, _HID), lambda b: (b, 0)),
            pl.BlockSpec((_K, _HID), lambda b: (b, 0)),
            pl.BlockSpec((_HID, _HID), const2),
            pl.BlockSpec((1, _HID), const2),
            pl.BlockSpec((_HID, _HID), const2),
            pl.BlockSpec((1, _HID), const2),
            pl.BlockSpec((_HID, _HID), const2),
            pl.BlockSpec((1, _HID), const2),
            pl.BlockSpec((_HID, 1), const2),
            pl.BlockSpec(memory_space=pltpu.SMEM),
        ],
        out_specs=pl.BlockSpec((1, _N, _K), lambda b: (b, 0, 0)),
        out_shape=jax.ShapeDtypeStruct((_B, _N, _K), jnp.float32),
    )(u1n, u1m, en2["W1"], en2["b1"].reshape(1, _HID), en2["W2"],
      en2["b2"].reshape(1, _HID), ec2["W1"], ec2["b1"].reshape(1, _HID),
      ec2["W2"], ec2["b2"])
    return out


def kernel(x, n_objects, params):
    x2 = x.reshape(_B * _N, _FEAT)
    pidxlut = jnp.asarray(_PIDX)
    rowlut = jnp.asarray(_ROW)
    collut = jnp.asarray(_COL)

    hidden, npj = _enc_call(x2, params["enc"], params["node_proj"])
    pred = _edge_call(hidden, params["edge_net"], params["edge_cls"])
    pred_full = pred.reshape(_B, _SQ)

    edge_pred, tv, mrow, mcol, maskint, pa, pb = _sc_topk_call(
        pred_full, hidden, pidxlut, rowlut, collut)

    prob_mask = maskint.astype(bool)
    meta_idx = jnp.stack([mrow, mcol], axis=-1)
    maskf = maskint.astype(jnp.float32)
    nsc = (n_objects.astype(jnp.float32) - 2.0) / 126.0

    u1n, u1m = _dit_call(
        npj, pa.reshape(_B * _K, _HID), pb.reshape(_B * _K, _HID),
        tv.reshape(_B, _K, 1),
        maskf.reshape(_B, _K, 1), maskf.reshape(_B, 1, _K), nsc,
        params["edge_net"], params["meta_node_proj"],
        params["dit"]["layers"],
        params["dit"]["Wout"], params["dit"]["bout"],
        params["edge_net2"]["W1"])

    edge_pred2 = _edge2_call(u1n, u1m, params["edge_net2"],
                             params["edge_cls2"])
    return edge_pred2, edge_pred, meta_idx, prob_mask

# --- scband reference (transcript-rebuilt; emitter-appended) ---
"""Pipeline reference for scband-tiger-model-87892210745644 (READ-ONLY COPY).

The authoritative reference and input builder live on the scoring server;
editing this copy changes nothing except your own understanding.
"""

import jax, jax.numpy as jnp
import numpy as np

BS = 8; N = 128; FEAT = 32; HID = 256; K = 32; HEADS = 4; NTRF = 2
NMIN = 2.0; NMAX = 128.0; THR = 0.5


def _glorot(key, shape):
    lim = np.sqrt(6.0 / (shape[0] + shape[1]))
    return jax.random.uniform(key, shape, minval=-lim, maxval=lim, dtype=jnp.float32)


def _mlp_params(key, din, dhid, dout):
    k1, k2 = jax.random.split(key)
    return {"W1": _glorot(k1, (din, dhid)), "b1": jnp.zeros((dhid,), jnp.float32),
            "W2": _glorot(k2, (dhid, dout)), "b2": jnp.zeros((dout,), jnp.float32)}


def setup_inputs(seed: int = 0):
    key = jax.random.key(seed)
    ks = jax.random.split(key, 16)
    x = jax.random.normal(ks[0], (BS, N, FEAT), dtype=jnp.float32)
    n_objects = jax.random.randint(ks[1], (BS,), 0, 128, dtype=jnp.int32)
    layers = []
    for i in range(NTRF):
        kk = jax.random.split(ks[2 + i], 8)
        layers.append({
            "Wmod": _glorot(kk[0], (HID + 2, 6 * HID)), "bmod": jnp.zeros((6 * HID,), jnp.float32),
            "Wq": _glorot(kk[1], (HID, HID)), "bq": jnp.zeros((HID,), jnp.float32),
            "Wk": _glorot(kk[2], (HID, HID)), "bk": jnp.zeros((HID,), jnp.float32),
            "Wv": _glorot(kk[3], (HID, HID)), "bv": jnp.zeros((HID,), jnp.float32),
            "Wo": _glorot(kk[4], (HID, HID)), "bo": jnp.zeros((HID,), jnp.float32),
            "Wm1": _glorot(kk[5], (HID, 4 * HID)), "bm1": jnp.zeros((4 * HID,), jnp.float32),
            "Wm2": _glorot(kk[6], (4 * HID, HID)), "bm2": jnp.zeros((HID,), jnp.float32)})
    params = {
        "enc": _mlp_params(ks[5], FEAT, HID, HID),
        "edge_net": _mlp_params(ks[6], HID, HID, HID),
        "edge_cls": _mlp_params(ks[7], HID, HID, 1),
        "node_proj": _mlp_params(ks[8], HID, HID, HID),
        "meta_node_proj": _mlp_params(ks[9], HID + 1, HID, HID),
        "dit": {"layers": layers, "Wout": _glorot(ks[10], (HID, HID)), "bout": jnp.zeros((HID,), jnp.float32)},
        "edge_net2": _mlp_params(ks[11], HID, HID, HID),
        "edge_cls2": _mlp_params(ks[12], HID, HID, 1)}
    return {"x": x, "n_objects": n_objects, "params": params}


def _mlp(x, p):
    return jax.nn.relu(x @ p["W1"] + p["b1"]) @ p["W2"] + p["b2"]


def _ln(x):
    m = x.mean(-1, keepdims=True)
    v = ((x - m) ** 2).mean(-1, keepdims=True)
    return (x - m) * jax.lax.rsqrt(v + 1e-6)


def _attn(h, invalid, p):
    B, S, D = h.shape
    dh = D // HEADS
    q = (h @ p["Wq"] + p["bq"]).reshape(B, S, HEADS, dh).transpose(0, 2, 1, 3)
    k = (h @ p["Wk"] + p["bk"]).reshape(B, S, HEADS, dh).transpose(0, 2, 1, 3)
    v = (h @ p["Wv"] + p["bv"]).reshape(B, S, HEADS, dh).transpose(0, 2, 1, 3)
    logits = jnp.einsum("bhqd,bhkd->bhqk", q, k) / np.sqrt(dh)
    logits = jnp.where(invalid[:, None, None, :], -1e9, logits)
    a = jax.nn.softmax(logits, axis=-1)
    o = jnp.einsum("bhqk,bhkd->bhqd", a, v).transpose(0, 2, 1, 3).reshape(B, S, D)
    return o @ p["Wo"] + p["bo"]


def _dit(q, invalid, ctx, p):
    for lyr in p["layers"]:
        mod = ctx @ lyr["Wmod"] + lyr["bmod"]
        s1, sc1, g1, s2, sc2, g2 = [m[:, None, :] for m in jnp.split(mod, 6, axis=-1)]
        h = _ln(q) * (1.0 + sc1) + s1
        q = q + g1 * _attn(h, invalid, lyr)
        h = _ln(q) * (1.0 + sc2) + s2
        q = q + g2 * (jax.nn.relu(h @ lyr["Wm1"] + lyr["bm1"]) @ lyr["Wm2"] + lyr["bm2"])
    return _ln(q) @ p["Wout"] + p["bout"]


def _forward(x, n_objects, params):
    hidden = _mlp(x, params["enc"])
    row, col = jnp.triu_indices(N, k=1)
    pair = hidden[:, row, :] + hidden[:, col, :]
    edge_rep = _mlp(pair, params["edge_net"])
    edge_pred = _mlp(edge_rep, params["edge_cls"])[..., 0]
    order = jnp.argsort(-edge_pred, axis=-1)
    prob_sorted = jnp.take_along_axis(edge_pred, order, axis=-1)
    topk_logit = prob_sorted[:, :K]
    converted = jax.nn.sigmoid(topk_logit)
    prob_mask = converted > THR
    idx_top = order[:, :K]
    meta_idx = jnp.stack([row[idx_top], col[idx_top]], axis=-1)
    meta_idx = jnp.where(prob_mask[..., None], meta_idx, -1)
    meta_nodes = jnp.take_along_axis(edge_rep, idx_top[:, :, None], axis=1)
    node_proj = _mlp(hidden, params["node_proj"])
    meta_proj = _mlp(jnp.concatenate([meta_nodes, topk_logit[..., None]], axis=-1), params["meta_node_proj"])
    merged = jnp.concatenate([node_proj, meta_proj], axis=1)
    q_mask = jnp.concatenate([jnp.ones((x.shape[0], N), dtype=bool), prob_mask], axis=1)
    n_scale = ((n_objects.astype(jnp.float32) - NMIN) / (NMAX - NMIN))[:, None]
    n_scale_meta = (prob_mask.sum(axis=1).astype(jnp.float32) / K)[:, None]
    qf = q_mask[..., None].astype(jnp.float32)
    context = jnp.concatenate([(merged * qf).sum(1) / q_mask.sum(1).astype(jnp.float32)[:, None], n_scale, n_scale_meta], axis=-1)
    upd = _dit(merged, ~q_mask, context, params["dit"]) * qf
    pair2 = upd[:, :N, None, :] + upd[:, None, N:, :]
    edge_rep2 = _mlp(pair2, params["edge_net2"])
    edge_pred2 = _mlp(edge_rep2, params["edge_cls2"])[..., 0]
    return edge_pred2, edge_pred, meta_idx, prob_mask


def reference(x, n_objects, params):
    return _forward(x, n_objects, params)

if __name__ == "__main__":
    import jax
    _d = setup_inputs()
    print(jax.jit(kernel)(*tuple(_d.values())))

</pallas_src>

<mosaic_0001>
#map = affine_map<(d0, d1) -> (0, 0)>
#map1 = affine_map<(d0, d1) -> (0)>
#map2 = affine_map<(d0, d1) -> (0, 0, 0)>
module attributes {stable_mosaic.version = 14 : i64} {
  func.func @_sc_body(%arg0: i32, %arg1: i32, %arg2: memref<8x16384xf32, #tpu.memory_space<hbm>>, %arg3: memref<1024x256xf32, #tpu.memory_space<hbm>>, %arg4: memref<8128xi32, #tpu.memory_space<hbm>>, %arg5: memref<8128xi32, #tpu.memory_space<hbm>>, %arg6: memref<8128xi32, #tpu.memory_space<hbm>>, %arg7: memref<8x8128xf32, #tpu.memory_space<hbm>>, %arg8: memref<8x32xf32, #tpu.memory_space<hbm>>, %arg9: memref<8x32xi32, #tpu.memory_space<hbm>>, %arg10: memref<8x32xi32, #tpu.memory_space<hbm>>, %arg11: memref<8x32xi32, #tpu.memory_space<hbm>>, %arg12: memref<8x32x256xf32, #tpu.memory_space<hbm>>, %arg13: memref<8x32x256xf32, #tpu.memory_space<hbm>>, %arg14: memref<16384xf32, #tpu.memory_space<vmem>>, %arg15: memref<8128xi32, #tpu.memory_space<vmem>>, %arg16: memref<8128xf32, #tpu.memory_space<vmem>>, %arg17: memref<8128xi32, #tpu.memory_space<vmem>>, %arg18: memref<8128xi32, #tpu.memory_space<vmem>>, %arg19: memref<32xf32, #tpu.memory_space<vmem>>, %arg20: memref<32xi32, #tpu.memory_space<vmem>>, %arg21: memref<32xi32, #tpu.memory_space<vmem>>, %arg22: memref<32xi32, #tpu.memory_space<vmem>>, %arg23: memref<32xi32, #tpu.memory_space<vmem>>, %arg24: memref<32xi32, #tpu.memory_space<vmem>>, %arg25: memref<32xi32, #tpu.memory_space<vmem>>, %arg26: memref<32x256xf32, #tpu.memory_space<vmem>>, %arg27: memref<32x256xf32, #tpu.memory_space<vmem>>, %arg28: memref<16xf32, #tpu.memory_space<vmem>>, %arg29: memref<16xi32, #tpu.memory_space<vmem>>, %arg30: memref<!tpu.dma_semaphore, #tpu.memory_space<semaphore_mem>>, %arg31: memref<!tpu.dma_semaphore, #tpu.memory_space<semaphore_mem>>) attributes {dimension_semantics = [#tpu.dimension_semantics<core_parallel>, #tpu.dimension_semantics<subcore_parallel>], iteration_bounds = array<i64: 2, 16>, scalar_prefetch = 0 : i64, scratch_operands = 18 : i64, tpu.core_type = #tpu.core_type<sc_vector_subcore>, window_params = [{transform_indices = #map}, {transform_indices = #map}, {transform_indices = #map1}, {transform_indices = #map1}, {transform_indices = #map1}, {transform_indices = #map}, {transform_indices = #map}, {transform_indices = #map}, {transform_indices = #map}, {transform_indices = #map}, {transform_indices = #map2}, {transform_indices = #map2}]} {
    %mul3A = arith.constant 2 : i32
    %mul3A_0 = arith.muli %arg1, %mul3A : i32
    %add3A = arith.addi %mul3A_0, %arg0 : i32
    %lt3A = arith.constant 8 : i32
    %lt3A_1 = arith.cmpi slt, %add3A, %lt3A : i32
    %convert_element_type3A = arith.extui %lt3A_1 : i1 to i32
    %cond3A = arith.constant 0 : i32
    %cond3A_2 = arith.cmpi ne, %convert_element_type3A, %cond3A : i32
    scf.if %cond3A_2 {
      "tpu.region"() ({
        %run_scoped3A = tpu.sem_alloc : memref<!tpu.dma_semaphore, #tpu.memory_space<semaphore_mem>>
        %dma_start3A_86 = arith.constant 0 : i32
        %dma_start3A_87 = tpu.memref_slice %arg2[%add3A, %dma_start3A_86] : memref<8x16384xf32, #tpu.memory_space<hbm>> -> memref<1x16384xf32, #tpu.memory_space<hbm>>
        %dma_start3A_88 = tpu.memref_squeeze %dma_start3A_87 : memref<1x16384xf32, #tpu.memory_space<hbm>> -> memref<16384xf32, #tpu.memory_space<hbm>>
        %dma_start3A_89 = arith.constant 0 : i32
        %dma_start3A_90 = tpu.memref_slice %arg2[%add3A, %dma_start3A_89] : memref<8x16384xf32, #tpu.memory_space<hbm>> -> memref<1x16384xf32, #tpu.memory_space<hbm>>
        %dma_start3A_91 = tpu.memref_squeeze %dma_start3A_90 : memref<1x16384xf32, #tpu.memory_space<hbm>> -> memref<16384xf32, #tpu.memory_space<hbm>>
        tpu.enqueue_dma source(%dma_start3A_91 : memref<16384xf32, #tpu.memory_space<hbm>>) target(%arg14 : memref<16384xf32, #tpu.memory_space<vmem>>) target_semaphore(%run_scoped3A : memref<!tpu.dma_semaphore, #tpu.memory_space<semaphore_mem>>)
        %dma_wait3A_92 = arith.constant 0 : i32
        %dma_wait3A_93 = tpu.memref_slice %arg2[%add3A, %dma_wait3A_92] : memref<8x16384xf32, #tpu.memory_space<hbm>> -> memref<1x16384xf32, #tpu.memory_space<hbm>>
        %dma_wait3A_94 = tpu.memref_squeeze %dma_wait3A_93 : memref<1x16384xf32, #tpu.memory_space<hbm>> -> memref<16384xf32, #tpu.memory_space<hbm>>
        %dma_wait3A_95 = arith.constant 0 : i32
        %dma_wait3A_96 = tpu.memref_slice %arg2[%add3A, %dma_wait3A_95] : memref<8x16384xf32, #tpu.memory_space<hbm>> -> memref<1x16384xf32, #tpu.memory_space<hbm>>
        %dma_wait3A_97 = tpu.memref_squeeze %dma_wait3A_96 : memref<1x16384xf32, #tpu.memory_space<hbm>> -> memref<16384xf32, #tpu.memory_space<hbm>>
        tpu.wait_dma2 semaphore(%run_scoped3A : memref<!tpu.dma_semaphore, #tpu.memory_space<semaphore_mem>>) src(%dma_wait3A_97 : memref<16384xf32, #tpu.memory_space<hbm>>) dst(%arg14 : memref<16384xf32, #tpu.memory_space<vmem>>)
        tpu.yield
      }) : () -> ()
      "tpu.region"() ({
        %run_scoped3A = tpu.sem_alloc : memref<!tpu.dma_semaphore, #tpu.memory_space<semaphore_mem>>
        tpu.enqueue_dma source(%arg4 : memref<8128xi32, #tpu.memory_space<hbm>>) target(%arg15 : memref<8128xi32, #tpu.memory_space<vmem>>) target_semaphore(%run_scoped3A : memref<!tpu.dma_semaphore, #tpu.memory_space<semaphore_mem>>)
        tpu.wait_dma2 semaphore(%run_scoped3A : memref<!tpu.dma_semaphore, #tpu.memory_space<semaphore_mem>>) src(%arg4 : memref<8128xi32, #tpu.memory_space<hbm>>) dst(%arg15 : memref<8128xi32, #tpu.memory_space<vmem>>)
        tpu.yield
      }) : () -> ()
      "tpu.region"() ({
        %run_scoped3A = tpu.sem_alloc : memref<!tpu.dma_semaphore, #tpu.memory_space<semaphore_mem>>
        tpu.enqueue_dma source(%arg5 : memref<8128xi32, #tpu.memory_space<hbm>>) target(%arg17 : memref<8128xi32, #tpu.memory_space<vmem>>) target_semaphore(%run_scoped3A : memref<!tpu.dma_semaphore, #tpu.memory_space<semaphore_mem>>)
        tpu.wait_dma2 semaphore(%run_scoped3A : memref<!tpu.dma_semaphore, #tpu.memory_space<semaphore_mem>>) src(%arg5 : memref<8128xi32, #tpu.memory_space<hbm>>) dst(%arg17 : memref<8128xi32, #tpu.memory_space<vmem>>)
        tpu.yield
      }) : () -> ()
      "tpu.region"() ({
        %run_scoped3A = tpu.sem_alloc : memref<!tpu.dma_semaphore, #tpu.memory_space<semaphore_mem>>
        tpu.enqueue_dma source(%arg6 : memref<8128xi32, #tpu.memory_space<hbm>>) target(%arg18 : memref<8128xi32, #tpu.memory_space<vmem>>) target_semaphore(%run_scoped3A : memref<!tpu.dma_semaphore, #tpu.memory_space<semaphore_mem>>)
        tpu.wait_dma2 semaphore(%run_scoped3A : memref<!tpu.dma_semaphore, #tpu.memory_space<semaphore_mem>>) src(%arg6 : memref<8128xi32, #tpu.memory_space<hbm>>) dst(%arg18 : memref<8128xi32, #tpu.memory_space<vmem>>)
        tpu.yield
      }) : () -> ()
      %scan3A = arith.constant 0 : i32
      %scan3A_3 = arith.constant 0 : i32
      %scan3A_4 = arith.constant 508 : i32
      %scan3A_5 = arith.addi %scan3A_3, %scan3A_4 : i32
      %scan3A_6 = arith.constant 4 : i32
      %scan3A_7 = scf.for %scan3A_86 = %scan3A_3 to %scan3A_5 step %scan3A_6 iter_args(%scan3A_87 = %scan3A) -> (i32)  : i32 {
        %mul3A_88 = arith.constant 16 : i32
        %mul3A_89 = arith.muli %scan3A_86, %mul3A_88 : i32
        %get3A_90 = arith.index_cast %mul3A_89 : i32 to index
        %get3A_91 = tpu.vector_load %arg15[%get3A_90] {strides = array<i32>} : memref<8128xi32, #tpu.memory_space<vmem>>, vector<16xi32>,
        %gather3A_92 = tpu.vector_load_idx %arg14[%get3A_91] : memref<16384xf32, #tpu.memory_space<vmem>>[vector<16xi32>], vector<16xf32>,
        %swap3A_93 = arith.index_cast %mul3A_89 : i32 to index
        %swap3A_94 = tpu.vector_load %arg16[%swap3A_93] {strides = array<i32>} : memref<8128xf32, #tpu.memory_space<vmem>>, vector<16xf32>,
        tpu.vector_store %arg16[%swap3A_93], %gather3A_92 {strides = array<i32>} : memref<8128xf32, #tpu.memory_space<vmem>>, vector<16xf32>,
        %scan3A_95 = arith.constant 0 : i32
        %scan3A_96 = arith.constant 1 : i32
        %scan3A_97 = arith.addi %scan3A_86, %scan3A_96 : i32
        %mul3A_98 = arith.constant 16 : i32
        %mul3A_99 = arith.muli %scan3A_97, %mul3A_98 : i32
        %get3A_100 = arith.index_cast %mul3A_99 : i32 to index
        %get3A_101 = tpu.vector_load %arg15[%get3A_100] {strides = array<i32>} : memref<8128xi32, #tpu.memory_space<vmem>>, vector<16xi32>,
        %gather3A_102 = tpu.vector_load_idx %arg14[%get3A_101] : memref<16384xf32, #tpu.memory_space<vmem>>[vector<16xi32>], vector<16xf32>,
        %swap3A_103 = arith.index_cast %mul3A_99 : i32 to index
        %swap3A_104 = tpu.vector_load %arg16[%swap3A_103] {strides = array<i32>} : memref<8128xf32, #tpu.memory_space<vmem>>, vector<16xf32>,
        tpu.vector_store %arg16[%swap3A_103], %gather3A_102 {strides = array<i32>} : memref<8128xf32, #tpu.memory_space<vmem>>, vector<16xf32>,
        %scan3A_105 = arith.constant 0 : i32
        %scan3A_106 = arith.constant 2 : i32
        %scan3A_107 = arith.addi %scan3A_86, %scan3A_106 : i32
        %mul3A_108 = arith.constant 16 : i32
        %mul3A_109 = arith.muli %scan3A_107, %mul3A_108 : i32
        %get3A_110 = arith.index_cast %mul3A_109 : i32 to index
        %get3A_111 = tpu.vector_load %arg15[%get3A_110] {strides = array<i32>} : memref<8128xi32, #tpu.memory_space<vmem>>, vector<16xi32>,
        %gather3A_112 = tpu.vector_load_idx %arg14[%get3A_111] : memref<16384xf32, #tpu.memory_space<vmem>>[vector<16xi32>], vector<16xf32>,
        %swap3A_113 = arith.index_cast %mul3A_109 : i32 to index
        %swap3A_114 = tpu.vector_load %arg16[%swap3A_113] {strides = array<i32>} : memref<8128xf32, #tpu.memory_space<vmem>>, vector<16xf32>,
        tpu.vector_store %arg16[%swap3A_113], %gather3A_112 {strides = array<i32>} : memref<8128xf32, #tpu.memory_space<vmem>>, vector<16xf32>,
        %scan3A_115 = arith.constant 0 : i32
        %scan3A_116 = arith.constant 3 : i32
        %scan3A_117 = arith.addi %scan3A_86, %scan3A_116 : i32
        %mul3A_118 = arith.constant 16 : i32
        %mul3A_119 = arith.muli %scan3A_117, %mul3A_118 : i32
        %get3A_120 = arith.index_cast %mul3A_119 : i32 to index
        %get3A_121 = tpu.vector_load %arg15[%get3A_120] {strides = array<i32>} : memref<8128xi32, #tpu.memory_space<vmem>>, vector<16xi32>,
        %gather3A_122 = tpu.vector_load_idx %arg14[%get3A_121] : memref<16384xf32, #tpu.memory_space<vmem>>[vector<16xi32>], vector<16xf32>,
        %swap3A_123 = arith.index_cast %mul3A_119 : i32 to index
        %swap3A_124 = tpu.vector_load %arg16[%swap3A_123] {strides = array<i32>} : memref<8128xf32, #tpu.memory_space<vmem>>, vector<16xf32>,
        tpu.vector_store %arg16[%swap3A_123], %gather3A_122 {strides = array<i32>} : memref<8128xf32, #tpu.memory_space<vmem>>, vector<16xf32>,
        %scan3A_125 = arith.constant 0 : i32
        scf.yield %scan3A_125 : i32
      }
      %scan3A_8 = arith.constant 508 : i32
      "tpu.region"() ({
        %run_scoped3A = tpu.sem_alloc : memref<!tpu.dma_semaphore, #tpu.memory_space<semaphore_mem>>
        %dma_start3A_86 = arith.constant 0 : i32
        %dma_start3A_87 = tpu.memref_slice %arg7[%add3A, %dma_start3A_86] : memref<8x8128xf32, #tpu.memory_space<hbm>> -> memref<1x8128xf32, #tpu.memory_space<hbm>>
        %dma_start3A_88 = tpu.memref_squeeze %dma_start3A_87 : memref<1x8128xf32, #tpu.memory_space<hbm>> -> memref<8128xf32, #tpu.memory_space<hbm>>
        %dma_start3A_89 = arith.constant 0 : i32
        %dma_start3A_90 = tpu.memref_slice %arg7[%add3A, %dma_start3A_89] : memref<8x8128xf32, #tpu.memory_space<hbm>> -> memref<1x8128xf32, #tpu.memory_space<hbm>>
        %dma_start3A_91 = tpu.memref_squeeze %dma_start3A_90 : memref<1x8128xf32, #tpu.memory_space<hbm>> -> memref<8128xf32, #tpu.memory_space<hbm>>
        tpu.enqueue_dma source(%arg16 : memref<8128xf32, #tpu.memory_space<vmem>>) target(%dma_start3A_91 : memref<8128xf32, #tpu.memory_space<hbm>>) target_semaphore(%run_scoped3A : memref<!tpu.dma_semaphore, #tpu.memory_space<semaphore_mem>>)
        %dma_wait3A_92 = arith.constant 0 : i32
        %dma_wait3A_93 = tpu.memref_slice %arg7[%add3A, %dma_wait3A_92] : memref<8x8128xf32, #tpu.memory_space<hbm>> -> memref<1x8128xf32, #tpu.memory_space<hbm>>
        %dma_wait3A_94 = tpu.memref_squeeze %dma_wait3A_93 : memref<1x8128xf32, #tpu.memory_space<hbm>> -> memref<8128xf32, #tpu.memory_space<hbm>>
        %dma_wait3A_95 = arith.constant 0 : i32
        %dma_wait3A_96 = tpu.memref_slice %arg7[%add3A, %dma_wait3A_95] : memref<8x8128xf32, #tpu.memory_space<hbm>> -> memref<1x8128xf32, #tpu.memory_space<hbm>>
        %dma_wait3A_97 = tpu.memref_squeeze %dma_wait3A_96 : memref<1x8128xf32, #tpu.memory_space<hbm>> -> memref<8128xf32, #tpu.memory_space<hbm>>
        tpu.wait_dma2 semaphore(%run_scoped3A : memref<!tpu.dma_semaphore, #tpu.memory_space<semaphore_mem>>) src(%arg16 : memref<8128xf32, #tpu.memory_space<vmem>>) dst(%dma_wait3A_97 : memref<8128xf32, #tpu.memory_space<hbm>>)
        tpu.yield
      }) : () -> ()
      %iota3A = tpu.iota {dimensions = array<i32: 0>} : vector<16xi32>
      %eq3A = arith.constant 0 : i32
      %eq3A_9 = vector.broadcast %eq3A : i32 to vector<16xi32>
      %eq3A_10 = arith.cmpi eq, %iota3A, %eq3A_9 : vector<16xi32>
      %scan3A_11 = arith.constant 0 : i32
      %scan3A_12 = arith.constant 0 : i32
      %scan3A_13 = arith.constant 32 : i32
      %scan3A_14 = arith.addi %scan3A_12, %scan3A_13 : i32
      %scan3A_15 = arith.constant 1 : i32
      %scan3A_16 = scf.for %scan3A_86 = %scan3A_12 to %scan3A_14 step %scan3A_15 iter_args(%scan3A_87 = %scan3A_11) -> (i32)  : i32 {
        %broadcast_in_dim3A_88 = arith.constant -3.000000e+38 : f32
        %broadcast_in_dim3A_89 = vector.broadcast %broadcast_in_dim3A_88 : f32 to vector<16xf32>
        %broadcast_in_dim3A_90 = arith.constant 0 : i32
        %broadcast_in_dim3A_91 = vector.broadcast %broadcast_in_dim3A_90 : i32 to vector<16xi32>
        %scan3A_92 = arith.constant 0 : i32
        %scan3A_93 = arith.constant 508 : i32
        %scan3A_94 = arith.addi %scan3A_92, %scan3A_93 : i32
        %scan3A_95 = arith.constant 4 : i32
        %scan3A_96:2 = scf.for %scan3A_176 = %scan3A_92 to %scan3A_94 step %scan3A_95 iter_args(%scan3A_177 = %broadcast_in_dim3A_89, %scan3A_178 = %broadcast_in_dim3A_91) -> (vector<16xf32>, vector<16xi32>)  : i32 {
          %mul3A_179 = arith.constant 16 : i32
          %mul3A_180 = arith.muli %scan3A_176, %mul3A_179 : i32
          %get3A_181 = arith.index_cast %mul3A_180 : i32 to index
          %get3A_182 = tpu.vector_load %arg16[%get3A_181] {strides = array<i32>} : memref<8128xf32, #tpu.memory_space<vmem>>, vector<16xf32>,
          %mul3A_183 = arith.constant 16 : i32
          %mul3A_184 = arith.muli %scan3A_176, %mul3A_183 : i32
          %add3A_185 = vector.broadcast %mul3A_184 : i32 to vector<16xi32>
          %add3A_186 = arith.addi %add3A_185, %iota3A : vector<16xi32>
          %gt3A_187 = arith.cmpf ogt, %get3A_182, %scan3A_177 : vector<16xf32>
          %select_n3A_188 = arith.select %gt3A_187, %get3A_182, %scan3A_177 : vector<16xi1>, vector<16xf32>
          %select_n3A_189 = arith.select %gt3A_187, %add3A_186, %scan3A_178 : vector<16xi1>, vector<16xi32>
          %scan3A_190 = arith.constant 1 : i32
          %scan3A_191 = arith.addi %scan3A_176, %scan3A_190 : i32
          %mul3A_192 = arith.constant 16 : i32
          %mul3A_193 = arith.muli %scan3A_191, %mul3A_192 : i32
          %get3A_194 = arith.index_cast %mul3A_193 : i32 to index
          %get3A_195 = tpu.vector_load %arg16[%get3A_194] {strides = array<i32>} : memref<8128xf32, #tpu.memory_space<vmem>>, vector<16xf32>,
          %mul3A_196 = arith.constant 16 : i32
          %mul3A_197 = arith.muli %scan3A_191, %mul3A_196 : i32
          %add3A_198 = vector.broadcast %mul3A_197 : i32 to vector<16xi32>
          %add3A_199 = arith.addi %add3A_198, %iota3A : vector<16xi32>
          %gt3A_200 = arith.cmpf ogt, %get3A_195, %select_n3A_188 : vector<16xf32>
          %select_n3A_201 = arith.select %gt3A_200, %get3A_195, %select_n3A_188 : vector<16xi1>, vector<16xf32>
          %select_n3A_202 = arith.select %gt3A_200, %add3A_199, %select_n3A_189 : vector<16xi1>, vector<16xi32>
          %scan3A_203 = arith.constant 2 : i32
          %scan3A_204 = arith.addi %scan3A_176, %scan3A_203 : i32
          %mul3A_205 = arith.constant 16 : i32
          %mul3A_206 = arith.muli %scan3A_204, %mul3A_205 : i32
          %get3A_207 = arith.index_cast %mul3A_206 : i32 to index
          %get3A_208 = tpu.vector_load %arg16[%get3A_207] {strides = array<i32>} : memref<8128xf32, #tpu.memory_space<vmem>>, vector<16xf32>,
          %mul3A_209 = arith.constant 16 : i32
          %mul3A_210 = arith.muli %scan3A_204, %mul3A_209 : i32
          %add3A_211 = vector.broadcast %mul3A_210 : i32 to vector<16xi32>
          %add3A_212 = arith.addi %add3A_211, %iota3A : vector<16xi32>
          %gt3A_213 = arith.cmpf ogt, %get3A_208, %select_n3A_201 : vector<16xf32>
          %select_n3A_214 = arith.select %gt3A_213, %get3A_208, %select_n3A_201 : vector<16xi1>, vector<16xf32>
          %select_n3A_215 = arith.select %gt3A_213, %add3A_212, %select_n3A_202 : vector<16xi1>, vector<16xi32>
          %scan3A_216 = arith.constant 3 : i32
          %scan3A_217 = arith.addi %scan3A_176, %scan3A_216 : i32
          %mul3A_218 = arith.constant 16 : i32
          %mul3A_219 = arith.muli %scan3A_217, %mul3A_218 : i32
          %get3A_220 = arith.index_cast %mul3A_219 : i32 to index
          %get3A_221 = tpu.vector_load %arg16[%get3A_220] {strides = array<i32>} : memref<8128xf32, #tpu.memory_space<vmem>>, vector<16xf32>,
          %mul3A_222 = arith.constant 16 : i32
          %mul3A_223 = arith.muli %scan3A_217, %mul3A_222 : i32
          %add3A_224 = vector.broadcast %mul3A_223 : i32 to vector<16xi32>
          %add3A_225 = arith.addi %add3A_224, %iota3A : vector<16xi32>
          %gt3A_226 = arith.cmpf ogt, %get3A_221, %select_n3A_214 : vector<16xf32>
          %select_n3A_227 = arith.select %gt3A_226, %get3A_221, %select_n3A_214 : vector<16xi1>, vector<16xf32>
          %select_n3A_228 = arith.select %gt3A_226, %add3A_225, %select_n3A_215 : vector<16xi1>, vector<16xi32>
          scf.yield %select_n3A_227, %select_n3A_228 : vector<16xf32>, vector<16xi32>
        }
        %scan3A_97 = arith.constant 508 : i32
        %swap3A_98 = arith.constant 0 : index
        %swap3A_99 = tpu.vector_load %arg28[%swap3A_98] {strides = array<i32>} : memref<16xf32, #tpu.memory_space<vmem>>, vector<16xf32>,
        tpu.vector_store %arg28[%swap3A_98], %scan3A_96#0 {strides = array<i32>} : memref<16xf32, #tpu.memory_space<vmem>>, vector<16xf32>,
        %swap3A_100 = arith.constant 0 : index
        %swap3A_101 = tpu.vector_load %arg29[%swap3A_100] {strides = array<i32>} : memref<16xi32, #tpu.memory_space<vmem>>, vector<16xi32>,
        tpu.vector_store %arg29[%swap3A_100], %scan3A_96#1 {strides = array<i32>} : memref<16xi32, #tpu.memory_space<vmem>>, vector<16xi32>,
        %add3A_102 = arith.constant 8 : i32
        %add3A_103 = vector.broadcast %add3A_102 : i32 to vector<16xi32>
        %add3A_104 = arith.addi %iota3A, %add3A_103 : vector<16xi32>
        %and3A = arith.constant 15 : i32
        %and3A_105 = vector.broadcast %and3A : i32 to vector<16xi32>
        %and3A_106 = arith.andi %add3A_104, %and3A_105 : vector<16xi32>
        %gather3A_107 = tpu.vector_load_idx %arg28[%and3A_106] : memref<16xf32, #tpu.memory_space<vmem>>[vector<16xi32>], vector<16xf32>,
        %gather3A_108 = tpu.vector_load_idx %arg29[%and3A_106] : memref<16xi32, #tpu.memory_space<vmem>>[vector<16xi32>], vector<16xi32>,
        %gt3A_109 = arith.cmpf ogt, %gather3A_107, %scan3A_96#0 : vector<16xf32>
        %eq3A_110 = arith.cmpf oeq, %gather3A_107, %scan3A_96#0 : vector<16xf32>
        %lt3A_111 = arith.cmpi slt, %gather3A_108, %scan3A_96#1 : vector<16xi32>
        %and3A_112 = arith.andi %eq3A_110, %lt3A_111 : vector<16xi1>
        %or3A = arith.ori %gt3A_109, %and3A_112 : vector<16xi1>
        %select_n3A_113 = arith.select %or3A, %gather3A_107, %scan3A_96#0 : vector<16xi1>, vector<16xf32>
        %select_n3A_114 = arith.select %or3A, %gather3A_108, %scan3A_96#1 : vector<16xi1>, vector<16xi32>
        %swap3A_115 = arith.constant 0 : index
        %swap3A_116 = tpu.vector_load %arg28[%swap3A_115] {strides = array<i32>} : memref<16xf32, #tpu.memory_space<vmem>>, vector<16xf32>,
        tpu.vector_store %arg28[%swap3A_115], %select_n3A_113 {strides = array<i32>} : memref<16xf32, #tpu.memory_space<vmem>>, vector<16xf32>,
        %swap3A_117 = arith.constant 0 : index
        %swap3A_118 = tpu.vector_load %arg29[%swap3A_117] {strides = array<i32>} : memref<16xi32, #tpu.memory_space<vmem>>, vector<16xi32>,
        tpu.vector_store %arg29[%swap3A_117], %select_n3A_114 {strides = array<i32>} : memref<16xi32, #tpu.memory_space<vmem>>, vector<16xi32>,
        %add3A_119 = arith.constant 4 : i32
        %add3A_120 = vector.broadcast %add3A_119 : i32 to vector<16xi32>
        %add3A_121 = arith.addi %iota3A, %add3A_120 : vector<16xi32>
        %and3A_122 = arith.constant 15 : i32
        %and3A_123 = vector.broadcast %and3A_122 : i32 to vector<16xi32>
        %and3A_124 = arith.andi %add3A_121, %and3A_123 : vector<16xi32>
        %gather3A_125 = tpu.vector_load_idx %arg28[%and3A_124] : memref<16xf32, #tpu.memory_space<vmem>>[vector<16xi32>], vector<16xf32>,
        %gather3A_126 = tpu.vector_load_idx %arg29[%and3A_124] : memref<16xi32, #tpu.memory_space<vmem>>[vector<16xi32>], vector<16xi32>,
        %gt3A_127 = arith.cmpf ogt, %gather3A_125, %select_n3A_113 : vector<16xf32>
        %eq3A_128 = arith.cmpf oeq, %gather3A_125, %select_n3A_113 : vector<16xf32>
        %lt3A_129 = arith.cmpi slt, %gather3A_126, %select_n3A_114 : vector<16xi32>
        %and3A_130 = arith.andi %eq3A_128, %lt3A_129 : vector<16xi1>
        %or3A_131 = arith.ori %gt3A_127, %and3A_130 : vector<16xi1>
        %select_n3A_132 = arith.select %or3A_131, %gather3A_125, %select_n3A_113 : vector<16xi1>, vector<16xf32>
        %select_n3A_133 = arith.select %or3A_131, %gather3A_126, %select_n3A_114 : vector<16xi1>, vector<16xi32>
        %swap3A_134 = arith.constant 0 : index
        %swap3A_135 = tpu.vector_load %arg28[%swap3A_134] {strides = array<i32>} : memref<16xf32, #tpu.memory_space<vmem>>, vector<16xf32>,
        tpu.vector_store %arg28[%swap3A_134], %select_n3A_132 {strides = array<i32>} : memref<16xf32, #tpu.memory_space<vmem>>, vector<16xf32>,
        %swap3A_136 = arith.constant 0 : index
        %swap3A_137 = tpu.vector_load %arg29[%swap3A_136] {strides = array<i32>} : memref<16xi32, #tpu.memory_space<vmem>>, vector<16xi32>,
        tpu.vector_store %arg29[%swap3A_136], %select_n3A_133 {strides = array<i32>} : memref<16xi32, #tpu.memory_space<vmem>>, vector<16xi32>,
        %add3A_138 = arith.constant 2 : i32
        %add3A_139 = vector.broadcast %add3A_138 : i32 to vector<16xi32>
        %add3A_140 = arith.addi %iota3A, %add3A_139 : vector<16xi32>
        %and3A_141 = arith.constant 15 : i32
        %and3A_142 = vector.broadcast %and3A_141 : i32 to vector<16xi32>
        %and3A_143 = arith.andi %add3A_140, %and3A_142 : vector<16xi32>
        %gather3A_144 = tpu.vector_load_idx %arg28[%and3A_143] : memref<16xf32, #tpu.memory_space<vmem>>[vector<16xi32>], vector<16xf32>,
        %gather3A_145 = tpu.vector_load_idx %arg29[%and3A_143] : memref<16xi32, #tpu.memory_space<vmem>>[vector<16xi32>], vector<16xi32>,
        %gt3A_146 = arith.cmpf ogt, %gather3A_144, %select_n3A_132 : vector<16xf32>
        %eq3A_147 = arith.cmpf oeq, %gather3A_144, %select_n3A_132 : vector<16xf32>
        %lt3A_148 = arith.cmpi slt, %gather3A_145, %select_n3A_133 : vector<16xi32>
        %and3A_149 = arith.andi %eq3A_147, %lt3A_148 : vector<16xi1>
        %or3A_150 = arith.ori %gt3A_146, %and3A_149 : vector<16xi1>
        %select_n3A_151 = arith.select %or3A_150, %gather3A_144, %select_n3A_132 : vector<16xi1>, vector<16xf32>
        %select_n3A_152 = arith.select %or3A_150, %gather3A_145, %select_n3A_133 : vector<16xi1>, vector<16xi32>
        %swap3A_153 = arith.constant 0 : index
        %swap3A_154 = tpu.vector_load %arg28[%swap3A_153] {strides = array<i32>} : memref<16xf32, #tpu.memory_space<vmem>>, vector<16xf32>,
        tpu.vector_store %arg28[%swap3A_153], %select_n3A_151 {strides = array<i32>} : memref<16xf32, #tpu.memory_space<vmem>>, vector<16xf32>,
        %swap3A_155 = arith.constant 0 : index
        %swap3A_156 = tpu.vector_load %arg29[%swap3A_155] {strides = array<i32>} : memref<16xi32, #tpu.memory_space<vmem>>, vector<16xi32>,
        tpu.vector_store %arg29[%swap3A_155], %select_n3A_152 {strides = array<i32>} : memref<16xi32, #tpu.memory_space<vmem>>, vector<16xi32>,
        %add3A_157 = arith.constant 1 : i32
        %add3A_158 = vector.broadcast %add3A_157 : i32 to vector<16xi32>
        %add3A_159 = arith.addi %iota3A, %add3A_158 : vector<16xi32>
        %and3A_160 = arith.constant 15 : i32
        %and3A_161 = vector.broadcast %and3A_160 : i32 to vector<16xi32>
        %and3A_162 = arith.andi %add3A_159, %and3A_161 : vector<16xi32>
        %gather3A_163 = tpu.vector_load_idx %arg28[%and3A_162] : memref<16xf32, #tpu.memory_space<vmem>>[vector<16xi32>], vector<16xf32>,
        %gather3A_164 = tpu.vector_load_idx %arg29[%and3A_162] : memref<16xi32, #tpu.memory_space<vmem>>[vector<16xi32>], vector<16xi32>,
        %gt3A_165 = arith.cmpf ogt, %gather3A_163, %select_n3A_151 : vector<16xf32>
        %eq3A_166 = arith.cmpf oeq, %gather3A_163, %select_n3A_151 : vector<16xf32>
        %lt3A_167 = arith.cmpi slt, %gather3A_164, %select_n3A_152 : vector<16xi32>
        %and3A_168 = arith.andi %eq3A_166, %lt3A_167 : vector<16xi1>
        %or3A_169 = arith.ori %gt3A_165, %and3A_168 : vector<16xi1>
        %select_n3A_170 = arith.select %or3A_169, %gather3A_163, %select_n3A_151 : vector<16xi1>, vector<16xf32>
        %select_n3A_171 = arith.select %or3A_169, %gather3A_164, %select_n3A_152 : vector<16xi1>, vector<16xi32>
        %broadcast_in_dim3A_172 = vector.broadcast %scan3A_86 : i32 to vector<16xi32>
        tpu.vector_store_idx %arg19[%broadcast_in_dim3A_172], %select_n3A_170 masked %eq3A_10 : memref<32xf32, #tpu.memory_space<vmem>>[vector<16xi32>], vector<16xf32>, vector<16xi1>
        tpu.vector_store_idx %arg20[%broadcast_in_dim3A_172], %select_n3A_171 masked %eq3A_10 : memref<32xi32, #tpu.memory_space<vmem>>[vector<16xi32>], vector<16xi32>, vector<16xi1>
        %broadcast_in_dim3A_173 = arith.constant -3.000000e+38 : f32
        %broadcast_in_dim3A_174 = vector.broadcast %broadcast_in_dim3A_173 : f32 to vector<16xf32>
        tpu.vector_store_idx %arg16[%select_n3A_171], %broadcast_in_dim3A_174 masked %eq3A_10 : memref<8128xf32, #tpu.memory_space<vmem>>[vector<16xi32>], vector<16xf32>, vector<16xi1>
        %scan3A_175 = arith.constant 0 : i32
        scf.yield %scan3A_175 : i32
      }
      %scan3A_17 = arith.constant 32 : i32
      %get3A = arith.constant 0 : index
      %get3A_18 = tpu.vector_load %arg20[%get3A] {strides = array<i32>} : memref<32xi32, #tpu.memory_space<vmem>>, vector<16xi32>,
      %gather3A = tpu.vector_load_idx %arg17[%get3A_18] : memref<8128xi32, #tpu.memory_space<vmem>>[vector<16xi32>], vector<16xi32>,
      %gather3A_19 = tpu.vector_load_idx %arg18[%get3A_18] : memref<8128xi32, #tpu.memory_space<vmem>>[vector<16xi32>], vector<16xi32>,
      %mul3A_20 = arith.constant 128 : i32
      %mul3A_21 = arith.muli %add3A, %mul3A_20 : i32
      %add3A_22 = vector.broadcast %mul3A_21 : i32 to vector<16xi32>
      %add3A_23 = arith.addi %gather3A, %add3A_22 : vector<16xi32>
      %swap3A = arith.constant 0 : index
      %swap3A_24 = tpu.vector_load %arg21[%swap3A] {strides = array<i32>} : memref<32xi32, #tpu.memory_space<vmem>>, vector<16xi32>,
      tpu.vector_store %arg21[%swap3A], %add3A_23 {strides = array<i32>} : memref<32xi32, #tpu.memory_space<vmem>>, vector<16xi32>,
      %mul3A_25 = arith.constant 128 : i32
      %mul3A_26 = arith.muli %add3A, %mul3A_25 : i32
      %add3A_27 = vector.broadcast %mul3A_26 : i32 to vector<16xi32>
      %add3A_28 = arith.addi %gather3A_19, %add3A_27 : vector<16xi32>
      %swap3A_29 = arith.constant 0 : index
      %swap3A_30 = tpu.vector_load %arg22[%swap3A_29] {strides = array<i32>} : memref<32xi32, #tpu.memory_space<vmem>>, vector<16xi32>,
      tpu.vector_store %arg22[%swap3A_29], %add3A_28 {strides = array<i32>} : memref<32xi32, #tpu.memory_space<vmem>>, vector<16xi32>,
      %get3A_31 = arith.constant 0 : index
      %get3A_32 = tpu.vector_load %arg19[%get3A_31] {strides = array<i32>} : memref<32xf32, #tpu.memory_space<vmem>>, vector<16xf32>,
      %gt3A = arith.constant 0.000000e+00 : f32
      %gt3A_33 = vector.broadcast %gt3A : f32 to vector<16xf32>
      %gt3A_34 = arith.cmpf ogt, %get3A_32, %gt3A_33 : vector<16xf32>
      %broadcast_in_dim3A = arith.constant -1 : i32
      %broadcast_in_dim3A_35 = vector.broadcast %broadcast_in_dim3A : i32 to vector<16xi32>
      %select_n3A = arith.select %gt3A_34, %gather3A, %broadcast_in_dim3A_35 : vector<16xi1>, vector<16xi32>
      %swap3A_36 = arith.constant 0 : index
      %swap3A_37 = tpu.vector_load %arg23[%swap3A_36] {strides = array<i32>} : memref<32xi32, #tpu.memory_space<vmem>>, vector<16xi32>,
      tpu.vector_store %arg23[%swap3A_36], %select_n3A {strides = array<i32>} : memref<32xi32, #tpu.memory_space<vmem>>, vector<16xi32>,
      %select_n3A_38 = arith.select %gt3A_34, %gather3A_19, %broadcast_in_dim3A_35 : vector<16xi1>, vector<16xi32>
      %swap3A_39 = arith.constant 0 : index
      %swap3A_40 = tpu.vector_load %arg24[%swap3A_39] {strides = array<i32>} : memref<32xi32, #tpu.memory_space<vmem>>, vector<16xi32>,
      tpu.vector_store %arg24[%swap3A_39], %select_n3A_38 {strides = array<i32>} : memref<32xi32, #tpu.memory_space<vmem>>, vector<16xi32>,
      %convert_element_type3A_41 = arith.extui %gt3A_34 : vector<16xi1> to vector<16xi32>
      %swap3A_42 = arith.constant 0 : index
      %swap3A_43 = tpu.vector_load %arg25[%swap3A_42] {strides = array<i32>} : memref<32xi32, #tpu.memory_space<vmem>>, vector<16xi32>,
      tpu.vector_store %arg25[%swap3A_42], %convert_element_type3A_41 {strides = array<i32>} : memref<32xi32, #tpu.memory_space<vmem>>, vector<16xi32>,
      %get3A_44 = arith.constant 16 : index
      %get3A_45 = tpu.vector_load %arg20[%get3A_44] {strides = array<i32>} : memref<32xi32, #tpu.memory_space<vmem>>, vector<16xi32>,
      %gather3A_46 = tpu.vector_load_idx %arg17[%get3A_45] : memref<8128xi32, #tpu.memory_space<vmem>>[vector<16xi32>], vector<16xi32>,
      %gather3A_47 = tpu.vector_load_idx %arg18[%get3A_45] : memref<8128xi32, #tpu.memory_space<vmem>>[vector<16xi32>], vector<16xi32>,
      %mul3A_48 = arith.constant 128 : i32
      %mul3A_49 = arith.muli %add3A, %mul3A_48 : i32
      %add3A_50 = vector.broadcast %mul3A_49 : i32 to vector<16xi32>
      %add3A_51 = arith.addi %gather3A_46, %add3A_50 : vector<16xi32>
      %swap3A_52 = arith.constant 16 : index
      %swap3A_53 = tpu.vector_load %arg21[%swap3A_52] {strides = array<i32>} : memref<32xi32, #tpu.memory_space<vmem>>, vector<16xi32>,
      tpu.vector_store %arg21[%swap3A_52], %add3A_51 {strides = array<i32>} : memref<32xi32, #tpu.memory_space<vmem>>, vector<16xi32>,
      %mul3A_54 = arith.constant 128 : i32
      %mul3A_55 = arith.muli %add3A, %mul3A_54 : i32
      %add3A_56 = vector.broadcast %mul3A_55 : i32 to vector<16xi32>
      %add3A_57 = arith.addi %gather3A_47, %add3A_56 : vector<16xi32>
      %swap3A_58 = arith.constant 16 : index
      %swap3A_59 = tpu.vector_load %arg22[%swap3A_58] {strides = array<i32>} : memref<32xi32, #tpu.memory_space<vmem>>, vector<16xi32>,
      tpu.vector_store %arg22[%swap3A_58], %add3A_57 {strides = array<i32>} : memref<32xi32, #tpu.memory_space<vmem>>, vector<16xi32>,
      %get3A_60 = arith.constant 16 : index
      %get3A_61 = tpu.vector_load %arg19[%get3A_60] {strides = array<i32>} : memref<32xf32, #tpu.memory_space<vmem>>, vector<16xf32>,
      %gt3A_62 = arith.constant 0.000000e+00 : f32
      %gt3A_63 = vector.broadcast %gt3A_62 : f32 to vector<16xf32>
      %gt3A_64 = arith.cmpf ogt, %get3A_61, %gt3A_63 : vector<16xf32>
      %broadcast_in_dim3A_65 = arith.constant -1 : i32
      %broadcast_in_dim3A_66 = vector.broadcast %broadcast_in_dim3A_65 : i32 to vector<16xi32>
      %select_n3A_67 = arith.select %gt3A_64, %gather3A_46, %broadcast_in_dim3A_66 : vector<16xi1>, vector<16xi32>
      %swap3A_68 = arith.constant 16 : index
      %swap3A_69 = tpu.vector_load %arg23[%swap3A_68] {strides = array<i32>} : memref<32xi32, #tpu.memory_space<vmem>>, vector<16xi32>,
      tpu.vector_store %arg23[%swap3A_68], %select_n3A_67 {strides = array<i32>} : memref<32xi32, #tpu.memory_space<vmem>>, vector<16xi32>,
      %select_n3A_70 = arith.select %gt3A_64, %gather3A_47, %broadcast_in_dim3A_66 : vector<16xi1>, vector<16xi32>
      %swap3A_71 = arith.constant 16 : index
      %swap3A_72 = tpu.vector_load %arg24[%swap3A_71] {strides = array<i32>} : memref<32xi32, #tpu.memory_space<vmem>>, vector<16xi32>,
      tpu.vector_store %arg24[%swap3A_71], %select_n3A_70 {strides = array<i32>} : memref<32xi32, #tpu.memory_space<vmem>>, vector<16xi32>,
      %convert_element_type3A_73 = arith.extui %gt3A_64 : vector<16xi1> to vector<16xi32>
      %swap3A_74 = arith.constant 16 : index
      %swap3A_75 = tpu.vector_load %arg25[%swap3A_74] {strides = array<i32>} : memref<32xi32, #tpu.memory_space<vmem>>, vector<16xi32>,
      tpu.vector_store %arg25[%swap3A_74], %convert_element_type3A_73 {strides = array<i32>} : memref<32xi32, #tpu.memory_space<vmem>>, vector<16xi32>,
      %dma_start3A = arith.constant 0 : i32
      %dma_start3A_76 = arith.constant 0 : i32
      %dma_start3A_77 = tpu.memref_slice %arg3[%dma_start3A, %dma_start3A_76] : memref<1024x256xf32, #tpu.memory_space<hbm>> -> memref<1024x256xf32, #tpu.memory_space<hbm>>
      tpu.enqueue_indirect_dma source(%dma_start3A_77 : memref<1024x256xf32, #tpu.memory_space<hbm>>) target(%arg26 : memref<32x256xf32, #tpu.memory_space<vmem>>) offsets(%arg21 : memref<32xi32, #tpu.memory_space<vmem>>) semaphore(%arg30 : memref<!tpu.dma_semaphore, #tpu.memory_space<semaphore_mem>>)
      %dma_start3A_78 = arith.constant 0 : i32
      %dma_start3A_79 = arith.constant 0 : i32
      %dma_start3A_80 = tpu.memref_slice %arg3[%dma_start3A_78, %dma_start3A_79] : memref<1024x256xf32, #tpu.memory_space<hbm>> -> memref<1024x256xf32, #tpu.memory_space<hbm>>
      tpu.enqueue_indirect_dma source(%dma_start3A_80 : memref<1024x256xf32, #tpu.memory_space<hbm>>) target(%arg27 : memref<32x256xf32, #tpu.memory_space<vmem>>) offsets(%arg22 : memref<32xi32, #tpu.memory_space<vmem>>) semaphore(%arg31 : memref<!tpu.dma_semaphore, #tpu.memory_space<semaphore_mem>>)
      "tpu.region"() ({
        %run_scoped3A = tpu.sem_alloc : memref<!tpu.dma_semaphore, #tpu.memory_space<semaphore_mem>>
        %dma_start3A_86 = arith.constant 0 : i32
        %dma_start3A_87 = tpu.memref_slice %arg8[%add3A, %dma_start3A_86] : memref<8x32xf32, #tpu.memory_space<hbm>> -> memref<1x32xf32, #tpu.memory_space<hbm>>
        %dma_start3A_88 = tpu.memref_squeeze %dma_start3A_87 : memref<1x32xf32, #tpu.memory_space<hbm>> -> memref<32xf32, #tpu.memory_space<hbm>>
        %dma_start3A_89 = arith.constant 0 : i32
        %dma_start3A_90 = tpu.memref_slice %arg8[%add3A, %dma_start3A_89] : memref<8x32xf32, #tpu.memory_space<hbm>> -> memref<1x32xf32, #tpu.memory_space<hbm>>
        %dma_start3A_91 = tpu.memref_squeeze %dma_start3A_90 : memref<1x32xf32, #tpu.memory_space<hbm>> -> memref<32xf32, #tpu.memory_space<hbm>>
        tpu.enqueue_dma source(%arg19 : memref<32xf32, #tpu.memory_space<vmem>>) target(%dma_start3A_91 : memref<32xf32, #tpu.memory_space<hbm>>) target_semaphore(%run_scoped3A : memref<!tpu.dma_semaphore, #tpu.memory_space<semaphore_mem>>)
        %dma_wait3A_92 = arith.constant 0 : i32
        %dma_wait3A_93 = tpu.memref_slice %arg8[%add3A, %dma_wait3A_92] : memref<8x32xf32, #tpu.memory_space<hbm>> -> memref<1x32xf32, #tpu.memory_space<hbm>>
        %dma_wait3A_94 = tpu.memref_squeeze %dma_wait3A_93 : memref<1x32xf32, #tpu.memory_space<hbm>> -> memref<32xf32, #tpu.memory_space<hbm>>
        %dma_wait3A_95 = arith.constant 0 : i32
        %dma_wait3A_96 = tpu.memref_slice %arg8[%add3A, %dma_wait3A_95] : memref<8x32xf32, #tpu.memory_space<hbm>> -> memref<1x32xf32, #tpu.memory_space<hbm>>
        %dma_wait3A_97 = tpu.memref_squeeze %dma_wait3A_96 : memref<1x32xf32, #tpu.memory_space<hbm>> -> memref<32xf32, #tpu.memory_space<hbm>>
        tpu.wait_dma2 semaphore(%run_scoped3A : memref<!tpu.dma_semaphore, #tpu.memory_space<semaphore_mem>>) src(%arg19 : memref<32xf32, #tpu.memory_space<vmem>>) dst(%dma_wait3A_97 : memref<32xf32, #tpu.memory_space<hbm>>)
        tpu.yield
      }) : () -> ()
      "tpu.region"() ({
        %run_scoped3A = tpu.sem_alloc : memref<!tpu.dma_semaphore, #tpu.memory_space<semaphore_mem>>
        %dma_start3A_86 = arith.constant 0 : i32
        %dma_start3A_87 = tpu.memref_slice %arg9[%add3A, %dma_start3A_86] : memref<8x32xi32, #tpu.memory_space<hbm>> -> memref<1x32xi32, #tpu.memory_space<hbm>>
        %dma_start3A_88 = tpu.memref_squeeze %dma_start3A_87 : memref<1x32xi32, #tpu.memory_space<hbm>> -> memref<32xi32, #tpu.memory_space<hbm>>
        %dma_start3A_89 = arith.constant 0 : i32
        %dma_start3A_90 = tpu.memref_slice %arg9[%add3A, %dma_start3A_89] : memref<8x32xi32, #tpu.memory_space<hbm>> -> memref<1x32xi32, #tpu.memory_space<hbm>>
        %dma_start3A_91 = tpu.memref_squeeze %dma_start3A_90 : memref<1x32xi32, #tpu.memory_space<hbm>> -> memref<32xi32, #tpu.memory_space<hbm>>
        tpu.enqueue_dma source(%arg23 : memref<32xi32, #tpu.memory_space<vmem>>) target(%dma_start3A_91 : memref<32xi32, #tpu.memory_space<hbm>>) target_semaphore(%run_scoped3A : memref<!tpu.dma_semaphore, #tpu.memory_space<semaphore_mem>>)
        %dma_wait3A_92 = arith.constant 0 : i32
        %dma_wait3A_93 = tpu.memref_slice %arg9[%add3A, %dma_wait3A_92] : memref<8x32xi32, #tpu.memory_space<hbm>> -> memref<1x32xi32, #tpu.memory_space<hbm>>
        %dma_wait3A_94 = tpu.memref_squeeze %dma_wait3A_93 : memref<1x32xi32, #tpu.memory_space<hbm>> -> memref<32xi32, #tpu.memory_space<hbm>>
        %dma_wait3A_95 = arith.constant 0 : i32
        %dma_wait3A_96 = tpu.memref_slice %arg9[%add3A, %dma_wait3A_95] : memref<8x32xi32, #tpu.memory_space<hbm>> -> memref<1x32xi32, #tpu.memory_space<hbm>>
        %dma_wait3A_97 = tpu.memref_squeeze %dma_wait3A_96 : memref<1x32xi32, #tpu.memory_space<hbm>> -> memref<32xi32, #tpu.memory_space<hbm>>
        tpu.wait_dma2 semaphore(%run_scoped3A : memref<!tpu.dma_semaphore, #tpu.memory_space<semaphore_mem>>) src(%arg23 : memref<32xi32, #tpu.memory_space<vmem>>) dst(%dma_wait3A_97 : memref<32xi32, #tpu.memory_space<hbm>>)
        tpu.yield
      }) : () -> ()
      "tpu.region"() ({
        %run_scoped3A = tpu.sem_alloc : memref<!tpu.dma_semaphore, #tpu.memory_space<semaphore_mem>>
        %dma_start3A_86 = arith.constant 0 : i32
        %dma_start3A_87 = tpu.memref_slice %arg10[%add3A, %dma_start3A_86] : memref<8x32xi32, #tpu.memory_space<hbm>> -> memref<1x32xi32, #tpu.memory_space<hbm>>
        %dma_start3A_88 = tpu.memref_squeeze %dma_start3A_87 : memref<1x32xi32, #tpu.memory_space<hbm>> -> memref<32xi32, #tpu.memory_space<hbm>>
        %dma_start3A_89 = arith.constant 0 : i32
        %dma_start3A_90 = tpu.memref_slice %arg10[%add3A, %dma_start3A_89] : memref<8x32xi32, #tpu.memory_space<hbm>> -> memref<1x32xi32, #tpu.memory_space<hbm>>
        %dma_start3A_91 = tpu.memref_squeeze %dma_start3A_90 : memref<1x32xi32, #tpu.memory_space<hbm>> -> memref<32xi32, #tpu.memory_space<hbm>>
        tpu.enqueue_dma source(%arg24 : memref<32xi32, #tpu.memory_space<vmem>>) target(%dma_start3A_91 : memref<32xi32, #tpu.memory_space<hbm>>) target_semaphore(%run_scoped3A : memref<!tpu.dma_semaphore, #tpu.memory_space<semaphore_mem>>)
        %dma_wait3A_92 = arith.constant 0 : i32
        %dma_wait3A_93 = tpu.memref_slice %arg10[%add3A, %dma_wait3A_92] : memref<8x32xi32, #tpu.memory_space<hbm>> -> memref<1x32xi32, #tpu.memory_space<hbm>>
        %dma_wait3A_94 = tpu.memref_squeeze %dma_wait3A_93 : memref<1x32xi32, #tpu.memory_space<hbm>> -> memref<32xi32, #tpu.memory_space<hbm>>
        %dma_wait3A_95 = arith.constant 0 : i32
        %dma_wait3A_96 = tpu.memref_slice %arg10[%add3A, %dma_wait3A_95] : memref<8x32xi32, #tpu.memory_space<hbm>> -> memref<1x32xi32, #tpu.memory_space<hbm>>
        %dma_wait3A_97 = tpu.memref_squeeze %dma_wait3A_96 : memref<1x32xi32, #tpu.memory_space<hbm>> -> memref<32xi32, #tpu.memory_space<hbm>>
        tpu.wait_dma2 semaphore(%run_scoped3A : memref<!tpu.dma_semaphore, #tpu.memory_space<semaphore_mem>>) src(%arg24 : memref<32xi32, #tpu.memory_space<vmem>>) dst(%dma_wait3A_97 : memref<32xi32, #tpu.memory_space<hbm>>)
        tpu.yield
      }) : () -> ()
      "tpu.region"() ({
        %run_scoped3A = tpu.sem_alloc : memref<!tpu.dma_semaphore, #tpu.memory_space<semaphore_mem>>
        %dma_start3A_86 = arith.constant 0 : i32
        %dma_start3A_87 = tpu.memref_slice %arg11[%add3A, %dma_start3A_86] : memref<8x32xi32, #tpu.memory_space<hbm>> -> memref<1x32xi32, #tpu.memory_space<hbm>>
        %dma_start3A_88 = tpu.memref_squeeze %dma_start3A_87 : memref<1x32xi32, #tpu.memory_space<hbm>> -> memref<32xi32, #tpu.memory_space<hbm>>
        %dma_start3A_89 = arith.constant 0 : i32
        %dma_start3A_90 = tpu.memref_slice %arg11[%add3A, %dma_start3A_89] : memref<8x32xi32, #tpu.memory_space<hbm>> -> memref<1x32xi32, #tpu.memory_space<hbm>>
        %dma_start3A_91 = tpu.memref_squeeze %dma_start3A_90 : memref<1x32xi32, #tpu.memory_space<hbm>> -> memref<32xi32, #tpu.memory_space<hbm>>
        tpu.enqueue_dma source(%arg25 : memref<32xi32, #tpu.memory_space<vmem>>) target(%dma_start3A_91 : memref<32xi32, #tpu.memory_space<hbm>>) target_semaphore(%run_scoped3A : memref<!tpu.dma_semaphore, #tpu.memory_space<semaphore_mem>>)
        %dma_wait3A_92 = arith.constant 0 : i32
        %dma_wait3A_93 = tpu.memref_slice %arg11[%add3A, %dma_wait3A_92] : memref<8x32xi32, #tpu.memory_space<hbm>> -> memref<1x32xi32, #tpu.memory_space<hbm>>
        %dma_wait3A_94 = tpu.memref_squeeze %dma_wait3A_93 : memref<1x32xi32, #tpu.memory_space<hbm>> -> memref<32xi32, #tpu.memory_space<hbm>>
        %dma_wait3A_95 = arith.constant 0 : i32
        %dma_wait3A_96 = tpu.memref_slice %arg11[%add3A, %dma_wait3A_95] : memref<8x32xi32, #tpu.memory_space<hbm>> -> memref<1x32xi32, #tpu.memory_space<hbm>>
        %dma_wait3A_97 = tpu.memref_squeeze %dma_wait3A_96 : memref<1x32xi32, #tpu.memory_space<hbm>> -> memref<32xi32, #tpu.memory_space<hbm>>
        tpu.wait_dma2 semaphore(%run_scoped3A : memref<!tpu.dma_semaphore, #tpu.memory_space<semaphore_mem>>) src(%arg25 : memref<32xi32, #tpu.memory_space<vmem>>) dst(%dma_wait3A_97 : memref<32xi32, #tpu.memory_space<hbm>>)
        tpu.yield
      }) : () -> ()
      %dma_wait3A = arith.constant 0 : i32
      %dma_wait3A_81 = arith.constant 0 : i32
      %dma_wait3A_82 = tpu.memref_slice %arg3[%dma_wait3A, %dma_wait3A_81] : memref<1024x256xf32, #tpu.memory_space<hbm>> -> memref<1024x256xf32, #tpu.memory_space<hbm>>
      tpu.wait_indirect_dma semaphore(%arg30 : memref<!tpu.dma_semaphore, #tpu.memory_space<semaphore_mem>>) src(%dma_wait3A_82 : memref<1024x256xf32, #tpu.memory_space<hbm>>) dst(%arg26 : memref<32x256xf32, #tpu.memory_space<vmem>>)
      "tpu.region"() ({
        %run_scoped3A = tpu.sem_alloc : memref<!tpu.dma_semaphore, #tpu.memory_space<semaphore_mem>>
        %dma_start3A_86 = arith.constant 0 : i32
        %dma_start3A_87 = arith.constant 0 : i32
        %dma_start3A_88 = tpu.memref_slice %arg12[%add3A, %dma_start3A_86, %dma_start3A_87] : memref<8x32x256xf32, #tpu.memory_space<hbm>> -> memref<1x32x256xf32, #tpu.memory_space<hbm>>
        %dma_start3A_89 = tpu.memref_squeeze %dma_start3A_88 : memref<1x32x256xf32, #tpu.memory_space<hbm>> -> memref<32x256xf32, #tpu.memory_space<hbm>>
        %dma_start3A_90 = arith.constant 0 : i32
        %dma_start3A_91 = arith.constant 0 : i32
        %dma_start3A_92 = tpu.memref_slice %arg12[%add3A, %dma_start3A_90, %dma_start3A_91] : memref<8x32x256xf32, #tpu.memory_space<hbm>> -> memref<1x32x256xf32, #tpu.memory_space<hbm>>
        %dma_start3A_93 = tpu.memref_squeeze %dma_start3A_92 : memref<1x32x256xf32, #tpu.memory_space<hbm>> -> memref<32x256xf32, #tpu.memory_space<hbm>>
        tpu.enqueue_dma source(%arg26 : memref<32x256xf32, #tpu.memory_space<vmem>>) target(%dma_start3A_93 : memref<32x256xf32, #tpu.memory_space<hbm>>) target_semaphore(%run_scoped3A : memref<!tpu.dma_semaphore, #tpu.memory_space<semaphore_mem>>)
        %dma_wait3A_94 = arith.constant 0 : i32
        %dma_wait3A_95 = arith.constant 0 : i32
        %dma_wait3A_96 = tpu.memref_slice %arg12[%add3A, %dma_wait3A_94, %dma_wait3A_95] : memref<8x32x256xf32, #tpu.memory_space<hbm>> -> memref<1x32x256xf32, #tpu.memory_space<hbm>>
        %dma_wait3A_97 = tpu.memref_squeeze %dma_wait3A_96 : memref<1x32x256xf32, #tpu.memory_space<hbm>> -> memref<32x256xf32, #tpu.memory_space<hbm>>
        %dma_wait3A_98 = arith.constant 0 : i32
        %dma_wait3A_99 = arith.constant 0 : i32
        %dma_wait3A_100 = tpu.memref_slice %arg12[%add3A, %dma_wait3A_98, %dma_wait3A_99] : memref<8x32x256xf32, #tpu.memory_space<hbm>> -> memref<1x32x256xf32, #tpu.memory_space<hbm>>
        %dma_wait3A_101 = tpu.memref_squeeze %dma_wait3A_100 : memref<1x32x256xf32, #tpu.memory_space<hbm>> -> memref<32x256xf32, #tpu.memory_space<hbm>>
        tpu.wait_dma2 semaphore(%run_scoped3A : memref<!tpu.dma_semaphore, #tpu.memory_space<semaphore_mem>>) src(%arg26 : memref<32x256xf32, #tpu.memory_space<vmem>>) dst(%dma_wait3A_101 : memref<32x256xf32, #tpu.memory_space<hbm>>)
        tpu.yield
      }) : () -> ()
      %dma_wait3A_83 = arith.constant 0 : i32
      %dma_wait3A_84 = arith.constant 0 : i32
      %dma_wait3A_85 = tpu.memref_slice %arg3[%dma_wait3A_83, %dma_wait3A_84] : memref<1024x256xf32, #tpu.memory_space<hbm>> -> memref<1024x256xf32, #tpu.memory_space<hbm>>
      tpu.wait_indirect_dma semaphore(%arg31 : memref<!tpu.dma_semaphore, #tpu.memory_space<semaphore_mem>>) src(%dma_wait3A_85 : memref<1024x256xf32, #tpu.memory_space<hbm>>) dst(%arg27 : memref<32x256xf32, #tpu.memory_space<vmem>>)
      "tpu.region"() ({
        %run_scoped3A = tpu.sem_alloc : memref<!tpu.dma_semaphore, #tpu.memory_space<semaphore_mem>>
        %dma_start3A_86 = arith.constant 0 : i32
        %dma_start3A_87 = arith.constant 0 : i32
        %dma_start3A_88 = tpu.memref_slice %arg13[%add3A, %dma_start3A_86, %dma_start3A_87] : memref<8x32x256xf32, #tpu.memory_space<hbm>> -> memref<1x32x256xf32, #tpu.memory_space<hbm>>
        %dma_start3A_89 = tpu.memref_squeeze %dma_start3A_88 : memref<1x32x256xf32, #tpu.memory_space<hbm>> -> memref<32x256xf32, #tpu.memory_space<hbm>>
        %dma_start3A_90 = arith.constant 0 : i32
        %dma_start3A_91 = arith.constant 0 : i32
        %dma_start3A_92 = tpu.memref_slice %arg13[%add3A, %dma_start3A_90, %dma_start3A_91] : memref<8x32x256xf32, #tpu.memory_space<hbm>> -> memref<1x32x256xf32, #tpu.memory_space<hbm>>
        %dma_start3A_93 = tpu.memref_squeeze %dma_start3A_92 : memref<1x32x256xf32, #tpu.memory_space<hbm>> -> memref<32x256xf32, #tpu.memory_space<hbm>>
        tpu.enqueue_dma source(%arg27 : memref<32x256xf32, #tpu.memory_space<vmem>>) target(%dma_start3A_93 : memref<32x256xf32, #tpu.memory_space<hbm>>) target_semaphore(%run_scoped3A : memref<!tpu.dma_semaphore, #tpu.memory_space<semaphore_mem>>)
        %dma_wait3A_94 = arith.constant 0 : i32
        %dma_wait3A_95 = arith.constant 0 : i32
        %dma_wait3A_96 = tpu.memref_slice %arg13[%add3A, %dma_wait3A_94, %dma_wait3A_95] : memref<8x32x256xf32, #tpu.memory_space<hbm>> -> memref<1x32x256xf32, #tpu.memory_space<hbm>>
        %dma_wait3A_97 = tpu.memref_squeeze %dma_wait3A_96 : memref<1x32x256xf32, #tpu.memory_space<hbm>> -> memref<32x256xf32, #tpu.memory_space<hbm>>
        %dma_wait3A_98 = arith.constant 0 : i32
        %dma_wait3A_99 = arith.constant 0 : i32
        %dma_wait3A_100 = tpu.memref_slice %arg13[%add3A, %dma_wait3A_98, %dma_wait3A_99] : memref<8x32x256xf32, #tpu.memory_space<hbm>> -> memref<1x32x256xf32, #tpu.memory_space<hbm>>
        %dma_wait3A_101 = tpu.memref_squeeze %dma_wait3A_100 : memref<1x32x256xf32, #tpu.memory_space<hbm>> -> memref<32x256xf32, #tpu.memory_space<hbm>>
        tpu.wait_dma2 semaphore(%run_scoped3A : memref<!tpu.dma_semaphore, #tpu.memory_space<semaphore_mem>>) src(%arg27 : memref<32x256xf32, #tpu.memory_space<vmem>>) dst(%dma_wait3A_101 : memref<32x256xf32, #tpu.memory_space<hbm>>)
        tpu.yield
      }) : () -> ()
    } else {
    }
    return
  }
}

module attributes {stable_mosaic.version = 14 : i64} {
  func.func @_edge_body(%arg0: i32, %arg1: i32, %arg2: memref<8x256xf32, #tpu.memory_space<vmem>>, %arg3: memref<128x256xf32, #tpu.memory_space<vmem>>, %arg4: memref<256x256xf32, #tpu.memory_space<vmem>>, %arg5: memref<1x256xf32, #tpu.memory_space<vmem>>, %arg6: memref<256x256xf32, #tpu.memory_space<vmem>>, %arg7: memref<1x256xf32, #tpu.memory_space<vmem>>, %arg8: memref<256x256xf32, #tpu.memory_space<vmem>>, %arg9: memref<1x256xf32, #tpu.memory_space<vmem>>, %arg10: memref<256x1xf32, #tpu.memory_space<vmem>>, %arg11: memref<1xf32, #tpu.memory_space<smem>>, %arg12: memref<1x1024x1xf32, #tpu.memory_space<vmem>>) attributes {dimension_semantics = [#tpu.dimension_semantics<arbitrary>, #tpu.dimension_semantics<arbitrary>], iteration_bounds = array<i64: 8, 16>, scalar_prefetch = 0 : i64, scratch_operands = 0 : i64, tpu.core_type = #tpu.core_type<tc>, window_params = [{transform_indices = @transform_0, window_bounds = array<i64: 8, 256>}, {transform_indices = @transform_1, window_bounds = array<i64: 128, 256>}, {pipeline_mode = #tpu.pipeline_mode<synchronous>, transform_indices = @transform_2, window_bounds = array<i64: 256, 256>}, {pipeline_mode = #tpu.pipeline_mode<synchronous>, transform_indices = @transform_3, window_bounds = array<i64: 1, 256>}, {pipeline_mode = #tpu.pipeline_mode<synchronous>, transform_indices = @transform_4, window_bounds = array<i64: 256, 256>}, {pipeline_mode = #tpu.pipeline_mode<synchronous>, transform_indices = @transform_5, window_bounds = array<i64: 1, 256>}, {pipeline_mode = #tpu.pipeline_mode<synchronous>, transform_indices = @transform_6, window_bounds = array<i64: 256, 256>}, {pipeline_mode = #tpu.pipeline_mode<synchronous>, transform_indices = @transform_7, window_bounds = array<i64: 1, 256>}, {pipeline_mode = #tpu.pipeline_mode<synchronous>, transform_indices = @transform_8, window_bounds = array<i64: 256, 1>}, {transform_indices = @transform_9, window_bounds = array<i64: 1>}, {transform_indices = @transform_10, window_bounds = array<i64: 1, 1024, 1>}]} {
    %get3A = arith.constant 0 : index
    %get3A_0 = arith.constant 0 : index
    %get3A_1 = vector.load %arg2[%get3A, %get3A_0] : memref<8x256xf32, #tpu.memory_space<vmem>>, vector<8x256xf32>
    %get3A_2 = arith.constant 0 : index
    %get3A_3 = arith.constant 0 : index
    %get3A_4 = vector.load %arg3[%get3A_2, %get3A_3] : memref<128x256xf32, #tpu.memory_space<vmem>>, vector<128x256xf32>
    %broadcast_in_dim3A = vector.shape_cast %get3A_1 : vector<8x256xf32> to vector<8x1x256xf32>
    %broadcast_in_dim3A_5 = vector.shape_cast %get3A_4 : vector<128x256xf32> to vector<1x128x256xf32>
    %add3A = vector.broadcast %broadcast_in_dim3A : vector<8x1x256xf32> to vector<8x128x256xf32>
    %add3A_6 = vector.broadcast %broadcast_in_dim3A_5 : vector<1x128x256xf32> to vector<8x128x256xf32>
    %add3A_7 = arith.addf %add3A, %add3A_6 : vector<8x128x256xf32>
    %reshape3A = vector.shape_cast %add3A_7 : vector<8x128x256xf32> to vector<1024x256xf32>
    %get3A_8 = arith.constant 0 : index
    %get3A_9 = arith.constant 0 : index
    %get3A_10 = vector.load %arg4[%get3A_8, %get3A_9] : memref<256x256xf32, #tpu.memory_space<vmem>>, vector<256x256xf32>
    %dot_general3A = arith.constant dense<0.000000e+00> : vector<1024x256xf32>
    %dot_general3A_11 = tpu.matmul %reshape3A, %get3A_10, %dot_general3A {dimension_numbers = #tpu.dot_dimension_numbers<[1], [0], [0], [1], [0, 0, 1, 1], [], []>, transpose_lhs_hint = false} : vector<1024x256xf32>, vector<256x256xf32>, vector<1024x256xf32> -> vector<1024x256xf32>
    %get3A_12 = arith.constant 0 : index
    %get3A_13 = arith.constant 0 : index
    %get3A_14 = vector.load %arg5[%get3A_12, %get3A_13] : memref<1x256xf32, #tpu.memory_space<vmem>>, vector<1x256xf32>
    %add3A_15 = vector.broadcast %get3A_14 : vector<1x256xf32> to vector<1024x256xf32>
    %add3A_16 = arith.addf %dot_general3A_11, %add3A_15 : vector<1024x256xf32>
    %max3A = arith.constant 0.000000e+00 : f32
    %max3A_17 = vector.broadcast %max3A : f32 to vector<1024x256xf32>
    %max3A_18 = arith.maximumf %add3A_16, %max3A_17 : vector<1024x256xf32>
    %get3A_19 = arith.constant 0 : index
    %get3A_20 = arith.constant 0 : index
    %get3A_21 = vector.load %arg6[%get3A_19, %get3A_20] : memref<256x256xf32, #tpu.memory_space<vmem>>, vector<256x256xf32>
    %dot_general3A_22 = arith.constant dense<0.000000e+00> : vector<1024x256xf32>
    %dot_general3A_23 = tpu.matmul %max3A_18, %get3A_21, %dot_general3A_22 {dimension_numbers = #tpu.dot_dimension_numbers<[1], [0], [0], [1], [0, 0, 1, 1], [], []>, transpose_lhs_hint = false} : vector<1024x256xf32>, vector<256x256xf32>, vector<1024x256xf32> -> vector<1024x256xf32>
    %get3A_24 = arith.constant 0 : index
    %get3A_25 = arith.constant 0 : index
    %get3A_26 = vector.load %arg7[%get3A_24, %get3A_25] : memref<1x256xf32, #tpu.memory_space<vmem>>, vector<1x256xf32>
    %add3A_27 = vector.broadcast %get3A_26 : vector<1x256xf32> to vector<1024x256xf32>
    %add3A_28 = arith.addf %dot_general3A_23, %add3A_27 : vector<1024x256xf32>
    %get3A_29 = arith.constant 0 : index
    %get3A_30 = arith.constant 0 : index
    %get3A_31 = vector.load %arg8[%get3A_29, %get3A_30] : memref<256x256xf32, #tpu.memory_space<vmem>>, vector<256x256xf32>
    %dot_general3A_32 = arith.constant dense<0.000000e+00> : vector<1024x256xf32>
    %dot_general3A_33 = tpu.matmul %add3A_28, %get3A_31, %dot_general3A_32 {dimension_numbers = #tpu.dot_dimension_numbers<[1], [0], [0], [1], [0, 0, 1, 1], [], []>, transpose_lhs_hint = false} : vector<1024x256xf32>, vector<256x256xf32>, vector<1024x256xf32> -> vector<1024x256xf32>
    %get3A_34 = arith.constant 0 : index
    %get3A_35 = arith.constant 0 : index
    %get3A_36 = vector.load %arg9[%get3A_34, %get3A_35] : memref<1x256xf32, #tpu.memory_space<vmem>>, vector<1x256xf32>
    %add3A_37 = vector.broadcast %get3A_36 : vector<1x256xf32> to vector<1024x256xf32>
    %add3A_38 = arith.addf %dot_general3A_33, %add3A_37 : vector<1024x256xf32>
    %max3A_39 = arith.constant 0.000000e+00 : f32
    %max3A_40 = vector.broadcast %max3A_39 : f32 to vector<1024x256xf32>
    %max3A_41 = arith.maximumf %add3A_38, %max3A_40 : vector<1024x256xf32>
    %get3A_42 = arith.constant 0 : index
    %get3A_43 = arith.constant 0 : index
    %get3A_44 = vector.load %arg10[%get3A_42, %get3A_43] : memref<256x1xf32, #tpu.memory_space<vmem>>, vector<256x1xf32>
    %dot_general3A_45 = arith.constant dense<0.000000e+00> : vector<1024x1xf32>
    %dot_general3A_46 = tpu.matmul %max3A_41, %get3A_44, %dot_general3A_45 {dimension_numbers = #tpu.dot_dimension_numbers<[1], [0], [0], [1], [0, 0, 1, 1], [], []>, transpose_lhs_hint = false} : vector<1024x256xf32>, vector<256x1xf32>, vector<1024x1xf32> -> vector<1024x1xf32>
    %get3A_47 = arith.constant 0 : index
    %get3A_48 = memref.load %arg11[%get3A_47] : memref<1xf32, #tpu.memory_space<smem>>
    %add3A_49 = vector.broadcast %get3A_48 : f32 to vector<1024x1xf32>
    %add3A_50 = arith.addf %dot_general3A_46, %add3A_49 : vector<1024x1xf32>
    %broadcast_in_dim3A_51 = vector.shape_cast %add3A_50 : vector<1024x1xf32> to vector<1x1024x1xf32>
    %swap3A = arith.constant 0 : index
    %swap3A_52 = arith.constant 0 : index
    %swap3A_53 = arith.constant 0 : index
    %swap3A_54 = vector.load %arg12[%swap3A, %swap3A_52, %swap3A_53] : memref<1x1024x1xf32, #tpu.memory_space<vmem>>, vector<1x1024x1xf32>
    tpu.vector_store %arg12[%swap3A, %swap3A_52, %swap3A_53], %broadcast_in_dim3A_51 {strides = array<i32>} : memref<1x1024x1xf32, #tpu.memory_space<vmem>>, vector<1x1024x1xf32>,
    return
  }
  func.func @transform_0(%arg0: i32, %arg1: i32) -> (i32, i32) {
    %mul3A = arith.constant 16 : i32
    %mul3A_0 = arith.muli %arg0, %mul3A : i32
    %add3A = arith.addi %mul3A_0, %arg1 : i32
    %c0_i32 = arith.constant 0 : i32
    %c0_i32_1 = arith.constant 0 : i32
    return %add3A, %c0_i32 : i32, i32
  }
  func.func @transform_1(%arg0: i32, %arg1: i32) -> (i32, i32) {
    %c0_i32 = arith.constant 0 : i32
    %c0_i32_0 = arith.constant 0 : i32
    return %arg0, %c0_i32 : i32, i32
  }
  func.func @transform_2(%arg0: i32, %arg1: i32) -> (i32, i32) {
    %c0_i32 = arith.constant 0 : i32
    %c0_i32_0 = arith.constant 0 : i32
    %c0_i32_1 = arith.constant 0 : i32
    return %c0_i32, %c0_i32_0 : i32, i32
  }
  func.func @transform_3(%arg0: i32, %arg1: i32) -> (i32, i32) {
    %c0_i32 = arith.constant 0 : i32
    %c0_i32_0 = arith.constant 0 : i32
    %c0_i32_1 = arith.constant 0 : i32
    return %c0_i32, %c0_i32_0 : i32, i32
  }
  func.func @transform_4(%arg0: i32, %arg1: i32) -> (i32, i32) {
    %c0_i32 = arith.constant 0 : i32
    %c0_i32_0 = arith.constant 0 : i32
    %c0_i32_1 = arith.constant 0 : i32
    return %c0_i32, %c0_i32_0 : i32, i32
  }
  func.func @transform_5(%arg0: i32, %arg1: i32) -> (i32, i32) {
    %c0_i32 = arith.constant 0 : i32
    %c0_i32_0 = arith.constant 0 : i32
    %c0_i32_1 = arith.constant 0 : i32
    return %c0_i32, %c0_i32_0 : i32, i32
  }
  func.func @transform_6(%arg0: i32, %arg1: i32) -> (i32, i32) {
    %c0_i32 = arith.constant 0 : i32
    %c0_i32_0 = arith.constant 0 : i32
    %c0_i32_1 = arith.constant 0 : i32
    return %c0_i32, %c0_i32_0 : i32, i32
  }
  func.func @transform_7(%arg0: i32, %arg1: i32) -> (i32, i32) {
    %c0_i32 = arith.constant 0 : i32
    %c0_i32_0 = arith.constant 0 : i32
    %c0_i32_1 = arith.constant 0 : i32
    return %c0_i32, %c0_i32_0 : i32, i32
  }
  func.func @transform_8(%arg0: i32, %arg1: i32) -> (i32, i32) {
    %c0_i32 = arith.constant 0 : i32
    %c0_i32_0 = arith.constant 0 : i32
    %c0_i32_1 = arith.constant 0 : i32
    return %c0_i32, %c0_i32_0 : i32, i32
  }
  func.func @transform_9(%arg0: i32, %arg1: i32) -> i32 {
    %c0_i32 = arith.constant 0 : i32
    %c0_i32_0 = arith.constant 0 : i32
    return %c0_i32 : i32
  }
  func.func @transform_10(%arg0: i32, %arg1: i32) -> (i32, i32, i32) {
    %mul3A = arith.constant 16 : i32
    %mul3A_0 = arith.muli %arg0, %mul3A : i32
    %add3A = arith.addi %mul3A_0, %arg1 : i32
    %c0_i32 = arith.constant 0 : i32
    %c0_i32_1 = arith.constant 0 : i32
    %c0_i32_2 = arith.constant 0 : i32
    return %add3A, %c0_i32, %c0_i32_1 : i32, i32, i32
  }
}

module attributes {stable_mosaic.version = 14 : i64} {
  func.func @_enc_body(%arg0: memref<1024x32xf32, #tpu.memory_space<vmem>>, %arg1: memref<32x256xf32, #tpu.memory_space<vmem>>, %arg2: memref<1x256xf32, #tpu.memory_space<vmem>>, %arg3: memref<256x256xf32, #tpu.memory_space<vmem>>, %arg4: memref<1x256xf32, #tpu.memory_space<vmem>>, %arg5: memref<256x256xf32, #tpu.memory_space<vmem>>, %arg6: memref<1x256xf32, #tpu.memory_space<vmem>>, %arg7: memref<256x256xf32, #tpu.memory_space<vmem>>, %arg8: memref<1x256xf32, #tpu.memory_space<vmem>>, %arg9: memref<1024x256xf32, #tpu.memory_space<vmem>>, %arg10: memref<1024x256xf32, #tpu.memory_space<vmem>>) attributes {dimension_semantics = [], scalar_prefetch = 0 : i64, scratch_operands = 0 : i64, tpu.core_type = #tpu.core_type<tc>} {
    %get3A = arith.constant 0 : index
    %get3A_0 = arith.constant 0 : index
    %get3A_1 = vector.load %arg0[%get3A, %get3A_0] : memref<1024x32xf32, #tpu.memory_space<vmem>>, vector<1024x32xf32>
    %get3A_2 = arith.constant 0 : index
    %get3A_3 = arith.constant 0 : index
    %get3A_4 = vector.load %arg1[%get3A_2, %get3A_3] : memref<32x256xf32, #tpu.memory_space<vmem>>, vector<32x256xf32>
    %dot_general3A = arith.constant dense<0.000000e+00> : vector<1024x256xf32>
    %dot_general3A_5 = tpu.matmul %get3A_1, %get3A_4, %dot_general3A {dimension_numbers = #tpu.dot_dimension_numbers<[1], [0], [0], [1], [0, 0, 1, 1], [], []>, transpose_lhs_hint = false} : vector<1024x32xf32>, vector<32x256xf32>, vector<1024x256xf32> -> vector<1024x256xf32>
    %get3A_6 = arith.constant 0 : index
    %get3A_7 = arith.constant 0 : index
    %get3A_8 = vector.load %arg2[%get3A_6, %get3A_7] : memref<1x256xf32, #tpu.memory_space<vmem>>, vector<1x256xf32>
    %add3A = vector.broadcast %get3A_8 : vector<1x256xf32> to vector<1024x256xf32>
    %add3A_9 = arith.addf %dot_general3A_5, %add3A : vector<1024x256xf32>
    %max3A = arith.constant 0.000000e+00 : f32
    %max3A_10 = vector.broadcast %max3A : f32 to vector<1024x256xf32>
    %max3A_11 = arith.maximumf %add3A_9, %max3A_10 : vector<1024x256xf32>
    %get3A_12 = arith.constant 0 : index
    %get3A_13 = arith.constant 0 : index
    %get3A_14 = vector.load %arg3[%get3A_12, %get3A_13] : memref<256x256xf32, #tpu.memory_space<vmem>>, vector<256x256xf32>
    %dot_general3A_15 = arith.constant dense<0.000000e+00> : vector<1024x256xf32>
    %dot_general3A_16 = tpu.matmul %max3A_11, %get3A_14, %dot_general3A_15 {dimension_numbers = #tpu.dot_dimension_numbers<[1], [0], [0], [1], [0, 0, 1, 1], [], []>, transpose_lhs_hint = false} : vector<1024x256xf32>, vector<256x256xf32>, vector<1024x256xf32> -> vector<1024x256xf32>
    %get3A_17 = arith.constant 0 : index
    %get3A_18 = arith.constant 0 : index
    %get3A_19 = vector.load %arg4[%get3A_17, %get3A_18] : memref<1x256xf32, #tpu.memory_space<vmem>>, vector<1x256xf32>
    %add3A_20 = vector.broadcast %get3A_19 : vector<1x256xf32> to vector<1024x256xf32>
    %add3A_21 = arith.addf %dot_general3A_16, %add3A_20 : vector<1024x256xf32>
    %swap3A = arith.constant 0 : index
    %swap3A_22 = arith.constant 0 : index
    %swap3A_23 = vector.load %arg9[%swap3A, %swap3A_22] : memref<1024x256xf32, #tpu.memory_space<vmem>>, vector<1024x256xf32>
    tpu.vector_store %arg9[%swap3A, %swap3A_22], %add3A_21 {strides = array<i32>} : memref<1024x256xf32, #tpu.memory_space<vmem>>, vector<1024x256xf32>,
    %get3A_24 = arith.constant 0 : index
    %get3A_25 = arith.constant 0 : index
    %get3A_26 = vector.load %arg5[%get3A_24, %get3A_25] : memref<256x256xf32, #tpu.memory_space<vmem>>, vector<256x256xf32>
    %dot_general3A_27 = arith.constant dense<0.000000e+00> : vector<1024x256xf32>
    %dot_general3A_28 = tpu.matmul %add3A_21, %get3A_26, %dot_general3A_27 {dimension_numbers = #tpu.dot_dimension_numbers<[1], [0], [0], [1], [0, 0, 1, 1], [], []>, transpose_lhs_hint = false} : vector<1024x256xf32>, vector<256x256xf32>, vector<1024x256xf32> -> vector<1024x256xf32>
    %get3A_29 = arith.constant 0 : index
    %get3A_30 = arith.constant 0 : index
    %get3A_31 = vector.load %arg6[%get3A_29, %get3A_30] : memref<1x256xf32, #tpu.memory_space<vmem>>, vector<1x256xf32>
    %add3A_32 = vector.broadcast %get3A_31 : vector<1x256xf32> to vector<1024x256xf32>
    %add3A_33 = arith.addf %dot_general3A_28, %add3A_32 : vector<1024x256xf32>
    %max3A_34 = arith.constant 0.000000e+00 : f32
    %max3A_35 = vector.broadcast %max3A_34 : f32 to vector<1024x256xf32>
    %max3A_36 = arith.maximumf %add3A_33, %max3A_35 : vector<1024x256xf32>
    %get3A_37 = arith.constant 0 : index
    %get3A_38 = arith.constant 0 : index
    %get3A_39 = vector.load %arg7[%get3A_37, %get3A_38] : memref<256x256xf32, #tpu.memory_space<vmem>>, vector<256x256xf32>
    %dot_general3A_40 = arith.constant dense<0.000000e+00> : vector<1024x256xf32>
    %dot_general3A_41 = tpu.matmul %max3A_36, %get3A_39, %dot_general3A_40 {dimension_numbers = #tpu.dot_dimension_numbers<[1], [0], [0], [1], [0, 0, 1, 1], [], []>, transpose_lhs_hint = false} : vector<1024x256xf32>, vector<256x256xf32>, vector<1024x256xf32> -> vector<1024x256xf32>
    %get3A_42 = arith.constant 0 : index
    %get3A_43 = arith.constant 0 : index
    %get3A_44 = vector.load %arg8[%get3A_42, %get3A_43] : memref<1x256xf32, #tpu.memory_space<vmem>>, vector<1x256xf32>
    %add3A_45 = vector.broadcast %get3A_44 : vector<1x256xf32> to vector<1024x256xf32>
    %add3A_46 = arith.addf %dot_general3A_41, %add3A_45 : vector<1024x256xf32>
    %swap3A_47 = arith.constant 0 : index
    %swap3A_48 = arith.constant 0 : index
    %swap3A_49 = vector.load %arg10[%swap3A_47, %swap3A_48] : memref<1024x256xf32, #tpu.memory_space<vmem>>, vector<1024x256xf32>
    tpu.vector_store %arg10[%swap3A_47, %swap3A_48], %add3A_46 {strides = array<i32>} : memref<1024x256xf32, #tpu.memory_space<vmem>>, vector<1024x256xf32>,
    return
  }
}

module attributes {stable_mosaic.version = 14 : i64} {
  func.func @_dit_body(%arg0: i32, %arg1: memref<128x256xf32, #tpu.memory_space<vmem>>, %arg2: memref<32x256xf32, #tpu.memory_space<vmem>>, %arg3: memref<32x256xf32, #tpu.memory_space<vmem>>, %arg4: memref<1x32x1xf32, #tpu.memory_space<vmem>>, %arg5: memref<1x32x1xf32, #tpu.memory_space<vmem>>, %arg6: memref<1x1x32xf32, #tpu.memory_space<vmem>>, %arg7: memref<8xf32, #tpu.memory_space<smem>>, %arg8: memref<256x256xf32, #tpu.memory_space<vmem>>, %arg9: memref<1x256xf32, #tpu.memory_space<vmem>>, %arg10: memref<256x256xf32, #tpu.memory_space<vmem>>, %arg11: memref<1x256xf32, #tpu.memory_space<vmem>>, %arg12: memref<256x256xf32, #tpu.memory_space<vmem>>, %arg13: memref<1x256xf32, #tpu.memory_space<vmem>>, %arg14: memref<1x256xf32, #tpu.memory_space<vmem>>, %arg15: memref<256x256xf32, #tpu.memory_space<vmem>>, %arg16: memref<1x256xf32, #tpu.memory_space<vmem>>, %arg17: memref<256x1536xf32, #tpu.memory_space<vmem>>, %arg18: memref<1x1536xf32, #tpu.memory_space<vmem>>, %arg19: memref<1x1536xf32, #tpu.memory_space<vmem>>, %arg20: memref<1x1536xf32, #tpu.memory_space<vmem>>, %arg21: memref<256x256xf32, #tpu.memory_space<vmem>>, %arg22: memref<1x256xf32, #tpu.memory_space<vmem>>, %arg23: memref<256x256xf32, #tpu.memory_space<vmem>>, %arg24: memref<1x256xf32, #tpu.memory_space<vmem>>, %arg25: memref<256x256xf32, #tpu.memory_space<vmem>>, %arg26: memref<1x256xf32, #tpu.memory_space<vmem>>, %arg27: memref<256x256xf32, #tpu.memory_space<vmem>>, %arg28: memref<1x256xf32, #tpu.memory_space<vmem>>, %arg29: memref<256x1024xf32, #tpu.memory_space<vmem>>, %arg30: memref<1x1024xf32, #tpu.memory_space<vmem>>, %arg31: memref<1024x256xf32, #tpu.memory_space<vmem>>, %arg32: memref<1x256xf32, #tpu.memory_space<vmem>>, %arg33: memref<256x1536xf32, #tpu.memory_space<vmem>>, %arg34: memref<1x1536xf32, #tpu.memory_space<vmem>>, %arg35: memref<1x1536xf32, #tpu.memory_space<vmem>>, %arg36: memref<1x1536xf32, #tpu.memory_space<vmem>>, %arg37: memref<256x256xf32, #tpu.memory_space<vmem>>, %arg38: memref<1x256xf32, #tpu.memory_space<vmem>>, %arg39: memref<256x256xf32, #tpu.memory_space<vmem>>, %arg40: memref<1x256xf32, #tpu.memory_space<vmem>>, %arg41: memref<256x256xf32, #tpu.memory_space<vmem>>, %arg42: memref<1x256xf32, #tpu.memory_space<vmem>>, %arg43: memref<256x256xf32, #tpu.memory_space<vmem>>, %arg44: memref<1x256xf32, #tpu.memory_space<vmem>>, %arg45: memref<256x1024xf32, #tpu.memory_space<vmem>>, %arg46: memref<1x1024xf32, #tpu.memory_space<vmem>>, %arg47: memref<1024x256xf32, #tpu.memory_space<vmem>>, %arg48: memref<1x256xf32, #tpu.memory_space<vmem>>, %arg49: memref<256x256xf32, #tpu.memory_space<vmem>>, %arg50: memref<1x256xf32, #tpu.memory_space<vmem>>, %arg51: memref<256x256xf32, #tpu.memory_space<vmem>>, %arg52: memref<128x256xf32, #tpu.memory_space<vmem>>, %arg53: memref<32x256xf32, #tpu.memory_space<vmem>>) attributes {dimension_semantics = [#tpu.dimension_semantics<arbitrary>], iteration_bounds = array<i64: 8>, scalar_prefetch = 0 : i64, scratch_operands = 0 : i64, tpu.core_type = #tpu.core_type<tc>, window_params = [{transform_indices = @transform_0, window_bounds = array<i64: 128, 256>}, {transform_indices = @transform_1, window_bounds = array<i64: 32, 256>}, {transform_indices = @transform_2, window_bounds = array<i64: 32, 256>}, {transform_indices = @transform_3, window_bounds = array<i64: 1, 32, 1>}, {transform_indices = @transform_4, window_bounds = array<i64: 1, 32, 1>}, {transform_indices = @transform_5, window_bounds = array<i64: 1, 1, 32>}, {transform_indices = @transform_6, window_bounds = array<i64: 8>}, {pipeline_mode = #tpu.pipeline_mode<synchronous>, transform_indices = @transform_7, window_bounds = array<i64: 256, 256>}, {pipeline_mode = #tpu.pipeline_mode<synchronous>, transform_indices = @transform_8, window_bounds = array<i64: 1, 256>}, {pipeline_mode = #tpu.pipeline_mode<synchronous>, transform_indices = @transform_9, window_bounds = array<i64: 256, 256>}, {pipeline_mode = #tpu.pipeline_mode<synchronous>, transform_indices = @transform_10, window_bounds = array<i64: 1, 256>}, {pipeline_mode = #tpu.pipeline_mode<synchronous>, transform_indices = @transform_11, window_bounds = array<i64: 256, 256>}, {pipeline_mode = #tpu.pipeline_mode<synchronous>, transform_indices = @transform_12, window_bounds = array<i64: 1, 256>}, {pipeline_mode = #tpu.pipeline_mode<synchronous>, transform_indices = @transform_13, window_bounds = array<i64: 1, 256>}, {pipeline_mode = #tpu.pipeline_mode<synchronous>, transform_indices = @transform_14, window_bounds = array<i64: 256, 256>}, {pipeline_mode = #tpu.pipeline_mode<synchronous>, transform_indices = @transform_15, window_bounds = array<i64: 1, 256>}, {pipeline_mode = #tpu.pipeline_mode<synchronous>, transform_indices = @transform_16, window_bounds = array<i64: 256, 1536>}, {pipeline_mode = #tpu.pipeline_mode<synchronous>, transform_indices = @transform_17, window_bounds = array<i64: 1, 1536>}, {pipeline_mode = #tpu.pipeline_mode<synchronous>, transform_indices = @transform_18, window_bounds = array<i64: 1, 1536>}, {pipeline_mode = #tpu.pipeline_mode<synchronous>, transform_indices = @transform_19, window_bounds = array<i64: 1, 1536>}, {pipeline_mode = #tpu.pipeline_mode<synchronous>, transform_indices = @transform_20, window_bounds = array<i64: 256, 256>}, {pipeline_mode = #tpu.pipeline_mode<synchronous>, transform_indices = @transform_21, window_bounds = array<i64: 1, 256>}, {pipeline_mode = #tpu.pipeline_mode<synchronous>, transform_indices = @transform_22, window_bounds = array<i64: 256, 256>}, {pipeline_mode = #tpu.pipeline_mode<synchronous>, transform_indices = @transform_23, window_bounds = array<i64: 1, 256>}, {pipeline_mode = #tpu.pipeline_mode<synchronous>, transform_indices = @transform_24, window_bounds = array<i64: 256, 256>}, {pipeline_mode = #tpu.pipeline_mode<synchronous>, transform_indices = @transform_25, window_bounds = array<i64: 1, 256>}, {pipeline_mode = #tpu.pipeline_mode<synchronous>, transform_indices = @transform_26, window_bounds = array<i64: 256, 256>}, {pipeline_mode = #tpu.pipeline_mode<synchronous>, transform_indices = @transform_27, window_bounds = array<i64: 1, 256>}, {pipeline_mode = #tpu.pipeline_mode<synchronous>, transform_indices = @transform_28, window_bounds = array<i64: 256, 1024>}, {pipeline_mode = #tpu.pipeline_mode<synchronous>, transform_indices = @transform_29, window_bounds = array<i64: 1, 1024>}, {pipeline_mode = #tpu.pipeline_mode<synchronous>, transform_indices = @transform_30, window_bounds = array<i64: 1024, 256>}, {pipeline_mode = #tpu.pipeline_mode<synchronous>, transform_indices = @transform_31, window_bounds = array<i64: 1, 256>}, {pipeline_mode = #tpu.pipeline_mode<synchronous>, transform_indices = @transform_32, window_bounds = array<i64: 256, 1536>}, {pipeline_mode = #tpu.pipeline_mode<synchronous>, transform_indices = @transform_33, window_bounds = array<i64: 1, 1536>}, {pipeline_mode = #tpu.pipeline_mode<synchronous>, transform_indices = @transform_34, window_bounds = array<i64: 1, 1536>}, {pipeline_mode = #tpu.pipeline_mode<synchronous>, transform_indices = @transform_35, window_bounds = array<i64: 1, 1536>}, {pipeline_mode = #tpu.pipeline_mode<synchronous>, transform_indices = @transform_36, window_bounds = array<i64: 256, 256>}, {pipeline_mode = #tpu.pipeline_mode<synchronous>, transform_indices = @transform_37, window_bounds = array<i64: 1, 256>}, {pipeline_mode = #tpu.pipeline_mode<synchronous>, transform_indices = @transform_38, window_bounds = array<i64: 256, 256>}, {pipeline_mode = #tpu.pipeline_mode<synchronous>, transform_indices = @transform_39, window_bounds = array<i64: 1, 256>}, {pipeline_mode = #tpu.pipeline_mode<synchronous>, transform_indices = @transform_40, window_bounds = array<i64: 256, 256>}, {pipeline_mode = #tpu.pipeline_mode<synchronous>, transform_indices = @transform_41, window_bounds = array<i64: 1, 256>}, {pipeline_mode = #tpu.pipeline_mode<synchronous>, transform_indices = @transform_42, window_bounds = array<i64: 256, 256>}, {pipeline_mode = #tpu.pipeline_mode<synchronous>, transform_indices = @transform_43, window_bounds = array<i64: 1, 256>}, {pipeline_mode = #tpu.pipeline_mode<synchronous>, transform_indices = @transform_44, window_bounds = array<i64: 256, 1024>}, {pipeline_mode = #tpu.pipeline_mode<synchronous>, transform_indices = @transform_45, window_bounds = array<i64: 1, 1024>}, {pipeline_mode = #tpu.pipeline_mode<synchronous>, transform_indices = @transform_46, window_bounds = array<i64: 1024, 256>}, {pipeline_mode = #tpu.pipeline_mode<synchronous>, transform_indices = @transform_47, window_bounds = array<i64: 1, 256>}, {pipeline_mode = #tpu.pipeline_mode<synchronous>, transform_indices = @transform_48, window_bounds = array<i64: 256, 256>}, {pipeline_mode = #tpu.pipeline_mode<synchronous>, transform_indices = @transform_49, window_bounds = array<i64: 1, 256>}, {pipeline_mode = #tpu.pipeline_mode<synchronous>, transform_indices = @transform_50, window_bounds = array<i64: 256, 256>}, {transform_indices = @transform_51, window_bounds = array<i64: 128, 256>}, {transform_indices = @transform_52, window_bounds = array<i64: 32, 256>}]} {
    %get3A = arith.constant 0 : index
    %get3A_0 = arith.constant 0 : index
    %get3A_1 = vector.load %arg2[%get3A, %get3A_0] : memref<32x256xf32, #tpu.memory_space<vmem>>, vector<32x256xf32>
    %get3A_2 = arith.constant 0 : index
    %get3A_3 = arith.constant 0 : index
    %get3A_4 = vector.load %arg3[%get3A_2, %get3A_3] : memref<32x256xf32, #tpu.memory_space<vmem>>, vector<32x256xf32>
    %add3A = arith.addf %get3A_1, %get3A_4 : vector<32x256xf32>
    %get3A_5 = arith.constant 0 : index
    %get3A_6 = arith.constant 0 : index
    %get3A_7 = vector.load %arg8[%get3A_5, %get3A_6] : memref<256x256xf32, #tpu.memory_space<vmem>>, vector<256x256xf32>
    %dot_general3A = arith.constant dense<0.000000e+00> : vector<32x256xf32>
    %dot_general3A_8 = tpu.matmul %add3A, %get3A_7, %dot_general3A {dimension_numbers = #tpu.dot_dimension_numbers<[1], [0], [0], [1], [0, 0, 1, 1], [], []>, transpose_lhs_hint = false} : vector<32x256xf32>, vector<256x256xf32>, vector<32x256xf32> -> vector<32x256xf32>
    %get3A_9 = arith.constant 0 : index
    %get3A_10 = arith.constant 0 : index
    %get3A_11 = vector.load %arg9[%get3A_9, %get3A_10] : memref<1x256xf32, #tpu.memory_space<vmem>>, vector<1x256xf32>
    %add3A_12 = vector.broadcast %get3A_11 : vector<1x256xf32> to vector<32x256xf32>
    %add3A_13 = arith.addf %dot_general3A_8, %add3A_12 : vector<32x256xf32>
    %max3A = arith.constant 0.000000e+00 : f32
    %max3A_14 = vector.broadcast %max3A : f32 to vector<32x256xf32>
    %max3A_15 = arith.maximumf %add3A_13, %max3A_14 : vector<32x256xf32>
    %get3A_16 = arith.constant 0 : index
    %get3A_17 = arith.constant 0 : index
    %get3A_18 = vector.load %arg10[%get3A_16, %get3A_17] : memref<256x256xf32, #tpu.memory_space<vmem>>, vector<256x256xf32>
    %dot_general3A_19 = arith.constant dense<0.000000e+00> : vector<32x256xf32>
    %dot_general3A_20 = tpu.matmul %max3A_15, %get3A_18, %dot_general3A_19 {dimension_numbers = #tpu.dot_dimension_numbers<[1], [0], [0], [1], [0, 0, 1, 1], [], []>, transpose_lhs_hint = false} : vector<32x256xf32>, vector<256x256xf32>, vector<32x256xf32> -> vector<32x256xf32>
    %get3A_21 = arith.constant 0 : index
    %get3A_22 = arith.constant 0 : index
    %get3A_23 = vector.load %arg11[%get3A_21, %get3A_22] : memref<1x256xf32, #tpu.memory_space<vmem>>, vector<1x256xf32>
    %add3A_24 = vector.broadcast %get3A_23 : vector<1x256xf32> to vector<32x256xf32>
    %add3A_25 = arith.addf %dot_general3A_20, %add3A_24 : vector<32x256xf32>
    %get3A_26 = arith.constant 0 : index
    %get3A_27 = arith.constant 0 : index
    %get3A_28 = arith.constant 0 : index
    %get3A_29 = vector.load %arg4[%get3A_26, %get3A_27, %get3A_28] : memref<1x32x1xf32, #tpu.memory_space<vmem>>, vector<1x32x1xf32>
    %reshape3A = vector.shape_cast %get3A_29 : vector<1x32x1xf32> to vector<32x1xf32>
    %get3A_30 = arith.constant 0 : index
    %get3A_31 = arith.constant 0 : index
    %get3A_32 = arith.constant 0 : index
    %get3A_33 = vector.load %arg5[%get3A_30, %get3A_31, %get3A_32] : memref<1x32x1xf32, #tpu.memory_space<vmem>>, vector<1x32x1xf32>
    %reshape3A_34 = vector.shape_cast %get3A_33 : vector<1x32x1xf32> to vector<32x1xf32>
    %get3A_35 = arith.constant 0 : index
    %get3A_36 = arith.constant 0 : index
    %get3A_37 = arith.constant 0 : index
    %get3A_38 = vector.load %arg6[%get3A_35, %get3A_36, %get3A_37] : memref<1x1x32xf32, #tpu.memory_space<vmem>>, vector<1x1x32xf32>
    %reshape3A_39 = vector.shape_cast %get3A_38 : vector<1x1x32xf32> to vector<1x32xf32>
    %get3A_40 = arith.constant 0 : index
    %get3A_41 = arith.constant 0 : index
    %get3A_42 = vector.load %arg12[%get3A_40, %get3A_41] : memref<256x256xf32, #tpu.memory_space<vmem>>, vector<256x256xf32>
    %dot_general3A_43 = arith.constant dense<0.000000e+00> : vector<32x256xf32>
    %dot_general3A_44 = tpu.matmul %add3A_25, %get3A_42, %dot_general3A_43 {dimension_numbers = #tpu.dot_dimension_numbers<[1], [0], [0], [1], [0, 0, 1, 1], [], []>, transpose_lhs_hint = false} : vector<32x256xf32>, vector<256x256xf32>, vector<32x256xf32> -> vector<32x256xf32>
    %get3A_45 = arith.constant 0 : index
    %get3A_46 = arith.constant 0 : index
    %get3A_47 = vector.load %arg13[%get3A_45, %get3A_46] : memref<1x256xf32, #tpu.memory_space<vmem>>, vector<1x256xf32>
    %mul3A = vector.broadcast %reshape3A : vector<32x1xf32> to vector<32x256xf32>
    %mul3A_48 = vector.broadcast %get3A_47 : vector<1x256xf32> to vector<32x256xf32>
    %mul3A_49 = arith.mulf %mul3A, %mul3A_48 : vector<32x256xf32>
    %add3A_50 = arith.addf %dot_general3A_44, %mul3A_49 : vector<32x256xf32>
    %get3A_51 = arith.constant 0 : index
    %get3A_52 = arith.constant 0 : index
    %get3A_53 = vector.load %arg14[%get3A_51, %get3A_52] : memref<1x256xf32, #tpu.memory_space<vmem>>, vector<1x256xf32>
    %add3A_54 = vector.broadcast %get3A_53 : vector<1x256xf32> to vector<32x256xf32>
    %add3A_55 = arith.addf %add3A_50, %add3A_54 : vector<32x256xf32>
    %max3A_56 = arith.constant 0.000000e+00 : f32
    %max3A_57 = vector.broadcast %max3A_56 : f32 to vector<32x256xf32>
    %max3A_58 = arith.maximumf %add3A_55, %max3A_57 : vector<32x256xf32>
    %get3A_59 = arith.constant 0 : index
    %get3A_60 = arith.constant 0 : index
    %get3A_61 = vector.load %arg15[%get3A_59, %get3A_60] : memref<256x256xf32, #tpu.memory_space<vmem>>, vector<256x256xf32>
    %dot_general3A_62 = arith.constant dense<0.000000e+00> : vector<32x256xf32>
    %dot_general3A_63 = tpu.matmul %max3A_58, %get3A_61, %dot_general3A_62 {dimension_numbers = #tpu.dot_dimension_numbers<[1], [0], [0], [1], [0, 0, 1, 1], [], []>, transpose_lhs_hint = false} : vector<32x256xf32>, vector<256x256xf32>, vector<32x256xf32> -> vector<32x256xf32>
    %get3A_64 = arith.constant 0 : index
    %get3A_65 = arith.constant 0 : index
    %get3A_66 = vector.load %arg16[%get3A_64, %get3A_65] : memref<1x256xf32, #tpu.memory_space<vmem>>, vector<1x256xf32>
    %add3A_67 = vector.broadcast %get3A_66 : vector<1x256xf32> to vector<32x256xf32>
    %add3A_68 = arith.addf %dot_general3A_63, %add3A_67 : vector<32x256xf32>
    %get3A_69 = arith.constant 0 : index
    %get3A_70 = arith.constant 0 : index
    %get3A_71 = vector.load %arg1[%get3A_69, %get3A_70] : memref<128x256xf32, #tpu.memory_space<vmem>>, vector<128x256xf32>
    %concatenate3A = tpu.concatenate %get3A_71, %add3A_68 in 0 : vector<128x256xf32>, vector<32x256xf32> -> vector<160x256xf32>
    %broadcast_in_dim3A = arith.constant 1.000000e+00 : f32
    %broadcast_in_dim3A_72 = vector.broadcast %broadcast_in_dim3A : f32 to vector<128x1xf32>
    %concatenate3A_73 = tpu.concatenate %broadcast_in_dim3A_72, %reshape3A_34 in 0 : vector<128x1xf32>, vector<32x1xf32> -> vector<160x1xf32>
    %broadcast_in_dim3A_74 = arith.constant 1.000000e+00 : f32
    %broadcast_in_dim3A_75 = vector.broadcast %broadcast_in_dim3A_74 : f32 to vector<1x128xf32>
    %concatenate3A_76 = tpu.concatenate %broadcast_in_dim3A_75, %reshape3A_39 in 1 : vector<1x128xf32>, vector<1x32xf32> -> vector<1x160xf32>
    %reduce_sum3A = vector.shape_cast %reshape3A_34 : vector<32x1xf32> to vector<1x32x1xf32>
    %reduce_sum3A_77 = arith.constant dense<0.000000e+00> : vector<1xf32>
    %reduce_sum3A_78 = vector.multi_reduction <add>, %reduce_sum3A, %reduce_sum3A_77 [1, 2] : vector<1x32x1xf32> to vector<1xf32>
    %reduce_sum3A_79 = vector.shape_cast %reduce_sum3A_78 : vector<1xf32> to vector<1x1x1xf32>
    %reduce_sum3A_80 = vector.extract %reduce_sum3A_79[0, 0, 0] : f32 from vector<1x1x1xf32>
    %add3A_81 = arith.constant 1.280000e+02 : f32
    %add3A_82 = arith.addf %add3A_81, %reduce_sum3A_80 : f32
    %mul3A_83 = vector.broadcast %concatenate3A_73 : vector<160x1xf32> to vector<160x256xf32>
    %mul3A_84 = arith.mulf %concatenate3A, %mul3A_83 : vector<160x256xf32>
    %reduce_sum3A_85 = arith.constant dense<0.000000e+00> : vector<256xf32>
    %reduce_sum3A_86 = vector.multi_reduction <add>, %mul3A_84, %reduce_sum3A_85 [0] : vector<160x256xf32> to vector<256xf32>
    %broadcast_in_dim3A_87 = vector.shape_cast %reduce_sum3A_86 : vector<256xf32> to vector<1x256xf32>
    %div3A = vector.broadcast %add3A_82 : f32 to vector<1x256xf32>
    %div3A_88 = arith.divf %broadcast_in_dim3A_87, %div3A : vector<1x256xf32>
    %get3A_89 = arith.index_cast %arg0 : i32 to index
    %get3A_90 = memref.load %arg7[%get3A_89] : memref<8xf32, #tpu.memory_space<smem>>
    %div3A_91 = arith.constant 3.200000e+01 : f32
    %div3A_92 = arith.divf %reduce_sum3A_80, %div3A_91 : f32
    %sub3A = arith.constant 1.000000e+00 : f32
    %sub3A_93 = vector.broadcast %sub3A : f32 to vector<1x160xf32>
    %sub3A_94 = arith.subf %sub3A_93, %concatenate3A_76 : vector<1x160xf32>
    %mul3A_95 = arith.constant 1.000000e+09 : f32
    %mul3A_96 = vector.broadcast %mul3A_95 : f32 to vector<1x160xf32>
    %mul3A_97 = arith.mulf %sub3A_94, %mul3A_96 : vector<1x160xf32>
    %get3A_98 = arith.constant 0 : index
    %get3A_99 = arith.constant 0 : index
    %get3A_100 = vector.load %arg17[%get3A_98, %get3A_99] : memref<256x1536xf32, #tpu.memory_space<vmem>>, vector<256x1536xf32>
    %dot_general3A_101 = arith.constant dense<0.000000e+00> : vector<1x1536xf32>
    %dot_general3A_102 = tpu.matmul %div3A_88, %get3A_100, %dot_general3A_101 {dimension_numbers = #tpu.dot_dimension_numbers<[1], [0], [0], [1], [0, 0, 1, 1], [], []>, transpose_lhs_hint = false} : vector<1x256xf32>, vector<256x1536xf32>, vector<1x1536xf32> -> vector<1x1536xf32>
    %get3A_103 = arith.constant 0 : index
    %get3A_104 = arith.constant 0 : index
    %get3A_105 = vector.load %arg18[%get3A_103, %get3A_104] : memref<1x1536xf32, #tpu.memory_space<vmem>>, vector<1x1536xf32>
    %mul3A_106 = vector.broadcast %get3A_90 : f32 to vector<1x1536xf32>
    %mul3A_107 = arith.mulf %mul3A_106, %get3A_105 : vector<1x1536xf32>
    %add3A_108 = arith.addf %dot_general3A_102, %mul3A_107 : vector<1x1536xf32>
    %get3A_109 = arith.constant 0 : index
    %get3A_110 = arith.constant 0 : index
    %get3A_111 = vector.load %arg19[%get3A_109, %get3A_110] : memref<1x1536xf32, #tpu.memory_space<vmem>>, vector<1x1536xf32>
    %mul3A_112 = vector.broadcast %div3A_92 : f32 to vector<1x1536xf32>
    %mul3A_113 = arith.mulf %mul3A_112, %get3A_111 : vector<1x1536xf32>
    %add3A_114 = arith.addf %add3A_108, %mul3A_113 : vector<1x1536xf32>
    %get3A_115 = arith.constant 0 : index
    %get3A_116 = arith.constant 0 : index
    %get3A_117 = vector.load %arg20[%get3A_115, %get3A_116] : memref<1x1536xf32, #tpu.memory_space<vmem>>, vector<1x1536xf32>
    %add3A_118 = arith.addf %add3A_114, %get3A_117 : vector<1x1536xf32>
    %slice3A = vector.extract_strided_slice %add3A_118 {offsets = [0, 0], sizes = [1, 256], strides = [1, 1]} : vector<1x1536xf32> to vector<1x256xf32>
    %slice3A_119 = vector.extract_strided_slice %add3A_118 {offsets = [0, 256], sizes = [1, 256], strides = [1, 1]} : vector<1x1536xf32> to vector<1x256xf32>
    %slice3A_120 = vector.extract_strided_slice %add3A_118 {offsets = [0, 512], sizes = [1, 256], strides = [1, 1]} : vector<1x1536xf32> to vector<1x256xf32>
    %slice3A_121 = vector.extract_strided_slice %add3A_118 {offsets = [0, 768], sizes = [1, 256], strides = [1, 1]} : vector<1x1536xf32> to vector<1x256xf32>
    %slice3A_122 = vector.extract_strided_slice %add3A_118 {offsets = [0, 1024], sizes = [1, 256], strides = [1, 1]} : vector<1x1536xf32> to vector<1x256xf32>
    %slice3A_123 = vector.extract_strided_slice %add3A_118 {offsets = [0, 1280], sizes = [1, 256], strides = [1, 1]} : vector<1x1536xf32> to vector<1x256xf32>
    %reduce_sum3A_124 = arith.constant dense<0.000000e+00> : vector<160xf32>
    %reduce_sum3A_125 = vector.multi_reduction <add>, %concatenate3A, %reduce_sum3A_124 [1] : vector<160x256xf32> to vector<160xf32>
    %broadcast_in_dim3A_126 = vector.shape_cast %reduce_sum3A_125 : vector<160xf32> to vector<160x1xf32>
    %div3A_127 = arith.constant 2.560000e+02 : f32
    %div3A_128 = vector.broadcast %div3A_127 : f32 to vector<160x1xf32>
    %div3A_129 = arith.divf %broadcast_in_dim3A_126, %div3A_128 : vector<160x1xf32>
    %sub3A_130 = vector.broadcast %div3A_129 : vector<160x1xf32> to vector<160x256xf32>
    %sub3A_131 = arith.subf %concatenate3A, %sub3A_130 : vector<160x256xf32>
    %integer_pow3A = arith.mulf %sub3A_131, %sub3A_131 : vector<160x256xf32>
    %reduce_sum3A_132 = arith.constant dense<0.000000e+00> : vector<160xf32>
    %reduce_sum3A_133 = vector.multi_reduction <add>, %integer_pow3A, %reduce_sum3A_132 [1] : vector<160x256xf32> to vector<160xf32>
    %broadcast_in_dim3A_134 = vector.shape_cast %reduce_sum3A_133 : vector<160xf32> to vector<160x1xf32>
    %div3A_135 = arith.constant 2.560000e+02 : f32
    %div3A_136 = vector.broadcast %div3A_135 : f32 to vector<160x1xf32>
    %div3A_137 = arith.divf %broadcast_in_dim3A_134, %div3A_136 : vector<160x1xf32>
    %sub3A_138 = vector.broadcast %div3A_129 : vector<160x1xf32> to vector<160x256xf32>
    %sub3A_139 = arith.subf %concatenate3A, %sub3A_138 : vector<160x256xf32>
    %add3A_140 = arith.constant 9.99999997E-7 : f32
    %add3A_141 = vector.broadcast %add3A_140 : f32 to vector<160x1xf32>
    %add3A_142 = arith.addf %div3A_137, %add3A_141 : vector<160x1xf32>
    %rsqrt3A = math.rsqrt %add3A_142 : vector<160x1xf32>
    %mul3A_143 = vector.broadcast %rsqrt3A : vector<160x1xf32> to vector<160x256xf32>
    %mul3A_144 = arith.mulf %sub3A_139, %mul3A_143 : vector<160x256xf32>
    %add3A_145 = arith.constant 1.000000e+00 : f32
    %add3A_146 = vector.broadcast %add3A_145 : f32 to vector<1x256xf32>
    %add3A_147 = arith.addf %add3A_146, %slice3A_119 : vector<1x256xf32>
    %mul3A_148 = vector.broadcast %add3A_147 : vector<1x256xf32> to vector<160x256xf32>
    %mul3A_149 = arith.mulf %mul3A_144, %mul3A_148 : vector<160x256xf32>
    %add3A_150 = vector.broadcast %slice3A : vector<1x256xf32> to vector<160x256xf32>
    %add3A_151 = arith.addf %mul3A_149, %add3A_150 : vector<160x256xf32>
    %get3A_152 = arith.constant 0 : index
    %get3A_153 = arith.constant 0 : index
    %get3A_154 = vector.load %arg21[%get3A_152, %get3A_153] : memref<256x256xf32, #tpu.memory_space<vmem>>, vector<256x256xf32>
    %dot_general3A_155 = arith.constant dense<0.000000e+00> : vector<160x256xf32>
    %dot_general3A_156 = tpu.matmul %add3A_151, %get3A_154, %dot_general3A_155 {dimension_numbers = #tpu.dot_dimension_numbers<[1], [0], [0], [1], [0, 0, 1, 1], [], []>, transpose_lhs_hint = false} : vector<160x256xf32>, vector<256x256xf32>, vector<160x256xf32> -> vector<160x256xf32>
    %get3A_157 = arith.constant 0 : index
    %get3A_158 = arith.constant 0 : index
    %get3A_159 = vector.load %arg22[%get3A_157, %get3A_158] : memref<1x256xf32, #tpu.memory_space<vmem>>, vector<1x256xf32>
    %add3A_160 = vector.broadcast %get3A_159 : vector<1x256xf32> to vector<160x256xf32>
    %add3A_161 = arith.addf %dot_general3A_156, %add3A_160 : vector<160x256xf32>
    %get3A_162 = arith.constant 0 : index
    %get3A_163 = arith.constant 0 : index
    %get3A_164 = vector.load %arg23[%get3A_162, %get3A_163] : memref<256x256xf32, #tpu.memory_space<vmem>>, vector<256x256xf32>
    %dot_general3A_165 = arith.constant dense<0.000000e+00> : vector<160x256xf32>
    %dot_general3A_166 = tpu.matmul %add3A_151, %get3A_164, %dot_general3A_165 {dimension_numbers = #tpu.dot_dimension_numbers<[1], [0], [0], [1], [0, 0, 1, 1], [], []>, transpose_lhs_hint = false} : vector<160x256xf32>, vector<256x256xf32>, vector<160x256xf32> -> vector<160x256xf32>
    %get3A_167 = arith.constant 0 : index
    %get3A_168 = arith.constant 0 : index
    %get3A_169 = vector.load %arg24[%get3A_167, %get3A_168] : memref<1x256xf32, #tpu.memory_space<vmem>>, vector<1x256xf32>
    %add3A_170 = vector.broadcast %get3A_169 : vector<1x256xf32> to vector<160x256xf32>
    %add3A_171 = arith.addf %dot_general3A_166, %add3A_170 : vector<160x256xf32>
    %get3A_172 = arith.constant 0 : index
    %get3A_173 = arith.constant 0 : index
    %get3A_174 = vector.load %arg25[%get3A_172, %get3A_173] : memref<256x256xf32, #tpu.memory_space<vmem>>, vector<256x256xf32>
    %dot_general3A_175 = arith.constant dense<0.000000e+00> : vector<160x256xf32>
    %dot_general3A_176 = tpu.matmul %add3A_151, %get3A_174, %dot_general3A_175 {dimension_numbers = #tpu.dot_dimension_numbers<[1], [0], [0], [1], [0, 0, 1, 1], [], []>, transpose_lhs_hint = false} : vector<160x256xf32>, vector<256x256xf32>, vector<160x256xf32> -> vector<160x256xf32>
    %get3A_177 = arith.constant 0 : index
    %get3A_178 = arith.constant 0 : index
    %get3A_179 = vector.load %arg26[%get3A_177, %get3A_178] : memref<1x256xf32, #tpu.memory_space<vmem>>, vector<1x256xf32>
    %add3A_180 = vector.broadcast %get3A_179 : vector<1x256xf32> to vector<160x256xf32>
    %add3A_181 = arith.addf %dot_general3A_176, %add3A_180 : vector<160x256xf32>
    %slice3A_182 = vector.extract_strided_slice %add3A_161 {offsets = [0, 0], sizes = [160, 64], strides = [1, 1]} : vector<160x256xf32> to vector<160x64xf32>
    %slice3A_183 = vector.extract_strided_slice %add3A_171 {offsets = [0, 0], sizes = [160, 64], strides = [1, 1]} : vector<160x256xf32> to vector<160x64xf32>
    %dot_general3A_184 = arith.constant dense<0.000000e+00> : vector<160x160xf32>
    %dot_general3A_185 = tpu.matmul %slice3A_182, %slice3A_183, %dot_general3A_184 {dimension_numbers = #tpu.dot_dimension_numbers<[1], [1], [0], [0], [0, 0, 1, 0], [], []>, transpose_lhs_hint = false} : vector<160x64xf32>, vector<160x64xf32>, vector<160x160xf32> -> vector<160x160xf32>
    %mul3A_186 = arith.constant 1.250000e-01 : f32
    %mul3A_187 = vector.broadcast %mul3A_186 : f32 to vector<160x160xf32>
    %mul3A_188 = arith.mulf %dot_general3A_185, %mul3A_187 : vector<160x160xf32>
    %sub3A_189 = vector.broadcast %mul3A_97 : vector<1x160xf32> to vector<160x160xf32>
    %sub3A_190 = arith.subf %mul3A_188, %sub3A_189 : vector<160x160xf32>
    %reduce_max3A = arith.constant dense<0xFF800000> : vector<160xf32>
    %reduce_max3A_191 = vector.multi_reduction <maximumf>, %sub3A_190, %reduce_max3A [1] : vector<160x160xf32> to vector<160xf32>
    %broadcast_in_dim3A_192 = vector.shape_cast %reduce_max3A_191 : vector<160xf32> to vector<160x1xf32>
    %sub3A_193 = vector.broadcast %broadcast_in_dim3A_192 : vector<160x1xf32> to vector<160x160xf32>
    %sub3A_194 = arith.subf %sub3A_190, %sub3A_193 : vector<160x160xf32>
    %exp3A = math.exp %sub3A_194 : vector<160x160xf32>
    %reduce_sum3A_195 = arith.constant dense<0.000000e+00> : vector<160xf32>
    %reduce_sum3A_196 = vector.multi_reduction <add>, %exp3A, %reduce_sum3A_195 [1] : vector<160x160xf32> to vector<160xf32>
    %broadcast_in_dim3A_197 = vector.shape_cast %reduce_sum3A_196 : vector<160xf32> to vector<160x1xf32>
    %div3A_198 = vector.broadcast %broadcast_in_dim3A_197 : vector<160x1xf32> to vector<160x160xf32>
    %div3A_199 = arith.divf %exp3A, %div3A_198 : vector<160x160xf32>
    %slice3A_200 = vector.extract_strided_slice %add3A_181 {offsets = [0, 0], sizes = [160, 64], strides = [1, 1]} : vector<160x256xf32> to vector<160x64xf32>
    %dot_general3A_201 = arith.constant dense<0.000000e+00> : vector<160x64xf32>
    %dot_general3A_202 = tpu.matmul %div3A_199, %slice3A_200, %dot_general3A_201 {dimension_numbers = #tpu.dot_dimension_numbers<[1], [0], [0], [1], [0, 0, 1, 1], [], []>, transpose_lhs_hint = false} : vector<160x160xf32>, vector<160x64xf32>, vector<160x64xf32> -> vector<160x64xf32>
    %slice3A_203 = vector.extract_strided_slice %add3A_161 {offsets = [0, 64], sizes = [160, 64], strides = [1, 1]} : vector<160x256xf32> to vector<160x64xf32>
    %slice3A_204 = vector.extract_strided_slice %add3A_171 {offsets = [0, 64], sizes = [160, 64], strides = [1, 1]} : vector<160x256xf32> to vector<160x64xf32>
    %dot_general3A_205 = arith.constant dense<0.000000e+00> : vector<160x160xf32>
    %dot_general3A_206 = tpu.matmul %slice3A_203, %slice3A_204, %dot_general3A_205 {dimension_numbers = #tpu.dot_dimension_numbers<[1], [1], [0], [0], [0, 0, 1, 0], [], []>, transpose_lhs_hint = false} : vector<160x64xf32>, vector<160x64xf32>, vector<160x160xf32> -> vector<160x160xf32>
    %mul3A_207 = arith.constant 1.250000e-01 : f32
    %mul3A_208 = vector.broadcast %mul3A_207 : f32 to vector<160x160xf32>
    %mul3A_209 = arith.mulf %dot_general3A_206, %mul3A_208 : vector<160x160xf32>
    %sub3A_210 = vector.broadcast %mul3A_97 : vector<1x160xf32> to vector<160x160xf32>
    %sub3A_211 = arith.subf %mul3A_209, %sub3A_210 : vector<160x160xf32>
    %reduce_max3A_212 = arith.constant dense<0xFF800000> : vector<160xf32>
    %reduce_max3A_213 = vector.multi_reduction <maximumf>, %sub3A_211, %reduce_max3A_212 [1] : vector<160x160xf32> to vector<160xf32>
    %broadcast_in_dim3A_214 = vector.shape_cast %reduce_max3A_213 : vector<160xf32> to vector<160x1xf32>
    %sub3A_215 = vector.broadcast %broadcast_in_dim3A_214 : vector<160x1xf32> to vector<160x160xf32>
    %sub3A_216 = arith.subf %sub3A_211, %sub3A_215 : vector<160x160xf32>
    %exp3A_217 = math.exp %sub3A_216 : vector<160x160xf32>
    %reduce_sum3A_218 = arith.constant dense<0.000000e+00> : vector<160xf32>
    %reduce_sum3A_219 = vector.multi_reduction <add>, %exp3A_217, %reduce_sum3A_218 [1] : vector<160x160xf32> to vector<160xf32>
    %broadcast_in_dim3A_220 = vector.shape_cast %reduce_sum3A_219 : vector<160xf32> to vector<160x1xf32>
    %div3A_221 = vector.broadcast %broadcast_in_dim3A_220 : vector<160x1xf32> to vector<160x160xf32>
    %div3A_222 = arith.divf %exp3A_217, %div3A_221 : vector<160x160xf32>
    %slice3A_223 = vector.extract_strided_slice %add3A_181 {offsets = [0, 64], sizes = [160, 64], strides = [1, 1]} : vector<160x256xf32> to vector<160x64xf32>
    %dot_general3A_224 = arith.constant dense<0.000000e+00> : vector<160x64xf32>
    %dot_general3A_225 = tpu.matmul %div3A_222, %slice3A_223, %dot_general3A_224 {dimension_numbers = #tpu.dot_dimension_numbers<[1], [0], [0], [1], [0, 0, 1, 1], [], []>, transpose_lhs_hint = false} : vector<160x160xf32>, vector<160x64xf32>, vector<160x64xf32> -> vector<160x64xf32>
    %slice3A_226 = vector.extract_strided_slice %add3A_161 {offsets = [0, 128], sizes = [160, 64], strides = [1, 1]} : vector<160x256xf32> to vector<160x64xf32>
    %slice3A_227 = vector.extract_strided_slice %add3A_171 {offsets = [0, 128], sizes = [160, 64], strides = [1, 1]} : vector<160x256xf32> to vector<160x64xf32>
    %dot_general3A_228 = arith.constant dense<0.000000e+00> : vector<160x160xf32>
    %dot_general3A_229 = tpu.matmul %slice3A_226, %slice3A_227, %dot_general3A_228 {dimension_numbers = #tpu.dot_dimension_numbers<[1], [1], [0], [0], [0, 0, 1, 0], [], []>, transpose_lhs_hint = false} : vector<160x64xf32>, vector<160x64xf32>, vector<160x160xf32> -> vector<160x160xf32>
    %mul3A_230 = arith.constant 1.250000e-01 : f32
    %mul3A_231 = vector.broadcast %mul3A_230 : f32 to vector<160x160xf32>
    %mul3A_232 = arith.mulf %dot_general3A_229, %mul3A_231 : vector<160x160xf32>
    %sub3A_233 = vector.broadcast %mul3A_97 : vector<1x160xf32> to vector<160x160xf32>
    %sub3A_234 = arith.subf %mul3A_232, %sub3A_233 : vector<160x160xf32>
    %reduce_max3A_235 = arith.constant dense<0xFF800000> : vector<160xf32>
    %reduce_max3A_236 = vector.multi_reduction <maximumf>, %sub3A_234, %reduce_max3A_235 [1] : vector<160x160xf32> to vector<160xf32>
    %broadcast_in_dim3A_237 = vector.shape_cast %reduce_max3A_236 : vector<160xf32> to vector<160x1xf32>
    %sub3A_238 = vector.broadcast %broadcast_in_dim3A_237 : vector<160x1xf32> to vector<160x160xf32>
    %sub3A_239 = arith.subf %sub3A_234, %sub3A_238 : vector<160x160xf32>
    %exp3A_240 = math.exp %sub3A_239 : vector<160x160xf32>
    %reduce_sum3A_241 = arith.constant dense<0.000000e+00> : vector<160xf32>
    %reduce_sum3A_242 = vector.multi_reduction <add>, %exp3A_240, %reduce_sum3A_241 [1] : vector<160x160xf32> to vector<160xf32>
    %broadcast_in_dim3A_243 = vector.shape_cast %reduce_sum3A_242 : vector<160xf32> to vector<160x1xf32>
    %div3A_244 = vector.broadcast %broadcast_in_dim3A_243 : vector<160x1xf32> to vector<160x160xf32>
    %div3A_245 = arith.divf %exp3A_240, %div3A_244 : vector<160x160xf32>
    %slice3A_246 = vector.extract_strided_slice %add3A_181 {offsets = [0, 128], sizes = [160, 64], strides = [1, 1]} : vector<160x256xf32> to vector<160x64xf32>
    %dot_general3A_247 = arith.constant dense<0.000000e+00> : vector<160x64xf32>
    %dot_general3A_248 = tpu.matmul %div3A_245, %slice3A_246, %dot_general3A_247 {dimension_numbers = #tpu.dot_dimension_numbers<[1], [0], [0], [1], [0, 0, 1, 1], [], []>, transpose_lhs_hint = false} : vector<160x160xf32>, vector<160x64xf32>, vector<160x64xf32> -> vector<160x64xf32>
    %slice3A_249 = vector.extract_strided_slice %add3A_161 {offsets = [0, 192], sizes = [160, 64], strides = [1, 1]} : vector<160x256xf32> to vector<160x64xf32>
    %slice3A_250 = vector.extract_strided_slice %add3A_171 {offsets = [0, 192], sizes = [160, 64], strides = [1, 1]} : vector<160x256xf32> to vector<160x64xf32>
    %dot_general3A_251 = arith.constant dense<0.000000e+00> : vector<160x160xf32>
    %dot_general3A_252 = tpu.matmul %slice3A_249, %slice3A_250, %dot_general3A_251 {dimension_numbers = #tpu.dot_dimension_numbers<[1], [1], [0], [0], [0, 0, 1, 0], [], []>, transpose_lhs_hint = false} : vector<160x64xf32>, vector<160x64xf32>, vector<160x160xf32> -> vector<160x160xf32>
    %mul3A_253 = arith.constant 1.250000e-01 : f32
    %mul3A_254 = vector.broadcast %mul3A_253 : f32 to vector<160x160xf32>
    %mul3A_255 = arith.mulf %dot_general3A_252, %mul3A_254 : vector<160x160xf32>
    %sub3A_256 = vector.broadcast %mul3A_97 : vector<1x160xf32> to vector<160x160xf32>
    %sub3A_257 = arith.subf %mul3A_255, %sub3A_256 : vector<160x160xf32>
    %reduce_max3A_258 = arith.constant dense<0xFF800000> : vector<160xf32>
    %reduce_max3A_259 = vector.multi_reduction <maximumf>, %sub3A_257, %reduce_max3A_258 [1] : vector<160x160xf32> to vector<160xf32>
    %broadcast_in_dim3A_260 = vector.shape_cast %reduce_max3A_259 : vector<160xf32> to vector<160x1xf32>
    %sub3A_261 = vector.broadcast %broadcast_in_dim3A_260 : vector<160x1xf32> to vector<160x160xf32>
    %sub3A_262 = arith.subf %sub3A_257, %sub3A_261 : vector<160x160xf32>
    %exp3A_263 = math.exp %sub3A_262 : vector<160x160xf32>
    %reduce_sum3A_264 = arith.constant dense<0.000000e+00> : vector<160xf32>
    %reduce_sum3A_265 = vector.multi_reduction <add>, %exp3A_263, %reduce_sum3A_264 [1] : vector<160x160xf32> to vector<160xf32>
    %broadcast_in_dim3A_266 = vector.shape_cast %reduce_sum3A_265 : vector<160xf32> to vector<160x1xf32>
    %div3A_267 = vector.broadcast %broadcast_in_dim3A_266 : vector<160x1xf32> to vector<160x160xf32>
    %div3A_268 = arith.divf %exp3A_263, %div3A_267 : vector<160x160xf32>
    %slice3A_269 = vector.extract_strided_slice %add3A_181 {offsets = [0, 192], sizes = [160, 64], strides = [1, 1]} : vector<160x256xf32> to vector<160x64xf32>
    %dot_general3A_270 = arith.constant dense<0.000000e+00> : vector<160x64xf32>
    %dot_general3A_271 = tpu.matmul %div3A_268, %slice3A_269, %dot_general3A_270 {dimension_numbers = #tpu.dot_dimension_numbers<[1], [0], [0], [1], [0, 0, 1, 1], [], []>, transpose_lhs_hint = false} : vector<160x160xf32>, vector<160x64xf32>, vector<160x64xf32> -> vector<160x64xf32>
    %concatenate3A_272 = tpu.concatenate %dot_general3A_202, %dot_general3A_225, %dot_general3A_248, %dot_general3A_271 in 1 : vector<160x64xf32>, vector<160x64xf32>, vector<160x64xf32>, vector<160x64xf32> -> vector<160x256xf32>
    %get3A_273 = arith.constant 0 : index
    %get3A_274 = arith.constant 0 : index
    %get3A_275 = vector.load %arg27[%get3A_273, %get3A_274] : memref<256x256xf32, #tpu.memory_space<vmem>>, vector<256x256xf32>
    %dot_general3A_276 = arith.constant dense<0.000000e+00> : vector<160x256xf32>
    %dot_general3A_277 = tpu.matmul %concatenate3A_272, %get3A_275, %dot_general3A_276 {dimension_numbers = #tpu.dot_dimension_numbers<[1], [0], [0], [1], [0, 0, 1, 1], [], []>, transpose_lhs_hint = false} : vector<160x256xf32>, vector<256x256xf32>, vector<160x256xf32> -> vector<160x256xf32>
    %get3A_278 = arith.constant 0 : index
    %get3A_279 = arith.constant 0 : index
    %get3A_280 = vector.load %arg28[%get3A_278, %get3A_279] : memref<1x256xf32, #tpu.memory_space<vmem>>, vector<1x256xf32>
    %add3A_281 = vector.broadcast %get3A_280 : vector<1x256xf32> to vector<160x256xf32>
    %add3A_282 = arith.addf %dot_general3A_277, %add3A_281 : vector<160x256xf32>
    %mul3A_283 = vector.broadcast %slice3A_120 : vector<1x256xf32> to vector<160x256xf32>
    %mul3A_284 = arith.mulf %mul3A_283, %add3A_282 : vector<160x256xf32>
    %add3A_285 = arith.addf %concatenate3A, %mul3A_284 : vector<160x256xf32>
    %reduce_sum3A_286 = arith.constant dense<0.000000e+00> : vector<160xf32>
    %reduce_sum3A_287 = vector.multi_reduction <add>, %add3A_285, %reduce_sum3A_286 [1] : vector<160x256xf32> to vector<160xf32>
    %broadcast_in_dim3A_288 = vector.shape_cast %reduce_sum3A_287 : vector<160xf32> to vector<160x1xf32>
    %div3A_289 = arith.constant 2.560000e+02 : f32
    %div3A_290 = vector.broadcast %div3A_289 : f32 to vector<160x1xf32>
    %div3A_291 = arith.divf %broadcast_in_dim3A_288, %div3A_290 : vector<160x1xf32>
    %sub3A_292 = vector.broadcast %div3A_291 : vector<160x1xf32> to vector<160x256xf32>
    %sub3A_293 = arith.subf %add3A_285, %sub3A_292 : vector<160x256xf32>
    %integer_pow3A_294 = arith.mulf %sub3A_293, %sub3A_293 : vector<160x256xf32>
    %reduce_sum3A_295 = arith.constant dense<0.000000e+00> : vector<160xf32>
    %reduce_sum3A_296 = vector.multi_reduction <add>, %integer_pow3A_294, %reduce_sum3A_295 [1] : vector<160x256xf32> to vector<160xf32>
    %broadcast_in_dim3A_297 = vector.shape_cast %reduce_sum3A_296 : vector<160xf32> to vector<160x1xf32>
    %div3A_298 = arith.constant 2.560000e+02 : f32
    %div3A_299 = vector.broadcast %div3A_298 : f32 to vector<160x1xf32>
    %div3A_300 = arith.divf %broadcast_in_dim3A_297, %div3A_299 : vector<160x1xf32>
    %sub3A_301 = vector.broadcast %div3A_291 : vector<160x1xf32> to vector<160x256xf32>
    %sub3A_302 = arith.subf %add3A_285, %sub3A_301 : vector<160x256xf32>
    %add3A_303 = arith.constant 9.99999997E-7 : f32
    %add3A_304 = vector.broadcast %add3A_303 : f32 to vector<160x1xf32>
    %add3A_305 = arith.addf %div3A_300, %add3A_304 : vector<160x1xf32>
    %rsqrt3A_306 = math.rsqrt %add3A_305 : vector<160x1xf32>
    %mul3A_307 = vector.broadcast %rsqrt3A_306 : vector<160x1xf32> to vector<160x256xf32>
    %mul3A_308 = arith.mulf %sub3A_302, %mul3A_307 : vector<160x256xf32>
    %add3A_309 = arith.constant 1.000000e+00 : f32
    %add3A_310 = vector.broadcast %add3A_309 : f32 to vector<1x256xf32>
    %add3A_311 = arith.addf %add3A_310, %slice3A_122 : vector<1x256xf32>
    %mul3A_312 = vector.broadcast %add3A_311 : vector<1x256xf32> to vector<160x256xf32>
    %mul3A_313 = arith.mulf %mul3A_308, %mul3A_312 : vector<160x256xf32>
    %add3A_314 = vector.broadcast %slice3A_121 : vector<1x256xf32> to vector<160x256xf32>
    %add3A_315 = arith.addf %mul3A_313, %add3A_314 : vector<160x256xf32>
    %get3A_316 = arith.constant 0 : index
    %get3A_317 = arith.constant 0 : index
    %get3A_318 = vector.load %arg29[%get3A_316, %get3A_317] : memref<256x1024xf32, #tpu.memory_space<vmem>>, vector<256x1024xf32>
    %dot_general3A_319 = arith.constant dense<0.000000e+00> : vector<160x1024xf32>
    %dot_general3A_320 = tpu.matmul %add3A_315, %get3A_318, %dot_general3A_319 {dimension_numbers = #tpu.dot_dimension_numbers<[1], [0], [0], [1], [0, 0, 1, 1], [], []>, transpose_lhs_hint = false} : vector<160x256xf32>, vector<256x1024xf32>, vector<160x1024xf32> -> vector<160x1024xf32>
    %get3A_321 = arith.constant 0 : index
    %get3A_322 = arith.constant 0 : index
    %get3A_323 = vector.load %arg30[%get3A_321, %get3A_322] : memref<1x1024xf32, #tpu.memory_space<vmem>>, vector<1x1024xf32>
    %add3A_324 = vector.broadcast %get3A_323 : vector<1x1024xf32> to vector<160x1024xf32>
    %add3A_325 = arith.addf %dot_general3A_320, %add3A_324 : vector<160x1024xf32>
    %max3A_326 = arith.constant 0.000000e+00 : f32
    %max3A_327 = vector.broadcast %max3A_326 : f32 to vector<160x1024xf32>
    %max3A_328 = arith.maximumf %add3A_325, %max3A_327 : vector<160x1024xf32>
    %get3A_329 = arith.constant 0 : index
    %get3A_330 = arith.constant 0 : index
    %get3A_331 = vector.load %arg31[%get3A_329, %get3A_330] : memref<1024x256xf32, #tpu.memory_space<vmem>>, vector<1024x256xf32>
    %dot_general3A_332 = arith.constant dense<0.000000e+00> : vector<160x256xf32>
    %dot_general3A_333 = tpu.matmul %max3A_328, %get3A_331, %dot_general3A_332 {dimension_numbers = #tpu.dot_dimension_numbers<[1], [0], [0], [1], [0, 0, 1, 1], [], []>, transpose_lhs_hint = false} : vector<160x1024xf32>, vector<1024x256xf32>, vector<160x256xf32> -> vector<160x256xf32>
    %get3A_334 = arith.constant 0 : index
    %get3A_335 = arith.constant 0 : index
    %get3A_336 = vector.load %arg32[%get3A_334, %get3A_335] : memref<1x256xf32, #tpu.memory_space<vmem>>, vector<1x256xf32>
    %add3A_337 = vector.broadcast %get3A_336 : vector<1x256xf32> to vector<160x256xf32>
    %add3A_338 = arith.addf %dot_general3A_333, %add3A_337 : vector<160x256xf32>
    %mul3A_339 = vector.broadcast %slice3A_123 : vector<1x256xf32> to vector<160x256xf32>
    %mul3A_340 = arith.mulf %mul3A_339, %add3A_338 : vector<160x256xf32>
    %add3A_341 = arith.addf %add3A_285, %mul3A_340 : vector<160x256xf32>
    %get3A_342 = arith.constant 0 : index
    %get3A_343 = arith.constant 0 : index
    %get3A_344 = vector.load %arg33[%get3A_342, %get3A_343] : memref<256x1536xf32, #tpu.memory_space<vmem>>, vector<256x1536xf32>
    %dot_general3A_345 = arith.constant dense<0.000000e+00> : vector<1x1536xf32>
    %dot_general3A_346 = tpu.matmul %div3A_88, %get3A_344, %dot_general3A_345 {dimension_numbers = #tpu.dot_dimension_numbers<[1], [0], [0], [1], [0, 0, 1, 1], [], []>, transpose_lhs_hint = false} : vector<1x256xf32>, vector<256x1536xf32>, vector<1x1536xf32> -> vector<1x1536xf32>
    %get3A_347 = arith.constant 0 : index
    %get3A_348 = arith.constant 0 : index
    %get3A_349 = vector.load %arg34[%get3A_347, %get3A_348] : memref<1x1536xf32, #tpu.memory_space<vmem>>, vector<1x1536xf32>
    %mul3A_350 = vector.broadcast %get3A_90 : f32 to vector<1x1536xf32>
    %mul3A_351 = arith.mulf %mul3A_350, %get3A_349 : vector<1x1536xf32>
    %add3A_352 = arith.addf %dot_general3A_346, %mul3A_351 : vector<1x1536xf32>
    %get3A_353 = arith.constant 0 : index
    %get3A_354 = arith.constant 0 : index
    %get3A_355 = vector.load %arg35[%get3A_353, %get3A_354] : memref<1x1536xf32, #tpu.memory_space<vmem>>, vector<1x1536xf32>
    %mul3A_356 = vector.broadcast %div3A_92 : f32 to vector<1x1536xf32>
    %mul3A_357 = arith.mulf %mul3A_356, %get3A_355 : vector<1x1536xf32>
    %add3A_358 = arith.addf %add3A_352, %mul3A_357 : vector<1x1536xf32>
    %get3A_359 = arith.constant 0 : index
    %get3A_360 = arith.constant 0 : index
    %get3A_361 = vector.load %arg36[%get3A_359, %get3A_360] : memref<1x1536xf32, #tpu.memory_space<vmem>>, vector<1x1536xf32>
    %add3A_362 = arith.addf %add3A_358, %get3A_361 : vector<1x1536xf32>
    %slice3A_363 = vector.extract_strided_slice %add3A_362 {offsets = [0, 0], sizes = [1, 256], strides = [1, 1]} : vector<1x1536xf32> to vector<1x256xf32>
    %slice3A_364 = vector.extract_strided_slice %add3A_362 {offsets = [0, 256], sizes = [1, 256], strides = [1, 1]} : vector<1x1536xf32> to vector<1x256xf32>
    %slice3A_365 = vector.extract_strided_slice %add3A_362 {offsets = [0, 512], sizes = [1, 256], strides = [1, 1]} : vector<1x1536xf32> to vector<1x256xf32>
    %slice3A_366 = vector.extract_strided_slice %add3A_362 {offsets = [0, 768], sizes = [1, 256], strides = [1, 1]} : vector<1x1536xf32> to vector<1x256xf32>
    %slice3A_367 = vector.extract_strided_slice %add3A_362 {offsets = [0, 1024], sizes = [1, 256], strides = [1, 1]} : vector<1x1536xf32> to vector<1x256xf32>
    %slice3A_368 = vector.extract_strided_slice %add3A_362 {offsets = [0, 1280], sizes = [1, 256], strides = [1, 1]} : vector<1x1536xf32> to vector<1x256xf32>
    %reduce_sum3A_369 = arith.constant dense<0.000000e+00> : vector<160xf32>
    %reduce_sum3A_370 = vector.multi_reduction <add>, %add3A_341, %reduce_sum3A_369 [1] : vector<160x256xf32> to vector<160xf32>
    %broadcast_in_dim3A_371 = vector.shape_cast %reduce_sum3A_370 : vector<160xf32> to vector<160x1xf32>
    %div3A_372 = arith.constant 2.560000e+02 : f32
    %div3A_373 = vector.broadcast %div3A_372 : f32 to vector<160x1xf32>
    %div3A_374 = arith.divf %broadcast_in_dim3A_371, %div3A_373 : vector<160x1xf32>
    %sub3A_375 = vector.broadcast %div3A_374 : vector<160x1xf32> to vector<160x256xf32>
    %sub3A_376 = arith.subf %add3A_341, %sub3A_375 : vector<160x256xf32>
    %integer_pow3A_377 = arith.mulf %sub3A_376, %sub3A_376 : vector<160x256xf32>
    %reduce_sum3A_378 = arith.constant dense<0.000000e+00> : vector<160xf32>
    %reduce_sum3A_379 = vector.multi_reduction <add>, %integer_pow3A_377, %reduce_sum3A_378 [1] : vector<160x256xf32> to vector<160xf32>
    %broadcast_in_dim3A_380 = vector.shape_cast %reduce_sum3A_379 : vector<160xf32> to vector<160x1xf32>
    %div3A_381 = arith.constant 2.560000e+02 : f32
    %div3A_382 = vector.broadcast %div3A_381 : f32 to vector<160x1xf32>
    %div3A_383 = arith.divf %broadcast_in_dim3A_380, %div3A_382 : vector<160x1xf32>
    %sub3A_384 = vector.broadcast %div3A_374 : vector<160x1xf32> to vector<160x256xf32>
    %sub3A_385 = arith.subf %add3A_341, %sub3A_384 : vector<160x256xf32>
    %add3A_386 = arith.constant 9.99999997E-7 : f32
    %add3A_387 = vector.broadcast %add3A_386 : f32 to vector<160x1xf32>
    %add3A_388 = arith.addf %div3A_383, %add3A_387 : vector<160x1xf32>
    %rsqrt3A_389 = math.rsqrt %add3A_388 : vector<160x1xf32>
    %mul3A_390 = vector.broadcast %rsqrt3A_389 : vector<160x1xf32> to vector<160x256xf32>
    %mul3A_391 = arith.mulf %sub3A_385, %mul3A_390 : vector<160x256xf32>
    %add3A_392 = arith.constant 1.000000e+00 : f32
    %add3A_393 = vector.broadcast %add3A_392 : f32 to vector<1x256xf32>
    %add3A_394 = arith.addf %add3A_393, %slice3A_364 : vector<1x256xf32>
    %mul3A_395 = vector.broadcast %add3A_394 : vector<1x256xf32> to vector<160x256xf32>
    %mul3A_396 = arith.mulf %mul3A_391, %mul3A_395 : vector<160x256xf32>
    %add3A_397 = vector.broadcast %slice3A_363 : vector<1x256xf32> to vector<160x256xf32>
    %add3A_398 = arith.addf %mul3A_396, %add3A_397 : vector<160x256xf32>
    %get3A_399 = arith.constant 0 : index
    %get3A_400 = arith.constant 0 : index
    %get3A_401 = vector.load %arg37[%get3A_399, %get3A_400] : memref<256x256xf32, #tpu.memory_space<vmem>>, vector<256x256xf32>
    %dot_general3A_402 = arith.constant dense<0.000000e+00> : vector<160x256xf32>
    %dot_general3A_403 = tpu.matmul %add3A_398, %get3A_401, %dot_general3A_402 {dimension_numbers = #tpu.dot_dimension_numbers<[1], [0], [0], [1], [0, 0, 1, 1], [], []>, transpose_lhs_hint = false} : vector<160x256xf32>, vector<256x256xf32>, vector<160x256xf32> -> vector<160x256xf32>
    %get3A_404 = arith.constant 0 : index
    %get3A_405 = arith.constant 0 : index
    %get3A_406 = vector.load %arg38[%get3A_404, %get3A_405] : memref<1x256xf32, #tpu.memory_space<vmem>>, vector<1x256xf32>
    %add3A_407 = vector.broadcast %get3A_406 : vector<1x256xf32> to vector<160x256xf32>
    %add3A_408 = arith.addf %dot_general3A_403, %add3A_407 : vector<160x256xf32>
    %get3A_409 = arith.constant 0 : index
    %get3A_410 = arith.constant 0 : index
    %get3A_411 = vector.load %arg39[%get3A_409, %get3A_410] : memref<256x256xf32, #tpu.memory_space<vmem>>, vector<256x256xf32>
    %dot_general3A_412 = arith.constant dense<0.000000e+00> : vector<160x256xf32>
    %dot_general3A_413 = tpu.matmul %add3A_398, %get3A_411, %dot_general3A_412 {dimension_numbers = #tpu.dot_dimension_numbers<[1], [0], [0], [1], [0, 0, 1, 1], [], []>, transpose_lhs_hint = false} : vector<160x256xf32>, vector<256x256xf32>, vector<160x256xf32> -> vector<160x256xf32>
    %get3A_414 = arith.constant 0 : index
    %get3A_415 = arith.constant 0 : index
    %get3A_416 = vector.load %arg40[%get3A_414, %get3A_415] : memref<1x256xf32, #tpu.memory_space<vmem>>, vector<1x256xf32>
    %add3A_417 = vector.broadcast %get3A_416 : vector<1x256xf32> to vector<160x256xf32>
    %add3A_418 = arith.addf %dot_general3A_413, %add3A_417 : vector<160x256xf32>
    %get3A_419 = arith.constant 0 : index
    %get3A_420 = arith.constant 0 : index
    %get3A_421 = vector.load %arg41[%get3A_419, %get3A_420] : memref<256x256xf32, #tpu.memory_space<vmem>>, vector<256x256xf32>
    %dot_general3A_422 = arith.constant dense<0.000000e+00> : vector<160x256xf32>
    %dot_general3A_423 = tpu.matmul %add3A_398, %get3A_421, %dot_general3A_422 {dimension_numbers = #tpu.dot_dimension_numbers<[1], [0], [0], [1], [0, 0, 1, 1], [], []>, transpose_lhs_hint = false} : vector<160x256xf32>, vector<256x256xf32>, vector<160x256xf32> -> vector<160x256xf32>
    %get3A_424 = arith.constant 0 : index
    %get3A_425 = arith.constant 0 : index
    %get3A_426 = vector.load %arg42[%get3A_424, %get3A_425] : memref<1x256xf32, #tpu.memory_space<vmem>>, vector<1x256xf32>
    %add3A_427 = vector.broadcast %get3A_426 : vector<1x256xf32> to vector<160x256xf32>
    %add3A_428 = arith.addf %dot_general3A_423, %add3A_427 : vector<160x256xf32>
    %slice3A_429 = vector.extract_strided_slice %add3A_408 {offsets = [0, 0], sizes = [160, 64], strides = [1, 1]} : vector<160x256xf32> to vector<160x64xf32>
    %slice3A_430 = vector.extract_strided_slice %add3A_418 {offsets = [0, 0], sizes = [160, 64], strides = [1, 1]} : vector<160x256xf32> to vector<160x64xf32>
    %dot_general3A_431 = arith.constant dense<0.000000e+00> : vector<160x160xf32>
    %dot_general3A_432 = tpu.matmul %slice3A_429, %slice3A_430, %dot_general3A_431 {dimension_numbers = #tpu.dot_dimension_numbers<[1], [1], [0], [0], [0, 0, 1, 0], [], []>, transpose_lhs_hint = false} : vector<160x64xf32>, vector<160x64xf32>, vector<160x160xf32> -> vector<160x160xf32>
    %mul3A_433 = arith.constant 1.250000e-01 : f32
    %mul3A_434 = vector.broadcast %mul3A_433 : f32 to vector<160x160xf32>
    %mul3A_435 = arith.mulf %dot_general3A_432, %mul3A_434 : vector<160x160xf32>
    %sub3A_436 = vector.broadcast %mul3A_97 : vector<1x160xf32> to vector<160x160xf32>
    %sub3A_437 = arith.subf %mul3A_435, %sub3A_436 : vector<160x160xf32>
    %reduce_max3A_438 = arith.constant dense<0xFF800000> : vector<160xf32>
    %reduce_max3A_439 = vector.multi_reduction <maximumf>, %sub3A_437, %reduce_max3A_438 [1] : vector<160x160xf32> to vector<160xf32>
    %broadcast_in_dim3A_440 = vector.shape_cast %reduce_max3A_439 : vector<160xf32> to vector<160x1xf32>
    %sub3A_441 = vector.broadcast %broadcast_in_dim3A_440 : vector<160x1xf32> to vector<160x160xf32>
    %sub3A_442 = arith.subf %sub3A_437, %sub3A_441 : vector<160x160xf32>
    %exp3A_443 = math.exp %sub3A_442 : vector<160x160xf32>
    %reduce_sum3A_444 = arith.constant dense<0.000000e+00> : vector<160xf32>
    %reduce_sum3A_445 = vector.multi_reduction <add>, %exp3A_443, %reduce_sum3A_444 [1] : vector<160x160xf32> to vector<160xf32>
    %broadcast_in_dim3A_446 = vector.shape_cast %reduce_sum3A_445 : vector<160xf32> to vector<160x1xf32>
    %div3A_447 = vector.broadcast %broadcast_in_dim3A_446 : vector<160x1xf32> to vector<160x160xf32>
    %div3A_448 = arith.divf %exp3A_443, %div3A_447 : vector<160x160xf32>
    %slice3A_449 = vector.extract_strided_slice %add3A_428 {offsets = [0, 0], sizes = [160, 64], strides = [1, 1]} : vector<160x256xf32> to vector<160x64xf32>
    %dot_general3A_450 = arith.constant dense<0.000000e+00> : vector<160x64xf32>
    %dot_general3A_451 = tpu.matmul %div3A_448, %slice3A_449, %dot_general3A_450 {dimension_numbers = #tpu.dot_dimension_numbers<[1], [0], [0], [1], [0, 0, 1, 1], [], []>, transpose_lhs_hint = false} : vector<160x160xf32>, vector<160x64xf32>, vector<160x64xf32> -> vector<160x64xf32>
    %slice3A_452 = vector.extract_strided_slice %add3A_408 {offsets = [0, 64], sizes = [160, 64], strides = [1, 1]} : vector<160x256xf32> to vector<160x64xf32>
    %slice3A_453 = vector.extract_strided_slice %add3A_418 {offsets = [0, 64], sizes = [160, 64], strides = [1, 1]} : vector<160x256xf32> to vector<160x64xf32>
    %dot_general3A_454 = arith.constant dense<0.000000e+00> : vector<160x160xf32>
    %dot_general3A_455 = tpu.matmul %slice3A_452, %slice3A_453, %dot_general3A_454 {dimension_numbers = #tpu.dot_dimension_numbers<[1], [1], [0], [0], [0, 0, 1, 0], [], []>, transpose_lhs_hint = false} : vector<160x64xf32>, vector<160x64xf32>, vector<160x160xf32> -> vector<160x160xf32>
    %mul3A_456 = arith.constant 1.250000e-01 : f32
    %mul3A_457 = vector.broadcast %mul3A_456 : f32 to vector<160x160xf32>
    %mul3A_458 = arith.mulf %dot_general3A_455, %mul3A_457 : vector<160x160xf32>
    %sub3A_459 = vector.broadcast %mul3A_97 : vector<1x160xf32> to vector<160x160xf32>
    %sub3A_460 = arith.subf %mul3A_458, %sub3A_459 : vector<160x160xf32>
    %reduce_max3A_461 = arith.constant dense<0xFF800000> : vector<160xf32>
    %reduce_max3A_462 = vector.multi_reduction <maximumf>, %sub3A_460, %reduce_max3A_461 [1] : vector<160x160xf32> to vector<160xf32>
    %broadcast_in_dim3A_463 = vector.shape_cast %reduce_max3A_462 : vector<160xf32> to vector<160x1xf32>
    %sub3A_464 = vector.broadcast %broadcast_in_dim3A_463 : vector<160x1xf32> to vector<160x160xf32>
    %sub3A_465 = arith.subf %sub3A_460, %sub3A_464 : vector<160x160xf32>
    %exp3A_466 = math.exp %sub3A_465 : vector<160x160xf32>
    %reduce_sum3A_467 = arith.constant dense<0.000000e+00> : vector<160xf32>
    %reduce_sum3A_468 = vector.multi_reduction <add>, %exp3A_466, %reduce_sum3A_467 [1] : vector<160x160xf32> to vector<160xf32>
    %broadcast_in_dim3A_469 = vector.shape_cast %reduce_sum3A_468 : vector<160xf32> to vector<160x1xf32>
    %div3A_470 = vector.broadcast %broadcast_in_dim3A_469 : vector<160x1xf32> to vector<160x160xf32>
    %div3A_471 = arith.divf %exp3A_466, %div3A_470 : vector<160x160xf32>
    %slice3A_472 = vector.extract_strided_slice %add3A_428 {offsets = [0, 64], sizes = [160, 64], strides = [1, 1]} : vector<160x256xf32> to vector<160x64xf32>
    %dot_general3A_473 = arith.constant dense<0.000000e+00> : vector<160x64xf32>
    %dot_general3A_474 = tpu.matmul %div3A_471, %slice3A_472, %dot_general3A_473 {dimension_numbers = #tpu.dot_dimension_numbers<[1], [0], [0], [1], [0, 0, 1, 1], [], []>, transpose_lhs_hint = false} : vector<160x160xf32>, vector<160x64xf32>, vector<160x64xf32> -> vector<160x64xf32>
    %slice3A_475 = vector.extract_strided_slice %add3A_408 {offsets = [0, 128], sizes = [160, 64], strides = [1, 1]} : vector<160x256xf32> to vector<160x64xf32>
    %slice3A_476 = vector.extract_strided_slice %add3A_418 {offsets = [0, 128], sizes = [160, 64], strides = [1, 1]} : vector<160x256xf32> to vector<160x64xf32>
    %dot_general3A_477 = arith.constant dense<0.000000e+00> : vector<160x160xf32>
    %dot_general3A_478 = tpu.matmul %slice3A_475, %slice3A_476, %dot_general3A_477 {dimension_numbers = #tpu.dot_dimension_numbers<[1], [1], [0], [0], [0, 0, 1, 0], [], []>, transpose_lhs_hint = false} : vector<160x64xf32>, vector<160x64xf32>, vector<160x160xf32> -> vector<160x160xf32>
    %mul3A_479 = arith.constant 1.250000e-01 : f32
    %mul3A_480 = vector.broadcast %mul3A_479 : f32 to vector<160x160xf32>
    %mul3A_481 = arith.mulf %dot_general3A_478, %mul3A_480 : vector<160x160xf32>
    %sub3A_482 = vector.broadcast %mul3A_97 : vector<1x160xf32> to vector<160x160xf32>
    %sub3A_483 = arith.subf %mul3A_481, %sub3A_482 : vector<160x160xf32>
    %reduce_max3A_484 = arith.constant dense<0xFF800000> : vector<160xf32>
    %reduce_max3A_485 = vector.multi_reduction <maximumf>, %sub3A_483, %reduce_max3A_484 [1] : vector<160x160xf32> to vector<160xf32>
    %broadcast_in_dim3A_486 = vector.shape_cast %reduce_max3A_485 : vector<160xf32> to vector<160x1xf32>
    %sub3A_487 = vector.broadcast %broadcast_in_dim3A_486 : vector<160x1xf32> to vector<160x160xf32>
    %sub3A_488 = arith.subf %sub3A_483, %sub3A_487 : vector<160x160xf32>
    %exp3A_489 = math.exp %sub3A_488 : vector<160x160xf32>
    %reduce_sum3A_490 = arith.constant dense<0.000000e+00> : vector<160xf32>
    %reduce_sum3A_491 = vector.multi_reduction <add>, %exp3A_489, %reduce_sum3A_490 [1] : vector<160x160xf32> to vector<160xf32>
    %broadcast_in_dim3A_492 = vector.shape_cast %reduce_sum3A_491 : vector<160xf32> to vector<160x1xf32>
    %div3A_493 = vector.broadcast %broadcast_in_dim3A_492 : vector<160x1xf32> to vector<160x160xf32>
    %div3A_494 = arith.divf %exp3A_489, %div3A_493 : vector<160x160xf32>
    %slice3A_495 = vector.extract_strided_slice %add3A_428 {offsets = [0, 128], sizes = [160, 64], strides = [1, 1]} : vector<160x256xf32> to vector<160x64xf32>
    %dot_general3A_496 = arith.constant dense<0.000000e+00> : vector<160x64xf32>
    %dot_general3A_497 = tpu.matmul %div3A_494, %slice3A_495, %dot_general3A_496 {dimension_numbers = #tpu.dot_dimension_numbers<[1], [0], [0], [1], [0, 0, 1, 1], [], []>, transpose_lhs_hint = false} : vector<160x160xf32>, vector<160x64xf32>, vector<160x64xf32> -> vector<160x64xf32>
    %slice3A_498 = vector.extract_strided_slice %add3A_408 {offsets = [0, 192], sizes = [160, 64], strides = [1, 1]} : vector<160x256xf32> to vector<160x64xf32>
    %slice3A_499 = vector.extract_strided_slice %add3A_418 {offsets = [0, 192], sizes = [160, 64], strides = [1, 1]} : vector<160x256xf32> to vector<160x64xf32>
    %dot_general3A_500 = arith.constant dense<0.000000e+00> : vector<160x160xf32>
    %dot_general3A_501 = tpu.matmul %slice3A_498, %slice3A_499, %dot_general3A_500 {dimension_numbers = #tpu.dot_dimension_numbers<[1], [1], [0], [0], [0, 0, 1, 0], [], []>, transpose_lhs_hint = false} : vector<160x64xf32>, vector<160x64xf32>, vector<160x160xf32> -> vector<160x160xf32>
    %mul3A_502 = arith.constant 1.250000e-01 : f32
    %mul3A_503 = vector.broadcast %mul3A_502 : f32 to vector<160x160xf32>
    %mul3A_504 = arith.mulf %dot_general3A_501, %mul3A_503 : vector<160x160xf32>
    %sub3A_505 = vector.broadcast %mul3A_97 : vector<1x160xf32> to vector<160x160xf32>
    %sub3A_506 = arith.subf %mul3A_504, %sub3A_505 : vector<160x160xf32>
    %reduce_max3A_507 = arith.constant dense<0xFF800000> : vector<160xf32>
    %reduce_max3A_508 = vector.multi_reduction <maximumf>, %sub3A_506, %reduce_max3A_507 [1] : vector<160x160xf32> to vector<160xf32>
    %broadcast_in_dim3A_509 = vector.shape_cast %reduce_max3A_508 : vector<160xf32> to vector<160x1xf32>
    %sub3A_510 = vector.broadcast %broadcast_in_dim3A_509 : vector<160x1xf32> to vector<160x160xf32>
    %sub3A_511 = arith.subf %sub3A_506, %sub3A_510 : vector<160x160xf32>
    %exp3A_512 = math.exp %sub3A_511 : vector<160x160xf32>
    %reduce_sum3A_513 = arith.constant dense<0.000000e+00> : vector<160xf32>
    %reduce_sum3A_514 = vector.multi_reduction <add>, %exp3A_512, %reduce_sum3A_513 [1] : vector<160x160xf32> to vector<160xf32>
    %broadcast_in_dim3A_515 = vector.shape_cast %reduce_sum3A_514 : vector<160xf32> to vector<160x1xf32>
    %div3A_516 = vector.broadcast %broadcast_in_dim3A_515 : vector<160x1xf32> to vector<160x160xf32>
    %div3A_517 = arith.divf %exp3A_512, %div3A_516 : vector<160x160xf32>
    %slice3A_518 = vector.extract_strided_slice %add3A_428 {offsets = [0, 192], sizes = [160, 64], strides = [1, 1]} : vector<160x256xf32> to vector<160x64xf32>
    %dot_general3A_519 = arith.constant dense<0.000000e+00> : vector<160x64xf32>
    %dot_general3A_520 = tpu.matmul %div3A_517, %slice3A_518, %dot_general3A_519 {dimension_numbers = #tpu.dot_dimension_numbers<[1], [0], [0], [1], [0, 0, 1, 1], [], []>, transpose_lhs_hint = false} : vector<160x160xf32>, vector<160x64xf32>, vector<160x64xf32> -> vector<160x64xf32>
    %concatenate3A_521 = tpu.concatenate %dot_general3A_451, %dot_general3A_474, %dot_general3A_497, %dot_general3A_520 in 1 : vector<160x64xf32>, vector<160x64xf32>, vector<160x64xf32>, vector<160x64xf32> -> vector<160x256xf32>
    %get3A_522 = arith.constant 0 : index
    %get3A_523 = arith.constant 0 : index
    %get3A_524 = vector.load %arg43[%get3A_522, %get3A_523] : memref<256x256xf32, #tpu.memory_space<vmem>>, vector<256x256xf32>
    %dot_general3A_525 = arith.constant dense<0.000000e+00> : vector<160x256xf32>
    %dot_general3A_526 = tpu.matmul %concatenate3A_521, %get3A_524, %dot_general3A_525 {dimension_numbers = #tpu.dot_dimension_numbers<[1], [0], [0], [1], [0, 0, 1, 1], [], []>, transpose_lhs_hint = false} : vector<160x256xf32>, vector<256x256xf32>, vector<160x256xf32> -> vector<160x256xf32>
    %get3A_527 = arith.constant 0 : index
    %get3A_528 = arith.constant 0 : index
    %get3A_529 = vector.load %arg44[%get3A_527, %get3A_528] : memref<1x256xf32, #tpu.memory_space<vmem>>, vector<1x256xf32>
    %add3A_530 = vector.broadcast %get3A_529 : vector<1x256xf32> to vector<160x256xf32>
    %add3A_531 = arith.addf %dot_general3A_526, %add3A_530 : vector<160x256xf32>
    %mul3A_532 = vector.broadcast %slice3A_365 : vector<1x256xf32> to vector<160x256xf32>
    %mul3A_533 = arith.mulf %mul3A_532, %add3A_531 : vector<160x256xf32>
    %add3A_534 = arith.addf %add3A_341, %mul3A_533 : vector<160x256xf32>
    %reduce_sum3A_535 = arith.constant dense<0.000000e+00> : vector<160xf32>
    %reduce_sum3A_536 = vector.multi_reduction <add>, %add3A_534, %reduce_sum3A_535 [1] : vector<160x256xf32> to vector<160xf32>
    %broadcast_in_dim3A_537 = vector.shape_cast %reduce_sum3A_536 : vector<160xf32> to vector<160x1xf32>
    %div3A_538 = arith.constant 2.560000e+02 : f32
    %div3A_539 = vector.broadcast %div3A_538 : f32 to vector<160x1xf32>
    %div3A_540 = arith.divf %broadcast_in_dim3A_537, %div3A_539 : vector<160x1xf32>
    %sub3A_541 = vector.broadcast %div3A_540 : vector<160x1xf32> to vector<160x256xf32>
    %sub3A_542 = arith.subf %add3A_534, %sub3A_541 : vector<160x256xf32>
    %integer_pow3A_543 = arith.mulf %sub3A_542, %sub3A_542 : vector<160x256xf32>
    %reduce_sum3A_544 = arith.constant dense<0.000000e+00> : vector<160xf32>
    %reduce_sum3A_545 = vector.multi_reduction <add>, %integer_pow3A_543, %reduce_sum3A_544 [1] : vector<160x256xf32> to vector<160xf32>
    %broadcast_in_dim3A_546 = vector.shape_cast %reduce_sum3A_545 : vector<160xf32> to vector<160x1xf32>
    %div3A_547 = arith.constant 2.560000e+02 : f32
    %div3A_548 = vector.broadcast %div3A_547 : f32 to vector<160x1xf32>
    %div3A_549 = arith.divf %broadcast_in_dim3A_546, %div3A_548 : vector<160x1xf32>
    %sub3A_550 = vector.broadcast %div3A_540 : vector<160x1xf32> to vector<160x256xf32>
    %sub3A_551 = arith.subf %add3A_534, %sub3A_550 : vector<160x256xf32>
    %add3A_552 = arith.constant 9.99999997E-7 : f32
    %add3A_553 = vector.broadcast %add3A_552 : f32 to vector<160x1xf32>
    %add3A_554 = arith.addf %div3A_549, %add3A_553 : vector<160x1xf32>
    %rsqrt3A_555 = math.rsqrt %add3A_554 : vector<160x1xf32>
    %mul3A_556 = vector.broadcast %rsqrt3A_555 : vector<160x1xf32> to vector<160x256xf32>
    %mul3A_557 = arith.mulf %sub3A_551, %mul3A_556 : vector<160x256xf32>
    %add3A_558 = arith.constant 1.000000e+00 : f32
    %add3A_559 = vector.broadcast %add3A_558 : f32 to vector<1x256xf32>
    %add3A_560 = arith.addf %add3A_559, %slice3A_367 : vector<1x256xf32>
    %mul3A_561 = vector.broadcast %add3A_560 : vector<1x256xf32> to vector<160x256xf32>
    %mul3A_562 = arith.mulf %mul3A_557, %mul3A_561 : vector<160x256xf32>
    %add3A_563 = vector.broadcast %slice3A_366 : vector<1x256xf32> to vector<160x256xf32>
    %add3A_564 = arith.addf %mul3A_562, %add3A_563 : vector<160x256xf32>
    %get3A_565 = arith.constant 0 : index
    %get3A_566 = arith.constant 0 : index
    %get3A_567 = vector.load %arg45[%get3A_565, %get3A_566] : memref<256x1024xf32, #tpu.memory_space<vmem>>, vector<256x1024xf32>
    %dot_general3A_568 = arith.constant dense<0.000000e+00> : vector<160x1024xf32>
    %dot_general3A_569 = tpu.matmul %add3A_564, %get3A_567, %dot_general3A_568 {dimension_numbers = #tpu.dot_dimension_numbers<[1], [0], [0], [1], [0, 0, 1, 1], [], []>, transpose_lhs_hint = false} : vector<160x256xf32>, vector<256x1024xf32>, vector<160x1024xf32> -> vector<160x1024xf32>
    %get3A_570 = arith.constant 0 : index
    %get3A_571 = arith.constant 0 : index
    %get3A_572 = vector.load %arg46[%get3A_570, %get3A_571] : memref<1x1024xf32, #tpu.memory_space<vmem>>, vector<1x1024xf32>
    %add3A_573 = vector.broadcast %get3A_572 : vector<1x1024xf32> to vector<160x1024xf32>
    %add3A_574 = arith.addf %dot_general3A_569, %add3A_573 : vector<160x1024xf32>
    %max3A_575 = arith.constant 0.000000e+00 : f32
    %max3A_576 = vector.broadcast %max3A_575 : f32 to vector<160x1024xf32>
    %max3A_577 = arith.maximumf %add3A_574, %max3A_576 : vector<160x1024xf32>
    %get3A_578 = arith.constant 0 : index
    %get3A_579 = arith.constant 0 : index
    %get3A_580 = vector.load %arg47[%get3A_578, %get3A_579] : memref<1024x256xf32, #tpu.memory_space<vmem>>, vector<1024x256xf32>
    %dot_general3A_581 = arith.constant dense<0.000000e+00> : vector<160x256xf32>
    %dot_general3A_582 = tpu.matmul %max3A_577, %get3A_580, %dot_general3A_581 {dimension_numbers = #tpu.dot_dimension_numbers<[1], [0], [0], [1], [0, 0, 1, 1], [], []>, transpose_lhs_hint = false} : vector<160x1024xf32>, vector<1024x256xf32>, vector<160x256xf32> -> vector<160x256xf32>
    %get3A_583 = arith.constant 0 : index
    %get3A_584 = arith.constant 0 : index
    %get3A_585 = vector.load %arg48[%get3A_583, %get3A_584] : memref<1x256xf32, #tpu.memory_space<vmem>>, vector<1x256xf32>
    %add3A_586 = vector.broadcast %get3A_585 : vector<1x256xf32> to vector<160x256xf32>
    %add3A_587 = arith.addf %dot_general3A_582, %add3A_586 : vector<160x256xf32>
    %mul3A_588 = vector.broadcast %slice3A_368 : vector<1x256xf32> to vector<160x256xf32>
    %mul3A_589 = arith.mulf %mul3A_588, %add3A_587 : vector<160x256xf32>
    %add3A_590 = arith.addf %add3A_534, %mul3A_589 : vector<160x256xf32>
    %reduce_sum3A_591 = arith.constant dense<0.000000e+00> : vector<160xf32>
    %reduce_sum3A_592 = vector.multi_reduction <add>, %add3A_590, %reduce_sum3A_591 [1] : vector<160x256xf32> to vector<160xf32>
    %broadcast_in_dim3A_593 = vector.shape_cast %reduce_sum3A_592 : vector<160xf32> to vector<160x1xf32>
    %div3A_594 = arith.constant 2.560000e+02 : f32
    %div3A_595 = vector.broadcast %div3A_594 : f32 to vector<160x1xf32>
    %div3A_596 = arith.divf %broadcast_in_dim3A_593, %div3A_595 : vector<160x1xf32>
    %sub3A_597 = vector.broadcast %div3A_596 : vector<160x1xf32> to vector<160x256xf32>
    %sub3A_598 = arith.subf %add3A_590, %sub3A_597 : vector<160x256xf32>
    %integer_pow3A_599 = arith.mulf %sub3A_598, %sub3A_598 : vector<160x256xf32>
    %reduce_sum3A_600 = arith.constant dense<0.000000e+00> : vector<160xf32>
    %reduce_sum3A_601 = vector.multi_reduction <add>, %integer_pow3A_599, %reduce_sum3A_600 [1] : vector<160x256xf32> to vector<160xf32>
    %broadcast_in_dim3A_602 = vector.shape_cast %reduce_sum3A_601 : vector<160xf32> to vector<160x1xf32>
    %div3A_603 = arith.constant 2.560000e+02 : f32
    %div3A_604 = vector.broadcast %div3A_603 : f32 to vector<160x1xf32>
    %div3A_605 = arith.divf %broadcast_in_dim3A_602, %div3A_604 : vector<160x1xf32>
    %sub3A_606 = vector.broadcast %div3A_596 : vector<160x1xf32> to vector<160x256xf32>
    %sub3A_607 = arith.subf %add3A_590, %sub3A_606 : vector<160x256xf32>
    %add3A_608 = arith.constant 9.99999997E-7 : f32
    %add3A_609 = vector.broadcast %add3A_608 : f32 to vector<160x1xf32>
    %add3A_610 = arith.addf %div3A_605, %add3A_609 : vector<160x1xf32>
    %rsqrt3A_611 = math.rsqrt %add3A_610 : vector<160x1xf32>
    %mul3A_612 = vector.broadcast %rsqrt3A_611 : vector<160x1xf32> to vector<160x256xf32>
    %mul3A_613 = arith.mulf %sub3A_607, %mul3A_612 : vector<160x256xf32>
    %get3A_614 = arith.constant 0 : index
    %get3A_615 = arith.constant 0 : index
    %get3A_616 = vector.load %arg49[%get3A_614, %get3A_615] : memref<256x256xf32, #tpu.memory_space<vmem>>, vector<256x256xf32>
    %dot_general3A_617 = arith.constant dense<0.000000e+00> : vector<160x256xf32>
    %dot_general3A_618 = tpu.matmul %mul3A_613, %get3A_616, %dot_general3A_617 {dimension_numbers = #tpu.dot_dimension_numbers<[1], [0], [0], [1], [0, 0, 1, 1], [], []>, transpose_lhs_hint = false} : vector<160x256xf32>, vector<256x256xf32>, vector<160x256xf32> -> vector<160x256xf32>
    %get3A_619 = arith.constant 0 : index
    %get3A_620 = arith.constant 0 : index
    %get3A_621 = vector.load %arg50[%get3A_619, %get3A_620] : memref<1x256xf32, #tpu.memory_space<vmem>>, vector<1x256xf32>
    %add3A_622 = vector.broadcast %get3A_621 : vector<1x256xf32> to vector<160x256xf32>
    %add3A_623 = arith.addf %dot_general3A_618, %add3A_622 : vector<160x256xf32>
    %mul3A_624 = vector.broadcast %concatenate3A_73 : vector<160x1xf32> to vector<160x256xf32>
    %mul3A_625 = arith.mulf %add3A_623, %mul3A_624 : vector<160x256xf32>
    %slice3A_626 = vector.extract_strided_slice %mul3A_625 {offsets = [0, 0], sizes = [128, 256], strides = [1, 1]} : vector<160x256xf32> to vector<128x256xf32>
    %swap3A = arith.constant 0 : index
    %swap3A_627 = arith.constant 0 : index
    %swap3A_628 = vector.load %arg52[%swap3A, %swap3A_627] : memref<128x256xf32, #tpu.memory_space<vmem>>, vector<128x256xf32>
    tpu.vector_store %arg52[%swap3A, %swap3A_627], %slice3A_626 {strides = array<i32>} : memref<128x256xf32, #tpu.memory_space<vmem>>, vector<128x256xf32>,
    %slice3A_629 = vector.extract_strided_slice %mul3A_625 {offsets = [128, 0], sizes = [32, 256], strides = [1, 1]} : vector<160x256xf32> to vector<32x256xf32>
    %swap3A_630 = arith.constant 0 : index
    %swap3A_631 = arith.constant 0 : index
    %swap3A_632 = vector.load %arg53[%swap3A_630, %swap3A_631] : memref<32x256xf32, #tpu.memory_space<vmem>>, vector<32x256xf32>
    tpu.vector_store %arg53[%swap3A_630, %swap3A_631], %slice3A_629 {strides = array<i32>} : memref<32x256xf32, #tpu.memory_space<vmem>>, vector<32x256xf32>,
    return
  }
  func.func @transform_0(%arg0: i32) -> (i32, i32) {
    %c0_i32 = arith.constant 0 : i32
    %c0_i32_0 = arith.constant 0 : i32
    return %arg0, %c0_i32 : i32, i32
  }
  func.func @transform_1(%arg0: i32) -> (i32, i32) {
    %c0_i32 = arith.constant 0 : i32
    %c0_i32_0 = arith.constant 0 : i32
    return %arg0, %c0_i32 : i32, i32
  }
  func.func @transform_2(%arg0: i32) -> (i32, i32) {
    %c0_i32 = arith.constant 0 : i32
    %c0_i32_0 = arith.constant 0 : i32
    return %arg0, %c0_i32 : i32, i32
  }
  func.func @transform_3(%arg0: i32) -> (i32, i32, i32) {
    %c0_i32 = arith.constant 0 : i32
    %c0_i32_0 = arith.constant 0 : i32
    %c0_i32_1 = arith.constant 0 : i32
    return %arg0, %c0_i32, %c0_i32_0 : i32, i32, i32
  }
  func.func @transform_4(%arg0: i32) -> (i32, i32, i32) {
    %c0_i32 = arith.constant 0 : i32
    %c0_i32_0 = arith.constant 0 : i32
    %c0_i32_1 = arith.constant 0 : i32
    return %arg0, %c0_i32, %c0_i32_0 : i32, i32, i32
  }
  func.func @transform_5(%arg0: i32) -> (i32, i32, i32) {
    %c0_i32 = arith.constant 0 : i32
    %c0_i32_0 = arith.constant 0 : i32
    %c0_i32_1 = arith.constant 0 : i32
    return %arg0, %c0_i32, %c0_i32_0 : i32, i32, i32
  }
  func.func @transform_6(%arg0: i32) -> i32 {
    %c0_i32 = arith.constant 0 : i32
    %c0_i32_0 = arith.constant 0 : i32
    return %c0_i32 : i32
  }
  func.func @transform_7(%arg0: i32) -> (i32, i32) {
    %c0_i32 = arith.constant 0 : i32
    %c0_i32_0 = arith.constant 0 : i32
    %c0_i32_1 = arith.constant 0 : i32
    return %c0_i32, %c0_i32_0 : i32, i32
  }
  func.func @transform_8(%arg0: i32) -> (i32, i32) {
    %c0_i32 = arith.constant 0 : i32
    %c0_i32_0 = arith.constant 0 : i32
    %c0_i32_1 = arith.constant 0 : i32
    return %c0_i32, %c0_i32_0 : i32, i32
  }
  func.func @transform_9(%arg0: i32) -> (i32, i32) {
    %c0_i32 = arith.constant 0 : i32
    %c0_i32_0 = arith.constant 0 : i32
    %c0_i32_1 = arith.constant 0 : i32
    return %c0_i32, %c0_i32_0 : i32, i32
  }
  func.func @transform_10(%arg0: i32) -> (i32, i32) {
    %c0_i32 = arith.constant 0 : i32
    %c0_i32_0 = arith.constant 0 : i32
    %c0_i32_1 = arith.constant 0 : i32
    return %c0_i32, %c0_i32_0 : i32, i32
  }
  func.func @transform_11(%arg0: i32) -> (i32, i32) {
    %c0_i32 = arith.constant 0 : i32
    %c0_i32_0 = arith.constant 0 : i32
    %c0_i32_1 = arith.constant 0 : i32
    return %c0_i32, %c0_i32_0 : i32, i32
  }
  func.func @transform_12(%arg0: i32) -> (i32, i32) {
    %c0_i32 = arith.constant 0 : i32
    %c0_i32_0 = arith.constant 0 : i32
    %c0_i32_1 = arith.constant 0 : i32
    return %c0_i32, %c0_i32_0 : i32, i32
  }
  func.func @transform_13(%arg0: i32) -> (i32, i32) {
    %c0_i32 = arith.constant 0 : i32
    %c0_i32_0 = arith.constant 0 : i32
    %c0_i32_1 = arith.constant 0 : i32
    return %c0_i32, %c0_i32_0 : i32, i32
  }
  func.func @transform_14(%arg0: i32) -> (i32, i32) {
    %c0_i32 = arith.constant 0 : i32
    %c0_i32_0 = arith.constant 0 : i32
    %c0_i32_1 = arith.constant 0 : i32
    return %c0_i32, %c0_i32_0 : i32, i32
  }
  func.func @transform_15(%arg0: i32) -> (i32, i32) {
    %c0_i32 = arith.constant 0 : i32
    %c0_i32_0 = arith.constant 0 : i32
    %c0_i32_1 = arith.constant 0 : i32
    return %c0_i32, %c0_i32_0 : i32, i32
  }
  func.func @transform_16(%arg0: i32) -> (i32, i32) {
    %c0_i32 = arith.constant 0 : i32
    %c0_i32_0 = arith.constant 0 : i32
    %c0_i32_1 = arith.constant 0 : i32
    return %c0_i32, %c0_i32_0 : i32, i32
  }
  func.func @transform_17(%arg0: i32) -> (i32, i32) {
    %c0_i32 = arith.constant 0 : i32
    %c0_i32_0 = arith.constant 0 : i32
    %c0_i32_1 = arith.constant 0 : i32
    return %c0_i32, %c0_i32_0 : i32, i32
  }
  func.func @transform_18(%arg0: i32) -> (i32, i32) {
    %c0_i32 = arith.constant 0 : i32
    %c0_i32_0 = arith.constant 0 : i32
    %c0_i32_1 = arith.constant 0 : i32
    return %c0_i32, %c0_i32_0 : i32, i32
  }
  func.func @transform_19(%arg0: i32) -> (i32, i32) {
    %c0_i32 = arith.constant 0 : i32
    %c0_i32_0 = arith.constant 0 : i32
    %c0_i32_1 = arith.constant 0 : i32
    return %c0_i32, %c0_i32_0 : i32, i32
  }
  func.func @transform_20(%arg0: i32) -> (i32, i32) {
    %c0_i32 = arith.constant 0 : i32
    %c0_i32_0 = arith.constant 0 : i32
    %c0_i32_1 = arith.constant 0 : i32
    return %c0_i32, %c0_i32_0 : i32, i32
  }
  func.func @transform_21(%arg0: i32) -> (i32, i32) {
    %c0_i32 = arith.constant 0 : i32
    %c0_i32_0 = arith.constant 0 : i32
    %c0_i32_1 = arith.constant 0 : i32
    return %c0_i32, %c0_i32_0 : i32, i32
  }
  func.func @transform_22(%arg0: i32) -> (i32, i32) {
    %c0_i32 = arith.constant 0 : i32
    %c0_i32_0 = arith.constant 0 : i32
    %c0_i32_1 = arith.constant 0 : i32
    return %c0_i32, %c0_i32_0 : i32, i32
  }
  func.func @transform_23(%arg0: i32) -> (i32, i32) {
    %c0_i32 = arith.constant 0 : i32
    %c0_i32_0 = arith.constant 0 : i32
    %c0_i32_1 = arith.constant 0 : i32
    return %c0_i32, %c0_i32_0 : i32, i32
  }
  func.func @transform_24(%arg0: i32) -> (i32, i32) {
    %c0_i32 = arith.constant 0 : i32
    %c0_i32_0 = arith.constant 0 : i32
    %c0_i32_1 = arith.constant 0 : i32
    return %c0_i32, %c0_i32_0 : i32, i32
  }
  func.func @transform_25(%arg0: i32) -> (i32, i32) {
    %c0_i32 = arith.constant 0 : i32
    %c0_i32_0 = arith.constant 0 : i32
    %c0_i32_1 = arith.constant 0 : i32
    return %c0_i32, %c0_i32_0 : i32, i32
  }
  func.func @transform_26(%arg0: i32) -> (i32, i32) {
    %c0_i32 = arith.constant 0 : i32
    %c0_i32_0 = arith.constant 0 : i32
    %c0_i32_1 = arith.constant 0 : i32
    return %c0_i32, %c0_i32_0 : i32, i32
  }
  func.func @transform_27(%arg0: i32) -> (i32, i32) {
    %c0_i32 = arith.constant 0 : i32
    %c0_i32_0 = arith.constant 0 : i32
    %c0_i32_1 = arith.constant 0 : i32
    return %c0_i32, %c0_i32_0 : i32, i32
  }
  func.func @transform_28(%arg0: i32) -> (i32, i32) {
    %c0_i32 = arith.constant 0 : i32
    %c0_i32_0 = arith.constant 0 : i32
    %c0_i32_1 = arith.constant 0 : i32
    return %c0_i32, %c0_i32_0 : i32, i32
  }
  func.func @transform_29(%arg0: i32) -> (i32, i32) {
    %c0_i32 = arith.constant 0 : i32
    %c0_i32_0 = arith.constant 0 : i32
    %c0_i32_1 = arith.constant 0 : i32
    return %c0_i32, %c0_i32_0 : i32, i32
  }
  func.func @transform_30(%arg0: i32) -> (i32, i32) {
    %c0_i32 = arith.constant 0 : i32
    %c0_i32_0 = arith.constant 0 : i32
    %c0_i32_1 = arith.constant 0 : i32
    return %c0_i32, %c0_i32_0 : i32, i32
  }
  func.func @transform_31(%arg0: i32) -> (i32, i32) {
    %c0_i32 = arith.constant 0 : i32
    %c0_i32_0 = arith.constant 0 : i32
    %c0_i32_1 = arith.constant 0 : i32
    return %c0_i32, %c0_i32_0 : i32, i32
  }
  func.func @transform_32(%arg0: i32) -> (i32, i32) {
    %c0_i32 = arith.constant 0 : i32
    %c0_i32_0 = arith.constant 0 : i32
    %c0_i32_1 = arith.constant 0 : i32
    return %c0_i32, %c0_i32_0 : i32, i32
  }
  func.func @transform_33(%arg0: i32) -> (i32, i32) {
    %c0_i32 = arith.constant 0 : i32
    %c0_i32_0 = arith.constant 0 : i32
    %c0_i32_1 = arith.constant 0 : i32
    return %c0_i32, %c0_i32_0 : i32, i32
  }
  func.func @transform_34(%arg0: i32) -> (i32, i32) {
    %c0_i32 = arith.constant 0 : i32
    %c0_i32_0 = arith.constant 0 : i32
    %c0_i32_1 = arith.constant 0 : i32
    return %c0_i32, %c0_i32_0 : i32, i32
  }
  func.func @transform_35(%arg0: i32) -> (i32, i32) {
    %c0_i32 = arith.constant 0 : i32
    %c0_i32_0 = arith.constant 0 : i32
    %c0_i32_1 = arith.constant 0 : i32
    return %c0_i32, %c0_i32_0 : i32, i32
  }
  func.func @transform_36(%arg0: i32) -> (i32, i32) {
    %c0_i32 = arith.constant 0 : i32
    %c0_i32_0 = arith.constant 0 : i32
    %c0_i32_1 = arith.constant 0 : i32
    return %c0_i32, %c0_i32_0 : i32, i32
  }
  func.func @transform_37(%arg0: i32) -> (i32, i32) {
    %c0_i32 = arith.constant 0 : i32
    %c0_i32_0 = arith.constant 0 : i32
    %c0_i32_1 = arith.constant 0 : i32
    return %c0_i32, %c0_i32_0 : i32, i32
  }
  func.func @transform_38(%arg0: i32) -> (i32, i32) {
    %c0_i32 = arith.constant 0 : i32
    %c0_i32_0 = arith.constant 0 : i32
    %c0_i32_1 = arith.constant 0 : i32
    return %c0_i32, %c0_i32_0 : i32, i32
  }
  func.func @transform_39(%arg0: i32) -> (i32, i32) {
    %c0_i32 = arith.constant 0 : i32
    %c0_i32_0 = arith.constant 0 : i32
    %c0_i32_1 = arith.constant 0 : i32
    return %c0_i32, %c0_i32_0 : i32, i32
  }
  func.func @transform_40(%arg0: i32) -> (i32, i32) {
    %c0_i32 = arith.constant 0 : i32
    %c0_i32_0 = arith.constant 0 : i32
    %c0_i32_1 = arith.constant 0 : i32
    return %c0_i32, %c0_i32_0 : i32, i32
  }
  func.func @transform_41(%arg0: i32) -> (i32, i32) {
    %c0_i32 = arith.constant 0 : i32
    %c0_i32_0 = arith.constant 0 : i32
    %c0_i32_1 = arith.constant 0 : i32
    return %c0_i32, %c0_i32_0 : i32, i32
  }
  func.func @transform_42(%arg0: i32) -> (i32, i32) {
    %c0_i32 = arith.constant 0 : i32
    %c0_i32_0 = arith.constant 0 : i32
    %c0_i32_1 = arith.constant 0 : i32
    return %c0_i32, %c0_i32_0 : i32, i32
  }
  func.func @transform_43(%arg0: i32) -> (i32, i32) {
    %c0_i32 = arith.constant 0 : i32
    %c0_i32_0 = arith.constant 0 : i32
    %c0_i32_1 = arith.constant 0 : i32
    return %c0_i32, %c0_i32_0 : i32, i32
  }
  func.func @transform_44(%arg0: i32) -> (i32, i32) {
    %c0_i32 = arith.constant 0 : i32
    %c0_i32_0 = arith.constant 0 : i32
    %c0_i32_1 = arith.constant 0 : i32
    return %c0_i32, %c0_i32_0 : i32, i32
  }
  func.func @transform_45(%arg0: i32) -> (i32, i32) {
    %c0_i32 = arith.constant 0 : i32
    %c0_i32_0 = arith.constant 0 : i32
    %c0_i32_1 = arith.constant 0 : i32
    return %c0_i32, %c0_i32_0 : i32, i32
  }
  func.func @transform_46(%arg0: i32) -> (i32, i32) {
    %c0_i32 = arith.constant 0 : i32
    %c0_i32_0 = arith.constant 0 : i32
    %c0_i32_1 = arith.constant 0 : i32
    return %c0_i32, %c0_i32_0 : i32, i32
  }
  func.func @transform_47(%arg0: i32) -> (i32, i32) {
    %c0_i32 = arith.constant 0 : i32
    %c0_i32_0 = arith.constant 0 : i32
    %c0_i32_1 = arith.constant 0 : i32
    return %c0_i32, %c0_i32_0 : i32, i32
  }
  func.func @transform_48(%arg0: i32) -> (i32, i32) {
    %c0_i32 = arith.constant 0 : i32
    %c0_i32_0 = arith.constant 0 : i32
    %c0_i32_1 = arith.constant 0 : i32
    return %c0_i32, %c0_i32_0 : i32, i32
  }
  func.func @transform_49(%arg0: i32) -> (i32, i32) {
    %c0_i32 = arith.constant 0 : i32
    %c0_i32_0 = arith.constant 0 : i32
    %c0_i32_1 = arith.constant 0 : i32
    return %c0_i32, %c0_i32_0 : i32, i32
  }
  func.func @transform_50(%arg0: i32) -> (i32, i32) {
    %c0_i32 = arith.constant 0 : i32
    %c0_i32_0 = arith.constant 0 : i32
    %c0_i32_1 = arith.constant 0 : i32
    return %c0_i32, %c0_i32_0 : i32, i32
  }
  func.func @transform_51(%arg0: i32) -> (i32, i32) {
    %c0_i32 = arith.constant 0 : i32
    %c0_i32_0 = arith.constant 0 : i32
    return %arg0, %c0_i32 : i32, i32
  }
  func.func @transform_52(%arg0: i32) -> (i32, i32) {
    %c0_i32 = arith.constant 0 : i32
    %c0_i32_0 = arith.constant 0 : i32
    return %arg0, %c0_i32 : i32, i32
  }
}

module attributes {stable_mosaic.version = 14 : i64} {
  func.func @_edge2_body(%arg0: i32, %arg1: memref<128x256xf32, #tpu.memory_space<vmem>>, %arg2: memref<32x256xf32, #tpu.memory_space<vmem>>, %arg3: memref<256x256xf32, #tpu.memory_space<vmem>>, %arg4: memref<1x256xf32, #tpu.memory_space<vmem>>, %arg5: memref<256x256xf32, #tpu.memory_space<vmem>>, %arg6: memref<1x256xf32, #tpu.memory_space<vmem>>, %arg7: memref<256x256xf32, #tpu.memory_space<vmem>>, %arg8: memref<1x256xf32, #tpu.memory_space<vmem>>, %arg9: memref<256x1xf32, #tpu.memory_space<vmem>>, %arg10: memref<1xf32, #tpu.memory_space<smem>>, %arg11: memref<1x128x32xf32, #tpu.memory_space<vmem>>) attributes {dimension_semantics = [#tpu.dimension_semantics<arbitrary>], iteration_bounds = array<i64: 8>, scalar_prefetch = 0 : i64, scratch_operands = 0 : i64, tpu.core_type = #tpu.core_type<tc>, window_params = [{transform_indices = @transform_0, window_bounds = array<i64: 128, 256>}, {transform_indices = @transform_1, window_bounds = array<i64: 32, 256>}, {pipeline_mode = #tpu.pipeline_mode<synchronous>, transform_indices = @transform_2, window_bounds = array<i64: 256, 256>}, {pipeline_mode = #tpu.pipeline_mode<synchronous>, transform_indices = @transform_3, window_bounds = array<i64: 1, 256>}, {pipeline_mode = #tpu.pipeline_mode<synchronous>, transform_indices = @transform_4, window_bounds = array<i64: 256, 256>}, {pipeline_mode = #tpu.pipeline_mode<synchronous>, transform_indices = @transform_5, window_bounds = array<i64: 1, 256>}, {pipeline_mode = #tpu.pipeline_mode<synchronous>, transform_indices = @transform_6, window_bounds = array<i64: 256, 256>}, {pipeline_mode = #tpu.pipeline_mode<synchronous>, transform_indices = @transform_7, window_bounds = array<i64: 1, 256>}, {pipeline_mode = #tpu.pipeline_mode<synchronous>, transform_indices = @transform_8, window_bounds = array<i64: 256, 1>}, {transform_indices = @transform_9, window_bounds = array<i64: 1>}, {transform_indices = @transform_10, window_bounds = array<i64: 1, 128, 32>}]} {
    %get3A = arith.constant 0 : index
    %get3A_0 = arith.constant 0 : index
    %get3A_1 = vector.load %arg1[%get3A, %get3A_0] : memref<128x256xf32, #tpu.memory_space<vmem>>, vector<128x256xf32>
    %get3A_2 = arith.constant 0 : index
    %get3A_3 = arith.constant 0 : index
    %get3A_4 = vector.load %arg2[%get3A_2, %get3A_3] : memref<32x256xf32, #tpu.memory_space<vmem>>, vector<32x256xf32>
    %slice3A = vector.extract_strided_slice %get3A_4 {offsets = [0, 0], sizes = [1, 256], strides = [1, 1]} : vector<32x256xf32> to vector<1x256xf32>
    %add3A = vector.broadcast %slice3A : vector<1x256xf32> to vector<128x256xf32>
    %add3A_5 = arith.addf %get3A_1, %add3A : vector<128x256xf32>
    %get3A_6 = arith.constant 0 : index
    %get3A_7 = arith.constant 0 : index
    %get3A_8 = vector.load %arg3[%get3A_6, %get3A_7] : memref<256x256xf32, #tpu.memory_space<vmem>>, vector<256x256xf32>
    %dot_general3A = arith.constant dense<0.000000e+00> : vector<128x256xf32>
    %dot_general3A_9 = tpu.matmul %add3A_5, %get3A_8, %dot_general3A {dimension_numbers = #tpu.dot_dimension_numbers<[1], [0], [0], [1], [0, 0, 1, 1], [], []>, transpose_lhs_hint = false} : vector<128x256xf32>, vector<256x256xf32>, vector<128x256xf32> -> vector<128x256xf32>
    %get3A_10 = arith.constant 0 : index
    %get3A_11 = arith.constant 0 : index
    %get3A_12 = vector.load %arg4[%get3A_10, %get3A_11] : memref<1x256xf32, #tpu.memory_space<vmem>>, vector<1x256xf32>
    %add3A_13 = vector.broadcast %get3A_12 : vector<1x256xf32> to vector<128x256xf32>
    %add3A_14 = arith.addf %dot_general3A_9, %add3A_13 : vector<128x256xf32>
    %max3A = arith.constant 0.000000e+00 : f32
    %max3A_15 = vector.broadcast %max3A : f32 to vector<128x256xf32>
    %max3A_16 = arith.maximumf %add3A_14, %max3A_15 : vector<128x256xf32>
    %get3A_17 = arith.constant 0 : index
    %get3A_18 = arith.constant 0 : index
    %get3A_19 = vector.load %arg5[%get3A_17, %get3A_18] : memref<256x256xf32, #tpu.memory_space<vmem>>, vector<256x256xf32>
    %dot_general3A_20 = arith.constant dense<0.000000e+00> : vector<128x256xf32>
    %dot_general3A_21 = tpu.matmul %max3A_16, %get3A_19, %dot_general3A_20 {dimension_numbers = #tpu.dot_dimension_numbers<[1], [0], [0], [1], [0, 0, 1, 1], [], []>, transpose_lhs_hint = false} : vector<128x256xf32>, vector<256x256xf32>, vector<128x256xf32> -> vector<128x256xf32>
    %get3A_22 = arith.constant 0 : index
    %get3A_23 = arith.constant 0 : index
    %get3A_24 = vector.load %arg6[%get3A_22, %get3A_23] : memref<1x256xf32, #tpu.memory_space<vmem>>, vector<1x256xf32>
    %add3A_25 = vector.broadcast %get3A_24 : vector<1x256xf32> to vector<128x256xf32>
    %add3A_26 = arith.addf %dot_general3A_21, %add3A_25 : vector<128x256xf32>
    %get3A_27 = arith.constant 0 : index
    %get3A_28 = arith.constant 0 : index
    %get3A_29 = vector.load %arg7[%get3A_27, %get3A_28] : memref<256x256xf32, #tpu.memory_space<vmem>>, vector<256x256xf32>
    %dot_general3A_30 = arith.constant dense<0.000000e+00> : vector<128x256xf32>
    %dot_general3A_31 = tpu.matmul %add3A_26, %get3A_29, %dot_general3A_30 {dimension_numbers = #tpu.dot_dimension_numbers<[1], [0], [0], [1], [0, 0, 1, 1], [], []>, transpose_lhs_hint = false} : vector<128x256xf32>, vector<256x256xf32>, vector<128x256xf32> -> vector<128x256xf32>
    %get3A_32 = arith.constant 0 : index
    %get3A_33 = arith.constant 0 : index
    %get3A_34 = vector.load %arg8[%get3A_32, %get3A_33] : memref<1x256xf32, #tpu.memory_space<vmem>>, vector<1x256xf32>
    %add3A_35 = vector.broadcast %get3A_34 : vector<1x256xf32> to vector<128x256xf32>
    %add3A_36 = arith.addf %dot_general3A_31, %add3A_35 : vector<128x256xf32>
    %max3A_37 = arith.constant 0.000000e+00 : f32
    %max3A_38 = vector.broadcast %max3A_37 : f32 to vector<128x256xf32>
    %max3A_39 = arith.maximumf %add3A_36, %max3A_38 : vector<128x256xf32>
    %get3A_40 = arith.constant 0 : index
    %get3A_41 = arith.constant 0 : index
    %get3A_42 = vector.load %arg9[%get3A_40, %get3A_41] : memref<256x1xf32, #tpu.memory_space<vmem>>, vector<256x1xf32>
    %dot_general3A_43 = arith.constant dense<0.000000e+00> : vector<128x1xf32>
    %dot_general3A_44 = tpu.matmul %max3A_39, %get3A_42, %dot_general3A_43 {dimension_numbers = #tpu.dot_dimension_numbers<[1], [0], [0], [1], [0, 0, 1, 1], [], []>, transpose_lhs_hint = false} : vector<128x256xf32>, vector<256x1xf32>, vector<128x1xf32> -> vector<128x1xf32>
    %get3A_45 = arith.constant 0 : index
    %get3A_46 = memref.load %arg10[%get3A_45] : memref<1xf32, #tpu.memory_space<smem>>
    %add3A_47 = vector.broadcast %get3A_46 : f32 to vector<128x1xf32>
    %add3A_48 = arith.addf %dot_general3A_44, %add3A_47 : vector<128x1xf32>
    %broadcast_in_dim3A = vector.shape_cast %add3A_48 : vector<128x1xf32> to vector<1x128x1xf32>
    %swap3A = arith.constant 0 : index
    %swap3A_49 = arith.constant 0 : index
    %swap3A_50 = arith.constant 0 : index
    %swap3A_51 = vector.load %arg11[%swap3A, %swap3A_49, %swap3A_50] : memref<1x128x32xf32, #tpu.memory_space<vmem>>, vector<1x128x1xf32>
    tpu.vector_store %arg11[%swap3A, %swap3A_49, %swap3A_50], %broadcast_in_dim3A {strides = array<i32>} : memref<1x128x32xf32, #tpu.memory_space<vmem>>, vector<1x128x1xf32>,
    %slice3A_52 = vector.extract_strided_slice %get3A_4 {offsets = [1, 0], sizes = [1, 256], strides = [1, 1]} : vector<32x256xf32> to vector<1x256xf32>
    %add3A_53 = vector.broadcast %slice3A_52 : vector<1x256xf32> to vector<128x256xf32>
    %add3A_54 = arith.addf %get3A_1, %add3A_53 : vector<128x256xf32>
    %get3A_55 = arith.constant 0 : index
    %get3A_56 = arith.constant 0 : index
    %get3A_57 = vector.load %arg3[%get3A_55, %get3A_56] : memref<256x256xf32, #tpu.memory_space<vmem>>, vector<256x256xf32>
    %dot_general3A_58 = arith.constant dense<0.000000e+00> : vector<128x256xf32>
    %dot_general3A_59 = tpu.matmul %add3A_54, %get3A_57, %dot_general3A_58 {dimension_numbers = #tpu.dot_dimension_numbers<[1], [0], [0], [1], [0, 0, 1, 1], [], []>, transpose_lhs_hint = false} : vector<128x256xf32>, vector<256x256xf32>, vector<128x256xf32> -> vector<128x256xf32>
    %get3A_60 = arith.constant 0 : index
    %get3A_61 = arith.constant 0 : index
    %get3A_62 = vector.load %arg4[%get3A_60, %get3A_61] : memref<1x256xf32, #tpu.memory_space<vmem>>, vector<1x256xf32>
    %add3A_63 = vector.broadcast %get3A_62 : vector<1x256xf32> to vector<128x256xf32>
    %add3A_64 = arith.addf %dot_general3A_59, %add3A_63 : vector<128x256xf32>
    %max3A_65 = arith.constant 0.000000e+00 : f32
    %max3A_66 = vector.broadcast %max3A_65 : f32 to vector<128x256xf32>
    %max3A_67 = arith.maximumf %add3A_64, %max3A_66 : vector<128x256xf32>
    %get3A_68 = arith.constant 0 : index
    %get3A_69 = arith.constant 0 : index
    %get3A_70 = vector.load %arg5[%get3A_68, %get3A_69] : memref<256x256xf32, #tpu.memory_space<vmem>>, vector<256x256xf32>
    %dot_general3A_71 = arith.constant dense<0.000000e+00> : vector<128x256xf32>
    %dot_general3A_72 = tpu.matmul %max3A_67, %get3A_70, %dot_general3A_71 {dimension_numbers = #tpu.dot_dimension_numbers<[1], [0], [0], [1], [0, 0, 1, 1], [], []>, transpose_lhs_hint = false} : vector<128x256xf32>, vector<256x256xf32>, vector<128x256xf32> -> vector<128x256xf32>
    %get3A_73 = arith.constant 0 : index
    %get3A_74 = arith.constant 0 : index
    %get3A_75 = vector.load %arg6[%get3A_73, %get3A_74] : memref<1x256xf32, #tpu.memory_space<vmem>>, vector<1x256xf32>
    %add3A_76 = vector.broadcast %get3A_75 : vector<1x256xf32> to vector<128x256xf32>
    %add3A_77 = arith.addf %dot_general3A_72, %add3A_76 : vector<128x256xf32>
    %get3A_78 = arith.constant 0 : index
    %get3A_79 = arith.constant 0 : index
    %get3A_80 = vector.load %arg7[%get3A_78, %get3A_79] : memref<256x256xf32, #tpu.memory_space<vmem>>, vector<256x256xf32>
    %dot_general3A_81 = arith.constant dense<0.000000e+00> : vector<128x256xf32>
    %dot_general3A_82 = tpu.matmul %add3A_77, %get3A_80, %dot_general3A_81 {dimension_numbers = #tpu.dot_dimension_numbers<[1], [0], [0], [1], [0, 0, 1, 1], [], []>, transpose_lhs_hint = false} : vector<128x256xf32>, vector<256x256xf32>, vector<128x256xf32> -> vector<128x256xf32>
    %get3A_83 = arith.constant 0 : index
    %get3A_84 = arith.constant 0 : index
    %get3A_85 = vector.load %arg8[%get3A_83, %get3A_84] : memref<1x256xf32, #tpu.memory_space<vmem>>, vector<1x256xf32>
    %add3A_86 = vector.broadcast %get3A_85 : vector<1x256xf32> to vector<128x256xf32>
    %add3A_87 = arith.addf %dot_general3A_82, %add3A_86 : vector<128x256xf32>
    %max3A_88 = arith.constant 0.000000e+00 : f32
    %max3A_89 = vector.broadcast %max3A_88 : f32 to vector<128x256xf32>
    %max3A_90 = arith.maximumf %add3A_87, %max3A_89 : vector<128x256xf32>
    %get3A_91 = arith.constant 0 : index
    %get3A_92 = arith.constant 0 : index
    %get3A_93 = vector.load %arg9[%get3A_91, %get3A_92] : memref<256x1xf32, #tpu.memory_space<vmem>>, vector<256x1xf32>
    %dot_general3A_94 = arith.constant dense<0.000000e+00> : vector<128x1xf32>
    %dot_general3A_95 = tpu.matmul %max3A_90, %get3A_93, %dot_general3A_94 {dimension_numbers = #tpu.dot_dimension_numbers<[1], [0], [0], [1], [0, 0, 1, 1], [], []>, transpose_lhs_hint = false} : vector<128x256xf32>, vector<256x1xf32>, vector<128x1xf32> -> vector<128x1xf32>
    %get3A_96 = arith.constant 0 : index
    %get3A_97 = memref.load %arg10[%get3A_96] : memref<1xf32, #tpu.memory_space<smem>>
    %add3A_98 = vector.broadcast %get3A_97 : f32 to vector<128x1xf32>
    %add3A_99 = arith.addf %dot_general3A_95, %add3A_98 : vector<128x1xf32>
    %broadcast_in_dim3A_100 = vector.shape_cast %add3A_99 : vector<128x1xf32> to vector<1x128x1xf32>
    %swap3A_101 = arith.constant 0 : index
    %swap3A_102 = arith.constant 0 : index
    %swap3A_103 = arith.constant 1 : index
    %swap3A_104 = vector.load %arg11[%swap3A_101, %swap3A_102, %swap3A_103] : memref<1x128x32xf32, #tpu.memory_space<vmem>>, vector<1x128x1xf32>
    tpu.vector_store %arg11[%swap3A_101, %swap3A_102, %swap3A_103], %broadcast_in_dim3A_100 {strides = array<i32>} : memref<1x128x32xf32, #tpu.memory_space<vmem>>, vector<1x128x1xf32>,
    %slice3A_105 = vector.extract_strided_slice %get3A_4 {offsets = [2, 0], sizes = [1, 256], strides = [1, 1]} : vector<32x256xf32> to vector<1x256xf32>
    %add3A_106 = vector.broadcast %slice3A_105 : vector<1x256xf32> to vector<128x256xf32>
    %add3A_107 = arith.addf %get3A_1, %add3A_106 : vector<128x256xf32>
    %get3A_108 = arith.constant 0 : index
    %get3A_109 = arith.constant 0 : index
    %get3A_110 = vector.load %arg3[%get3A_108, %get3A_109] : memref<256x256xf32, #tpu.memory_space<vmem>>, vector<256x256xf32>
    %dot_general3A_111 = arith.constant dense<0.000000e+00> : vector<128x256xf32>
    %dot_general3A_112 = tpu.matmul %add3A_107, %get3A_110, %dot_general3A_111 {dimension_numbers = #tpu.dot_dimension_numbers<[1], [0], [0], [1], [0, 0, 1, 1], [], []>, transpose_lhs_hint = false} : vector<128x256xf32>, vector<256x256xf32>, vector<128x256xf32> -> vector<128x256xf32>
    %get3A_113 = arith.constant 0 : index
    %get3A_114 = arith.constant 0 : index
    %get3A_115 = vector.load %arg4[%get3A_113, %get3A_114] : memref<1x256xf32, #tpu.memory_space<vmem>>, vector<1x256xf32>
    %add3A_116 = vector.broadcast %get3A_115 : vector<1x256xf32> to vector<128x256xf32>
    %add3A_117 = arith.addf %dot_general3A_112, %add3A_116 : vector<128x256xf32>
    %max3A_118 = arith.constant 0.000000e+00 : f32
    %max3A_119 = vector.broadcast %max3A_118 : f32 to vector<128x256xf32>
    %max3A_120 = arith.maximumf %add3A_117, %max3A_119 : vector<128x256xf32>
    %get3A_121 = arith.constant 0 : index
    %get3A_122 = arith.constant 0 : index
    %get3A_123 = vector.load %arg5[%get3A_121, %get3A_122] : memref<256x256xf32, #tpu.memory_space<vmem>>, vector<256x256xf32>
    %dot_general3A_124 = arith.constant dense<0.000000e+00> : vector<128x256xf32>
    %dot_general3A_125 = tpu.matmul %max3A_120, %get3A_123, %dot_general3A_124 {dimension_numbers = #tpu.dot_dimension_numbers<[1], [0], [0], [1], [0, 0, 1, 1], [], []>, transpose_lhs_hint = false} : vector<128x256xf32>, vector<256x256xf32>, vector<128x256xf32> -> vector<128x256xf32>
    %get3A_126 = arith.constant 0 : index
    %get3A_127 = arith.constant 0 : index
    %get3A_128 = vector.load %arg6[%get3A_126, %get3A_127] : memref<1x256xf32, #tpu.memory_space<vmem>>, vector<1x256xf32>
    %add3A_129 = vector.broadcast %get3A_128 : vector<1x256xf32> to vector<128x256xf32>
    %add3A_130 = arith.addf %dot_general3A_125, %add3A_129 : vector<128x256xf32>
    %get3A_131 = arith.constant 0 : index
    %get3A_132 = arith.constant 0 : index
    %get3A_133 = vector.load %arg7[%get3A_131, %get3A_132] : memref<256x256xf32, #tpu.memory_space<vmem>>, vector<256x256xf32>
    %dot_general3A_134 = arith.constant dense<0.000000e+00> : vector<128x256xf32>
    %dot_general3A_135 = tpu.matmul %add3A_130, %get3A_133, %dot_general3A_134 {dimension_numbers = #tpu.dot_dimension_numbers<[1], [0], [0], [1], [0, 0, 1, 1], [], []>, transpose_lhs_hint = false} : vector<128x256xf32>, vector<256x256xf32>, vector<128x256xf32> -> vector<128x256xf32>
    %get3A_136 = arith.constant 0 : index
    %get3A_137 = arith.constant 0 : index
    %get3A_138 = vector.load %arg8[%get3A_136, %get3A_137] : memref<1x256xf32, #tpu.memory_space<vmem>>, vector<1x256xf32>
    %add3A_139 = vector.broadcast %get3A_138 : vector<1x256xf32> to vector<128x256xf32>
    %add3A_140 = arith.addf %dot_general3A_135, %add3A_139 : vector<128x256xf32>
    %max3A_141 = arith.constant 0.000000e+00 : f32
    %max3A_142 = vector.broadcast %max3A_141 : f32 to vector<128x256xf32>
    %max3A_143 = arith.maximumf %add3A_140, %max3A_142 : vector<128x256xf32>
    %get3A_144 = arith.constant 0 : index
    %get3A_145 = arith.constant 0 : index
    %get3A_146 = vector.load %arg9[%get3A_144, %get3A_145] : memref<256x1xf32, #tpu.memory_space<vmem>>, vector<256x1xf32>
    %dot_general3A_147 = arith.constant dense<0.000000e+00> : vector<128x1xf32>
    %dot_general3A_148 = tpu.matmul %max3A_143, %get3A_146, %dot_general3A_147 {dimension_numbers = #tpu.dot_dimension_numbers<[1], [0], [0], [1], [0, 0, 1, 1], [], []>, transpose_lhs_hint = false} : vector<128x256xf32>, vector<256x1xf32>, vector<128x1xf32> -> vector<128x1xf32>
    %get3A_149 = arith.constant 0 : index
    %get3A_150 = memref.load %arg10[%get3A_149] : memref<1xf32, #tpu.memory_space<smem>>
    %add3A_151 = vector.broadcast %get3A_150 : f32 to vector<128x1xf32>
    %add3A_152 = arith.addf %dot_general3A_148, %add3A_151 : vector<128x1xf32>
    %broadcast_in_dim3A_153 = vector.shape_cast %add3A_152 : vector<128x1xf32> to vector<1x128x1xf32>
    %swap3A_154 = arith.constant 0 : index
    %swap3A_155 = arith.constant 0 : index
    %swap3A_156 = arith.constant 2 : index
    %swap3A_157 = vector.load %arg11[%swap3A_154, %swap3A_155, %swap3A_156] : memref<1x128x32xf32, #tpu.memory_space<vmem>>, vector<1x128x1xf32>
    tpu.vector_store %arg11[%swap3A_154, %swap3A_155, %swap3A_156], %broadcast_in_dim3A_153 {strides = array<i32>} : memref<1x128x32xf32, #tpu.memory_space<vmem>>, vector<1x128x1xf32>,
    %slice3A_158 = vector.extract_strided_slice %get3A_4 {offsets = [3, 0], sizes = [1, 256], strides = [1, 1]} : vector<32x256xf32> to vector<1x256xf32>
    %add3A_159 = vector.broadcast %slice3A_158 : vector<1x256xf32> to vector<128x256xf32>
    %add3A_160 = arith.addf %get3A_1, %add3A_159 : vector<128x256xf32>
    %get3A_161 = arith.constant 0 : index
    %get3A_162 = arith.constant 0 : index
    %get3A_163 = vector.load %arg3[%get3A_161, %get3A_162] : memref<256x256xf32, #tpu.memory_space<vmem>>, vector<256x256xf32>
    %dot_general3A_164 = arith.constant dense<0.000000e+00> : vector<128x256xf32>
    %dot_general3A_165 = tpu.matmul %add3A_160, %get3A_163, %dot_general3A_164 {dimension_numbers = #tpu.dot_dimension_numbers<[1], [0], [0], [1], [0, 0, 1, 1], [], []>, transpose_lhs_hint = false} : vector<128x256xf32>, vector<256x256xf32>, vector<128x256xf32> -> vector<128x256xf32>
    %get3A_166 = arith.constant 0 : index
    %get3A_167 = arith.constant 0 : index
    %get3A_168 = vector.load %arg4[%get3A_166, %get3A_167] : memref<1x256xf32, #tpu.memory_space<vmem>>, vector<1x256xf32>
    %add3A_169 = vector.broadcast %get3A_168 : vector<1x256xf32> to vector<128x256xf32>
    %add3A_170 = arith.addf %dot_general3A_165, %add3A_169 : vector<128x256xf32>
    %max3A_171 = arith.constant 0.000000e+00 : f32
    %max3A_172 = vector.broadcast %max3A_171 : f32 to vector<128x256xf32>
    %max3A_173 = arith.maximumf %add3A_170, %max3A_172 : vector<128x256xf32>
    %get3A_174 = arith.constant 0 : index
    %get3A_175 = arith.constant 0 : index
    %get3A_176 = vector.load %arg5[%get3A_174, %get3A_175] : memref<256x256xf32, #tpu.memory_space<vmem>>, vector<256x256xf32>
    %dot_general3A_177 = arith.constant dense<0.000000e+00> : vector<128x256xf32>
    %dot_general3A_178 = tpu.matmul %max3A_173, %get3A_176, %dot_general3A_177 {dimension_numbers = #tpu.dot_dimension_numbers<[1], [0], [0], [1], [0, 0, 1, 1], [], []>, transpose_lhs_hint = false} : vector<128x256xf32>, vector<256x256xf32>, vector<128x256xf32> -> vector<128x256xf32>
    %get3A_179 = arith.constant 0 : index
    %get3A_180 = arith.constant 0 : index
    %get3A_181 = vector.load %arg6[%get3A_179, %get3A_180] : memref<1x256xf32, #tpu.memory_space<vmem>>, vector<1x256xf32>
    %add3A_182 = vector.broadcast %get3A_181 : vector<1x256xf32> to vector<128x256xf32>
    %add3A_183 = arith.addf %dot_general3A_178, %add3A_182 : vector<128x256xf32>
    %get3A_184 = arith.constant 0 : index
    %get3A_185 = arith.constant 0 : index
    %get3A_186 = vector.load %arg7[%get3A_184, %get3A_185] : memref<256x256xf32, #tpu.memory_space<vmem>>, vector<256x256xf32>
    %dot_general3A_187 = arith.constant dense<0.000000e+00> : vector<128x256xf32>
    %dot_general3A_188 = tpu.matmul %add3A_183, %get3A_186, %dot_general3A_187 {dimension_numbers = #tpu.dot_dimension_numbers<[1], [0], [0], [1], [0, 0, 1, 1], [], []>, transpose_lhs_hint = false} : vector<128x256xf32>, vector<256x256xf32>, vector<128x256xf32> -> vector<128x256xf32>
    %get3A_189 = arith.constant 0 : index
    %get3A_190 = arith.constant 0 : index
    %get3A_191 = vector.load %arg8[%get3A_189, %get3A_190] : memref<1x256xf32, #tpu.memory_space<vmem>>, vector<1x256xf32>
    %add3A_192 = vector.broadcast %get3A_191 : vector<1x256xf32> to vector<128x256xf32>
    %add3A_193 = arith.addf %dot_general3A_188, %add3A_192 : vector<128x256xf32>
    %max3A_194 = arith.constant 0.000000e+00 : f32
    %max3A_195 = vector.broadcast %max3A_194 : f32 to vector<128x256xf32>
    %max3A_196 = arith.maximumf %add3A_193, %max3A_195 : vector<128x256xf32>
    %get3A_197 = arith.constant 0 : index
    %get3A_198 = arith.constant 0 : index
    %get3A_199 = vector.load %arg9[%get3A_197, %get3A_198] : memref<256x1xf32, #tpu.memory_space<vmem>>, vector<256x1xf32>
    %dot_general3A_200 = arith.constant dense<0.000000e+00> : vector<128x1xf32>
    %dot_general3A_201 = tpu.matmul %max3A_196, %get3A_199, %dot_general3A_200 {dimension_numbers = #tpu.dot_dimension_numbers<[1], [0], [0], [1], [0, 0, 1, 1], [], []>, transpose_lhs_hint = false} : vector<128x256xf32>, vector<256x1xf32>, vector<128x1xf32> -> vector<128x1xf32>
    %get3A_202 = arith.constant 0 : index
    %get3A_203 = memref.load %arg10[%get3A_202] : memref<1xf32, #tpu.memory_space<smem>>
    %add3A_204 = vector.broadcast %get3A_203 : f32 to vector<128x1xf32>
    %add3A_205 = arith.addf %dot_general3A_201, %add3A_204 : vector<128x1xf32>
    %broadcast_in_dim3A_206 = vector.shape_cast %add3A_205 : vector<128x1xf32> to vector<1x128x1xf32>
    %swap3A_207 = arith.constant 0 : index
    %swap3A_208 = arith.constant 0 : index
    %swap3A_209 = arith.constant 3 : index
    %swap3A_210 = vector.load %arg11[%swap3A_207, %swap3A_208, %swap3A_209] : memref<1x128x32xf32, #tpu.memory_space<vmem>>, vector<1x128x1xf32>
    tpu.vector_store %arg11[%swap3A_207, %swap3A_208, %swap3A_209], %broadcast_in_dim3A_206 {strides = array<i32>} : memref<1x128x32xf32, #tpu.memory_space<vmem>>, vector<1x128x1xf32>,
    %slice3A_211 = vector.extract_strided_slice %get3A_4 {offsets = [4, 0], sizes = [1, 256], strides = [1, 1]} : vector<32x256xf32> to vector<1x256xf32>
    %add3A_212 = vector.broadcast %slice3A_211 : vector<1x256xf32> to vector<128x256xf32>
    %add3A_213 = arith.addf %get3A_1, %add3A_212 : vector<128x256xf32>
    %get3A_214 = arith.constant 0 : index
    %get3A_215 = arith.constant 0 : index
    %get3A_216 = vector.load %arg3[%get3A_214, %get3A_215] : memref<256x256xf32, #tpu.memory_space<vmem>>, vector<256x256xf32>
    %dot_general3A_217 = arith.constant dense<0.000000e+00> : vector<128x256xf32>
    %dot_general3A_218 = tpu.matmul %add3A_213, %get3A_216, %dot_general3A_217 {dimension_numbers = #tpu.dot_dimension_numbers<[1], [0], [0], [1], [0, 0, 1, 1], [], []>, transpose_lhs_hint = false} : vector<128x256xf32>, vector<256x256xf32>, vector<128x256xf32> -> vector<128x256xf32>
    %get3A_219 = arith.constant 0 : index
    %get3A_220 = arith.constant 0 : index
    %get3A_221 = vector.load %arg4[%get3A_219, %get3A_220] : memref<1x256xf32, #tpu.memory_space<vmem>>, vector<1x256xf32>
    %add3A_222 = vector.broadcast %get3A_221 : vector<1x256xf32> to vector<128x256xf32>
    %add3A_223 = arith.addf %dot_general3A_218, %add3A_222 : vector<128x256xf32>
    %max3A_224 = arith.constant 0.000000e+00 : f32
    %max3A_225 = vector.broadcast %max3A_224 : f32 to vector<128x256xf32>
    %max3A_226 = arith.maximumf %add3A_223, %max3A_225 : vector<128x256xf32>
    %get3A_227 = arith.constant 0 : index
    %get3A_228 = arith.constant 0 : index
    %get3A_229 = vector.load %arg5[%get3A_227, %get3A_228] : memref<256x256xf32, #tpu.memory_space<vmem>>, vector<256x256xf32>
    %dot_general3A_230 = arith.constant dense<0.000000e+00> : vector<128x256xf32>
    %dot_general3A_231 = tpu.matmul %max3A_226, %get3A_229, %dot_general3A_230 {dimension_numbers = #tpu.dot_dimension_numbers<[1], [0], [0], [1], [0, 0, 1, 1], [], []>, transpose_lhs_hint = false} : vector<128x256xf32>, vector<256x256xf32>, vector<128x256xf32> -> vector<128x256xf32>
    %get3A_232 = arith.constant 0 : index
    %get3A_233 = arith.constant 0 : index
    %get3A_234 = vector.load %arg6[%get3A_232, %get3A_233] : memref<1x256xf32, #tpu.memory_space<vmem>>, vector<1x256xf32>
    %add3A_235 = vector.broadcast %get3A_234 : vector<1x256xf32> to vector<128x256xf32>
    %add3A_236 = arith.addf %dot_general3A_231, %add3A_235 : vector<128x256xf32>
    %get3A_237 = arith.constant 0 : index
    %get3A_238 = arith.constant 0 : index
    %get3A_239 = vector.load %arg7[%get3A_237, %get3A_238] : memref<256x256xf32, #tpu.memory_space<vmem>>, vector<256x256xf32>
    %dot_general3A_240 = arith.constant dense<0.000000e+00> : vector<128x256xf32>
    %dot_general3A_241 = tpu.matmul %add3A_236, %get3A_239, %dot_general3A_240 {dimension_numbers = #tpu.dot_dimension_numbers<[1], [0], [0], [1], [0, 0, 1, 1], [], []>, transpose_lhs_hint = false} : vector<128x256xf32>, vector<256x256xf32>, vector<128x256xf32> -> vector<128x256xf32>
    %get3A_242 = arith.constant 0 : index
    %get3A_243 = arith.constant 0 : index
    %get3A_244 = vector.load %arg8[%get3A_242, %get3A_243] : memref<1x256xf32, #tpu.memory_space<vmem>>, vector<1x256xf32>
    %add3A_245 = vector.broadcast %get3A_244 : vector<1x256xf32> to vector<128x256xf32>
    %add3A_246 = arith.addf %dot_general3A_241, %add3A_245 : vector<128x256xf32>
    %max3A_247 = arith.constant 0.000000e+00 : f32
    %max3A_248 = vector.broadcast %max3A_247 : f32 to vector<128x256xf32>
    %max3A_249 = arith.maximumf %add3A_246, %max3A_248 : vector<128x256xf32>
    %get3A_250 = arith.constant 0 : index
    %get3A_251 = arith.constant 0 : index
    %get3A_252 = vector.load %arg9[%get3A_250, %get3A_251] : memref<256x1xf32, #tpu.memory_space<vmem>>, vector<256x1xf32>
    %dot_general3A_253 = arith.constant dense<0.000000e+00> : vector<128x1xf32>
    %dot_general3A_254 = tpu.matmul %max3A_249, %get3A_252, %dot_general3A_253 {dimension_numbers = #tpu.dot_dimension_numbers<[1], [0], [0], [1], [0, 0, 1, 1], [], []>, transpose_lhs_hint = false} : vector<128x256xf32>, vector<256x1xf32>, vector<128x1xf32> -> vector<128x1xf32>
    %get3A_255 = arith.constant 0 : index
    %get3A_256 = memref.load %arg10[%get3A_255] : memref<1xf32, #tpu.memory_space<smem>>
    %add3A_257 = vector.broadcast %get3A_256 : f32 to vector<128x1xf32>
    %add3A_258 = arith.addf %dot_general3A_254, %add3A_257 : vector<128x1xf32>
    %broadcast_in_dim3A_259 = vector.shape_cast %add3A_258 : vector<128x1xf32> to vector<1x128x1xf32>
    %swap3A_260 = arith.constant 0 : index
    %swap3A_261 = arith.constant 0 : index
    %swap3A_262 = arith.constant 4 : index
    %swap3A_263 = vector.load %arg11[%swap3A_260, %swap3A_261, %swap3A_262] : memref<1x128x32xf32, #tpu.memory_space<vmem>>, vector<1x128x1xf32>
    tpu.vector_store %arg11[%swap3A_260, %swap3A_261, %swap3A_262], %broadcast_in_dim3A_259 {strides = array<i32>} : memref<1x128x32xf32, #tpu.memory_space<vmem>>, vector<1x128x1xf32>,
    %slice3A_264 = vector.extract_strided_slice %get3A_4 {offsets = [5, 0], sizes = [1, 256], strides = [1, 1]} : vector<32x256xf32> to vector<1x256xf32>
    %add3A_265 = vector.broadcast %slice3A_264 : vector<1x256xf32> to vector<128x256xf32>
    %add3A_266 = arith.addf %get3A_1, %add3A_265 : vector<128x256xf32>
    %get3A_267 = arith.constant 0 : index
    %get3A_268 = arith.constant 0 : index
    %get3A_269 = vector.load %arg3[%get3A_267, %get3A_268] : memref<256x256xf32, #tpu.memory_space<vmem>>, vector<256x256xf32>
    %dot_general3A_270 = arith.constant dense<0.000000e+00> : vector<128x256xf32>
    %dot_general3A_271 = tpu.matmul %add3A_266, %get3A_269, %dot_general3A_270 {dimension_numbers = #tpu.dot_dimension_numbers<[1], [0], [0], [1], [0, 0, 1, 1], [], []>, transpose_lhs_hint = false} : vector<128x256xf32>, vector<256x256xf32>, vector<128x256xf32> -> vector<128x256xf32>
    %get3A_272 = arith.constant 0 : index
    %get3A_273 = arith.constant 0 : index
    %get3A_274 = vector.load %arg4[%get3A_272, %get3A_273] : memref<1x256xf32, #tpu.memory_space<vmem>>, vector<1x256xf32>
    %add3A_275 = vector.broadcast %get3A_274 : vector<1x256xf32> to vector<128x256xf32>
    %add3A_276 = arith.addf %dot_general3A_271, %add3A_275 : vector<128x256xf32>
    %max3A_277 = arith.constant 0.000000e+00 : f32
    %max3A_278 = vector.broadcast %max3A_277 : f32 to vector<128x256xf32>
    %max3A_279 = arith.maximumf %add3A_276, %max3A_278 : vector<128x256xf32>
    %get3A_280 = arith.constant 0 : index
    %get3A_281 = arith.constant 0 : index
    %get3A_282 = vector.load %arg5[%get3A_280, %get3A_281] : memref<256x256xf32, #tpu.memory_space<vmem>>, vector<256x256xf32>
    %dot_general3A_283 = arith.constant dense<0.000000e+00> : vector<128x256xf32>
    %dot_general3A_284 = tpu.matmul %max3A_279, %get3A_282, %dot_general3A_283 {dimension_numbers = #tpu.dot_dimension_numbers<[1], [0], [0], [1], [0, 0, 1, 1], [], []>, transpose_lhs_hint = false} : vector<128x256xf32>, vector<256x256xf32>, vector<128x256xf32> -> vector<128x256xf32>
    %get3A_285 = arith.constant 0 : index
    %get3A_286 = arith.constant 0 : index
    %get3A_287 = vector.load %arg6[%get3A_285, %get3A_286] : memref<1x256xf32, #tpu.memory_space<vmem>>, vector<1x256xf32>
    %add3A_288 = vector.broadcast %get3A_287 : vector<1x256xf32> to vector<128x256xf32>
    %add3A_289 = arith.addf %dot_general3A_284, %add3A_288 : vector<128x256xf32>
    %get3A_290 = arith.constant 0 : index
    %get3A_291 = arith.constant 0 : index
    %get3A_292 = vector.load %arg7[%get3A_290, %get3A_291] : memref<256x256xf32, #tpu.memory_space<vmem>>, vector<256x256xf32>
    %dot_general3A_293 = arith.constant dense<0.000000e+00> : vector<128x256xf32>
    %dot_general3A_294 = tpu.matmul %add3A_289, %get3A_292, %dot_general3A_293 {dimension_numbers = #tpu.dot_dimension_numbers<[1], [0], [0], [1], [0, 0, 1, 1], [], []>, transpose_lhs_hint = false} : vector<128x256xf32>, vector<256x256xf32>, vector<128x256xf32> -> vector<128x256xf32>
    %get3A_295 = arith.constant 0 : index
    %get3A_296 = arith.constant 0 : index
    %get3A_297 = vector.load %arg8[%get3A_295, %get3A_296] : memref<1x256xf32, #tpu.memory_space<vmem>>, vector<1x256xf32>
    %add3A_298 = vector.broadcast %get3A_297 : vector<1x256xf32> to vector<128x256xf32>
    %add3A_299 = arith.addf %dot_general3A_294, %add3A_298 : vector<128x256xf32>
    %max3A_300 = arith.constant 0.000000e+00 : f32
    %max3A_301 = vector.broadcast %max3A_300 : f32 to vector<128x256xf32>
    %max3A_302 = arith.maximumf %add3A_299, %max3A_301 : vector<128x256xf32>
    %get3A_303 = arith.constant 0 : index
    %get3A_304 = arith.constant 0 : index
    %get3A_305 = vector.load %arg9[%get3A_303, %get3A_304] : memref<256x1xf32, #tpu.memory_space<vmem>>, vector<256x1xf32>
    %dot_general3A_306 = arith.constant dense<0.000000e+00> : vector<128x1xf32>
    %dot_general3A_307 = tpu.matmul %max3A_302, %get3A_305, %dot_general3A_306 {dimension_numbers = #tpu.dot_dimension_numbers<[1], [0], [0], [1], [0, 0, 1, 1], [], []>, transpose_lhs_hint = false} : vector<128x256xf32>, vector<256x1xf32>, vector<128x1xf32> -> vector<128x1xf32>
    %get3A_308 = arith.constant 0 : index
    %get3A_309 = memref.load %arg10[%get3A_308] : memref<1xf32, #tpu.memory_space<smem>>
    %add3A_310 = vector.broadcast %get3A_309 : f32 to vector<128x1xf32>
    %add3A_311 = arith.addf %dot_general3A_307, %add3A_310 : vector<128x1xf32>
    %broadcast_in_dim3A_312 = vector.shape_cast %add3A_311 : vector<128x1xf32> to vector<1x128x1xf32>
    %swap3A_313 = arith.constant 0 : index
    %swap3A_314 = arith.constant 0 : index
    %swap3A_315 = arith.constant 5 : index
    %swap3A_316 = vector.load %arg11[%swap3A_313, %swap3A_314, %swap3A_315] : memref<1x128x32xf32, #tpu.memory_space<vmem>>, vector<1x128x1xf32>
    tpu.vector_store %arg11[%swap3A_313, %swap3A_314, %swap3A_315], %broadcast_in_dim3A_312 {strides = array<i32>} : memref<1x128x32xf32, #tpu.memory_space<vmem>>, vector<1x128x1xf32>,
    %slice3A_317 = vector.extract_strided_slice %get3A_4 {offsets = [6, 0], sizes = [1, 256], strides = [1, 1]} : vector<32x256xf32> to vector<1x256xf32>
    %add3A_318 = vector.broadcast %slice3A_317 : vector<1x256xf32> to vector<128x256xf32>
    %add3A_319 = arith.addf %get3A_1, %add3A_318 : vector<128x256xf32>
    %get3A_320 = arith.constant 0 : index
    %get3A_321 = arith.constant 0 : index
    %get3A_322 = vector.load %arg3[%get3A_320, %get3A_321] : memref<256x256xf32, #tpu.memory_space<vmem>>, vector<256x256xf32>
    %dot_general3A_323 = arith.constant dense<0.000000e+00> : vector<128x256xf32>
    %dot_general3A_324 = tpu.matmul %add3A_319, %get3A_322, %dot_general3A_323 {dimension_numbers = #tpu.dot_dimension_numbers<[1], [0], [0], [1], [0, 0, 1, 1], [], []>, transpose_lhs_hint = false} : vector<128x256xf32>, vector<256x256xf32>, vector<128x256xf32> -> vector<128x256xf32>
    %get3A_325 = arith.constant 0 : index
    %get3A_326 = arith.constant 0 : index
    %get3A_327 = vector.load %arg4[%get3A_325, %get3A_326] : memref<1x256xf32, #tpu.memory_space<vmem>>, vector<1x256xf32>
    %add3A_328 = vector.broadcast %get3A_327 : vector<1x256xf32> to vector<128x256xf32>
    %add3A_329 = arith.addf %dot_general3A_324, %add3A_328 : vector<128x256xf32>
    %max3A_330 = arith.constant 0.000000e+00 : f32
    %max3A_331 = vector.broadcast %max3A_330 : f32 to vector<128x256xf32>
    %max3A_332 = arith.maximumf %add3A_329, %max3A_331 : vector<128x256xf32>
    %get3A_333 = arith.constant 0 : index
    %get3A_334 = arith.constant 0 : index
    %get3A_335 = vector.load %arg5[%get3A_333, %get3A_334] : memref<256x256xf32, #tpu.memory_space<vmem>>, vector<256x256xf32>
    %dot_general3A_336 = arith.constant dense<0.000000e+00> : vector<128x256xf32>
    %dot_general3A_337 = tpu.matmul %max3A_332, %get3A_335, %dot_general3A_336 {dimension_numbers = #tpu.dot_dimension_numbers<[1], [0], [0], [1], [0, 0, 1, 1], [], []>, transpose_lhs_hint = false} : vector<128x256xf32>, vector<256x256xf32>, vector<128x256xf32> -> vector<128x256xf32>
    %get3A_338 = arith.constant 0 : index
    %get3A_339 = arith.constant 0 : index
    %get3A_340 = vector.load %arg6[%get3A_338, %get3A_339] : memref<1x256xf32, #tpu.memory_space<vmem>>, vector<1x256xf32>
    %add3A_341 = vector.broadcast %get3A_340 : vector<1x256xf32> to vector<128x256xf32>
    %add3A_342 = arith.addf %dot_general3A_337, %add3A_341 : vector<128x256xf32>
    %get3A_343 = arith.constant 0 : index
    %get3A_344 = arith.constant 0 : index
    %get3A_345 = vector.load %arg7[%get3A_343, %get3A_344] : memref<256x256xf32, #tpu.memory_space<vmem>>, vector<256x256xf32>
    %dot_general3A_346 = arith.constant dense<0.000000e+00> : vector<128x256xf32>
    %dot_general3A_347 = tpu.matmul %add3A_342, %get3A_345, %dot_general3A_346 {dimension_numbers = #tpu.dot_dimension_numbers<[1], [0], [0], [1], [0, 0, 1, 1], [], []>, transpose_lhs_hint = false} : vector<128x256xf32>, vector<256x256xf32>, vector<128x256xf32> -> vector<128x256xf32>
    %get3A_348 = arith.constant 0 : index
    %get3A_349 = arith.constant 0 : index
    %get3A_350 = vector.load %arg8[%get3A_348, %get3A_349] : memref<1x256xf32, #tpu.memory_space<vmem>>, vector<1x256xf32>
    %add3A_351 = vector.broadcast %get3A_350 : vector<1x256xf32> to vector<128x256xf32>
    %add3A_352 = arith.addf %dot_general3A_347, %add3A_351 : vector<128x256xf32>
    %max3A_353 = arith.constant 0.000000e+00 : f32
    %max3A_354 = vector.broadcast %max3A_353 : f32 to vector<128x256xf32>
    %max3A_355 = arith.maximumf %add3A_352, %max3A_354 : vector<128x256xf32>
    %get3A_356 = arith.constant 0 : index
    %get3A_357 = arith.constant 0 : index
    %get3A_358 = vector.load %arg9[%get3A_356, %get3A_357] : memref<256x1xf32, #tpu.memory_space<vmem>>, vector<256x1xf32>
    %dot_general3A_359 = arith.constant dense<0.000000e+00> : vector<128x1xf32>
    %dot_general3A_360 = tpu.matmul %max3A_355, %get3A_358, %dot_general3A_359 {dimension_numbers = #tpu.dot_dimension_numbers<[1], [0], [0], [1], [0, 0, 1, 1], [], []>, transpose_lhs_hint = false} : vector<128x256xf32>, vector<256x1xf32>, vector<128x1xf32> -> vector<128x1xf32>
    %get3A_361 = arith.constant 0 : index
    %get3A_362 = memref.load %arg10[%get3A_361] : memref<1xf32, #tpu.memory_space<smem>>
    %add3A_363 = vector.broadcast %get3A_362 : f32 to vector<128x1xf32>
    %add3A_364 = arith.addf %dot_general3A_360, %add3A_363 : vector<128x1xf32>
    %broadcast_in_dim3A_365 = vector.shape_cast %add3A_364 : vector<128x1xf32> to vector<1x128x1xf32>
    %swap3A_366 = arith.constant 0 : index
    %swap3A_367 = arith.constant 0 : index
    %swap3A_368 = arith.constant 6 : index
    %swap3A_369 = vector.load %arg11[%swap3A_366, %swap3A_367, %swap3A_368] : memref<1x128x32xf32, #tpu.memory_space<vmem>>, vector<1x128x1xf32>
    tpu.vector_store %arg11[%swap3A_366, %swap3A_367, %swap3A_368], %broadcast_in_dim3A_365 {strides = array<i32>} : memref<1x128x32xf32, #tpu.memory_space<vmem>>, vector<1x128x1xf32>,
    %slice3A_370 = vector.extract_strided_slice %get3A_4 {offsets = [7, 0], sizes = [1, 256], strides = [1, 1]} : vector<32x256xf32> to vector<1x256xf32>
    %add3A_371 = vector.broadcast %slice3A_370 : vector<1x256xf32> to vector<128x256xf32>
    %add3A_372 = arith.addf %get3A_1, %add3A_371 : vector<128x256xf32>
    %get3A_373 = arith.constant 0 : index
    %get3A_374 = arith.constant 0 : index
    %get3A_375 = vector.load %arg3[%get3A_373, %get3A_374] : memref<256x256xf32, #tpu.memory_space<vmem>>, vector<256x256xf32>
    %dot_general3A_376 = arith.constant dense<0.000000e+00> : vector<128x256xf32>
    %dot_general3A_377 = tpu.matmul %add3A_372, %get3A_375, %dot_general3A_376 {dimension_numbers = #tpu.dot_dimension_numbers<[1], [0], [0], [1], [0, 0, 1, 1], [], []>, transpose_lhs_hint = false} : vector<128x256xf32>, vector<256x256xf32>, vector<128x256xf32> -> vector<128x256xf32>
    %get3A_378 = arith.constant 0 : index
    %get3A_379 = arith.constant 0 : index
    %get3A_380 = vector.load %arg4[%get3A_378, %get3A_379] : memref<1x256xf32, #tpu.memory_space<vmem>>, vector<1x256xf32>
    %add3A_381 = vector.broadcast %get3A_380 : vector<1x256xf32> to vector<128x256xf32>
    %add3A_382 = arith.addf %dot_general3A_377, %add3A_381 : vector<128x256xf32>
    %max3A_383 = arith.constant 0.000000e+00 : f32
    %max3A_384 = vector.broadcast %max3A_383 : f32 to vector<128x256xf32>
    %max3A_385 = arith.maximumf %add3A_382, %max3A_384 : vector<128x256xf32>
    %get3A_386 = arith.constant 0 : index
    %get3A_387 = arith.constant 0 : index
    %get3A_388 = vector.load %arg5[%get3A_386, %get3A_387] : memref<256x256xf32, #tpu.memory_space<vmem>>, vector<256x256xf32>
    %dot_general3A_389 = arith.constant dense<0.000000e+00> : vector<128x256xf32>
    %dot_general3A_390 = tpu.matmul %max3A_385, %get3A_388, %dot_general3A_389 {dimension_numbers = #tpu.dot_dimension_numbers<[1], [0], [0], [1], [0, 0, 1, 1], [], []>, transpose_lhs_hint = false} : vector<128x256xf32>, vector<256x256xf32>, vector<128x256xf32> -> vector<128x256xf32>
    %get3A_391 = arith.constant 0 : index
    %get3A_392 = arith.constant 0 : index
    %get3A_393 = vector.load %arg6[%get3A_391, %get3A_392] : memref<1x256xf32, #tpu.memory_space<vmem>>, vector<1x256xf32>
    %add3A_394 = vector.broadcast %get3A_393 : vector<1x256xf32> to vector<128x256xf32>
    %add3A_395 = arith.addf %dot_general3A_390, %add3A_394 : vector<128x256xf32>
    %get3A_396 = arith.constant 0 : index
    %get3A_397 = arith.constant 0 : index
    %get3A_398 = vector.load %arg7[%get3A_396, %get3A_397] : memref<256x256xf32, #tpu.memory_space<vmem>>, vector<256x256xf32>
    %dot_general3A_399 = arith.constant dense<0.000000e+00> : vector<128x256xf32>
    %dot_general3A_400 = tpu.matmul %add3A_395, %get3A_398, %dot_general3A_399 {dimension_numbers = #tpu.dot_dimension_numbers<[1], [0], [0], [1], [0, 0, 1, 1], [], []>, transpose_lhs_hint = false} : vector<128x256xf32>, vector<256x256xf32>, vector<128x256xf32> -> vector<128x256xf32>
    %get3A_401 = arith.constant 0 : index
    %get3A_402 = arith.constant 0 : index
    %get3A_403 = vector.load %arg8[%get3A_401, %get3A_402] : memref<1x256xf32, #tpu.memory_space<vmem>>, vector<1x256xf32>
    %add3A_404 = vector.broadcast %get3A_403 : vector<1x256xf32> to vector<128x256xf32>
    %add3A_405 = arith.addf %dot_general3A_400, %add3A_404 : vector<128x256xf32>
    %max3A_406 = arith.constant 0.000000e+00 : f32
    %max3A_407 = vector.broadcast %max3A_406 : f32 to vector<128x256xf32>
    %max3A_408 = arith.maximumf %add3A_405, %max3A_407 : vector<128x256xf32>
    %get3A_409 = arith.constant 0 : index
    %get3A_410 = arith.constant 0 : index
    %get3A_411 = vector.load %arg9[%get3A_409, %get3A_410] : memref<256x1xf32, #tpu.memory_space<vmem>>, vector<256x1xf32>
    %dot_general3A_412 = arith.constant dense<0.000000e+00> : vector<128x1xf32>
    %dot_general3A_413 = tpu.matmul %max3A_408, %get3A_411, %dot_general3A_412 {dimension_numbers = #tpu.dot_dimension_numbers<[1], [0], [0], [1], [0, 0, 1, 1], [], []>, transpose_lhs_hint = false} : vector<128x256xf32>, vector<256x1xf32>, vector<128x1xf32> -> vector<128x1xf32>
    %get3A_414 = arith.constant 0 : index
    %get3A_415 = memref.load %arg10[%get3A_414] : memref<1xf32, #tpu.memory_space<smem>>
    %add3A_416 = vector.broadcast %get3A_415 : f32 to vector<128x1xf32>
    %add3A_417 = arith.addf %dot_general3A_413, %add3A_416 : vector<128x1xf32>
    %broadcast_in_dim3A_418 = vector.shape_cast %add3A_417 : vector<128x1xf32> to vector<1x128x1xf32>
    %swap3A_419 = arith.constant 0 : index
    %swap3A_420 = arith.constant 0 : index
    %swap3A_421 = arith.constant 7 : index
    %swap3A_422 = vector.load %arg11[%swap3A_419, %swap3A_420, %swap3A_421] : memref<1x128x32xf32, #tpu.memory_space<vmem>>, vector<1x128x1xf32>
    tpu.vector_store %arg11[%swap3A_419, %swap3A_420, %swap3A_421], %broadcast_in_dim3A_418 {strides = array<i32>} : memref<1x128x32xf32, #tpu.memory_space<vmem>>, vector<1x128x1xf32>,
    %slice3A_423 = vector.extract_strided_slice %get3A_4 {offsets = [8, 0], sizes = [1, 256], strides = [1, 1]} : vector<32x256xf32> to vector<1x256xf32>
    %add3A_424 = vector.broadcast %slice3A_423 : vector<1x256xf32> to vector<128x256xf32>
    %add3A_425 = arith.addf %get3A_1, %add3A_424 : vector<128x256xf32>
    %get3A_426 = arith.constant 0 : index
    %get3A_427 = arith.constant 0 : index
    %get3A_428 = vector.load %arg3[%get3A_426, %get3A_427] : memref<256x256xf32, #tpu.memory_space<vmem>>, vector<256x256xf32>
    %dot_general3A_429 = arith.constant dense<0.000000e+00> : vector<128x256xf32>
    %dot_general3A_430 = tpu.matmul %add3A_425, %get3A_428, %dot_general3A_429 {dimension_numbers = #tpu.dot_dimension_numbers<[1], [0], [0], [1], [0, 0, 1, 1], [], []>, transpose_lhs_hint = false} : vector<128x256xf32>, vector<256x256xf32>, vector<128x256xf32> -> vector<128x256xf32>
    %get3A_431 = arith.constant 0 : index
    %get3A_432 = arith.constant 0 : index
    %get3A_433 = vector.load %arg4[%get3A_431, %get3A_432] : memref<1x256xf32, #tpu.memory_space<vmem>>, vector<1x256xf32>
    %add3A_434 = vector.broadcast %get3A_433 : vector<1x256xf32> to vector<128x256xf32>
    %add3A_435 = arith.addf %dot_general3A_430, %add3A_434 : vector<128x256xf32>
    %max3A_436 = arith.constant 0.000000e+00 : f32
    %max3A_437 = vector.broadcast %max3A_436 : f32 to vector<128x256xf32>
    %max3A_438 = arith.maximumf %add3A_435, %max3A_437 : vector<128x256xf32>
    %get3A_439 = arith.constant 0 : index
    %get3A_440 = arith.constant 0 : index
    %get3A_441 = vector.load %arg5[%get3A_439, %get3A_440] : memref<256x256xf32, #tpu.memory_space<vmem>>, vector<256x256xf32>
    %dot_general3A_442 = arith.constant dense<0.000000e+00> : vector<128x256xf32>
    %dot_general3A_443 = tpu.matmul %max3A_438, %get3A_441, %dot_general3A_442 {dimension_numbers = #tpu.dot_dimension_numbers<[1], [0], [0], [1], [0, 0, 1, 1], [], []>, transpose_lhs_hint = false} : vector<128x256xf32>, vector<256x256xf32>, vector<128x256xf32> -> vector<128x256xf32>
    %get3A_444 = arith.constant 0 : index
    %get3A_445 = arith.constant 0 : index
    %get3A_446 = vector.load %arg6[%get3A_444, %get3A_445] : memref<1x256xf32, #tpu.memory_space<vmem>>, vector<1x256xf32>
    %add3A_447 = vector.broadcast %get3A_446 : vector<1x256xf32> to vector<128x256xf32>
    %add3A_448 = arith.addf %dot_general3A_443, %add3A_447 : vector<128x256xf32>
    %get3A_449 = arith.constant 0 : index
    %get3A_450 = arith.constant 0 : index
    %get3A_451 = vector.load %arg7[%get3A_449, %get3A_450] : memref<256x256xf32, #tpu.memory_space<vmem>>, vector<256x256xf32>
    %dot_general3A_452 = arith.constant dense<0.000000e+00> : vector<128x256xf32>
    %dot_general3A_453 = tpu.matmul %add3A_448, %get3A_451, %dot_general3A_452 {dimension_numbers = #tpu.dot_dimension_numbers<[1], [0], [0], [1], [0, 0, 1, 1], [], []>, transpose_lhs_hint = false} : vector<128x256xf32>, vector<256x256xf32>, vector<128x256xf32> -> vector<128x256xf32>
    %get3A_454 = arith.constant 0 : index
    %get3A_455 = arith.constant 0 : index
    %get3A_456 = vector.load %arg8[%get3A_454, %get3A_455] : memref<1x256xf32, #tpu.memory_space<vmem>>, vector<1x256xf32>
    %add3A_457 = vector.broadcast %get3A_456 : vector<1x256xf32> to vector<128x256xf32>
    %add3A_458 = arith.addf %dot_general3A_453, %add3A_457 : vector<128x256xf32>
    %max3A_459 = arith.constant 0.000000e+00 : f32
    %max3A_460 = vector.broadcast %max3A_459 : f32 to vector<128x256xf32>
    %max3A_461 = arith.maximumf %add3A_458, %max3A_460 : vector<128x256xf32>
    %get3A_462 = arith.constant 0 : index
    %get3A_463 = arith.constant 0 : index
    %get3A_464 = vector.load %arg9[%get3A_462, %get3A_463] : memref<256x1xf32, #tpu.memory_space<vmem>>, vector<256x1xf32>
    %dot_general3A_465 = arith.constant dense<0.000000e+00> : vector<128x1xf32>
    %dot_general3A_466 = tpu.matmul %max3A_461, %get3A_464, %dot_general3A_465 {dimension_numbers = #tpu.dot_dimension_numbers<[1], [0], [0], [1], [0, 0, 1, 1], [], []>, transpose_lhs_hint = false} : vector<128x256xf32>, vector<256x1xf32>, vector<128x1xf32> -> vector<128x1xf32>
    %get3A_467 = arith.constant 0 : index
    %get3A_468 = memref.load %arg10[%get3A_467] : memref<1xf32, #tpu.memory_space<smem>>
    %add3A_469 = vector.broadcast %get3A_468 : f32 to vector<128x1xf32>
    %add3A_470 = arith.addf %dot_general3A_466, %add3A_469 : vector<128x1xf32>
    %broadcast_in_dim3A_471 = vector.shape_cast %add3A_470 : vector<128x1xf32> to vector<1x128x1xf32>
    %swap3A_472 = arith.constant 0 : index
    %swap3A_473 = arith.constant 0 : index
    %swap3A_474 = arith.constant 8 : index
    %swap3A_475 = vector.load %arg11[%swap3A_472, %swap3A_473, %swap3A_474] : memref<1x128x32xf32, #tpu.memory_space<vmem>>, vector<1x128x1xf32>
    tpu.vector_store %arg11[%swap3A_472, %swap3A_473, %swap3A_474], %broadcast_in_dim3A_471 {strides = array<i32>} : memref<1x128x32xf32, #tpu.memory_space<vmem>>, vector<1x128x1xf32>,
    %slice3A_476 = vector.extract_strided_slice %get3A_4 {offsets = [9, 0], sizes = [1, 256], strides = [1, 1]} : vector<32x256xf32> to vector<1x256xf32>
    %add3A_477 = vector.broadcast %slice3A_476 : vector<1x256xf32> to vector<128x256xf32>
    %add3A_478 = arith.addf %get3A_1, %add3A_477 : vector<128x256xf32>
    %get3A_479 = arith.constant 0 : index
    %get3A_480 = arith.constant 0 : index
    %get3A_481 = vector.load %arg3[%get3A_479, %get3A_480] : memref<256x256xf32, #tpu.memory_space<vmem>>, vector<256x256xf32>
    %dot_general3A_482 = arith.constant dense<0.000000e+00> : vector<128x256xf32>
    %dot_general3A_483 = tpu.matmul %add3A_478, %get3A_481, %dot_general3A_482 {dimension_numbers = #tpu.dot_dimension_numbers<[1], [0], [0], [1], [0, 0, 1, 1], [], []>, transpose_lhs_hint = false} : vector<128x256xf32>, vector<256x256xf32>, vector<128x256xf32> -> vector<128x256xf32>
    %get3A_484 = arith.constant 0 : index
    %get3A_485 = arith.constant 0 : index
    %get3A_486 = vector.load %arg4[%get3A_484, %get3A_485] : memref<1x256xf32, #tpu.memory_space<vmem>>, vector<1x256xf32>
    %add3A_487 = vector.broadcast %get3A_486 : vector<1x256xf32> to vector<128x256xf32>
    %add3A_488 = arith.addf %dot_general3A_483, %add3A_487 : vector<128x256xf32>
    %max3A_489 = arith.constant 0.000000e+00 : f32
    %max3A_490 = vector.broadcast %max3A_489 : f32 to vector<128x256xf32>
    %max3A_491 = arith.maximumf %add3A_488, %max3A_490 : vector<128x256xf32>
    %get3A_492 = arith.constant 0 : index
    %get3A_493 = arith.constant 0 : index
    %get3A_494 = vector.load %arg5[%get3A_492, %get3A_493] : memref<256x256xf32, #tpu.memory_space<vmem>>, vector<256x256xf32>
    %dot_general3A_495 = arith.constant dense<0.000000e+00> : vector<128x256xf32>
    %dot_general3A_496 = tpu.matmul %max3A_491, %get3A_494, %dot_general3A_495 {dimension_numbers = #tpu.dot_dimension_numbers<[1], [0], [0], [1], [0, 0, 1, 1], [], []>, transpose_lhs_hint = false} : vector<128x256xf32>, vector<256x256xf32>, vector<128x256xf32> -> vector<128x256xf32>
    %get3A_497 = arith.constant 0 : index
    %get3A_498 = arith.constant 0 : index
    %get3A_499 = vector.load %arg6[%get3A_497, %get3A_498] : memref<1x256xf32, #tpu.memory_space<vmem>>, vector<1x256xf32>
    %add3A_500 = vector.broadcast %get3A_499 : vector<1x256xf32> to vector<128x256xf32>
    %add3A_501 = arith.addf %dot_general3A_496, %add3A_500 : vector<128x256xf32>
    %get3A_502 = arith.constant 0 : index
    %get3A_503 = arith.constant 0 : index
    %get3A_504 = vector.load %arg7[%get3A_502, %get3A_503] : memref<256x256xf32, #tpu.memory_space<vmem>>, vector<256x256xf32>
    %dot_general3A_505 = arith.constant dense<0.000000e+00> : vector<128x256xf32>
    %dot_general3A_506 = tpu.matmul %add3A_501, %get3A_504, %dot_general3A_505 {dimension_numbers = #tpu.dot_dimension_numbers<[1], [0], [0], [1], [0, 0, 1, 1], [], []>, transpose_lhs_hint = false} : vector<128x256xf32>, vector<256x256xf32>, vector<128x256xf32> -> vector<128x256xf32>
    %get3A_507 = arith.constant 0 : index
    %get3A_508 = arith.constant 0 : index
    %get3A_509 = vector.load %arg8[%get3A_507, %get3A_508] : memref<1x256xf32, #tpu.memory_space<vmem>>, vector<1x256xf32>
    %add3A_510 = vector.broadcast %get3A_509 : vector<1x256xf32> to vector<128x256xf32>
    %add3A_511 = arith.addf %dot_general3A_506, %add3A_510 : vector<128x256xf32>
    %max3A_512 = arith.constant 0.000000e+00 : f32
    %max3A_513 = vector.broadcast %max3A_512 : f32 to vector<128x256xf32>
    %max3A_514 = arith.maximumf %add3A_511, %max3A_513 : vector<128x256xf32>
    %get3A_515 = arith.constant 0 : index
    %get3A_516 = arith.constant 0 : index
    %get3A_517 = vector.load %arg9[%get3A_515, %get3A_516] : memref<256x1xf32, #tpu.memory_space<vmem>>, vector<256x1xf32>
    %dot_general3A_518 = arith.constant dense<0.000000e+00> : vector<128x1xf32>
    %dot_general3A_519 = tpu.matmul %max3A_514, %get3A_517, %dot_general3A_518 {dimension_numbers = #tpu.dot_dimension_numbers<[1], [0], [0], [1], [0, 0, 1, 1], [], []>, transpose_lhs_hint = false} : vector<128x256xf32>, vector<256x1xf32>, vector<128x1xf32> -> vector<128x1xf32>
    %get3A_520 = arith.constant 0 : index
    %get3A_521 = memref.load %arg10[%get3A_520] : memref<1xf32, #tpu.memory_space<smem>>
    %add3A_522 = vector.broadcast %get3A_521 : f32 to vector<128x1xf32>
    %add3A_523 = arith.addf %dot_general3A_519, %add3A_522 : vector<128x1xf32>
    %broadcast_in_dim3A_524 = vector.shape_cast %add3A_523 : vector<128x1xf32> to vector<1x128x1xf32>
    %swap3A_525 = arith.constant 0 : index
    %swap3A_526 = arith.constant 0 : index
    %swap3A_527 = arith.constant 9 : index
    %swap3A_528 = vector.load %arg11[%swap3A_525, %swap3A_526, %swap3A_527] : memref<1x128x32xf32, #tpu.memory_space<vmem>>, vector<1x128x1xf32>
    tpu.vector_store %arg11[%swap3A_525, %swap3A_526, %swap3A_527], %broadcast_in_dim3A_524 {strides = array<i32>} : memref<1x128x32xf32, #tpu.memory_space<vmem>>, vector<1x128x1xf32>,
    %slice3A_529 = vector.extract_strided_slice %get3A_4 {offsets = [10, 0], sizes = [1, 256], strides = [1, 1]} : vector<32x256xf32> to vector<1x256xf32>
    %add3A_530 = vector.broadcast %slice3A_529 : vector<1x256xf32> to vector<128x256xf32>
    %add3A_531 = arith.addf %get3A_1, %add3A_530 : vector<128x256xf32>
    %get3A_532 = arith.constant 0 : index
    %get3A_533 = arith.constant 0 : index
    %get3A_534 = vector.load %arg3[%get3A_532, %get3A_533] : memref<256x256xf32, #tpu.memory_space<vmem>>, vector<256x256xf32>
    %dot_general3A_535 = arith.constant dense<0.000000e+00> : vector<128x256xf32>
    %dot_general3A_536 = tpu.matmul %add3A_531, %get3A_534, %dot_general3A_535 {dimension_numbers = #tpu.dot_dimension_numbers<[1], [0], [0], [1], [0, 0, 1, 1], [], []>, transpose_lhs_hint = false} : vector<128x256xf32>, vector<256x256xf32>, vector<128x256xf32> -> vector<128x256xf32>
    %get3A_537 = arith.constant 0 : index
    %get3A_538 = arith.constant 0 : index
    %get3A_539 = vector.load %arg4[%get3A_537, %get3A_538] : memref<1x256xf32, #tpu.memory_space<vmem>>, vector<1x256xf32>
    %add3A_540 = vector.broadcast %get3A_539 : vector<1x256xf32> to vector<128x256xf32>
    %add3A_541 = arith.addf %dot_general3A_536, %add3A_540 : vector<128x256xf32>
    %max3A_542 = arith.constant 0.000000e+00 : f32
    %max3A_543 = vector.broadcast %max3A_542 : f32 to vector<128x256xf32>
    %max3A_544 = arith.maximumf %add3A_541, %max3A_543 : vector<128x256xf32>
    %get3A_545 = arith.constant 0 : index
    %get3A_546 = arith.constant 0 : index
    %get3A_547 = vector.load %arg5[%get3A_545, %get3A_546] : memref<256x256xf32, #tpu.memory_space<vmem>>, vector<256x256xf32>
    %dot_general3A_548 = arith.constant dense<0.000000e+00> : vector<128x256xf32>
    %dot_general3A_549 = tpu.matmul %max3A_544, %get3A_547, %dot_general3A_548 {dimension_numbers = #tpu.dot_dimension_numbers<[1], [0], [0], [1], [0, 0, 1, 1], [], []>, transpose_lhs_hint = false} : vector<128x256xf32>, vector<256x256xf32>, vector<128x256xf32> -> vector<128x256xf32>
    %get3A_550 = arith.constant 0 : index
    %get3A_551 = arith.constant 0 : index
    %get3A_552 = vector.load %arg6[%get3A_550, %get3A_551] : memref<1x256xf32, #tpu.memory_space<vmem>>, vector<1x256xf32>
    %add3A_553 = vector.broadcast %get3A_552 : vector<1x256xf32> to vector<128x256xf32>
    %add3A_554 = arith.addf %dot_general3A_549, %add3A_553 : vector<128x256xf32>
    %get3A_555 = arith.constant 0 : index
    %get3A_556 = arith.constant 0 : index
    %get3A_557 = vector.load %arg7[%get3A_555, %get3A_556] : memref<256x256xf32, #tpu.memory_space<vmem>>, vector<256x256xf32>
    %dot_general3A_558 = arith.constant dense<0.000000e+00> : vector<128x256xf32>
    %dot_general3A_559 = tpu.matmul %add3A_554, %get3A_557, %dot_general3A_558 {dimension_numbers = #tpu.dot_dimension_numbers<[1], [0], [0], [1], [0, 0, 1, 1], [], []>, transpose_lhs_hint = false} : vector<128x256xf32>, vector<256x256xf32>, vector<128x256xf32> -> vector<128x256xf32>
    %get3A_560 = arith.constant 0 : index
    %get3A_561 = arith.constant 0 : index
    %get3A_562 = vector.load %arg8[%get3A_560, %get3A_561] : memref<1x256xf32, #tpu.memory_space<vmem>>, vector<1x256xf32>
    %add3A_563 = vector.broadcast %get3A_562 : vector<1x256xf32> to vector<128x256xf32>
    %add3A_564 = arith.addf %dot_general3A_559, %add3A_563 : vector<128x256xf32>
    %max3A_565 = arith.constant 0.000000e+00 : f32
    %max3A_566 = vector.broadcast %max3A_565 : f32 to vector<128x256xf32>
    %max3A_567 = arith.maximumf %add3A_564, %max3A_566 : vector<128x256xf32>
    %get3A_568 = arith.constant 0 : index
    %get3A_569 = arith.constant 0 : index
    %get3A_570 = vector.load %arg9[%get3A_568, %get3A_569] : memref<256x1xf32, #tpu.memory_space<vmem>>, vector<256x1xf32>
    %dot_general3A_571 = arith.constant dense<0.000000e+00> : vector<128x1xf32>
    %dot_general3A_572 = tpu.matmul %max3A_567, %get3A_570, %dot_general3A_571 {dimension_numbers = #tpu.dot_dimension_numbers<[1], [0], [0], [1], [0, 0, 1, 1], [], []>, transpose_lhs_hint = false} : vector<128x256xf32>, vector<256x1xf32>, vector<128x1xf32> -> vector<128x1xf32>
    %get3A_573 = arith.constant 0 : index
    %get3A_574 = memref.load %arg10[%get3A_573] : memref<1xf32, #tpu.memory_space<smem>>
    %add3A_575 = vector.broadcast %get3A_574 : f32 to vector<128x1xf32>
    %add3A_576 = arith.addf %dot_general3A_572, %add3A_575 : vector<128x1xf32>
    %broadcast_in_dim3A_577 = vector.shape_cast %add3A_576 : vector<128x1xf32> to vector<1x128x1xf32>
    %swap3A_578 = arith.constant 0 : index
    %swap3A_579 = arith.constant 0 : index
    %swap3A_580 = arith.constant 10 : index
    %swap3A_581 = vector.load %arg11[%swap3A_578, %swap3A_579, %swap3A_580] : memref<1x128x32xf32, #tpu.memory_space<vmem>>, vector<1x128x1xf32>
    tpu.vector_store %arg11[%swap3A_578, %swap3A_579, %swap3A_580], %broadcast_in_dim3A_577 {strides = array<i32>} : memref<1x128x32xf32, #tpu.memory_space<vmem>>, vector<1x128x1xf32>,
    %slice3A_582 = vector.extract_strided_slice %get3A_4 {offsets = [11, 0], sizes = [1, 256], strides = [1, 1]} : vector<32x256xf32> to vector<1x256xf32>
    %add3A_583 = vector.broadcast %slice3A_582 : vector<1x256xf32> to vector<128x256xf32>
    %add3A_584 = arith.addf %get3A_1, %add3A_583 : vector<128x256xf32>
    %get3A_585 = arith.constant 0 : index
    %get3A_586 = arith.constant 0 : index
    %get3A_587 = vector.load %arg3[%get3A_585, %get3A_586] : memref<256x256xf32, #tpu.memory_space<vmem>>, vector<256x256xf32>
    %dot_general3A_588 = arith.constant dense<0.000000e+00> : vector<128x256xf32>
    %dot_general3A_589 = tpu.matmul %add3A_584, %get3A_587, %dot_general3A_588 {dimension_numbers = #tpu.dot_dimension_numbers<[1], [0], [0], [1], [0, 0, 1, 1], [], []>, transpose_lhs_hint = false} : vector<128x256xf32>, vector<256x256xf32>, vector<128x256xf32> -> vector<128x256xf32>
    %get3A_590 = arith.constant 0 : index
    %get3A_591 = arith.constant 0 : index
    %get3A_592 = vector.load %arg4[%get3A_590, %get3A_591] : memref<1x256xf32, #tpu.memory_space<vmem>>, vector<1x256xf32>
    %add3A_593 = vector.broadcast %get3A_592 : vector<1x256xf32> to vector<128x256xf32>
    %add3A_594 = arith.addf %dot_general3A_589, %add3A_593 : vector<128x256xf32>
    %max3A_595 = arith.constant 0.000000e+00 : f32
    %max3A_596 = vector.broadcast %max3A_595 : f32 to vector<128x256xf32>
    %max3A_597 = arith.maximumf %add3A_594, %max3A_596 : vector<128x256xf32>
    %get3A_598 = arith.constant 0 : index
    %get3A_599 = arith.constant 0 : index
    %get3A_600 = vector.load %arg5[%get3A_598, %get3A_599] : memref<256x256xf32, #tpu.memory_space<vmem>>, vector<256x256xf32>
    %dot_general3A_601 = arith.constant dense<0.000000e+00> : vector<128x256xf32>
    %dot_general3A_602 = tpu.matmul %max3A_597, %get3A_600, %dot_general3A_601 {dimension_numbers = #tpu.dot_dimension_numbers<[1], [0], [0], [1], [0, 0, 1, 1], [], []>, transpose_lhs_hint = false} : vector<128x256xf32>, vector<256x256xf32>, vector<128x256xf32> -> vector<128x256xf32>
    %get3A_603 = arith.constant 0 : index
    %get3A_604 = arith.constant 0 : index
    %get3A_605 = vector.load %arg6[%get3A_603, %get3A_604] : memref<1x256xf32, #tpu.memory_space<vmem>>, vector<1x256xf32>
    %add3A_606 = vector.broadcast %get3A_605 : vector<1x256xf32> to vector<128x256xf32>
    %add3A_607 = arith.addf %dot_general3A_602, %add3A_606 : vector<128x256xf32>
    %get3A_608 = arith.constant 0 : index
    %get3A_609 = arith.constant 0 : index
    %get3A_610 = vector.load %arg7[%get3A_608, %get3A_609] : memref<256x256xf32, #tpu.memory_space<vmem>>, vector<256x256xf32>
    %dot_general3A_611 = arith.constant dense<0.000000e+00> : vector<128x256xf32>
    %dot_general3A_612 = tpu.matmul %add3A_607, %get3A_610, %dot_general3A_611 {dimension_numbers = #tpu.dot_dimension_numbers<[1], [0], [0], [1], [0, 0, 1, 1], [], []>, transpose_lhs_hint = false} : vector<128x256xf32>, vector<256x256xf32>, vector<128x256xf32> -> vector<128x256xf32>
    %get3A_613 = arith.constant 0 : index
    %get3A_614 = arith.constant 0 : index
    %get3A_615 = vector.load %arg8[%get3A_613, %get3A_614] : memref<1x256xf32, #tpu.memory_space<vmem>>, vector<1x256xf32>
    %add3A_616 = vector.broadcast %get3A_615 : vector<1x256xf32> to vector<128x256xf32>
    %add3A_617 = arith.addf %dot_general3A_612, %add3A_616 : vector<128x256xf32>
    %max3A_618 = arith.constant 0.000000e+00 : f32
    %max3A_619 = vector.broadcast %max3A_618 : f32 to vector<128x256xf32>
    %max3A_620 = arith.maximumf %add3A_617, %max3A_619 : vector<128x256xf32>
    %get3A_621 = arith.constant 0 : index
    %get3A_622 = arith.constant 0 : index
    %get3A_623 = vector.load %arg9[%get3A_621, %get3A_622] : memref<256x1xf32, #tpu.memory_space<vmem>>, vector<256x1xf32>
    %dot_general3A_624 = arith.constant dense<0.000000e+00> : vector<128x1xf32>
    %dot_general3A_625 = tpu.matmul %max3A_620, %get3A_623, %dot_general3A_624 {dimension_numbers = #tpu.dot_dimension_numbers<[1], [0], [0], [1], [0, 0, 1, 1], [], []>, transpose_lhs_hint = false} : vector<128x256xf32>, vector<256x1xf32>, vector<128x1xf32> -> vector<128x1xf32>
    %get3A_626 = arith.constant 0 : index
    %get3A_627 = memref.load %arg10[%get3A_626] : memref<1xf32, #tpu.memory_space<smem>>
    %add3A_628 = vector.broadcast %get3A_627 : f32 to vector<128x1xf32>
    %add3A_629 = arith.addf %dot_general3A_625, %add3A_628 : vector<128x1xf32>
    %broadcast_in_dim3A_630 = vector.shape_cast %add3A_629 : vector<128x1xf32> to vector<1x128x1xf32>
    %swap3A_631 = arith.constant 0 : index
    %swap3A_632 = arith.constant 0 : index
    %swap3A_633 = arith.constant 11 : index
    %swap3A_634 = vector.load %arg11[%swap3A_631, %swap3A_632, %swap3A_633] : memref<1x128x32xf32, #tpu.memory_space<vmem>>, vector<1x128x1xf32>
    tpu.vector_store %arg11[%swap3A_631, %swap3A_632, %swap3A_633], %broadcast_in_dim3A_630 {strides = array<i32>} : memref<1x128x32xf32, #tpu.memory_space<vmem>>, vector<1x128x1xf32>,
    %slice3A_635 = vector.extract_strided_slice %get3A_4 {offsets = [12, 0], sizes = [1, 256], strides = [1, 1]} : vector<32x256xf32> to vector<1x256xf32>
    %add3A_636 = vector.broadcast %slice3A_635 : vector<1x256xf32> to vector<128x256xf32>
    %add3A_637 = arith.addf %get3A_1, %add3A_636 : vector<128x256xf32>
    %get3A_638 = arith.constant 0 : index
    %get3A_639 = arith.constant 0 : index
    %get3A_640 = vector.load %arg3[%get3A_638, %get3A_639] : memref<256x256xf32, #tpu.memory_space<vmem>>, vector<256x256xf32>
    %dot_general3A_641 = arith.constant dense<0.000000e+00> : vector<128x256xf32>
    %dot_general3A_642 = tpu.matmul %add3A_637, %get3A_640, %dot_general3A_641 {dimension_numbers = #tpu.dot_dimension_numbers<[1], [0], [0], [1], [0, 0, 1, 1], [], []>, transpose_lhs_hint = false} : vector<128x256xf32>, vector<256x256xf32>, vector<128x256xf32> -> vector<128x256xf32>
    %get3A_643 = arith.constant 0 : index
    %get3A_644 = arith.constant 0 : index
    %get3A_645 = vector.load %arg4[%get3A_643, %get3A_644] : memref<1x256xf32, #tpu.memory_space<vmem>>, vector<1x256xf32>
    %add3A_646 = vector.broadcast %get3A_645 : vector<1x256xf32> to vector<128x256xf32>
    %add3A_647 = arith.addf %dot_general3A_642, %add3A_646 : vector<128x256xf32>
    %max3A_648 = arith.constant 0.000000e+00 : f32
    %max3A_649 = vector.broadcast %max3A_648 : f32 to vector<128x256xf32>
    %max3A_650 = arith.maximumf %add3A_647, %max3A_649 : vector<128x256xf32>
    %get3A_651 = arith.constant 0 : index
    %get3A_652 = arith.constant 0 : index
    %get3A_653 = vector.load %arg5[%get3A_651, %get3A_652] : memref<256x256xf32, #tpu.memory_space<vmem>>, vector<256x256xf32>
    %dot_general3A_654 = arith.constant dense<0.000000e+00> : vector<128x256xf32>
    %dot_general3A_655 = tpu.matmul %max3A_650, %get3A_653, %dot_general3A_654 {dimension_numbers = #tpu.dot_dimension_numbers<[1], [0], [0], [1], [0, 0, 1, 1], [], []>, transpose_lhs_hint = false} : vector<128x256xf32>, vector<256x256xf32>, vector<128x256xf32> -> vector<128x256xf32>
    %get3A_656 = arith.constant 0 : index
    %get3A_657 = arith.constant 0 : index
    %get3A_658 = vector.load %arg6[%get3A_656, %get3A_657] : memref<1x256xf32, #tpu.memory_space<vmem>>, vector<1x256xf32>
    %add3A_659 = vector.broadcast %get3A_658 : vector<1x256xf32> to vector<128x256xf32>
    %add3A_660 = arith.addf %dot_general3A_655, %add3A_659 : vector<128x256xf32>
    %get3A_661 = arith.constant 0 : index
    %get3A_662 = arith.constant 0 : index
    %get3A_663 = vector.load %arg7[%get3A_661, %get3A_662] : memref<256x256xf32, #tpu.memory_space<vmem>>, vector<256x256xf32>
    %dot_general3A_664 = arith.constant dense<0.000000e+00> : vector<128x256xf32>
    %dot_general3A_665 = tpu.matmul %add3A_660, %get3A_663, %dot_general3A_664 {dimension_numbers = #tpu.dot_dimension_numbers<[1], [0], [0], [1], [0, 0, 1, 1], [], []>, transpose_lhs_hint = false} : vector<128x256xf32>, vector<256x256xf32>, vector<128x256xf32> -> vector<128x256xf32>
    %get3A_666 = arith.constant 0 : index
    %get3A_667 = arith.constant 0 : index
    %get3A_668 = vector.load %arg8[%get3A_666, %get3A_667] : memref<1x256xf32, #tpu.memory_space<vmem>>, vector<1x256xf32>
    %add3A_669 = vector.broadcast %get3A_668 : vector<1x256xf32> to vector<128x256xf32>
    %add3A_670 = arith.addf %dot_general3A_665, %add3A_669 : vector<128x256xf32>
    %max3A_671 = arith.constant 0.000000e+00 : f32
    %max3A_672 = vector.broadcast %max3A_671 : f32 to vector<128x256xf32>
    %max3A_673 = arith.maximumf %add3A_670, %max3A_672 : vector<128x256xf32>
    %get3A_674 = arith.constant 0 : index
    %get3A_675 = arith.constant 0 : index
    %get3A_676 = vector.load %arg9[%get3A_674, %get3A_675] : memref<256x1xf32, #tpu.memory_space<vmem>>, vector<256x1xf32>
    %dot_general3A_677 = arith.constant dense<0.000000e+00> : vector<128x1xf32>
    %dot_general3A_678 = tpu.matmul %max3A_673, %get3A_676, %dot_general3A_677 {dimension_numbers = #tpu.dot_dimension_numbers<[1], [0], [0], [1], [0, 0, 1, 1], [], []>, transpose_lhs_hint = false} : vector<128x256xf32>, vector<256x1xf32>, vector<128x1xf32> -> vector<128x1xf32>
    %get3A_679 = arith.constant 0 : index
    %get3A_680 = memref.load %arg10[%get3A_679] : memref<1xf32, #tpu.memory_space<smem>>
    %add3A_681 = vector.broadcast %get3A_680 : f32 to vector<128x1xf32>
    %add3A_682 = arith.addf %dot_general3A_678, %add3A_681 : vector<128x1xf32>
    %broadcast_in_dim3A_683 = vector.shape_cast %add3A_682 : vector<128x1xf32> to vector<1x128x1xf32>
    %swap3A_684 = arith.constant 0 : index
    %swap3A_685 = arith.constant 0 : index
    %swap3A_686 = arith.constant 12 : index
    %swap3A_687 = vector.load %arg11[%swap3A_684, %swap3A_685, %swap3A_686] : memref<1x128x32xf32, #tpu.memory_space<vmem>>, vector<1x128x1xf32>
    tpu.vector_store %arg11[%swap3A_684, %swap3A_685, %swap3A_686], %broadcast_in_dim3A_683 {strides = array<i32>} : memref<1x128x32xf32, #tpu.memory_space<vmem>>, vector<1x128x1xf32>,
    %slice3A_688 = vector.extract_strided_slice %get3A_4 {offsets = [13, 0], sizes = [1, 256], strides = [1, 1]} : vector<32x256xf32> to vector<1x256xf32>
    %add3A_689 = vector.broadcast %slice3A_688 : vector<1x256xf32> to vector<128x256xf32>
    %add3A_690 = arith.addf %get3A_1, %add3A_689 : vector<128x256xf32>
    %get3A_691 = arith.constant 0 : index
    %get3A_692 = arith.constant 0 : index
    %get3A_693 = vector.load %arg3[%get3A_691, %get3A_692] : memref<256x256xf32, #tpu.memory_space<vmem>>, vector<256x256xf32>
    %dot_general3A_694 = arith.constant dense<0.000000e+00> : vector<128x256xf32>
    %dot_general3A_695 = tpu.matmul %add3A_690, %get3A_693, %dot_general3A_694 {dimension_numbers = #tpu.dot_dimension_numbers<[1], [0], [0], [1], [0, 0, 1, 1], [], []>, transpose_lhs_hint = false} : vector<128x256xf32>, vector<256x256xf32>, vector<128x256xf32> -> vector<128x256xf32>
    %get3A_696 = arith.constant 0 : index
    %get3A_697 = arith.constant 0 : index
    %get3A_698 = vector.load %arg4[%get3A_696, %get3A_697] : memref<1x256xf32, #tpu.memory_space<vmem>>, vector<1x256xf32>
    %add3A_699 = vector.broadcast %get3A_698 : vector<1x256xf32> to vector<128x256xf32>
    %add3A_700 = arith.addf %dot_general3A_695, %add3A_699 : vector<128x256xf32>
    %max3A_701 = arith.constant 0.000000e+00 : f32
    %max3A_702 = vector.broadcast %max3A_701 : f32 to vector<128x256xf32>
    %max3A_703 = arith.maximumf %add3A_700, %max3A_702 : vector<128x256xf32>
    %get3A_704 = arith.constant 0 : index
    %get3A_705 = arith.constant 0 : index
    %get3A_706 = vector.load %arg5[%get3A_704, %get3A_705] : memref<256x256xf32, #tpu.memory_space<vmem>>, vector<256x256xf32>
    %dot_general3A_707 = arith.constant dense<0.000000e+00> : vector<128x256xf32>
    %dot_general3A_708 = tpu.matmul %max3A_703, %get3A_706, %dot_general3A_707 {dimension_numbers = #tpu.dot_dimension_numbers<[1], [0], [0], [1], [0, 0, 1, 1], [], []>, transpose_lhs_hint = false} : vector<128x256xf32>, vector<256x256xf32>, vector<128x256xf32> -> vector<128x256xf32>
    %get3A_709 = arith.constant 0 : index
    %get3A_710 = arith.constant 0 : index
    %get3A_711 = vector.load %arg6[%get3A_709, %get3A_710] : memref<1x256xf32, #tpu.memory_space<vmem>>, vector<1x256xf32>
    %add3A_712 = vector.broadcast %get3A_711 : vector<1x256xf32> to vector<128x256xf32>
    %add3A_713 = arith.addf %dot_general3A_708, %add3A_712 : vector<128x256xf32>
    %get3A_714 = arith.constant 0 : index
    %get3A_715 = arith.constant 0 : index
    %get3A_716 = vector.load %arg7[%get3A_714, %get3A_715] : memref<256x256xf32, #tpu.memory_space<vmem>>, vector<256x256xf32>
    %dot_general3A_717 = arith.constant dense<0.000000e+00> : vector<128x256xf32>
    %dot_general3A_718 = tpu.matmul %add3A_713, %get3A_716, %dot_general3A_717 {dimension_numbers = #tpu.dot_dimension_numbers<[1], [0], [0], [1], [0, 0, 1, 1], [], []>, transpose_lhs_hint = false} : vector<128x256xf32>, vector<256x256xf32>, vector<128x256xf32> -> vector<128x256xf32>
    %get3A_719 = arith.constant 0 : index
    %get3A_720 = arith.constant 0 : index
    %get3A_721 = vector.load %arg8[%get3A_719, %get3A_720] : memref<1x256xf32, #tpu.memory_space<vmem>>, vector<1x256xf32>
    %add3A_722 = vector.broadcast %get3A_721 : vector<1x256xf32> to vector<128x256xf32>
    %add3A_723 = arith.addf %dot_general3A_718, %add3A_722 : vector<128x256xf32>
    %max3A_724 = arith.constant 0.000000e+00 : f32
    %max3A_725 = vector.broadcast %max3A_724 : f32 to vector<128x256xf32>
    %max3A_726 = arith.maximumf %add3A_723, %max3A_725 : vector<128x256xf32>
    %get3A_727 = arith.constant 0 : index
    %get3A_728 = arith.constant 0 : index
    %get3A_729 = vector.load %arg9[%get3A_727, %get3A_728] : memref<256x1xf32, #tpu.memory_space<vmem>>, vector<256x1xf32>
    %dot_general3A_730 = arith.constant dense<0.000000e+00> : vector<128x1xf32>
    %dot_general3A_731 = tpu.matmul %max3A_726, %get3A_729, %dot_general3A_730 {dimension_numbers = #tpu.dot_dimension_numbers<[1], [0], [0], [1], [0, 0, 1, 1], [], []>, transpose_lhs_hint = false} : vector<128x256xf32>, vector<256x1xf32>, vector<128x1xf32> -> vector<128x1xf32>
    %get3A_732 = arith.constant 0 : index
    %get3A_733 = memref.load %arg10[%get3A_732] : memref<1xf32, #tpu.memory_space<smem>>
    %add3A_734 = vector.broadcast %get3A_733 : f32 to vector<128x1xf32>
    %add3A_735 = arith.addf %dot_general3A_731, %add3A_734 : vector<128x1xf32>
    %broadcast_in_dim3A_736 = vector.shape_cast %add3A_735 : vector<128x1xf32> to vector<1x128x1xf32>
    %swap3A_737 = arith.constant 0 : index
    %swap3A_738 = arith.constant 0 : index
    %swap3A_739 = arith.constant 13 : index
    %swap3A_740 = vector.load %arg11[%swap3A_737, %swap3A_738, %swap3A_739] : memref<1x128x32xf32, #tpu.memory_space<vmem>>, vector<1x128x1xf32>
    tpu.vector_store %arg11[%swap3A_737, %swap3A_738, %swap3A_739], %broadcast_in_dim3A_736 {strides = array<i32>} : memref<1x128x32xf32, #tpu.memory_space<vmem>>, vector<1x128x1xf32>,
    %slice3A_741 = vector.extract_strided_slice %get3A_4 {offsets = [14, 0], sizes = [1, 256], strides = [1, 1]} : vector<32x256xf32> to vector<1x256xf32>
    %add3A_742 = vector.broadcast %slice3A_741 : vector<1x256xf32> to vector<128x256xf32>
    %add3A_743 = arith.addf %get3A_1, %add3A_742 : vector<128x256xf32>
    %get3A_744 = arith.constant 0 : index
    %get3A_745 = arith.constant 0 : index
    %get3A_746 = vector.load %arg3[%get3A_744, %get3A_745] : memref<256x256xf32, #tpu.memory_space<vmem>>, vector<256x256xf32>
    %dot_general3A_747 = arith.constant dense<0.000000e+00> : vector<128x256xf32>
    %dot_general3A_748 = tpu.matmul %add3A_743, %get3A_746, %dot_general3A_747 {dimension_numbers = #tpu.dot_dimension_numbers<[1], [0], [0], [1], [0, 0, 1, 1], [], []>, transpose_lhs_hint = false} : vector<128x256xf32>, vector<256x256xf32>, vector<128x256xf32> -> vector<128x256xf32>
    %get3A_749 = arith.constant 0 : index
    %get3A_750 = arith.constant 0 : index
    %get3A_751 = vector.load %arg4[%get3A_749, %get3A_750] : memref<1x256xf32, #tpu.memory_space<vmem>>, vector<1x256xf32>
    %add3A_752 = vector.broadcast %get3A_751 : vector<1x256xf32> to vector<128x256xf32>
    %add3A_753 = arith.addf %dot_general3A_748, %add3A_752 : vector<128x256xf32>
    %max3A_754 = arith.constant 0.000000e+00 : f32
    %max3A_755 = vector.broadcast %max3A_754 : f32 to vector<128x256xf32>
    %max3A_756 = arith.maximumf %add3A_753, %max3A_755 : vector<128x256xf32>
    %get3A_757 = arith.constant 0 : index
    %get3A_758 = arith.constant 0 : index
    %get3A_759 = vector.load %arg5[%get3A_757, %get3A_758] : memref<256x256xf32, #tpu.memory_space<vmem>>, vector<256x256xf32>
    %dot_general3A_760 = arith.constant dense<0.000000e+00> : vector<128x256xf32>
    %dot_general3A_761 = tpu.matmul %max3A_756, %get3A_759, %dot_general3A_760 {dimension_numbers = #tpu.dot_dimension_numbers<[1], [0], [0], [1], [0, 0, 1, 1], [], []>, transpose_lhs_hint = false} : vector<128x256xf32>, vector<256x256xf32>, vector<128x256xf32> -> vector<128x256xf32>
    %get3A_762 = arith.constant 0 : index
    %get3A_763 = arith.constant 0 : index
    %get3A_764 = vector.load %arg6[%get3A_762, %get3A_763] : memref<1x256xf32, #tpu.memory_space<vmem>>, vector<1x256xf32>
    %add3A_765 = vector.broadcast %get3A_764 : vector<1x256xf32> to vector<128x256xf32>
    %add3A_766 = arith.addf %dot_general3A_761, %add3A_765 : vector<128x256xf32>
    %get3A_767 = arith.constant 0 : index
    %get3A_768 = arith.constant 0 : index
    %get3A_769 = vector.load %arg7[%get3A_767, %get3A_768] : memref<256x256xf32, #tpu.memory_space<vmem>>, vector<256x256xf32>
    %dot_general3A_770 = arith.constant dense<0.000000e+00> : vector<128x256xf32>
    %dot_general3A_771 = tpu.matmul %add3A_766, %get3A_769, %dot_general3A_770 {dimension_numbers = #tpu.dot_dimension_numbers<[1], [0], [0], [1], [0, 0, 1, 1], [], []>, transpose_lhs_hint = false} : vector<128x256xf32>, vector<256x256xf32>, vector<128x256xf32> -> vector<128x256xf32>
    %get3A_772 = arith.constant 0 : index
    %get3A_773 = arith.constant 0 : index
    %get3A_774 = vector.load %arg8[%get3A_772, %get3A_773] : memref<1x256xf32, #tpu.memory_space<vmem>>, vector<1x256xf32>
    %add3A_775 = vector.broadcast %get3A_774 : vector<1x256xf32> to vector<128x256xf32>
    %add3A_776 = arith.addf %dot_general3A_771, %add3A_775 : vector<128x256xf32>
    %max3A_777 = arith.constant 0.000000e+00 : f32
    %max3A_778 = vector.broadcast %max3A_777 : f32 to vector<128x256xf32>
    %max3A_779 = arith.maximumf %add3A_776, %max3A_778 : vector<128x256xf32>
    %get3A_780 = arith.constant 0 : index
    %get3A_781 = arith.constant 0 : index
    %get3A_782 = vector.load %arg9[%get3A_780, %get3A_781] : memref<256x1xf32, #tpu.memory_space<vmem>>, vector<256x1xf32>
    %dot_general3A_783 = arith.constant dense<0.000000e+00> : vector<128x1xf32>
    %dot_general3A_784 = tpu.matmul %max3A_779, %get3A_782, %dot_general3A_783 {dimension_numbers = #tpu.dot_dimension_numbers<[1], [0], [0], [1], [0, 0, 1, 1], [], []>, transpose_lhs_hint = false} : vector<128x256xf32>, vector<256x1xf32>, vector<128x1xf32> -> vector<128x1xf32>
    %get3A_785 = arith.constant 0 : index
    %get3A_786 = memref.load %arg10[%get3A_785] : memref<1xf32, #tpu.memory_space<smem>>
    %add3A_787 = vector.broadcast %get3A_786 : f32 to vector<128x1xf32>
    %add3A_788 = arith.addf %dot_general3A_784, %add3A_787 : vector<128x1xf32>
    %broadcast_in_dim3A_789 = vector.shape_cast %add3A_788 : vector<128x1xf32> to vector<1x128x1xf32>
    %swap3A_790 = arith.constant 0 : index
    %swap3A_791 = arith.constant 0 : index
    %swap3A_792 = arith.constant 14 : index
    %swap3A_793 = vector.load %arg11[%swap3A_790, %swap3A_791, %swap3A_792] : memref<1x128x32xf32, #tpu.memory_space<vmem>>, vector<1x128x1xf32>
    tpu.vector_store %arg11[%swap3A_790, %swap3A_791, %swap3A_792], %broadcast_in_dim3A_789 {strides = array<i32>} : memref<1x128x32xf32, #tpu.memory_space<vmem>>, vector<1x128x1xf32>,
    %slice3A_794 = vector.extract_strided_slice %get3A_4 {offsets = [15, 0], sizes = [1, 256], strides = [1, 1]} : vector<32x256xf32> to vector<1x256xf32>
    %add3A_795 = vector.broadcast %slice3A_794 : vector<1x256xf32> to vector<128x256xf32>
    %add3A_796 = arith.addf %get3A_1, %add3A_795 : vector<128x256xf32>
    %get3A_797 = arith.constant 0 : index
    %get3A_798 = arith.constant 0 : index
    %get3A_799 = vector.load %arg3[%get3A_797, %get3A_798] : memref<256x256xf32, #tpu.memory_space<vmem>>, vector<256x256xf32>
    %dot_general3A_800 = arith.constant dense<0.000000e+00> : vector<128x256xf32>
    %dot_general3A_801 = tpu.matmul %add3A_796, %get3A_799, %dot_general3A_800 {dimension_numbers = #tpu.dot_dimension_numbers<[1], [0], [0], [1], [0, 0, 1, 1], [], []>, transpose_lhs_hint = false} : vector<128x256xf32>, vector<256x256xf32>, vector<128x256xf32> -> vector<128x256xf32>
    %get3A_802 = arith.constant 0 : index
    %get3A_803 = arith.constant 0 : index
    %get3A_804 = vector.load %arg4[%get3A_802, %get3A_803] : memref<1x256xf32, #tpu.memory_space<vmem>>, vector<1x256xf32>
    %add3A_805 = vector.broadcast %get3A_804 : vector<1x256xf32> to vector<128x256xf32>
    %add3A_806 = arith.addf %dot_general3A_801, %add3A_805 : vector<128x256xf32>
    %max3A_807 = arith.constant 0.000000e+00 : f32
    %max3A_808 = vector.broadcast %max3A_807 : f32 to vector<128x256xf32>
    %max3A_809 = arith.maximumf %add3A_806, %max3A_808 : vector<128x256xf32>
    %get3A_810 = arith.constant 0 : index
    %get3A_811 = arith.constant 0 : index
    %get3A_812 = vector.load %arg5[%get3A_810, %get3A_811] : memref<256x256xf32, #tpu.memory_space<vmem>>, vector<256x256xf32>
    %dot_general3A_813 = arith.constant dense<0.000000e+00> : vector<128x256xf32>
    %dot_general3A_814 = tpu.matmul %max3A_809, %get3A_812, %dot_general3A_813 {dimension_numbers = #tpu.dot_dimension_numbers<[1], [0], [0], [1], [0, 0, 1, 1], [], []>, transpose_lhs_hint = false} : vector<128x256xf32>, vector<256x256xf32>, vector<128x256xf32> -> vector<128x256xf32>
    %get3A_815 = arith.constant 0 : index
    %get3A_816 = arith.constant 0 : index
    %get3A_817 = vector.load %arg6[%get3A_815, %get3A_816] : memref<1x256xf32, #tpu.memory_space<vmem>>, vector<1x256xf32>
    %add3A_818 = vector.broadcast %get3A_817 : vector<1x256xf32> to vector<128x256xf32>
    %add3A_819 = arith.addf %dot_general3A_814, %add3A_818 : vector<128x256xf32>
    %get3A_820 = arith.constant 0 : index
    %get3A_821 = arith.constant 0 : index
    %get3A_822 = vector.load %arg7[%get3A_820, %get3A_821] : memref<256x256xf32, #tpu.memory_space<vmem>>, vector<256x256xf32>
    %dot_general3A_823 = arith.constant dense<0.000000e+00> : vector<128x256xf32>
    %dot_general3A_824 = tpu.matmul %add3A_819, %get3A_822, %dot_general3A_823 {dimension_numbers = #tpu.dot_dimension_numbers<[1], [0], [0], [1], [0, 0, 1, 1], [], []>, transpose_lhs_hint = false} : vector<128x256xf32>, vector<256x256xf32>, vector<128x256xf32> -> vector<128x256xf32>
    %get3A_825 = arith.constant 0 : index
    %get3A_826 = arith.constant 0 : index
    %get3A_827 = vector.load %arg8[%get3A_825, %get3A_826] : memref<1x256xf32, #tpu.memory_space<vmem>>, vector<1x256xf32>
    %add3A_828 = vector.broadcast %get3A_827 : vector<1x256xf32> to vector<128x256xf32>
    %add3A_829 = arith.addf %dot_general3A_824, %add3A_828 : vector<128x256xf32>
    %max3A_830 = arith.constant 0.000000e+00 : f32
    %max3A_831 = vector.broadcast %max3A_830 : f32 to vector<128x256xf32>
    %max3A_832 = arith.maximumf %add3A_829, %max3A_831 : vector<128x256xf32>
    %get3A_833 = arith.constant 0 : index
    %get3A_834 = arith.constant 0 : index
    %get3A_835 = vector.load %arg9[%get3A_833, %get3A_834] : memref<256x1xf32, #tpu.memory_space<vmem>>, vector<256x1xf32>
    %dot_general3A_836 = arith.constant dense<0.000000e+00> : vector<128x1xf32>
    %dot_general3A_837 = tpu.matmul %max3A_832, %get3A_835, %dot_general3A_836 {dimension_numbers = #tpu.dot_dimension_numbers<[1], [0], [0], [1], [0, 0, 1, 1], [], []>, transpose_lhs_hint = false} : vector<128x256xf32>, vector<256x1xf32>, vector<128x1xf32> -> vector<128x1xf32>
    %get3A_838 = arith.constant 0 : index
    %get3A_839 = memref.load %arg10[%get3A_838] : memref<1xf32, #tpu.memory_space<smem>>
    %add3A_840 = vector.broadcast %get3A_839 : f32 to vector<128x1xf32>
    %add3A_841 = arith.addf %dot_general3A_837, %add3A_840 : vector<128x1xf32>
    %broadcast_in_dim3A_842 = vector.shape_cast %add3A_841 : vector<128x1xf32> to vector<1x128x1xf32>
    %swap3A_843 = arith.constant 0 : index
    %swap3A_844 = arith.constant 0 : index
    %swap3A_845 = arith.constant 15 : index
    %swap3A_846 = vector.load %arg11[%swap3A_843, %swap3A_844, %swap3A_845] : memref<1x128x32xf32, #tpu.memory_space<vmem>>, vector<1x128x1xf32>
    tpu.vector_store %arg11[%swap3A_843, %swap3A_844, %swap3A_845], %broadcast_in_dim3A_842 {strides = array<i32>} : memref<1x128x32xf32, #tpu.memory_space<vmem>>, vector<1x128x1xf32>,
    %slice3A_847 = vector.extract_strided_slice %get3A_4 {offsets = [16, 0], sizes = [1, 256], strides = [1, 1]} : vector<32x256xf32> to vector<1x256xf32>
    %add3A_848 = vector.broadcast %slice3A_847 : vector<1x256xf32> to vector<128x256xf32>
    %add3A_849 = arith.addf %get3A_1, %add3A_848 : vector<128x256xf32>
    %get3A_850 = arith.constant 0 : index
    %get3A_851 = arith.constant 0 : index
    %get3A_852 = vector.load %arg3[%get3A_850, %get3A_851] : memref<256x256xf32, #tpu.memory_space<vmem>>, vector<256x256xf32>
    %dot_general3A_853 = arith.constant dense<0.000000e+00> : vector<128x256xf32>
    %dot_general3A_854 = tpu.matmul %add3A_849, %get3A_852, %dot_general3A_853 {dimension_numbers = #tpu.dot_dimension_numbers<[1], [0], [0], [1], [0, 0, 1, 1], [], []>, transpose_lhs_hint = false} : vector<128x256xf32>, vector<256x256xf32>, vector<128x256xf32> -> vector<128x256xf32>
    %get3A_855 = arith.constant 0 : index
    %get3A_856 = arith.constant 0 : index
    %get3A_857 = vector.load %arg4[%get3A_855, %get3A_856] : memref<1x256xf32, #tpu.memory_space<vmem>>, vector<1x256xf32>
    %add3A_858 = vector.broadcast %get3A_857 : vector<1x256xf32> to vector<128x256xf32>
    %add3A_859 = arith.addf %dot_general3A_854, %add3A_858 : vector<128x256xf32>
    %max3A_860 = arith.constant 0.000000e+00 : f32
    %max3A_861 = vector.broadcast %max3A_860 : f32 to vector<128x256xf32>
    %max3A_862 = arith.maximumf %add3A_859, %max3A_861 : vector<128x256xf32>
    %get3A_863 = arith.constant 0 : index
    %get3A_864 = arith.constant 0 : index
    %get3A_865 = vector.load %arg5[%get3A_863, %get3A_864] : memref<256x256xf32, #tpu.memory_space<vmem>>, vector<256x256xf32>
    %dot_general3A_866 = arith.constant dense<0.000000e+00> : vector<128x256xf32>
    %dot_general3A_867 = tpu.matmul %max3A_862, %get3A_865, %dot_general3A_866 {dimension_numbers = #tpu.dot_dimension_numbers<[1], [0], [0], [1], [0, 0, 1, 1], [], []>, transpose_lhs_hint = false} : vector<128x256xf32>, vector<256x256xf32>, vector<128x256xf32> -> vector<128x256xf32>
    %get3A_868 = arith.constant 0 : index
    %get3A_869 = arith.constant 0 : index
    %get3A_870 = vector.load %arg6[%get3A_868, %get3A_869] : memref<1x256xf32, #tpu.memory_space<vmem>>, vector<1x256xf32>
    %add3A_871 = vector.broadcast %get3A_870 : vector<1x256xf32> to vector<128x256xf32>
    %add3A_872 = arith.addf %dot_general3A_867, %add3A_871 : vector<128x256xf32>
    %get3A_873 = arith.constant 0 : index
    %get3A_874 = arith.constant 0 : index
    %get3A_875 = vector.load %arg7[%get3A_873, %get3A_874] : memref<256x256xf32, #tpu.memory_space<vmem>>, vector<256x256xf32>
    %dot_general3A_876 = arith.constant dense<0.000000e+00> : vector<128x256xf32>
    %dot_general3A_877 = tpu.matmul %add3A_872, %get3A_875, %dot_general3A_876 {dimension_numbers = #tpu.dot_dimension_numbers<[1], [0], [0], [1], [0, 0, 1, 1], [], []>, transpose_lhs_hint = false} : vector<128x256xf32>, vector<256x256xf32>, vector<128x256xf32> -> vector<128x256xf32>
    %get3A_878 = arith.constant 0 : index
    %get3A_879 = arith.constant 0 : index
    %get3A_880 = vector.load %arg8[%get3A_878, %get3A_879] : memref<1x256xf32, #tpu.memory_space<vmem>>, vector<1x256xf32>
    %add3A_881 = vector.broadcast %get3A_880 : vector<1x256xf32> to vector<128x256xf32>
    %add3A_882 = arith.addf %dot_general3A_877, %add3A_881 : vector<128x256xf32>
    %max3A_883 = arith.constant 0.000000e+00 : f32
    %max3A_884 = vector.broadcast %max3A_883 : f32 to vector<128x256xf32>
    %max3A_885 = arith.maximumf %add3A_882, %max3A_884 : vector<128x256xf32>
    %get3A_886 = arith.constant 0 : index
    %get3A_887 = arith.constant 0 : index
    %get3A_888 = vector.load %arg9[%get3A_886, %get3A_887] : memref<256x1xf32, #tpu.memory_space<vmem>>, vector<256x1xf32>
    %dot_general3A_889 = arith.constant dense<0.000000e+00> : vector<128x1xf32>
    %dot_general3A_890 = tpu.matmul %max3A_885, %get3A_888, %dot_general3A_889 {dimension_numbers = #tpu.dot_dimension_numbers<[1], [0], [0], [1], [0, 0, 1, 1], [], []>, transpose_lhs_hint = false} : vector<128x256xf32>, vector<256x1xf32>, vector<128x1xf32> -> vector<128x1xf32>
    %get3A_891 = arith.constant 0 : index
    %get3A_892 = memref.load %arg10[%get3A_891] : memref<1xf32, #tpu.memory_space<smem>>
    %add3A_893 = vector.broadcast %get3A_892 : f32 to vector<128x1xf32>
    %add3A_894 = arith.addf %dot_general3A_890, %add3A_893 : vector<128x1xf32>
    %broadcast_in_dim3A_895 = vector.shape_cast %add3A_894 : vector<128x1xf32> to vector<1x128x1xf32>
    %swap3A_896 = arith.constant 0 : index
    %swap3A_897 = arith.constant 0 : index
    %swap3A_898 = arith.constant 16 : index
    %swap3A_899 = vector.load %arg11[%swap3A_896, %swap3A_897, %swap3A_898] : memref<1x128x32xf32, #tpu.memory_space<vmem>>, vector<1x128x1xf32>
    tpu.vector_store %arg11[%swap3A_896, %swap3A_897, %swap3A_898], %broadcast_in_dim3A_895 {strides = array<i32>} : memref<1x128x32xf32, #tpu.memory_space<vmem>>, vector<1x128x1xf32>,
    %slice3A_900 = vector.extract_strided_slice %get3A_4 {offsets = [17, 0], sizes = [1, 256], strides = [1, 1]} : vector<32x256xf32> to vector<1x256xf32>
    %add3A_901 = vector.broadcast %slice3A_900 : vector<1x256xf32> to vector<128x256xf32>
    %add3A_902 = arith.addf %get3A_1, %add3A_901 : vector<128x256xf32>
    %get3A_903 = arith.constant 0 : index
    %get3A_904 = arith.constant 0 : index
    %get3A_905 = vector.load %arg3[%get3A_903, %get3A_904] : memref<256x256xf32, #tpu.memory_space<vmem>>, vector<256x256xf32>
    %dot_general3A_906 = arith.constant dense<0.000000e+00> : vector<128x256xf32>
    %dot_general3A_907 = tpu.matmul %add3A_902, %get3A_905, %dot_general3A_906 {dimension_numbers = #tpu.dot_dimension_numbers<[1], [0], [0], [1], [0, 0, 1, 1], [], []>, transpose_lhs_hint = false} : vector<128x256xf32>, vector<256x256xf32>, vector<128x256xf32> -> vector<128x256xf32>
    %get3A_908 = arith.constant 0 : index
    %get3A_909 = arith.constant 0 : index
    %get3A_910 = vector.load %arg4[%get3A_908, %get3A_909] : memref<1x256xf32, #tpu.memory_space<vmem>>, vector<1x256xf32>
    %add3A_911 = vector.broadcast %get3A_910 : vector<1x256xf32> to vector<128x256xf32>
    %add3A_912 = arith.addf %dot_general3A_907, %add3A_911 : vector<128x256xf32>
    %max3A_913 = arith.constant 0.000000e+00 : f32
    %max3A_914 = vector.broadcast %max3A_913 : f32 to vector<128x256xf32>
    %max3A_915 = arith.maximumf %add3A_912, %max3A_914 : vector<128x256xf32>
    %get3A_916 = arith.constant 0 : index
    %get3A_917 = arith.constant 0 : index
    %get3A_918 = vector.load %arg5[%get3A_916, %get3A_917] : memref<256x256xf32, #tpu.memory_space<vmem>>, vector<256x256xf32>
    %dot_general3A_919 = arith.constant dense<0.000000e+00> : vector<128x256xf32>
    %dot_general3A_920 = tpu.matmul %max3A_915, %get3A_918, %dot_general3A_919 {dimension_numbers = #tpu.dot_dimension_numbers<[1], [0], [0], [1], [0, 0, 1, 1], [], []>, transpose_lhs_hint = false} : vector<128x256xf32>, vector<256x256xf32>, vector<128x256xf32> -> vector<128x256xf32>
    %get3A_921 = arith.constant 0 : index
    %get3A_922 = arith.constant 0 : index
    %get3A_923 = vector.load %arg6[%get3A_921, %get3A_922] : memref<1x256xf32, #tpu.memory_space<vmem>>, vector<1x256xf32>
    %add3A_924 = vector.broadcast %get3A_923 : vector<1x256xf32> to vector<128x256xf32>
    %add3A_925 = arith.addf %dot_general3A_920, %add3A_924 : vector<128x256xf32>
    %get3A_926 = arith.constant 0 : index
    %get3A_927 = arith.constant 0 : index
    %get3A_928 = vector.load %arg7[%get3A_926, %get3A_927] : memref<256x256xf32, #tpu.memory_space<vmem>>, vector<256x256xf32>
    %dot_general3A_929 = arith.constant dense<0.000000e+00> : vector<128x256xf32>
    %dot_general3A_930 = tpu.matmul %add3A_925, %get3A_928, %dot_general3A_929 {dimension_numbers = #tpu.dot_dimension_numbers<[1], [0], [0], [1], [0, 0, 1, 1], [], []>, transpose_lhs_hint = false} : vector<128x256xf32>, vector<256x256xf32>, vector<128x256xf32> -> vector<128x256xf32>
    %get3A_931 = arith.constant 0 : index
    %get3A_932 = arith.constant 0 : index
    %get3A_933 = vector.load %arg8[%get3A_931, %get3A_932] : memref<1x256xf32, #tpu.memory_space<vmem>>, vector<1x256xf32>
    %add3A_934 = vector.broadcast %get3A_933 : vector<1x256xf32> to vector<128x256xf32>
    %add3A_935 = arith.addf %dot_general3A_930, %add3A_934 : vector<128x256xf32>
    %max3A_936 = arith.constant 0.000000e+00 : f32
    %max3A_937 = vector.broadcast %max3A_936 : f32 to vector<128x256xf32>
    %max3A_938 = arith.maximumf %add3A_935, %max3A_937 : vector<128x256xf32>
    %get3A_939 = arith.constant 0 : index
    %get3A_940 = arith.constant 0 : index
    %get3A_941 = vector.load %arg9[%get3A_939, %get3A_940] : memref<256x1xf32, #tpu.memory_space<vmem>>, vector<256x1xf32>
    %dot_general3A_942 = arith.constant dense<0.000000e+00> : vector<128x1xf32>
    %dot_general3A_943 = tpu.matmul %max3A_938, %get3A_941, %dot_general3A_942 {dimension_numbers = #tpu.dot_dimension_numbers<[1], [0], [0], [1], [0, 0, 1, 1], [], []>, transpose_lhs_hint = false} : vector<128x256xf32>, vector<256x1xf32>, vector<128x1xf32> -> vector<128x1xf32>
    %get3A_944 = arith.constant 0 : index
    %get3A_945 = memref.load %arg10[%get3A_944] : memref<1xf32, #tpu.memory_space<smem>>
    %add3A_946 = vector.broadcast %get3A_945 : f32 to vector<128x1xf32>
    %add3A_947 = arith.addf %dot_general3A_943, %add3A_946 : vector<128x1xf32>
    %broadcast_in_dim3A_948 = vector.shape_cast %add3A_947 : vector<128x1xf32> to vector<1x128x1xf32>
    %swap3A_949 = arith.constant 0 : index
    %swap3A_950 = arith.constant 0 : index
    %swap3A_951 = arith.constant 17 : index
    %swap3A_952 = vector.load %arg11[%swap3A_949, %swap3A_950, %swap3A_951] : memref<1x128x32xf32, #tpu.memory_space<vmem>>, vector<1x128x1xf32>
    tpu.vector_store %arg11[%swap3A_949, %swap3A_950, %swap3A_951], %broadcast_in_dim3A_948 {strides = array<i32>} : memref<1x128x32xf32, #tpu.memory_space<vmem>>, vector<1x128x1xf32>,
    %slice3A_953 = vector.extract_strided_slice %get3A_4 {offsets = [18, 0], sizes = [1, 256], strides = [1, 1]} : vector<32x256xf32> to vector<1x256xf32>
    %add3A_954 = vector.broadcast %slice3A_953 : vector<1x256xf32> to vector<128x256xf32>
    %add3A_955 = arith.addf %get3A_1, %add3A_954 : vector<128x256xf32>
    %get3A_956 = arith.constant 0 : index
    %get3A_957 = arith.constant 0 : index
    %get3A_958 = vector.load %arg3[%get3A_956, %get3A_957] : memref<256x256xf32, #tpu.memory_space<vmem>>, vector<256x256xf32>
    %dot_general3A_959 = arith.constant dense<0.000000e+00> : vector<128x256xf32>
    %dot_general3A_960 = tpu.matmul %add3A_955, %get3A_958, %dot_general3A_959 {dimension_numbers = #tpu.dot_dimension_numbers<[1], [0], [0], [1], [0, 0, 1, 1], [], []>, transpose_lhs_hint = false} : vector<128x256xf32>, vector<256x256xf32>, vector<128x256xf32> -> vector<128x256xf32>
    %get3A_961 = arith.constant 0 : index
    %get3A_962 = arith.constant 0 : index
    %get3A_963 = vector.load %arg4[%get3A_961, %get3A_962] : memref<1x256xf32, #tpu.memory_space<vmem>>, vector<1x256xf32>
    %add3A_964 = vector.broadcast %get3A_963 : vector<1x256xf32> to vector<128x256xf32>
    %add3A_965 = arith.addf %dot_general3A_960, %add3A_964 : vector<128x256xf32>
    %max3A_966 = arith.constant 0.000000e+00 : f32
    %max3A_967 = vector.broadcast %max3A_966 : f32 to vector<128x256xf32>
    %max3A_968 = arith.maximumf %add3A_965, %max3A_967 : vector<128x256xf32>
    %get3A_969 = arith.constant 0 : index
    %get3A_970 = arith.constant 0 : index
    %get3A_971 = vector.load %arg5[%get3A_969, %get3A_970] : memref<256x256xf32, #tpu.memory_space<vmem>>, vector<256x256xf32>
    %dot_general3A_972 = arith.constant dense<0.000000e+00> : vector<128x256xf32>
    %dot_general3A_973 = tpu.matmul %max3A_968, %get3A_971, %dot_general3A_972 {dimension_numbers = #tpu.dot_dimension_numbers<[1], [0], [0], [1], [0, 0, 1, 1], [], []>, transpose_lhs_hint = false} : vector<128x256xf32>, vector<256x256xf32>, vector<128x256xf32> -> vector<128x256xf32>
    %get3A_974 = arith.constant 0 : index
    %get3A_975 = arith.constant 0 : index
    %get3A_976 = vector.load %arg6[%get3A_974, %get3A_975] : memref<1x256xf32, #tpu.memory_space<vmem>>, vector<1x256xf32>
    %add3A_977 = vector.broadcast %get3A_976 : vector<1x256xf32> to vector<128x256xf32>
    %add3A_978 = arith.addf %dot_general3A_973, %add3A_977 : vector<128x256xf32>
    %get3A_979 = arith.constant 0 : index
    %get3A_980 = arith.constant 0 : index
    %get3A_981 = vector.load %arg7[%get3A_979, %get3A_980] : memref<256x256xf32, #tpu.memory_space<vmem>>, vector<256x256xf32>
    %dot_general3A_982 = arith.constant dense<0.000000e+00> : vector<128x256xf32>
    %dot_general3A_983 = tpu.matmul %add3A_978, %get3A_981, %dot_general3A_982 {dimension_numbers = #tpu.dot_dimension_numbers<[1], [0], [0], [1], [0, 0, 1, 1], [], []>, transpose_lhs_hint = false} : vector<128x256xf32>, vector<256x256xf32>, vector<128x256xf32> -> vector<128x256xf32>
    %get3A_984 = arith.constant 0 : index
    %get3A_985 = arith.constant 0 : index
    %get3A_986 = vector.load %arg8[%get3A_984, %get3A_985] : memref<1x256xf32, #tpu.memory_space<vmem>>, vector<1x256xf32>
    %add3A_987 = vector.broadcast %get3A_986 : vector<1x256xf32> to vector<128x256xf32>
    %add3A_988 = arith.addf %dot_general3A_983, %add3A_987 : vector<128x256xf32>
    %max3A_989 = arith.constant 0.000000e+00 : f32
    %max3A_990 = vector.broadcast %max3A_989 : f32 to vector<128x256xf32>
    %max3A_991 = arith.maximumf %add3A_988, %max3A_990 : vector<128x256xf32>
    %get3A_992 = arith.constant 0 : index
    %get3A_993 = arith.constant 0 : index
    %get3A_994 = vector.load %arg9[%get3A_992, %get3A_993] : memref<256x1xf32, #tpu.memory_space<vmem>>, vector<256x1xf32>
    %dot_general3A_995 = arith.constant dense<0.000000e+00> : vector<128x1xf32>
    %dot_general3A_996 = tpu.matmul %max3A_991, %get3A_994, %dot_general3A_995 {dimension_numbers = #tpu.dot_dimension_numbers<[1], [0], [0], [1], [0, 0, 1, 1], [], []>, transpose_lhs_hint = false} : vector<128x256xf32>, vector<256x1xf32>, vector<128x1xf32> -> vector<128x1xf32>
    %get3A_997 = arith.constant 0 : index
    %get3A_998 = memref.load %arg10[%get3A_997] : memref<1xf32, #tpu.memory_space<smem>>
    %add3A_999 = vector.broadcast %get3A_998 : f32 to vector<128x1xf32>
    %add3A_1000 = arith.addf %dot_general3A_996, %add3A_999 : vector<128x1xf32>
    %broadcast_in_dim3A_1001 = vector.shape_cast %add3A_1000 : vector<128x1xf32> to vector<1x128x1xf32>
    %swap3A_1002 = arith.constant 0 : index
    %swap3A_1003 = arith.constant 0 : index
    %swap3A_1004 = arith.constant 18 : index
    %swap3A_1005 = vector.load %arg11[%swap3A_1002, %swap3A_1003, %swap3A_1004] : memref<1x128x32xf32, #tpu.memory_space<vmem>>, vector<1x128x1xf32>
    tpu.vector_store %arg11[%swap3A_1002, %swap3A_1003, %swap3A_1004], %broadcast_in_dim3A_1001 {strides = array<i32>} : memref<1x128x32xf32, #tpu.memory_space<vmem>>, vector<1x128x1xf32>,
    %slice3A_1006 = vector.extract_strided_slice %get3A_4 {offsets = [19, 0], sizes = [1, 256], strides = [1, 1]} : vector<32x256xf32> to vector<1x256xf32>
    %add3A_1007 = vector.broadcast %slice3A_1006 : vector<1x256xf32> to vector<128x256xf32>
    %add3A_1008 = arith.addf %get3A_1, %add3A_1007 : vector<128x256xf32>
    %get3A_1009 = arith.constant 0 : index
    %get3A_1010 = arith.constant 0 : index
    %get3A_1011 = vector.load %arg3[%get3A_1009, %get3A_1010] : memref<256x256xf32, #tpu.memory_space<vmem>>, vector<256x256xf32>
    %dot_general3A_1012 = arith.constant dense<0.000000e+00> : vector<128x256xf32>
    %dot_general3A_1013 = tpu.matmul %add3A_1008, %get3A_1011, %dot_general3A_1012 {dimension_numbers = #tpu.dot_dimension_numbers<[1], [0], [0], [1], [0, 0, 1, 1], [], []>, transpose_lhs_hint = false} : vector<128x256xf32>, vector<256x256xf32>, vector<128x256xf32> -> vector<128x256xf32>
    %get3A_1014 = arith.constant 0 : index
    %get3A_1015 = arith.constant 0 : index
    %get3A_1016 = vector.load %arg4[%get3A_1014, %get3A_1015] : memref<1x256xf32, #tpu.memory_space<vmem>>, vector<1x256xf32>
    %add3A_1017 = vector.broadcast %get3A_1016 : vector<1x256xf32> to vector<128x256xf32>
    %add3A_1018 = arith.addf %dot_general3A_1013, %add3A_1017 : vector<128x256xf32>
    %max3A_1019 = arith.constant 0.000000e+00 : f32
    %max3A_1020 = vector.broadcast %max3A_1019 : f32 to vector<128x256xf32>
    %max3A_1021 = arith.maximumf %add3A_1018, %max3A_1020 : vector<128x256xf32>
    %get3A_1022 = arith.constant 0 : index
    %get3A_1023 = arith.constant 0 : index
    %get3A_1024 = vector.load %arg5[%get3A_1022, %get3A_1023] : memref<256x256xf32, #tpu.memory_space<vmem>>, vector<256x256xf32>
    %dot_general3A_1025 = arith.constant dense<0.000000e+00> : vector<128x256xf32>
    %dot_general3A_1026 = tpu.matmul %max3A_1021, %get3A_1024, %dot_general3A_1025 {dimension_numbers = #tpu.dot_dimension_numbers<[1], [0], [0], [1], [0, 0, 1, 1], [], []>, transpose_lhs_hint = false} : vector<128x256xf32>, vector<256x256xf32>, vector<128x256xf32> -> vector<128x256xf32>
    %get3A_1027 = arith.constant 0 : index
    %get3A_1028 = arith.constant 0 : index
    %get3A_1029 = vector.load %arg6[%get3A_1027, %get3A_1028] : memref<1x256xf32, #tpu.memory_space<vmem>>, vector<1x256xf32>
    %add3A_1030 = vector.broadcast %get3A_1029 : vector<1x256xf32> to vector<128x256xf32>
    %add3A_1031 = arith.addf %dot_general3A_1026, %add3A_1030 : vector<128x256xf32>
    %get3A_1032 = arith.constant 0 : index
    %get3A_1033 = arith.constant 0 : index
    %get3A_1034 = vector.load %arg7[%get3A_1032, %get3A_1033] : memref<256x256xf32, #tpu.memory_space<vmem>>, vector<256x256xf32>
    %dot_general3A_1035 = arith.constant dense<0.000000e+00> : vector<128x256xf32>
    %dot_general3A_1036 = tpu.matmul %add3A_1031, %get3A_1034, %dot_general3A_1035 {dimension_numbers = #tpu.dot_dimension_numbers<[1], [0], [0], [1], [0, 0, 1, 1], [], []>, transpose_lhs_hint = false} : vector<128x256xf32>, vector<256x256xf32>, vector<128x256xf32> -> vector<128x256xf32>
    %get3A_1037 = arith.constant 0 : index
    %get3A_1038 = arith.constant 0 : index
    %get3A_1039 = vector.load %arg8[%get3A_1037, %get3A_1038] : memref<1x256xf32, #tpu.memory_space<vmem>>, vector<1x256xf32>
    %add3A_1040 = vector.broadcast %get3A_1039 : vector<1x256xf32> to vector<128x256xf32>
    %add3A_1041 = arith.addf %dot_general3A_1036, %add3A_1040 : vector<128x256xf32>
    %max3A_1042 = arith.constant 0.000000e+00 : f32
    %max3A_1043 = vector.broadcast %max3A_1042 : f32 to vector<128x256xf32>
    %max3A_1044 = arith.maximumf %add3A_1041, %max3A_1043 : vector<128x256xf32>
    %get3A_1045 = arith.constant 0 : index
    %get3A_1046 = arith.constant 0 : index
    %get3A_1047 = vector.load %arg9[%get3A_1045, %get3A_1046] : memref<256x1xf32, #tpu.memory_space<vmem>>, vector<256x1xf32>
    %dot_general3A_1048 = arith.constant dense<0.000000e+00> : vector<128x1xf32>
    %dot_general3A_1049 = tpu.matmul %max3A_1044, %get3A_1047, %dot_general3A_1048 {dimension_numbers = #tpu.dot_dimension_numbers<[1], [0], [0], [1], [0, 0, 1, 1], [], []>, transpose_lhs_hint = false} : vector<128x256xf32>, vector<256x1xf32>, vector<128x1xf32> -> vector<128x1xf32>
    %get3A_1050 = arith.constant 0 : index
    %get3A_1051 = memref.load %arg10[%get3A_1050] : memref<1xf32, #tpu.memory_space<smem>>
    %add3A_1052 = vector.broadcast %get3A_1051 : f32 to vector<128x1xf32>
    %add3A_1053 = arith.addf %dot_general3A_1049, %add3A_1052 : vector<128x1xf32>
    %broadcast_in_dim3A_1054 = vector.shape_cast %add3A_1053 : vector<128x1xf32> to vector<1x128x1xf32>
    %swap3A_1055 = arith.constant 0 : index
    %swap3A_1056 = arith.constant 0 : index
    %swap3A_1057 = arith.constant 19 : index
    %swap3A_1058 = vector.load %arg11[%swap3A_1055, %swap3A_1056, %swap3A_1057] : memref<1x128x32xf32, #tpu.memory_space<vmem>>, vector<1x128x1xf32>
    tpu.vector_store %arg11[%swap3A_1055, %swap3A_1056, %swap3A_1057], %broadcast_in_dim3A_1054 {strides = array<i32>} : memref<1x128x32xf32, #tpu.memory_space<vmem>>, vector<1x128x1xf32>,
    %slice3A_1059 = vector.extract_strided_slice %get3A_4 {offsets = [20, 0], sizes = [1, 256], strides = [1, 1]} : vector<32x256xf32> to vector<1x256xf32>
    %add3A_1060 = vector.broadcast %slice3A_1059 : vector<1x256xf32> to vector<128x256xf32>
    %add3A_1061 = arith.addf %get3A_1, %add3A_1060 : vector<128x256xf32>
    %get3A_1062 = arith.constant 0 : index
    %get3A_1063 = arith.constant 0 : index
    %get3A_1064 = vector.load %arg3[%get3A_1062, %get3A_1063] : memref<256x256xf32, #tpu.memory_space<vmem>>, vector<256x256xf32>
    %dot_general3A_1065 = arith.constant dense<0.000000e+00> : vector<128x256xf32>
    %dot_general3A_1066 = tpu.matmul %add3A_1061, %get3A_1064, %dot_general3A_1065 {dimension_numbers = #tpu.dot_dimension_numbers<[1], [0], [0], [1], [0, 0, 1, 1], [], []>, transpose_lhs_hint = false} : vector<128x256xf32>, vector<256x256xf32>, vector<128x256xf32> -> vector<128x256xf32>
    %get3A_1067 = arith.constant 0 : index
    %get3A_1068 = arith.constant 0 : index
    %get3A_1069 = vector.load %arg4[%get3A_1067, %get3A_1068] : memref<1x256xf32, #tpu.memory_space<vmem>>, vector<1x256xf32>
    %add3A_1070 = vector.broadcast %get3A_1069 : vector<1x256xf32> to vector<128x256xf32>
    %add3A_1071 = arith.addf %dot_general3A_1066, %add3A_1070 : vector<128x256xf32>
    %max3A_1072 = arith.constant 0.000000e+00 : f32
    %max3A_1073 = vector.broadcast %max3A_1072 : f32 to vector<128x256xf32>
    %max3A_1074 = arith.maximumf %add3A_1071, %max3A_1073 : vector<128x256xf32>
    %get3A_1075 = arith.constant 0 : index
    %get3A_1076 = arith.constant 0 : index
    %get3A_1077 = vector.load %arg5[%get3A_1075, %get3A_1076] : memref<256x256xf32, #tpu.memory_space<vmem>>, vector<256x256xf32>
    %dot_general3A_1078 = arith.constant dense<0.000000e+00> : vector<128x256xf32>
    %dot_general3A_1079 = tpu.matmul %max3A_1074, %get3A_1077, %dot_general3A_1078 {dimension_numbers = #tpu.dot_dimension_numbers<[1], [0], [0], [1], [0, 0, 1, 1], [], []>, transpose_lhs_hint = false} : vector<128x256xf32>, vector<256x256xf32>, vector<128x256xf32> -> vector<128x256xf32>
    %get3A_1080 = arith.constant 0 : index
    %get3A_1081 = arith.constant 0 : index
    %get3A_1082 = vector.load %arg6[%get3A_1080, %get3A_1081] : memref<1x256xf32, #tpu.memory_space<vmem>>, vector<1x256xf32>
    %add3A_1083 = vector.broadcast %get3A_1082 : vector<1x256xf32> to vector<128x256xf32>
    %add3A_1084 = arith.addf %dot_general3A_1079, %add3A_1083 : vector<128x256xf32>
    %get3A_1085 = arith.constant 0 : index
    %get3A_1086 = arith.constant 0 : index
    %get3A_1087 = vector.load %arg7[%get3A_1085, %get3A_1086] : memref<256x256xf32, #tpu.memory_space<vmem>>, vector<256x256xf32>
    %dot_general3A_1088 = arith.constant dense<0.000000e+00> : vector<128x256xf32>
    %dot_general3A_1089 = tpu.matmul %add3A_1084, %get3A_1087, %dot_general3A_1088 {dimension_numbers = #tpu.dot_dimension_numbers<[1], [0], [0], [1], [0, 0, 1, 1], [], []>, transpose_lhs_hint = false} : vector<128x256xf32>, vector<256x256xf32>, vector<128x256xf32> -> vector<128x256xf32>
    %get3A_1090 = arith.constant 0 : index
    %get3A_1091 = arith.constant 0 : index
    %get3A_1092 = vector.load %arg8[%get3A_1090, %get3A_1091] : memref<1x256xf32, #tpu.memory_space<vmem>>, vector<1x256xf32>
    %add3A_1093 = vector.broadcast %get3A_1092 : vector<1x256xf32> to vector<128x256xf32>
    %add3A_1094 = arith.addf %dot_general3A_1089, %add3A_1093 : vector<128x256xf32>
    %max3A_1095 = arith.constant 0.000000e+00 : f32
    %max3A_1096 = vector.broadcast %max3A_1095 : f32 to vector<128x256xf32>
    %max3A_1097 = arith.maximumf %add3A_1094, %max3A_1096 : vector<128x256xf32>
    %get3A_1098 = arith.constant 0 : index
    %get3A_1099 = arith.constant 0 : index
    %get3A_1100 = vector.load %arg9[%get3A_1098, %get3A_1099] : memref<256x1xf32, #tpu.memory_space<vmem>>, vector<256x1xf32>
    %dot_general3A_1101 = arith.constant dense<0.000000e+00> : vector<128x1xf32>
    %dot_general3A_1102 = tpu.matmul %max3A_1097, %get3A_1100, %dot_general3A_1101 {dimension_numbers = #tpu.dot_dimension_numbers<[1], [0], [0], [1], [0, 0, 1, 1], [], []>, transpose_lhs_hint = false} : vector<128x256xf32>, vector<256x1xf32>, vector<128x1xf32> -> vector<128x1xf32>
    %get3A_1103 = arith.constant 0 : index
    %get3A_1104 = memref.load %arg10[%get3A_1103] : memref<1xf32, #tpu.memory_space<smem>>
    %add3A_1105 = vector.broadcast %get3A_1104 : f32 to vector<128x1xf32>
    %add3A_1106 = arith.addf %dot_general3A_1102, %add3A_1105 : vector<128x1xf32>
    %broadcast_in_dim3A_1107 = vector.shape_cast %add3A_1106 : vector<128x1xf32> to vector<1x128x1xf32>
    %swap3A_1108 = arith.constant 0 : index
    %swap3A_1109 = arith.constant 0 : index
    %swap3A_1110 = arith.constant 20 : index
    %swap3A_1111 = vector.load %arg11[%swap3A_1108, %swap3A_1109, %swap3A_1110] : memref<1x128x32xf32, #tpu.memory_space<vmem>>, vector<1x128x1xf32>
    tpu.vector_store %arg11[%swap3A_1108, %swap3A_1109, %swap3A_1110], %broadcast_in_dim3A_1107 {strides = array<i32>} : memref<1x128x32xf32, #tpu.memory_space<vmem>>, vector<1x128x1xf32>,
    %slice3A_1112 = vector.extract_strided_slice %get3A_4 {offsets = [21, 0], sizes = [1, 256], strides = [1, 1]} : vector<32x256xf32> to vector<1x256xf32>
    %add3A_1113 = vector.broadcast %slice3A_1112 : vector<1x256xf32> to vector<128x256xf32>
    %add3A_1114 = arith.addf %get3A_1, %add3A_1113 : vector<128x256xf32>
    %get3A_1115 = arith.constant 0 : index
    %get3A_1116 = arith.constant 0 : index
    %get3A_1117 = vector.load %arg3[%get3A_1115, %get3A_1116] : memref<256x256xf32, #tpu.memory_space<vmem>>, vector<256x256xf32>
    %dot_general3A_1118 = arith.constant dense<0.000000e+00> : vector<128x256xf32>
    %dot_general3A_1119 = tpu.matmul %add3A_1114, %get3A_1117, %dot_general3A_1118 {dimension_numbers = #tpu.dot_dimension_numbers<[1], [0], [0], [1], [0, 0, 1, 1], [], []>, transpose_lhs_hint = false} : vector<128x256xf32>, vector<256x256xf32>, vector<128x256xf32> -> vector<128x256xf32>
    %get3A_1120 = arith.constant 0 : index
    %get3A_1121 = arith.constant 0 : index
    %get3A_1122 = vector.load %arg4[%get3A_1120, %get3A_1121] : memref<1x256xf32, #tpu.memory_space<vmem>>, vector<1x256xf32>
    %add3A_1123 = vector.broadcast %get3A_1122 : vector<1x256xf32> to vector<128x256xf32>
    %add3A_1124 = arith.addf %dot_general3A_1119, %add3A_1123 : vector<128x256xf32>
    %max3A_1125 = arith.constant 0.000000e+00 : f32
    %max3A_1126 = vector.broadcast %max3A_1125 : f32 to vector<128x256xf32>
    %max3A_1127 = arith.maximumf %add3A_1124, %max3A_1126 : vector<128x256xf32>
    %get3A_1128 = arith.constant 0 : index
    %get3A_1129 = arith.constant 0 : index
    %get3A_1130 = vector.load %arg5[%get3A_1128, %get3A_1129] : memref<256x256xf32, #tpu.memory_space<vmem>>, vector<256x256xf32>
    %dot_general3A_1131 = arith.constant dense<0.000000e+00> : vector<128x256xf32>
    %dot_general3A_1132 = tpu.matmul %max3A_1127, %get3A_1130, %dot_general3A_1131 {dimension_numbers = #tpu.dot_dimension_numbers<[1], [0], [0], [1], [0, 0, 1, 1], [], []>, transpose_lhs_hint = false} : vector<128x256xf32>, vector<256x256xf32>, vector<128x256xf32> -> vector<128x256xf32>
    %get3A_1133 = arith.constant 0 : index
    %get3A_1134 = arith.constant 0 : index
    %get3A_1135 = vector.load %arg6[%get3A_1133, %get3A_1134] : memref<1x256xf32, #tpu.memory_space<vmem>>, vector<1x256xf32>
    %add3A_1136 = vector.broadcast %get3A_1135 : vector<1x256xf32> to vector<128x256xf32>
    %add3A_1137 = arith.addf %dot_general3A_1132, %add3A_1136 : vector<128x256xf32>
    %get3A_1138 = arith.constant 0 : index
    %get3A_1139 = arith.constant 0 : index
    %get3A_1140 = vector.load %arg7[%get3A_1138, %get3A_1139] : memref<256x256xf32, #tpu.memory_space<vmem>>, vector<256x256xf32>
    %dot_general3A_1141 = arith.constant dense<0.000000e+00> : vector<128x256xf32>
    %dot_general3A_1142 = tpu.matmul %add3A_1137, %get3A_1140, %dot_general3A_1141 {dimension_numbers = #tpu.dot_dimension_numbers<[1], [0], [0], [1], [0, 0, 1, 1], [], []>, transpose_lhs_hint = false} : vector<128x256xf32>, vector<256x256xf32>, vector<128x256xf32> -> vector<128x256xf32>
    %get3A_1143 = arith.constant 0 : index
    %get3A_1144 = arith.constant 0 : index
    %get3A_1145 = vector.load %arg8[%get3A_1143, %get3A_1144] : memref<1x256xf32, #tpu.memory_space<vmem>>, vector<1x256xf32>
    %add3A_1146 = vector.broadcast %get3A_1145 : vector<1x256xf32> to vector<128x256xf32>
    %add3A_1147 = arith.addf %dot_general3A_1142, %add3A_1146 : vector<128x256xf32>
    %max3A_1148 = arith.constant 0.000000e+00 : f32
    %max3A_1149 = vector.broadcast %max3A_1148 : f32 to vector<128x256xf32>
    %max3A_1150 = arith.maximumf %add3A_1147, %max3A_1149 : vector<128x256xf32>
    %get3A_1151 = arith.constant 0 : index
    %get3A_1152 = arith.constant 0 : index
    %get3A_1153 = vector.load %arg9[%get3A_1151, %get3A_1152] : memref<256x1xf32, #tpu.memory_space<vmem>>, vector<256x1xf32>
    %dot_general3A_1154 = arith.constant dense<0.000000e+00> : vector<128x1xf32>
    %dot_general3A_1155 = tpu.matmul %max3A_1150, %get3A_1153, %dot_general3A_1154 {dimension_numbers = #tpu.dot_dimension_numbers<[1], [0], [0], [1], [0, 0, 1, 1], [], []>, transpose_lhs_hint = false} : vector<128x256xf32>, vector<256x1xf32>, vector<128x1xf32> -> vector<128x1xf32>
    %get3A_1156 = arith.constant 0 : index
    %get3A_1157 = memref.load %arg10[%get3A_1156] : memref<1xf32, #tpu.memory_space<smem>>
    %add3A_1158 = vector.broadcast %get3A_1157 : f32 to vector<128x1xf32>
    %add3A_1159 = arith.addf %dot_general3A_1155, %add3A_1158 : vector<128x1xf32>
    %broadcast_in_dim3A_1160 = vector.shape_cast %add3A_1159 : vector<128x1xf32> to vector<1x128x1xf32>
    %swap3A_1161 = arith.constant 0 : index
    %swap3A_1162 = arith.constant 0 : index
    %swap3A_1163 = arith.constant 21 : index
    %swap3A_1164 = vector.load %arg11[%swap3A_1161, %swap3A_1162, %swap3A_1163] : memref<1x128x32xf32, #tpu.memory_space<vmem>>, vector<1x128x1xf32>
    tpu.vector_store %arg11[%swap3A_1161, %swap3A_1162, %swap3A_1163], %broadcast_in_dim3A_1160 {strides = array<i32>} : memref<1x128x32xf32, #tpu.memory_space<vmem>>, vector<1x128x1xf32>,
    %slice3A_1165 = vector.extract_strided_slice %get3A_4 {offsets = [22, 0], sizes = [1, 256], strides = [1, 1]} : vector<32x256xf32> to vector<1x256xf32>
    %add3A_1166 = vector.broadcast %slice3A_1165 : vector<1x256xf32> to vector<128x256xf32>
    %add3A_1167 = arith.addf %get3A_1, %add3A_1166 : vector<128x256xf32>
    %get3A_1168 = arith.constant 0 : index
    %get3A_1169 = arith.constant 0 : index
    %get3A_1170 = vector.load %arg3[%get3A_1168, %get3A_1169] : memref<256x256xf32, #tpu.memory_space<vmem>>, vector<256x256xf32>
    %dot_general3A_1171 = arith.constant dense<0.000000e+00> : vector<128x256xf32>
    %dot_general3A_1172 = tpu.matmul %add3A_1167, %get3A_1170, %dot_general3A_1171 {dimension_numbers = #tpu.dot_dimension_numbers<[1], [0], [0], [1], [0, 0, 1, 1], [], []>, transpose_lhs_hint = false} : vector<128x256xf32>, vector<256x256xf32>, vector<128x256xf32> -> vector<128x256xf32>
    %get3A_1173 = arith.constant 0 : index
    %get3A_1174 = arith.constant 0 : index
    %get3A_1175 = vector.load %arg4[%get3A_1173, %get3A_1174] : memref<1x256xf32, #tpu.memory_space<vmem>>, vector<1x256xf32>
    %add3A_1176 = vector.broadcast %get3A_1175 : vector<1x256xf32> to vector<128x256xf32>
    %add3A_1177 = arith.addf %dot_general3A_1172, %add3A_1176 : vector<128x256xf32>
    %max3A_1178 = arith.constant 0.000000e+00 : f32
    %max3A_1179 = vector.broadcast %max3A_1178 : f32 to vector<128x256xf32>
    %max3A_1180 = arith.maximumf %add3A_1177, %max3A_1179 : vector<128x256xf32>
    %get3A_1181 = arith.constant 0 : index
    %get3A_1182 = arith.constant 0 : index
    %get3A_1183 = vector.load %arg5[%get3A_1181, %get3A_1182] : memref<256x256xf32, #tpu.memory_space<vmem>>, vector<256x256xf32>
    %dot_general3A_1184 = arith.constant dense<0.000000e+00> : vector<128x256xf32>
    %dot_general3A_1185 = tpu.matmul %max3A_1180, %get3A_1183, %dot_general3A_1184 {dimension_numbers = #tpu.dot_dimension_numbers<[1], [0], [0], [1], [0, 0, 1, 1], [], []>, transpose_lhs_hint = false} : vector<128x256xf32>, vector<256x256xf32>, vector<128x256xf32> -> vector<128x256xf32>
    %get3A_1186 = arith.constant 0 : index
    %get3A_1187 = arith.constant 0 : index
    %get3A_1188 = vector.load %arg6[%get3A_1186, %get3A_1187] : memref<1x256xf32, #tpu.memory_space<vmem>>, vector<1x256xf32>
    %add3A_1189 = vector.broadcast %get3A_1188 : vector<1x256xf32> to vector<128x256xf32>
    %add3A_1190 = arith.addf %dot_general3A_1185, %add3A_1189 : vector<128x256xf32>
    %get3A_1191 = arith.constant 0 : index
    %get3A_1192 = arith.constant 0 : index
    %get3A_1193 = vector.load %arg7[%get3A_1191, %get3A_1192] : memref<256x256xf32, #tpu.memory_space<vmem>>, vector<256x256xf32>
    %dot_general3A_1194 = arith.constant dense<0.000000e+00> : vector<128x256xf32>
    %dot_general3A_1195 = tpu.matmul %add3A_1190, %get3A_1193, %dot_general3A_1194 {dimension_numbers = #tpu.dot_dimension_numbers<[1], [0], [0], [1], [0, 0, 1, 1], [], []>, transpose_lhs_hint = false} : vector<128x256xf32>, vector<256x256xf32>, vector<128x256xf32> -> vector<128x256xf32>
    %get3A_1196 = arith.constant 0 : index
    %get3A_1197 = arith.constant 0 : index
    %get3A_1198 = vector.load %arg8[%get3A_1196, %get3A_1197] : memref<1x256xf32, #tpu.memory_space<vmem>>, vector<1x256xf32>
    %add3A_1199 = vector.broadcast %get3A_1198 : vector<1x256xf32> to vector<128x256xf32>
    %add3A_1200 = arith.addf %dot_general3A_1195, %add3A_1199 : vector<128x256xf32>
    %max3A_1201 = arith.constant 0.000000e+00 : f32
    %max3A_1202 = vector.broadcast %max3A_1201 : f32 to vector<128x256xf32>
    %max3A_1203 = arith.maximumf %add3A_1200, %max3A_1202 : vector<128x256xf32>
    %get3A_1204 = arith.constant 0 : index
    %get3A_1205 = arith.constant 0 : index
    %get3A_1206 = vector.load %arg9[%get3A_1204, %get3A_1205] : memref<256x1xf32, #tpu.memory_space<vmem>>, vector<256x1xf32>
    %dot_general3A_1207 = arith.constant dense<0.000000e+00> : vector<128x1xf32>
    %dot_general3A_1208 = tpu.matmul %max3A_1203, %get3A_1206, %dot_general3A_1207 {dimension_numbers = #tpu.dot_dimension_numbers<[1], [0], [0], [1], [0, 0, 1, 1], [], []>, transpose_lhs_hint = false} : vector<128x256xf32>, vector<256x1xf32>, vector<128x1xf32> -> vector<128x1xf32>
    %get3A_1209 = arith.constant 0 : index
    %get3A_1210 = memref.load %arg10[%get3A_1209] : memref<1xf32, #tpu.memory_space<smem>>
    %add3A_1211 = vector.broadcast %get3A_1210 : f32 to vector<128x1xf32>
    %add3A_1212 = arith.addf %dot_general3A_1208, %add3A_1211 : vector<128x1xf32>
    %broadcast_in_dim3A_1213 = vector.shape_cast %add3A_1212 : vector<128x1xf32> to vector<1x128x1xf32>
    %swap3A_1214 = arith.constant 0 : index
    %swap3A_1215 = arith.constant 0 : index
    %swap3A_1216 = arith.constant 22 : index
    %swap3A_1217 = vector.load %arg11[%swap3A_1214, %swap3A_1215, %swap3A_1216] : memref<1x128x32xf32, #tpu.memory_space<vmem>>, vector<1x128x1xf32>
    tpu.vector_store %arg11[%swap3A_1214, %swap3A_1215, %swap3A_1216], %broadcast_in_dim3A_1213 {strides = array<i32>} : memref<1x128x32xf32, #tpu.memory_space<vmem>>, vector<1x128x1xf32>,
    %slice3A_1218 = vector.extract_strided_slice %get3A_4 {offsets = [23, 0], sizes = [1, 256], strides = [1, 1]} : vector<32x256xf32> to vector<1x256xf32>
    %add3A_1219 = vector.broadcast %slice3A_1218 : vector<1x256xf32> to vector<128x256xf32>
    %add3A_1220 = arith.addf %get3A_1, %add3A_1219 : vector<128x256xf32>
    %get3A_1221 = arith.constant 0 : index
    %get3A_1222 = arith.constant 0 : index
    %get3A_1223 = vector.load %arg3[%get3A_1221, %get3A_1222] : memref<256x256xf32, #tpu.memory_space<vmem>>, vector<256x256xf32>
    %dot_general3A_1224 = arith.constant dense<0.000000e+00> : vector<128x256xf32>
    %dot_general3A_1225 = tpu.matmul %add3A_1220, %get3A_1223, %dot_general3A_1224 {dimension_numbers = #tpu.dot_dimension_numbers<[1], [0], [0], [1], [0, 0, 1, 1], [], []>, transpose_lhs_hint = false} : vector<128x256xf32>, vector<256x256xf32>, vector<128x256xf32> -> vector<128x256xf32>
    %get3A_1226 = arith.constant 0 : index
    %get3A_1227 = arith.constant 0 : index
    %get3A_1228 = vector.load %arg4[%get3A_1226, %get3A_1227] : memref<1x256xf32, #tpu.memory_space<vmem>>, vector<1x256xf32>
    %add3A_1229 = vector.broadcast %get3A_1228 : vector<1x256xf32> to vector<128x256xf32>
    %add3A_1230 = arith.addf %dot_general3A_1225, %add3A_1229 : vector<128x256xf32>
    %max3A_1231 = arith.constant 0.000000e+00 : f32
    %max3A_1232 = vector.broadcast %max3A_1231 : f32 to vector<128x256xf32>
    %max3A_1233 = arith.maximumf %add3A_1230, %max3A_1232 : vector<128x256xf32>
    %get3A_1234 = arith.constant 0 : index
    %get3A_1235 = arith.constant 0 : index
    %get3A_1236 = vector.load %arg5[%get3A_1234, %get3A_1235] : memref<256x256xf32, #tpu.memory_space<vmem>>, vector<256x256xf32>
    %dot_general3A_1237 = arith.constant dense<0.000000e+00> : vector<128x256xf32>
    %dot_general3A_1238 = tpu.matmul %max3A_1233, %get3A_1236, %dot_general3A_1237 {dimension_numbers = #tpu.dot_dimension_numbers<[1], [0], [0], [1], [0, 0, 1, 1], [], []>, transpose_lhs_hint = false} : vector<128x256xf32>, vector<256x256xf32>, vector<128x256xf32> -> vector<128x256xf32>
    %get3A_1239 = arith.constant 0 : index
    %get3A_1240 = arith.constant 0 : index
    %get3A_1241 = vector.load %arg6[%get3A_1239, %get3A_1240] : memref<1x256xf32, #tpu.memory_space<vmem>>, vector<1x256xf32>
    %add3A_1242 = vector.broadcast %get3A_1241 : vector<1x256xf32> to vector<128x256xf32>
    %add3A_1243 = arith.addf %dot_general3A_1238, %add3A_1242 : vector<128x256xf32>
    %get3A_1244 = arith.constant 0 : index
    %get3A_1245 = arith.constant 0 : index
    %get3A_1246 = vector.load %arg7[%get3A_1244, %get3A_1245] : memref<256x256xf32, #tpu.memory_space<vmem>>, vector<256x256xf32>
    %dot_general3A_1247 = arith.constant dense<0.000000e+00> : vector<128x256xf32>
    %dot_general3A_1248 = tpu.matmul %add3A_1243, %get3A_1246, %dot_general3A_1247 {dimension_numbers = #tpu.dot_dimension_numbers<[1], [0], [0], [1], [0, 0, 1, 1], [], []>, transpose_lhs_hint = false} : vector<128x256xf32>, vector<256x256xf32>, vector<128x256xf32> -> vector<128x256xf32>
    %get3A_1249 = arith.constant 0 : index
    %get3A_1250 = arith.constant 0 : index
    %get3A_1251 = vector.load %arg8[%get3A_1249, %get3A_1250] : memref<1x256xf32, #tpu.memory_space<vmem>>, vector<1x256xf32>
    %add3A_1252 = vector.broadcast %get3A_1251 : vector<1x256xf32> to vector<128x256xf32>
    %add3A_1253 = arith.addf %dot_general3A_1248, %add3A_1252 : vector<128x256xf32>
    %max3A_1254 = arith.constant 0.000000e+00 : f32
    %max3A_1255 = vector.broadcast %max3A_1254 : f32 to vector<128x256xf32>
    %max3A_1256 = arith.maximumf %add3A_1253, %max3A_1255 : vector<128x256xf32>
    %get3A_1257 = arith.constant 0 : index
    %get3A_1258 = arith.constant 0 : index
    %get3A_1259 = vector.load %arg9[%get3A_1257, %get3A_1258] : memref<256x1xf32, #tpu.memory_space<vmem>>, vector<256x1xf32>
    %dot_general3A_1260 = arith.constant dense<0.000000e+00> : vector<128x1xf32>
    %dot_general3A_1261 = tpu.matmul %max3A_1256, %get3A_1259, %dot_general3A_1260 {dimension_numbers = #tpu.dot_dimension_numbers<[1], [0], [0], [1], [0, 0, 1, 1], [], []>, transpose_lhs_hint = false} : vector<128x256xf32>, vector<256x1xf32>, vector<128x1xf32> -> vector<128x1xf32>
    %get3A_1262 = arith.constant 0 : index
    %get3A_1263 = memref.load %arg10[%get3A_1262] : memref<1xf32, #tpu.memory_space<smem>>
    %add3A_1264 = vector.broadcast %get3A_1263 : f32 to vector<128x1xf32>
    %add3A_1265 = arith.addf %dot_general3A_1261, %add3A_1264 : vector<128x1xf32>
    %broadcast_in_dim3A_1266 = vector.shape_cast %add3A_1265 : vector<128x1xf32> to vector<1x128x1xf32>
    %swap3A_1267 = arith.constant 0 : index
    %swap3A_1268 = arith.constant 0 : index
    %swap3A_1269 = arith.constant 23 : index
    %swap3A_1270 = vector.load %arg11[%swap3A_1267, %swap3A_1268, %swap3A_1269] : memref<1x128x32xf32, #tpu.memory_space<vmem>>, vector<1x128x1xf32>
    tpu.vector_store %arg11[%swap3A_1267, %swap3A_1268, %swap3A_1269], %broadcast_in_dim3A_1266 {strides = array<i32>} : memref<1x128x32xf32, #tpu.memory_space<vmem>>, vector<1x128x1xf32>,
    %slice3A_1271 = vector.extract_strided_slice %get3A_4 {offsets = [24, 0], sizes = [1, 256], strides = [1, 1]} : vector<32x256xf32> to vector<1x256xf32>
    %add3A_1272 = vector.broadcast %slice3A_1271 : vector<1x256xf32> to vector<128x256xf32>
    %add3A_1273 = arith.addf %get3A_1, %add3A_1272 : vector<128x256xf32>
    %get3A_1274 = arith.constant 0 : index
    %get3A_1275 = arith.constant 0 : index
    %get3A_1276 = vector.load %arg3[%get3A_1274, %get3A_1275] : memref<256x256xf32, #tpu.memory_space<vmem>>, vector<256x256xf32>
    %dot_general3A_1277 = arith.constant dense<0.000000e+00> : vector<128x256xf32>
    %dot_general3A_1278 = tpu.matmul %add3A_1273, %get3A_1276, %dot_general3A_1277 {dimension_numbers = #tpu.dot_dimension_numbers<[1], [0], [0], [1], [0, 0, 1, 1], [], []>, transpose_lhs_hint = false} : vector<128x256xf32>, vector<256x256xf32>, vector<128x256xf32> -> vector<128x256xf32>
    %get3A_1279 = arith.constant 0 : index
    %get3A_1280 = arith.constant 0 : index
    %get3A_1281 = vector.load %arg4[%get3A_1279, %get3A_1280] : memref<1x256xf32, #tpu.memory_space<vmem>>, vector<1x256xf32>
    %add3A_1282 = vector.broadcast %get3A_1281 : vector<1x256xf32> to vector<128x256xf32>
    %add3A_1283 = arith.addf %dot_general3A_1278, %add3A_1282 : vector<128x256xf32>
    %max3A_1284 = arith.constant 0.000000e+00 : f32
    %max3A_1285 = vector.broadcast %max3A_1284 : f32 to vector<128x256xf32>
    %max3A_1286 = arith.maximumf %add3A_1283, %max3A_1285 : vector<128x256xf32>
    %get3A_1287 = arith.constant 0 : index
    %get3A_1288 = arith.constant 0 : index
    %get3A_1289 = vector.load %arg5[%get3A_1287, %get3A_1288] : memref<256x256xf32, #tpu.memory_space<vmem>>, vector<256x256xf32>
    %dot_general3A_1290 = arith.constant dense<0.000000e+00> : vector<128x256xf32>
    %dot_general3A_1291 = tpu.matmul %max3A_1286, %get3A_1289, %dot_general3A_1290 {dimension_numbers = #tpu.dot_dimension_numbers<[1], [0], [0], [1], [0, 0, 1, 1], [], []>, transpose_lhs_hint = false} : vector<128x256xf32>, vector<256x256xf32>, vector<128x256xf32> -> vector<128x256xf32>
    %get3A_1292 = arith.constant 0 : index
    %get3A_1293 = arith.constant 0 : index
    %get3A_1294 = vector.load %arg6[%get3A_1292, %get3A_1293] : memref<1x256xf32, #tpu.memory_space<vmem>>, vector<1x256xf32>
    %add3A_1295 = vector.broadcast %get3A_1294 : vector<1x256xf32> to vector<128x256xf32>
    %add3A_1296 = arith.addf %dot_general3A_1291, %add3A_1295 : vector<128x256xf32>
    %get3A_1297 = arith.constant 0 : index
    %get3A_1298 = arith.constant 0 : index
    %get3A_1299 = vector.load %arg7[%get3A_1297, %get3A_1298] : memref<256x256xf32, #tpu.memory_space<vmem>>, vector<256x256xf32>
    %dot_general3A_1300 = arith.constant dense<0.000000e+00> : vector<128x256xf32>
    %dot_general3A_1301 = tpu.matmul %add3A_1296, %get3A_1299, %dot_general3A_1300 {dimension_numbers = #tpu.dot_dimension_numbers<[1], [0], [0], [1], [0, 0, 1, 1], [], []>, transpose_lhs_hint = false} : vector<128x256xf32>, vector<256x256xf32>, vector<128x256xf32> -> vector<128x256xf32>
    %get3A_1302 = arith.constant 0 : index
    %get3A_1303 = arith.constant 0 : index
    %get3A_1304 = vector.load %arg8[%get3A_1302, %get3A_1303] : memref<1x256xf32, #tpu.memory_space<vmem>>, vector<1x256xf32>
    %add3A_1305 = vector.broadcast %get3A_1304 : vector<1x256xf32> to vector<128x256xf32>
    %add3A_1306 = arith.addf %dot_general3A_1301, %add3A_1305 : vector<128x256xf32>
    %max3A_1307 = arith.constant 0.000000e+00 : f32
    %max3A_1308 = vector.broadcast %max3A_1307 : f32 to vector<128x256xf32>
    %max3A_1309 = arith.maximumf %add3A_1306, %max3A_1308 : vector<128x256xf32>
    %get3A_1310 = arith.constant 0 : index
    %get3A_1311 = arith.constant 0 : index
    %get3A_1312 = vector.load %arg9[%get3A_1310, %get3A_1311] : memref<256x1xf32, #tpu.memory_space<vmem>>, vector<256x1xf32>
    %dot_general3A_1313 = arith.constant dense<0.000000e+00> : vector<128x1xf32>
    %dot_general3A_1314 = tpu.matmul %max3A_1309, %get3A_1312, %dot_general3A_1313 {dimension_numbers = #tpu.dot_dimension_numbers<[1], [0], [0], [1], [0, 0, 1, 1], [], []>, transpose_lhs_hint = false} : vector<128x256xf32>, vector<256x1xf32>, vector<128x1xf32> -> vector<128x1xf32>
    %get3A_1315 = arith.constant 0 : index
    %get3A_1316 = memref.load %arg10[%get3A_1315] : memref<1xf32, #tpu.memory_space<smem>>
    %add3A_1317 = vector.broadcast %get3A_1316 : f32 to vector<128x1xf32>
    %add3A_1318 = arith.addf %dot_general3A_1314, %add3A_1317 : vector<128x1xf32>
    %broadcast_in_dim3A_1319 = vector.shape_cast %add3A_1318 : vector<128x1xf32> to vector<1x128x1xf32>
    %swap3A_1320 = arith.constant 0 : index
    %swap3A_1321 = arith.constant 0 : index
    %swap3A_1322 = arith.constant 24 : index
    %swap3A_1323 = vector.load %arg11[%swap3A_1320, %swap3A_1321, %swap3A_1322] : memref<1x128x32xf32, #tpu.memory_space<vmem>>, vector<1x128x1xf32>
    tpu.vector_store %arg11[%swap3A_1320, %swap3A_1321, %swap3A_1322], %broadcast_in_dim3A_1319 {strides = array<i32>} : memref<1x128x32xf32, #tpu.memory_space<vmem>>, vector<1x128x1xf32>,
    %slice3A_1324 = vector.extract_strided_slice %get3A_4 {offsets = [25, 0], sizes = [1, 256], strides = [1, 1]} : vector<32x256xf32> to vector<1x256xf32>
    %add3A_1325 = vector.broadcast %slice3A_1324 : vector<1x256xf32> to vector<128x256xf32>
    %add3A_1326 = arith.addf %get3A_1, %add3A_1325 : vector<128x256xf32>
    %get3A_1327 = arith.constant 0 : index
    %get3A_1328 = arith.constant 0 : index
    %get3A_1329 = vector.load %arg3[%get3A_1327, %get3A_1328] : memref<256x256xf32, #tpu.memory_space<vmem>>, vector<256x256xf32>
    %dot_general3A_1330 = arith.constant dense<0.000000e+00> : vector<128x256xf32>
    %dot_general3A_1331 = tpu.matmul %add3A_1326, %get3A_1329, %dot_general3A_1330 {dimension_numbers = #tpu.dot_dimension_numbers<[1], [0], [0], [1], [0, 0, 1, 1], [], []>, transpose_lhs_hint = false} : vector<128x256xf32>, vector<256x256xf32>, vector<128x256xf32> -> vector<128x256xf32>
    %get3A_1332 = arith.constant 0 : index
    %get3A_1333 = arith.constant 0 : index
    %get3A_1334 = vector.load %arg4[%get3A_1332, %get3A_1333] : memref<1x256xf32, #tpu.memory_space<vmem>>, vector<1x256xf32>
    %add3A_1335 = vector.broadcast %get3A_1334 : vector<1x256xf32> to vector<128x256xf32>
    %add3A_1336 = arith.addf %dot_general3A_1331, %add3A_1335 : vector<128x256xf32>
    %max3A_1337 = arith.constant 0.000000e+00 : f32
    %max3A_1338 = vector.broadcast %max3A_1337 : f32 to vector<128x256xf32>
    %max3A_1339 = arith.maximumf %add3A_1336, %max3A_1338 : vector<128x256xf32>
    %get3A_1340 = arith.constant 0 : index
    %get3A_1341 = arith.constant 0 : index
    %get3A_1342 = vector.load %arg5[%get3A_1340, %get3A_1341] : memref<256x256xf32, #tpu.memory_space<vmem>>, vector<256x256xf32>
    %dot_general3A_1343 = arith.constant dense<0.000000e+00> : vector<128x256xf32>
    %dot_general3A_1344 = tpu.matmul %max3A_1339, %get3A_1342, %dot_general3A_1343 {dimension_numbers = #tpu.dot_dimension_numbers<[1], [0], [0], [1], [0, 0, 1, 1], [], []>, transpose_lhs_hint = false} : vector<128x256xf32>, vector<256x256xf32>, vector<128x256xf32> -> vector<128x256xf32>
    %get3A_1345 = arith.constant 0 : index
    %get3A_1346 = arith.constant 0 : index
    %get3A_1347 = vector.load %arg6[%get3A_1345, %get3A_1346] : memref<1x256xf32, #tpu.memory_space<vmem>>, vector<1x256xf32>
    %add3A_1348 = vector.broadcast %get3A_1347 : vector<1x256xf32> to vector<128x256xf32>
    %add3A_1349 = arith.addf %dot_general3A_1344, %add3A_1348 : vector<128x256xf32>
    %get3A_1350 = arith.constant 0 : index
    %get3A_1351 = arith.constant 0 : index
    %get3A_1352 = vector.load %arg7[%get3A_1350, %get3A_1351] : memref<256x256xf32, #tpu.memory_space<vmem>>, vector<256x256xf32>
    %dot_general3A_1353 = arith.constant dense<0.000000e+00> : vector<128x256xf32>
    %dot_general3A_1354 = tpu.matmul %add3A_1349, %get3A_1352, %dot_general3A_1353 {dimension_numbers = #tpu.dot_dimension_numbers<[1], [0], [0], [1], [0, 0, 1, 1], [], []>, transpose_lhs_hint = false} : vector<128x256xf32>, vector<256x256xf32>, vector<128x256xf32> -> vector<128x256xf32>
    %get3A_1355 = arith.constant 0 : index
    %get3A_1356 = arith.constant 0 : index
    %get3A_1357 = vector.load %arg8[%get3A_1355, %get3A_1356] : memref<1x256xf32, #tpu.memory_space<vmem>>, vector<1x256xf32>
    %add3A_1358 = vector.broadcast %get3A_1357 : vector<1x256xf32> to vector<128x256xf32>
    %add3A_1359 = arith.addf %dot_general3A_1354, %add3A_1358 : vector<128x256xf32>
    %max3A_1360 = arith.constant 0.000000e+00 : f32
    %max3A_1361 = vector.broadcast %max3A_1360 : f32 to vector<128x256xf32>
    %max3A_1362 = arith.maximumf %add3A_1359, %max3A_1361 : vector<128x256xf32>
    %get3A_1363 = arith.constant 0 : index
    %get3A_1364 = arith.constant 0 : index
    %get3A_1365 = vector.load %arg9[%get3A_1363, %get3A_1364] : memref<256x1xf32, #tpu.memory_space<vmem>>, vector<256x1xf32>
    %dot_general3A_1366 = arith.constant dense<0.000000e+00> : vector<128x1xf32>
    %dot_general3A_1367 = tpu.matmul %max3A_1362, %get3A_1365, %dot_general3A_1366 {dimension_numbers = #tpu.dot_dimension_numbers<[1], [0], [0], [1], [0, 0, 1, 1], [], []>, transpose_lhs_hint = false} : vector<128x256xf32>, vector<256x1xf32>, vector<128x1xf32> -> vector<128x1xf32>
    %get3A_1368 = arith.constant 0 : index
    %get3A_1369 = memref.load %arg10[%get3A_1368] : memref<1xf32, #tpu.memory_space<smem>>
    %add3A_1370 = vector.broadcast %get3A_1369 : f32 to vector<128x1xf32>
    %add3A_1371 = arith.addf %dot_general3A_1367, %add3A_1370 : vector<128x1xf32>
    %broadcast_in_dim3A_1372 = vector.shape_cast %add3A_1371 : vector<128x1xf32> to vector<1x128x1xf32>
    %swap3A_1373 = arith.constant 0 : index
    %swap3A_1374 = arith.constant 0 : index
    %swap3A_1375 = arith.constant 25 : index
    %swap3A_1376 = vector.load %arg11[%swap3A_1373, %swap3A_1374, %swap3A_1375] : memref<1x128x32xf32, #tpu.memory_space<vmem>>, vector<1x128x1xf32>
    tpu.vector_store %arg11[%swap3A_1373, %swap3A_1374, %swap3A_1375], %broadcast_in_dim3A_1372 {strides = array<i32>} : memref<1x128x32xf32, #tpu.memory_space<vmem>>, vector<1x128x1xf32>,
    %slice3A_1377 = vector.extract_strided_slice %get3A_4 {offsets = [26, 0], sizes = [1, 256], strides = [1, 1]} : vector<32x256xf32> to vector<1x256xf32>
    %add3A_1378 = vector.broadcast %slice3A_1377 : vector<1x256xf32> to vector<128x256xf32>
    %add3A_1379 = arith.addf %get3A_1, %add3A_1378 : vector<128x256xf32>
    %get3A_1380 = arith.constant 0 : index
    %get3A_1381 = arith.constant 0 : index
    %get3A_1382 = vector.load %arg3[%get3A_1380, %get3A_1381] : memref<256x256xf32, #tpu.memory_space<vmem>>, vector<256x256xf32>
    %dot_general3A_1383 = arith.constant dense<0.000000e+00> : vector<128x256xf32>
    %dot_general3A_1384 = tpu.matmul %add3A_1379, %get3A_1382, %dot_general3A_1383 {dimension_numbers = #tpu.dot_dimension_numbers<[1], [0], [0], [1], [0, 0, 1, 1], [], []>, transpose_lhs_hint = false} : vector<128x256xf32>, vector<256x256xf32>, vector<128x256xf32> -> vector<128x256xf32>
    %get3A_1385 = arith.constant 0 : index
    %get3A_1386 = arith.constant 0 : index
    %get3A_1387 = vector.load %arg4[%get3A_1385, %get3A_1386] : memref<1x256xf32, #tpu.memory_space<vmem>>, vector<1x256xf32>
    %add3A_1388 = vector.broadcast %get3A_1387 : vector<1x256xf32> to vector<128x256xf32>
    %add3A_1389 = arith.addf %dot_general3A_1384, %add3A_1388 : vector<128x256xf32>
    %max3A_1390 = arith.constant 0.000000e+00 : f32
    %max3A_1391 = vector.broadcast %max3A_1390 : f32 to vector<128x256xf32>
    %max3A_1392 = arith.maximumf %add3A_1389, %max3A_1391 : vector<128x256xf32>
    %get3A_1393 = arith.constant 0 : index
    %get3A_1394 = arith.constant 0 : index
    %get3A_1395 = vector.load %arg5[%get3A_1393, %get3A_1394] : memref<256x256xf32, #tpu.memory_space<vmem>>, vector<256x256xf32>
    %dot_general3A_1396 = arith.constant dense<0.000000e+00> : vector<128x256xf32>
    %dot_general3A_1397 = tpu.matmul %max3A_1392, %get3A_1395, %dot_general3A_1396 {dimension_numbers = #tpu.dot_dimension_numbers<[1], [0], [0], [1], [0, 0, 1, 1], [], []>, transpose_lhs_hint = false} : vector<128x256xf32>, vector<256x256xf32>, vector<128x256xf32> -> vector<128x256xf32>
    %get3A_1398 = arith.constant 0 : index
    %get3A_1399 = arith.constant 0 : index
    %get3A_1400 = vector.load %arg6[%get3A_1398, %get3A_1399] : memref<1x256xf32, #tpu.memory_space<vmem>>, vector<1x256xf32>
    %add3A_1401 = vector.broadcast %get3A_1400 : vector<1x256xf32> to vector<128x256xf32>
    %add3A_1402 = arith.addf %dot_general3A_1397, %add3A_1401 : vector<128x256xf32>
    %get3A_1403 = arith.constant 0 : index
    %get3A_1404 = arith.constant 0 : index
    %get3A_1405 = vector.load %arg7[%get3A_1403, %get3A_1404] : memref<256x256xf32, #tpu.memory_space<vmem>>, vector<256x256xf32>
    %dot_general3A_1406 = arith.constant dense<0.000000e+00> : vector<128x256xf32>
    %dot_general3A_1407 = tpu.matmul %add3A_1402, %get3A_1405, %dot_general3A_1406 {dimension_numbers = #tpu.dot_dimension_numbers<[1], [0], [0], [1], [0, 0, 1, 1], [], []>, transpose_lhs_hint = false} : vector<128x256xf32>, vector<256x256xf32>, vector<128x256xf32> -> vector<128x256xf32>
    %get3A_1408 = arith.constant 0 : index
    %get3A_1409 = arith.constant 0 : index
    %get3A_1410 = vector.load %arg8[%get3A_1408, %get3A_1409] : memref<1x256xf32, #tpu.memory_space<vmem>>, vector<1x256xf32>
    %add3A_1411 = vector.broadcast %get3A_1410 : vector<1x256xf32> to vector<128x256xf32>
    %add3A_1412 = arith.addf %dot_general3A_1407, %add3A_1411 : vector<128x256xf32>
    %max3A_1413 = arith.constant 0.000000e+00 : f32
    %max3A_1414 = vector.broadcast %max3A_1413 : f32 to vector<128x256xf32>
    %max3A_1415 = arith.maximumf %add3A_1412, %max3A_1414 : vector<128x256xf32>
    %get3A_1416 = arith.constant 0 : index
    %get3A_1417 = arith.constant 0 : index
    %get3A_1418 = vector.load %arg9[%get3A_1416, %get3A_1417] : memref<256x1xf32, #tpu.memory_space<vmem>>, vector<256x1xf32>
    %dot_general3A_1419 = arith.constant dense<0.000000e+00> : vector<128x1xf32>
    %dot_general3A_1420 = tpu.matmul %max3A_1415, %get3A_1418, %dot_general3A_1419 {dimension_numbers = #tpu.dot_dimension_numbers<[1], [0], [0], [1], [0, 0, 1, 1], [], []>, transpose_lhs_hint = false} : vector<128x256xf32>, vector<256x1xf32>, vector<128x1xf32> -> vector<128x1xf32>
    %get3A_1421 = arith.constant 0 : index
    %get3A_1422 = memref.load %arg10[%get3A_1421] : memref<1xf32, #tpu.memory_space<smem>>
    %add3A_1423 = vector.broadcast %get3A_1422 : f32 to vector<128x1xf32>
    %add3A_1424 = arith.addf %dot_general3A_1420, %add3A_1423 : vector<128x1xf32>
    %broadcast_in_dim3A_1425 = vector.shape_cast %add3A_1424 : vector<128x1xf32> to vector<1x128x1xf32>
    %swap3A_1426 = arith.constant 0 : index
    %swap3A_1427 = arith.constant 0 : index
    %swap3A_1428 = arith.constant 26 : index
    %swap3A_1429 = vector.load %arg11[%swap3A_1426, %swap3A_1427, %swap3A_1428] : memref<1x128x32xf32, #tpu.memory_space<vmem>>, vector<1x128x1xf32>
    tpu.vector_store %arg11[%swap3A_1426, %swap3A_1427, %swap3A_1428], %broadcast_in_dim3A_1425 {strides = array<i32>} : memref<1x128x32xf32, #tpu.memory_space<vmem>>, vector<1x128x1xf32>,
    %slice3A_1430 = vector.extract_strided_slice %get3A_4 {offsets = [27, 0], sizes = [1, 256], strides = [1, 1]} : vector<32x256xf32> to vector<1x256xf32>
    %add3A_1431 = vector.broadcast %slice3A_1430 : vector<1x256xf32> to vector<128x256xf32>
    %add3A_1432 = arith.addf %get3A_1, %add3A_1431 : vector<128x256xf32>
    %get3A_1433 = arith.constant 0 : index
    %get3A_1434 = arith.constant 0 : index
    %get3A_1435 = vector.load %arg3[%get3A_1433, %get3A_1434] : memref<256x256xf32, #tpu.memory_space<vmem>>, vector<256x256xf32>
    %dot_general3A_1436 = arith.constant dense<0.000000e+00> : vector<128x256xf32>
    %dot_general3A_1437 = tpu.matmul %add3A_1432, %get3A_1435, %dot_general3A_1436 {dimension_numbers = #tpu.dot_dimension_numbers<[1], [0], [0], [1], [0, 0, 1, 1], [], []>, transpose_lhs_hint = false} : vector<128x256xf32>, vector<256x256xf32>, vector<128x256xf32> -> vector<128x256xf32>
    %get3A_1438 = arith.constant 0 : index
    %get3A_1439 = arith.constant 0 : index
    %get3A_1440 = vector.load %arg4[%get3A_1438, %get3A_1439] : memref<1x256xf32, #tpu.memory_space<vmem>>, vector<1x256xf32>
    %add3A_1441 = vector.broadcast %get3A_1440 : vector<1x256xf32> to vector<128x256xf32>
    %add3A_1442 = arith.addf %dot_general3A_1437, %add3A_1441 : vector<128x256xf32>
    %max3A_1443 = arith.constant 0.000000e+00 : f32
    %max3A_1444 = vector.broadcast %max3A_1443 : f32 to vector<128x256xf32>
    %max3A_1445 = arith.maximumf %add3A_1442, %max3A_1444 : vector<128x256xf32>
    %get3A_1446 = arith.constant 0 : index
    %get3A_1447 = arith.constant 0 : index
    %get3A_1448 = vector.load %arg5[%get3A_1446, %get3A_1447] : memref<256x256xf32, #tpu.memory_space<vmem>>, vector<256x256xf32>
    %dot_general3A_1449 = arith.constant dense<0.000000e+00> : vector<128x256xf32>
    %dot_general3A_1450 = tpu.matmul %max3A_1445, %get3A_1448, %dot_general3A_1449 {dimension_numbers = #tpu.dot_dimension_numbers<[1], [0], [0], [1], [0, 0, 1, 1], [], []>, transpose_lhs_hint = false} : vector<128x256xf32>, vector<256x256xf32>, vector<128x256xf32> -> vector<128x256xf32>
    %get3A_1451 = arith.constant 0 : index
    %get3A_1452 = arith.constant 0 : index
    %get3A_1453 = vector.load %arg6[%get3A_1451, %get3A_1452] : memref<1x256xf32, #tpu.memory_space<vmem>>, vector<1x256xf32>
    %add3A_1454 = vector.broadcast %get3A_1453 : vector<1x256xf32> to vector<128x256xf32>
    %add3A_1455 = arith.addf %dot_general3A_1450, %add3A_1454 : vector<128x256xf32>
    %get3A_1456 = arith.constant 0 : index
    %get3A_1457 = arith.constant 0 : index
    %get3A_1458 = vector.load %arg7[%get3A_1456, %get3A_1457] : memref<256x256xf32, #tpu.memory_space<vmem>>, vector<256x256xf32>
    %dot_general3A_1459 = arith.constant dense<0.000000e+00> : vector<128x256xf32>
    %dot_general3A_1460 = tpu.matmul %add3A_1455, %get3A_1458, %dot_general3A_1459 {dimension_numbers = #tpu.dot_dimension_numbers<[1], [0], [0], [1], [0, 0, 1, 1], [], []>, transpose_lhs_hint = false} : vector<128x256xf32>, vector<256x256xf32>, vector<128x256xf32> -> vector<128x256xf32>
    %get3A_1461 = arith.constant 0 : index
    %get3A_1462 = arith.constant 0 : index
    %get3A_1463 = vector.load %arg8[%get3A_1461, %get3A_1462] : memref<1x256xf32, #tpu.memory_space<vmem>>, vector<1x256xf32>
    %add3A_1464 = vector.broadcast %get3A_1463 : vector<1x256xf32> to vector<128x256xf32>
    %add3A_1465 = arith.addf %dot_general3A_1460, %add3A_1464 : vector<128x256xf32>
    %max3A_1466 = arith.constant 0.000000e+00 : f32
    %max3A_1467 = vector.broadcast %max3A_1466 : f32 to vector<128x256xf32>
    %max3A_1468 = arith.maximumf %add3A_1465, %max3A_1467 : vector<128x256xf32>
    %get3A_1469 = arith.constant 0 : index
    %get3A_1470 = arith.constant 0 : index
    %get3A_1471 = vector.load %arg9[%get3A_1469, %get3A_1470] : memref<256x1xf32, #tpu.memory_space<vmem>>, vector<256x1xf32>
    %dot_general3A_1472 = arith.constant dense<0.000000e+00> : vector<128x1xf32>
    %dot_general3A_1473 = tpu.matmul %max3A_1468, %get3A_1471, %dot_general3A_1472 {dimension_numbers = #tpu.dot_dimension_numbers<[1], [0], [0], [1], [0, 0, 1, 1], [], []>, transpose_lhs_hint = false} : vector<128x256xf32>, vector<256x1xf32>, vector<128x1xf32> -> vector<128x1xf32>
    %get3A_1474 = arith.constant 0 : index
    %get3A_1475 = memref.load %arg10[%get3A_1474] : memref<1xf32, #tpu.memory_space<smem>>
    %add3A_1476 = vector.broadcast %get3A_1475 : f32 to vector<128x1xf32>
    %add3A_1477 = arith.addf %dot_general3A_1473, %add3A_1476 : vector<128x1xf32>
    %broadcast_in_dim3A_1478 = vector.shape_cast %add3A_1477 : vector<128x1xf32> to vector<1x128x1xf32>
    %swap3A_1479 = arith.constant 0 : index
    %swap3A_1480 = arith.constant 0 : index
    %swap3A_1481 = arith.constant 27 : index
    %swap3A_1482 = vector.load %arg11[%swap3A_1479, %swap3A_1480, %swap3A_1481] : memref<1x128x32xf32, #tpu.memory_space<vmem>>, vector<1x128x1xf32>
    tpu.vector_store %arg11[%swap3A_1479, %swap3A_1480, %swap3A_1481], %broadcast_in_dim3A_1478 {strides = array<i32>} : memref<1x128x32xf32, #tpu.memory_space<vmem>>, vector<1x128x1xf32>,
    %slice3A_1483 = vector.extract_strided_slice %get3A_4 {offsets = [28, 0], sizes = [1, 256], strides = [1, 1]} : vector<32x256xf32> to vector<1x256xf32>
    %add3A_1484 = vector.broadcast %slice3A_1483 : vector<1x256xf32> to vector<128x256xf32>
    %add3A_1485 = arith.addf %get3A_1, %add3A_1484 : vector<128x256xf32>
    %get3A_1486 = arith.constant 0 : index
    %get3A_1487 = arith.constant 0 : index
    %get3A_1488 = vector.load %arg3[%get3A_1486, %get3A_1487] : memref<256x256xf32, #tpu.memory_space<vmem>>, vector<256x256xf32>
    %dot_general3A_1489 = arith.constant dense<0.000000e+00> : vector<128x256xf32>
    %dot_general3A_1490 = tpu.matmul %add3A_1485, %get3A_1488, %dot_general3A_1489 {dimension_numbers = #tpu.dot_dimension_numbers<[1], [0], [0], [1], [0, 0, 1, 1], [], []>, transpose_lhs_hint = false} : vector<128x256xf32>, vector<256x256xf32>, vector<128x256xf32> -> vector<128x256xf32>
    %get3A_1491 = arith.constant 0 : index
    %get3A_1492 = arith.constant 0 : index
    %get3A_1493 = vector.load %arg4[%get3A_1491, %get3A_1492] : memref<1x256xf32, #tpu.memory_space<vmem>>, vector<1x256xf32>
    %add3A_1494 = vector.broadcast %get3A_1493 : vector<1x256xf32> to vector<128x256xf32>
    %add3A_1495 = arith.addf %dot_general3A_1490, %add3A_1494 : vector<128x256xf32>
    %max3A_1496 = arith.constant 0.000000e+00 : f32
    %max3A_1497 = vector.broadcast %max3A_1496 : f32 to vector<128x256xf32>
    %max3A_1498 = arith.maximumf %add3A_1495, %max3A_1497 : vector<128x256xf32>
    %get3A_1499 = arith.constant 0 : index
    %get3A_1500 = arith.constant 0 : index
    %get3A_1501 = vector.load %arg5[%get3A_1499, %get3A_1500] : memref<256x256xf32, #tpu.memory_space<vmem>>, vector<256x256xf32>
    %dot_general3A_1502 = arith.constant dense<0.000000e+00> : vector<128x256xf32>
    %dot_general3A_1503 = tpu.matmul %max3A_1498, %get3A_1501, %dot_general3A_1502 {dimension_numbers = #tpu.dot_dimension_numbers<[1], [0], [0], [1], [0, 0, 1, 1], [], []>, transpose_lhs_hint = false} : vector<128x256xf32>, vector<256x256xf32>, vector<128x256xf32> -> vector<128x256xf32>
    %get3A_1504 = arith.constant 0 : index
    %get3A_1505 = arith.constant 0 : index
    %get3A_1506 = vector.load %arg6[%get3A_1504, %get3A_1505] : memref<1x256xf32, #tpu.memory_space<vmem>>, vector<1x256xf32>
    %add3A_1507 = vector.broadcast %get3A_1506 : vector<1x256xf32> to vector<128x256xf32>
    %add3A_1508 = arith.addf %dot_general3A_1503, %add3A_1507 : vector<128x256xf32>
    %get3A_1509 = arith.constant 0 : index
    %get3A_1510 = arith.constant 0 : index
    %get3A_1511 = vector.load %arg7[%get3A_1509, %get3A_1510] : memref<256x256xf32, #tpu.memory_space<vmem>>, vector<256x256xf32>
    %dot_general3A_1512 = arith.constant dense<0.000000e+00> : vector<128x256xf32>
    %dot_general3A_1513 = tpu.matmul %add3A_1508, %get3A_1511, %dot_general3A_1512 {dimension_numbers = #tpu.dot_dimension_numbers<[1], [0], [0], [1], [0, 0, 1, 1], [], []>, transpose_lhs_hint = false} : vector<128x256xf32>, vector<256x256xf32>, vector<128x256xf32> -> vector<128x256xf32>
    %get3A_1514 = arith.constant 0 : index
    %get3A_1515 = arith.constant 0 : index
    %get3A_1516 = vector.load %arg8[%get3A_1514, %get3A_1515] : memref<1x256xf32, #tpu.memory_space<vmem>>, vector<1x256xf32>
    %add3A_1517 = vector.broadcast %get3A_1516 : vector<1x256xf32> to vector<128x256xf32>
    %add3A_1518 = arith.addf %dot_general3A_1513, %add3A_1517 : vector<128x256xf32>
    %max3A_1519 = arith.constant 0.000000e+00 : f32
    %max3A_1520 = vector.broadcast %max3A_1519 : f32 to vector<128x256xf32>
    %max3A_1521 = arith.maximumf %add3A_1518, %max3A_1520 : vector<128x256xf32>
    %get3A_1522 = arith.constant 0 : index
    %get3A_1523 = arith.constant 0 : index
    %get3A_1524 = vector.load %arg9[%get3A_1522, %get3A_1523] : memref<256x1xf32, #tpu.memory_space<vmem>>, vector<256x1xf32>
    %dot_general3A_1525 = arith.constant dense<0.000000e+00> : vector<128x1xf32>
    %dot_general3A_1526 = tpu.matmul %max3A_1521, %get3A_1524, %dot_general3A_1525 {dimension_numbers = #tpu.dot_dimension_numbers<[1], [0], [0], [1], [0, 0, 1, 1], [], []>, transpose_lhs_hint = false} : vector<128x256xf32>, vector<256x1xf32>, vector<128x1xf32> -> vector<128x1xf32>
    %get3A_1527 = arith.constant 0 : index
    %get3A_1528 = memref.load %arg10[%get3A_1527] : memref<1xf32, #tpu.memory_space<smem>>
    %add3A_1529 = vector.broadcast %get3A_1528 : f32 to vector<128x1xf32>
    %add3A_1530 = arith.addf %dot_general3A_1526, %add3A_1529 : vector<128x1xf32>
    %broadcast_in_dim3A_1531 = vector.shape_cast %add3A_1530 : vector<128x1xf32> to vector<1x128x1xf32>
    %swap3A_1532 = arith.constant 0 : index
    %swap3A_1533 = arith.constant 0 : index
    %swap3A_1534 = arith.constant 28 : index
    %swap3A_1535 = vector.load %arg11[%swap3A_1532, %swap3A_1533, %swap3A_1534] : memref<1x128x32xf32, #tpu.memory_space<vmem>>, vector<1x128x1xf32>
    tpu.vector_store %arg11[%swap3A_1532, %swap3A_1533, %swap3A_1534], %broadcast_in_dim3A_1531 {strides = array<i32>} : memref<1x128x32xf32, #tpu.memory_space<vmem>>, vector<1x128x1xf32>,
    %slice3A_1536 = vector.extract_strided_slice %get3A_4 {offsets = [29, 0], sizes = [1, 256], strides = [1, 1]} : vector<32x256xf32> to vector<1x256xf32>
    %add3A_1537 = vector.broadcast %slice3A_1536 : vector<1x256xf32> to vector<128x256xf32>
    %add3A_1538 = arith.addf %get3A_1, %add3A_1537 : vector<128x256xf32>
    %get3A_1539 = arith.constant 0 : index
    %get3A_1540 = arith.constant 0 : index
    %get3A_1541 = vector.load %arg3[%get3A_1539, %get3A_1540] : memref<256x256xf32, #tpu.memory_space<vmem>>, vector<256x256xf32>
    %dot_general3A_1542 = arith.constant dense<0.000000e+00> : vector<128x256xf32>
    %dot_general3A_1543 = tpu.matmul %add3A_1538, %get3A_1541, %dot_general3A_1542 {dimension_numbers = #tpu.dot_dimension_numbers<[1], [0], [0], [1], [0, 0, 1, 1], [], []>, transpose_lhs_hint = false} : vector<128x256xf32>, vector<256x256xf32>, vector<128x256xf32> -> vector<128x256xf32>
    %get3A_1544 = arith.constant 0 : index
    %get3A_1545 = arith.constant 0 : index
    %get3A_1546 = vector.load %arg4[%get3A_1544, %get3A_1545] : memref<1x256xf32, #tpu.memory_space<vmem>>, vector<1x256xf32>
    %add3A_1547 = vector.broadcast %get3A_1546 : vector<1x256xf32> to vector<128x256xf32>
    %add3A_1548 = arith.addf %dot_general3A_1543, %add3A_1547 : vector<128x256xf32>
    %max3A_1549 = arith.constant 0.000000e+00 : f32
    %max3A_1550 = vector.broadcast %max3A_1549 : f32 to vector<128x256xf32>
    %max3A_1551 = arith.maximumf %add3A_1548, %max3A_1550 : vector<128x256xf32>
    %get3A_1552 = arith.constant 0 : index
    %get3A_1553 = arith.constant 0 : index
    %get3A_1554 = vector.load %arg5[%get3A_1552, %get3A_1553] : memref<256x256xf32, #tpu.memory_space<vmem>>, vector<256x256xf32>
    %dot_general3A_1555 = arith.constant dense<0.000000e+00> : vector<128x256xf32>
    %dot_general3A_1556 = tpu.matmul %max3A_1551, %get3A_1554, %dot_general3A_1555 {dimension_numbers = #tpu.dot_dimension_numbers<[1], [0], [0], [1], [0, 0, 1, 1], [], []>, transpose_lhs_hint = false} : vector<128x256xf32>, vector<256x256xf32>, vector<128x256xf32> -> vector<128x256xf32>
    %get3A_1557 = arith.constant 0 : index
    %get3A_1558 = arith.constant 0 : index
    %get3A_1559 = vector.load %arg6[%get3A_1557, %get3A_1558] : memref<1x256xf32, #tpu.memory_space<vmem>>, vector<1x256xf32>
    %add3A_1560 = vector.broadcast %get3A_1559 : vector<1x256xf32> to vector<128x256xf32>
    %add3A_1561 = arith.addf %dot_general3A_1556, %add3A_1560 : vector<128x256xf32>
    %get3A_1562 = arith.constant 0 : index
    %get3A_1563 = arith.constant 0 : index
    %get3A_1564 = vector.load %arg7[%get3A_1562, %get3A_1563] : memref<256x256xf32, #tpu.memory_space<vmem>>, vector<256x256xf32>
    %dot_general3A_1565 = arith.constant dense<0.000000e+00> : vector<128x256xf32>
    %dot_general3A_1566 = tpu.matmul %add3A_1561, %get3A_1564, %dot_general3A_1565 {dimension_numbers = #tpu.dot_dimension_numbers<[1], [0], [0], [1], [0, 0, 1, 1], [], []>, transpose_lhs_hint = false} : vector<128x256xf32>, vector<256x256xf32>, vector<128x256xf32> -> vector<128x256xf32>
    %get3A_1567 = arith.constant 0 : index
    %get3A_1568 = arith.constant 0 : index
    %get3A_1569 = vector.load %arg8[%get3A_1567, %get3A_1568] : memref<1x256xf32, #tpu.memory_space<vmem>>, vector<1x256xf32>
    %add3A_1570 = vector.broadcast %get3A_1569 : vector<1x256xf32> to vector<128x256xf32>
    %add3A_1571 = arith.addf %dot_general3A_1566, %add3A_1570 : vector<128x256xf32>
    %max3A_1572 = arith.constant 0.000000e+00 : f32
    %max3A_1573 = vector.broadcast %max3A_1572 : f32 to vector<128x256xf32>
    %max3A_1574 = arith.maximumf %add3A_1571, %max3A_1573 : vector<128x256xf32>
    %get3A_1575 = arith.constant 0 : index
    %get3A_1576 = arith.constant 0 : index
    %get3A_1577 = vector.load %arg9[%get3A_1575, %get3A_1576] : memref<256x1xf32, #tpu.memory_space<vmem>>, vector<256x1xf32>
    %dot_general3A_1578 = arith.constant dense<0.000000e+00> : vector<128x1xf32>
    %dot_general3A_1579 = tpu.matmul %max3A_1574, %get3A_1577, %dot_general3A_1578 {dimension_numbers = #tpu.dot_dimension_numbers<[1], [0], [0], [1], [0, 0, 1, 1], [], []>, transpose_lhs_hint = false} : vector<128x256xf32>, vector<256x1xf32>, vector<128x1xf32> -> vector<128x1xf32>
    %get3A_1580 = arith.constant 0 : index
    %get3A_1581 = memref.load %arg10[%get3A_1580] : memref<1xf32, #tpu.memory_space<smem>>
    %add3A_1582 = vector.broadcast %get3A_1581 : f32 to vector<128x1xf32>
    %add3A_1583 = arith.addf %dot_general3A_1579, %add3A_1582 : vector<128x1xf32>
    %broadcast_in_dim3A_1584 = vector.shape_cast %add3A_1583 : vector<128x1xf32> to vector<1x128x1xf32>
    %swap3A_1585 = arith.constant 0 : index
    %swap3A_1586 = arith.constant 0 : index
    %swap3A_1587 = arith.constant 29 : index
    %swap3A_1588 = vector.load %arg11[%swap3A_1585, %swap3A_1586, %swap3A_1587] : memref<1x128x32xf32, #tpu.memory_space<vmem>>, vector<1x128x1xf32>
    tpu.vector_store %arg11[%swap3A_1585, %swap3A_1586, %swap3A_1587], %broadcast_in_dim3A_1584 {strides = array<i32>} : memref<1x128x32xf32, #tpu.memory_space<vmem>>, vector<1x128x1xf32>,
    %slice3A_1589 = vector.extract_strided_slice %get3A_4 {offsets = [30, 0], sizes = [1, 256], strides = [1, 1]} : vector<32x256xf32> to vector<1x256xf32>
    %add3A_1590 = vector.broadcast %slice3A_1589 : vector<1x256xf32> to vector<128x256xf32>
    %add3A_1591 = arith.addf %get3A_1, %add3A_1590 : vector<128x256xf32>
    %get3A_1592 = arith.constant 0 : index
    %get3A_1593 = arith.constant 0 : index
    %get3A_1594 = vector.load %arg3[%get3A_1592, %get3A_1593] : memref<256x256xf32, #tpu.memory_space<vmem>>, vector<256x256xf32>
    %dot_general3A_1595 = arith.constant dense<0.000000e+00> : vector<128x256xf32>
    %dot_general3A_1596 = tpu.matmul %add3A_1591, %get3A_1594, %dot_general3A_1595 {dimension_numbers = #tpu.dot_dimension_numbers<[1], [0], [0], [1], [0, 0, 1, 1], [], []>, transpose_lhs_hint = false} : vector<128x256xf32>, vector<256x256xf32>, vector<128x256xf32> -> vector<128x256xf32>
    %get3A_1597 = arith.constant 0 : index
    %get3A_1598 = arith.constant 0 : index
    %get3A_1599 = vector.load %arg4[%get3A_1597, %get3A_1598] : memref<1x256xf32, #tpu.memory_space<vmem>>, vector<1x256xf32>
    %add3A_1600 = vector.broadcast %get3A_1599 : vector<1x256xf32> to vector<128x256xf32>
    %add3A_1601 = arith.addf %dot_general3A_1596, %add3A_1600 : vector<128x256xf32>
    %max3A_1602 = arith.constant 0.000000e+00 : f32
    %max3A_1603 = vector.broadcast %max3A_1602 : f32 to vector<128x256xf32>
    %max3A_1604 = arith.maximumf %add3A_1601, %max3A_1603 : vector<128x256xf32>
    %get3A_1605 = arith.constant 0 : index
    %get3A_1606 = arith.constant 0 : index
    %get3A_1607 = vector.load %arg5[%get3A_1605, %get3A_1606] : memref<256x256xf32, #tpu.memory_space<vmem>>, vector<256x256xf32>
    %dot_general3A_1608 = arith.constant dense<0.000000e+00> : vector<128x256xf32>
    %dot_general3A_1609 = tpu.matmul %max3A_1604, %get3A_1607, %dot_general3A_1608 {dimension_numbers = #tpu.dot_dimension_numbers<[1], [0], [0], [1], [0, 0, 1, 1], [], []>, transpose_lhs_hint = false} : vector<128x256xf32>, vector<256x256xf32>, vector<128x256xf32> -> vector<128x256xf32>
    %get3A_1610 = arith.constant 0 : index
    %get3A_1611 = arith.constant 0 : index
    %get3A_1612 = vector.load %arg6[%get3A_1610, %get3A_1611] : memref<1x256xf32, #tpu.memory_space<vmem>>, vector<1x256xf32>
    %add3A_1613 = vector.broadcast %get3A_1612 : vector<1x256xf32> to vector<128x256xf32>
    %add3A_1614 = arith.addf %dot_general3A_1609, %add3A_1613 : vector<128x256xf32>
    %get3A_1615 = arith.constant 0 : index
    %get3A_1616 = arith.constant 0 : index
    %get3A_1617 = vector.load %arg7[%get3A_1615, %get3A_1616] : memref<256x256xf32, #tpu.memory_space<vmem>>, vector<256x256xf32>
    %dot_general3A_1618 = arith.constant dense<0.000000e+00> : vector<128x256xf32>
    %dot_general3A_1619 = tpu.matmul %add3A_1614, %get3A_1617, %dot_general3A_1618 {dimension_numbers = #tpu.dot_dimension_numbers<[1], [0], [0], [1], [0, 0, 1, 1], [], []>, transpose_lhs_hint = false} : vector<128x256xf32>, vector<256x256xf32>, vector<128x256xf32> -> vector<128x256xf32>
    %get3A_1620 = arith.constant 0 : index
    %get3A_1621 = arith.constant 0 : index
    %get3A_1622 = vector.load %arg8[%get3A_1620, %get3A_1621] : memref<1x256xf32, #tpu.memory_space<vmem>>, vector<1x256xf32>
    %add3A_1623 = vector.broadcast %get3A_1622 : vector<1x256xf32> to vector<128x256xf32>
    %add3A_1624 = arith.addf %dot_general3A_1619, %add3A_1623 : vector<128x256xf32>
    %max3A_1625 = arith.constant 0.000000e+00 : f32
    %max3A_1626 = vector.broadcast %max3A_1625 : f32 to vector<128x256xf32>
    %max3A_1627 = arith.maximumf %add3A_1624, %max3A_1626 : vector<128x256xf32>
    %get3A_1628 = arith.constant 0 : index
    %get3A_1629 = arith.constant 0 : index
    %get3A_1630 = vector.load %arg9[%get3A_1628, %get3A_1629] : memref<256x1xf32, #tpu.memory_space<vmem>>, vector<256x1xf32>
    %dot_general3A_1631 = arith.constant dense<0.000000e+00> : vector<128x1xf32>
    %dot_general3A_1632 = tpu.matmul %max3A_1627, %get3A_1630, %dot_general3A_1631 {dimension_numbers = #tpu.dot_dimension_numbers<[1], [0], [0], [1], [0, 0, 1, 1], [], []>, transpose_lhs_hint = false} : vector<128x256xf32>, vector<256x1xf32>, vector<128x1xf32> -> vector<128x1xf32>
    %get3A_1633 = arith.constant 0 : index
    %get3A_1634 = memref.load %arg10[%get3A_1633] : memref<1xf32, #tpu.memory_space<smem>>
    %add3A_1635 = vector.broadcast %get3A_1634 : f32 to vector<128x1xf32>
    %add3A_1636 = arith.addf %dot_general3A_1632, %add3A_1635 : vector<128x1xf32>
    %broadcast_in_dim3A_1637 = vector.shape_cast %add3A_1636 : vector<128x1xf32> to vector<1x128x1xf32>
    %swap3A_1638 = arith.constant 0 : index
    %swap3A_1639 = arith.constant 0 : index
    %swap3A_1640 = arith.constant 30 : index
    %swap3A_1641 = vector.load %arg11[%swap3A_1638, %swap3A_1639, %swap3A_1640] : memref<1x128x32xf32, #tpu.memory_space<vmem>>, vector<1x128x1xf32>
    tpu.vector_store %arg11[%swap3A_1638, %swap3A_1639, %swap3A_1640], %broadcast_in_dim3A_1637 {strides = array<i32>} : memref<1x128x32xf32, #tpu.memory_space<vmem>>, vector<1x128x1xf32>,
    %slice3A_1642 = vector.extract_strided_slice %get3A_4 {offsets = [31, 0], sizes = [1, 256], strides = [1, 1]} : vector<32x256xf32> to vector<1x256xf32>
    %add3A_1643 = vector.broadcast %slice3A_1642 : vector<1x256xf32> to vector<128x256xf32>
    %add3A_1644 = arith.addf %get3A_1, %add3A_1643 : vector<128x256xf32>
    %get3A_1645 = arith.constant 0 : index
    %get3A_1646 = arith.constant 0 : index
    %get3A_1647 = vector.load %arg3[%get3A_1645, %get3A_1646] : memref<256x256xf32, #tpu.memory_space<vmem>>, vector<256x256xf32>
    %dot_general3A_1648 = arith.constant dense<0.000000e+00> : vector<128x256xf32>
    %dot_general3A_1649 = tpu.matmul %add3A_1644, %get3A_1647, %dot_general3A_1648 {dimension_numbers = #tpu.dot_dimension_numbers<[1], [0], [0], [1], [0, 0, 1, 1], [], []>, transpose_lhs_hint = false} : vector<128x256xf32>, vector<256x256xf32>, vector<128x256xf32> -> vector<128x256xf32>
    %get3A_1650 = arith.constant 0 : index
    %get3A_1651 = arith.constant 0 : index
    %get3A_1652 = vector.load %arg4[%get3A_1650, %get3A_1651] : memref<1x256xf32, #tpu.memory_space<vmem>>, vector<1x256xf32>
    %add3A_1653 = vector.broadcast %get3A_1652 : vector<1x256xf32> to vector<128x256xf32>
    %add3A_1654 = arith.addf %dot_general3A_1649, %add3A_1653 : vector<128x256xf32>
    %max3A_1655 = arith.constant 0.000000e+00 : f32
    %max3A_1656 = vector.broadcast %max3A_1655 : f32 to vector<128x256xf32>
    %max3A_1657 = arith.maximumf %add3A_1654, %max3A_1656 : vector<128x256xf32>
    %get3A_1658 = arith.constant 0 : index
    %get3A_1659 = arith.constant 0 : index
    %get3A_1660 = vector.load %arg5[%get3A_1658, %get3A_1659] : memref<256x256xf32, #tpu.memory_space<vmem>>, vector<256x256xf32>
    %dot_general3A_1661 = arith.constant dense<0.000000e+00> : vector<128x256xf32>
    %dot_general3A_1662 = tpu.matmul %max3A_1657, %get3A_1660, %dot_general3A_1661 {dimension_numbers = #tpu.dot_dimension_numbers<[1], [0], [0], [1], [0, 0, 1, 1], [], []>, transpose_lhs_hint = false} : vector<128x256xf32>, vector<256x256xf32>, vector<128x256xf32> -> vector<128x256xf32>
    %get3A_1663 = arith.constant 0 : index
    %get3A_1664 = arith.constant 0 : index
    %get3A_1665 = vector.load %arg6[%get3A_1663, %get3A_1664] : memref<1x256xf32, #tpu.memory_space<vmem>>, vector<1x256xf32>
    %add3A_1666 = vector.broadcast %get3A_1665 : vector<1x256xf32> to vector<128x256xf32>
    %add3A_1667 = arith.addf %dot_general3A_1662, %add3A_1666 : vector<128x256xf32>
    %get3A_1668 = arith.constant 0 : index
    %get3A_1669 = arith.constant 0 : index
    %get3A_1670 = vector.load %arg7[%get3A_1668, %get3A_1669] : memref<256x256xf32, #tpu.memory_space<vmem>>, vector<256x256xf32>
    %dot_general3A_1671 = arith.constant dense<0.000000e+00> : vector<128x256xf32>
    %dot_general3A_1672 = tpu.matmul %add3A_1667, %get3A_1670, %dot_general3A_1671 {dimension_numbers = #tpu.dot_dimension_numbers<[1], [0], [0], [1], [0, 0, 1, 1], [], []>, transpose_lhs_hint = false} : vector<128x256xf32>, vector<256x256xf32>, vector<128x256xf32> -> vector<128x256xf32>
    %get3A_1673 = arith.constant 0 : index
    %get3A_1674 = arith.constant 0 : index
    %get3A_1675 = vector.load %arg8[%get3A_1673, %get3A_1674] : memref<1x256xf32, #tpu.memory_space<vmem>>, vector<1x256xf32>
    %add3A_1676 = vector.broadcast %get3A_1675 : vector<1x256xf32> to vector<128x256xf32>
    %add3A_1677 = arith.addf %dot_general3A_1672, %add3A_1676 : vector<128x256xf32>
    %max3A_1678 = arith.constant 0.000000e+00 : f32
    %max3A_1679 = vector.broadcast %max3A_1678 : f32 to vector<128x256xf32>
    %max3A_1680 = arith.maximumf %add3A_1677, %max3A_1679 : vector<128x256xf32>
    %get3A_1681 = arith.constant 0 : index
    %get3A_1682 = arith.constant 0 : index
    %get3A_1683 = vector.load %arg9[%get3A_1681, %get3A_1682] : memref<256x1xf32, #tpu.memory_space<vmem>>, vector<256x1xf32>
    %dot_general3A_1684 = arith.constant dense<0.000000e+00> : vector<128x1xf32>
    %dot_general3A_1685 = tpu.matmul %max3A_1680, %get3A_1683, %dot_general3A_1684 {dimension_numbers = #tpu.dot_dimension_numbers<[1], [0], [0], [1], [0, 0, 1, 1], [], []>, transpose_lhs_hint = false} : vector<128x256xf32>, vector<256x1xf32>, vector<128x1xf32> -> vector<128x1xf32>
    %get3A_1686 = arith.constant 0 : index
    %get3A_1687 = memref.load %arg10[%get3A_1686] : memref<1xf32, #tpu.memory_space<smem>>
    %add3A_1688 = vector.broadcast %get3A_1687 : f32 to vector<128x1xf32>
    %add3A_1689 = arith.addf %dot_general3A_1685, %add3A_1688 : vector<128x1xf32>
    %broadcast_in_dim3A_1690 = vector.shape_cast %add3A_1689 : vector<128x1xf32> to vector<1x128x1xf32>
    %swap3A_1691 = arith.constant 0 : index
    %swap3A_1692 = arith.constant 0 : index
    %swap3A_1693 = arith.constant 31 : index
    %swap3A_1694 = vector.load %arg11[%swap3A_1691, %swap3A_1692, %swap3A_1693] : memref<1x128x32xf32, #tpu.memory_space<vmem>>, vector<1x128x1xf32>
    tpu.vector_store %arg11[%swap3A_1691, %swap3A_1692, %swap3A_1693], %broadcast_in_dim3A_1690 {strides = array<i32>} : memref<1x128x32xf32, #tpu.memory_space<vmem>>, vector<1x128x1xf32>,
    return
  }
  func.func @transform_0(%arg0: i32) -> (i32, i32) {
    %c0_i32 = arith.constant 0 : i32
    %c0_i32_0 = arith.constant 0 : i32
    return %arg0, %c0_i32 : i32, i32
  }
  func.func @transform_1(%arg0: i32) -> (i32, i32) {
    %c0_i32 = arith.constant 0 : i32
    %c0_i32_0 = arith.constant 0 : i32
    return %arg0, %c0_i32 : i32, i32
  }
  func.func @transform_2(%arg0: i32) -> (i32, i32) {
    %c0_i32 = arith.constant 0 : i32
    %c0_i32_0 = arith.constant 0 : i32
    %c0_i32_1 = arith.constant 0 : i32
    return %c0_i32, %c0_i32_0 : i32, i32
  }
  func.func @transform_3(%arg0: i32) -> (i32, i32) {
    %c0_i32 = arith.constant 0 : i32
    %c0_i32_0 = arith.constant 0 : i32
    %c0_i32_1 = arith.constant 0 : i32
    return %c0_i32, %c0_i32_0 : i32, i32
  }
  func.func @transform_4(%arg0: i32) -> (i32, i32) {
    %c0_i32 = arith.constant 0 : i32
    %c0_i32_0 = arith.constant 0 : i32
    %c0_i32_1 = arith.constant 0 : i32
    return %c0_i32, %c0_i32_0 : i32, i32
  }
  func.func @transform_5(%arg0: i32) -> (i32, i32) {
    %c0_i32 = arith.constant 0 : i32
    %c0_i32_0 = arith.constant 0 : i32
    %c0_i32_1 = arith.constant 0 : i32
    return %c0_i32, %c0_i32_0 : i32, i32
  }
  func.func @transform_6(%arg0: i32) -> (i32, i32) {
    %c0_i32 = arith.constant 0 : i32
    %c0_i32_0 = arith.constant 0 : i32
    %c0_i32_1 = arith.constant 0 : i32
    return %c0_i32, %c0_i32_0 : i32, i32
  }
  func.func @transform_7(%arg0: i32) -> (i32, i32) {
    %c0_i32 = arith.constant 0 : i32
    %c0_i32_0 = arith.constant 0 : i32
    %c0_i32_1 = arith.constant 0 : i32
    return %c0_i32, %c0_i32_0 : i32, i32
  }
  func.func @transform_8(%arg0: i32) -> (i32, i32) {
    %c0_i32 = arith.constant 0 : i32
    %c0_i32_0 = arith.constant 0 : i32
    %c0_i32_1 = arith.constant 0 : i32
    return %c0_i32, %c0_i32_0 : i32, i32
  }
  func.func @transform_9(%arg0: i32) -> i32 {
    %c0_i32 = arith.constant 0 : i32
    %c0_i32_0 = arith.constant 0 : i32
    return %c0_i32 : i32
  }
  func.func @transform_10(%arg0: i32) -> (i32, i32, i32) {
    %c0_i32 = arith.constant 0 : i32
    %c0_i32_0 = arith.constant 0 : i32
    %c0_i32_1 = arith.constant 0 : i32
    return %arg0, %c0_i32, %c0_i32_0 : i32, i32, i32
  }
}

</mosaic_0001>

<sc_bundles>
// kernel: kernel.7.cloned.1.call-start
scs
__scs_entry_jumppad:
0x0: {  	(pc) =	sbr.rel $0x88, $3  }
0x1: {  	(tag) =	ssettag $0x0;
	lr =	simm.s32 $0x1  }
0x2: {  	[smem:$0x3F65] =	sst lr;
	_ =	strace $0xD0000000  }
0x3: {  	_ = 	snop  }
0x4: {  	_ = 	snop  }
0x5: {  	_ = 	snop  }
0x6: {  	_ = 	snop  }
0x7: {  	_ = 	snop  }
__scs_overlays_trampoline_lowered:
0x8: {  	[smem:$0x3F74] =	sst s0  }
0x9: {  	[smem:$0x3F75] =	sst s1  }
0xa: {  	[smem:$0x3F76] =	sst s2  }
0xb: {  	[smem:$0x3F77] =	sst s3  }
0xc: {  	[smem:$0x3F78] =	sst s4  }
0xd: {  	[smem:$0x3F79] =	sst s5  }
0xe: {  	[smem:$0x3F7A] =	sst s6  }
0xf: {  	[smem:$0x3F7B] =	sst s7  }
0x10: {  	[smem:$0x3F7C] =	sst s8  }
0x11: {  	[smem:$0x3F7D] =	sst s9;
	s0 =	simm.s32 @!p0 $0x0  }
0x12: {  	s1 =	sld [smem:$0x3F63];
	s0 =	simm.s32 @p0 $0x1  }
0x13: {  	[smem:$0x3F7E] =	sst s0;
	s0 =	simm.s32 @!p1 $0x0  }
0x14: {  	s2 =	sld [smem:$0x3F62];
	s0 =	simm.s32 @p1 $0x1  }
0x15: {  	[smem:$0x3F7F] =	sst s0;
	s0 =	simm.s32 @!p2 $0x0  }
0x16: {  	s3 =	sld [smem:$0x3FDB];
	s0 =	simm.s32 @p2 $0x1  }
0x17: {  	s4 =	simm.s32 $0x1BF5;
	[smem:$0x3F81] =	sst s0  }
0x18: {  	s0 =	sld [smem:$0x3F64];
	_ =	swait.ge [sflag:s4], $0x0  }
0x19: {  	s7 =	sld [smem:$0x3F65]  }
0x1a: {  	s8 =	sadd.s32 $0xFFFFE003, lr  }
0x1b: {  	s9 =	sadd.s32 $0xFFFFFEF7, lr;
	s5 =	simm.s32 $0xFFFFFFFF;
	p2 =	slt.u32 s8, $0xFFFFF086  }
0x1c: {  	p1 =	slt.u32 s9, $0xF7A;
	s5 =	simm.s32 @!p2 $0x0  }
0x1d: {  	s5 =	simm.s32 @p1 $0x1;
	p0 =	seq.s32 s7, s2  }
0x1e: {  	s7 =	smul.u32 @!p0 $0xF7A, s2;
	p2 =	seq.s32 @!p0 s5, $0x0  }
0x1f: {  	s9 =	smul.u32 $0xF7A, s1;
	s8 =	simm.s32 @!p0 $0x1BF5;
	p2 =	por !p2, p0  }
0x20: {  	[sflag:s8] =	ssyncset.s32 @!p0 $0xFFFFF086;
	s6 =	sadd.s32 @!p0 s3, s7;
	s7 =	simm.s32 @!p0 $0x108  }
0x21: {  	s3 =	sadd.s32 s3, s9;
	s6 =	sadd.s32 @!p0 $0x88, s6;
	s7 =	simm.s32 @p2 $0x1082  }
0x22: {  	[simem:s7], [sflag:s8] =	dma.local @!p0 [hbm:s6], $0xF7A  }
0x23: {  	s9 =	sor.u32 $0xD0000000, s2;
	s6 =	simm.s32 $0x108;
	_ =	swait.ge @!p0 [sflag:s8], $0x0  }
0x24: {  	s3 =	sadd.s32 $0x88, s3;
	s6 =	simm.s32 @!p1 $0x1082;
	[sflag:s4] =	ssyncset.s32 $0xFFFFF086  }
0x25: {  	[simem:s6], [sflag:s4] =	dma.local [hbm:s3], $0xF7A  }
0x26: {  	[smem:$0x3F65] =	sst s1;
	(tag) =	ssettag s2;
	_ =	strace s9  }
0x27: {  	s1 =	sld [smem:$0x3F75]  }
0x28: {  	s2 =	sld [smem:$0x3F76]  }
0x29: {  	s4 =	sld [smem:$0x3F78]  }
0x2a: {  	p0 =	seq.s32 s5, $0x0;
	s5 =	sld [smem:$0x3F79]  }
0x2b: {  	s6 =	sld [smem:$0x3F7A]  }
0x2c: {  	s7 =	sld [smem:$0x3F7B]  }
0x2d: {  	s3 =	simm.s32 $0x108;
	s8 =	sld [smem:$0x3F7C]  }
0x2e: {  	s3 =	simm.s32 @!p0 $0x1082;
	s9 =	sld [smem:$0x3F7D]  }
0x2f: {  	lr =	sadd.s32 s0, s3;
	s0 =	sld [smem:$0x3F74]  }
0x30: {  	s3 =	sld [smem:$0x3F77]  }
0x31: {  	[smem:$0x3F80] =	sst s10  }
0x32: {  	s10 =	sld [smem:$0x3F7E];
	_ =	sdelay $0x3  }
0x33: {  	p0 =	seq.s32 s10, $0x1;
	s10 =	sld [smem:$0x3F80];
	_ =	sdelay $0x3  }
0x34: {  	[smem:$0x3F80] =	sst s10  }
0x35: {  	s10 =	sld [smem:$0x3F7F];
	_ =	sdelay $0x3  }
0x36: {  	p1 =	seq.s32 s10, $0x1;
	s10 =	sld [smem:$0x3F80];
	_ =	sdelay $0x3  }
0x37: {  	[smem:$0x3F80] =	sst s10  }
0x38: {  	s10 =	sld [smem:$0x3F81]  }
0x39: {  	_ = 	snop;
	(pc) =	sbr.ind lr, $3  }
0x3a: {  	_ = 	snop  }
0x3b: {  	_ = 	snop  }
0x3c: {  	p2 =	seq.s32 s10, $0x1;
	s10 =	sld [smem:$0x3F80]  }
0x3d: {  	_ =	shalt  }
0x3e: {  	_ =	shalt  }
0x3f: {  	_ =	shalt  }
0x40: {  	_ =	shalt  }
0x41: {  	_ =	shalt  }
0x42: {  	_ =	shalt  }
0x43: {  	_ =	shalt  }
0x44: {  	_ =	shalt  }
0x45: {  	_ =	shalt  }
0x46: {  	_ =	shalt  }
0x47: {  	_ =	shalt  }
0x48: {  	_ =	shalt  }
0x49: {  	_ =	shalt  }
0x4a: {  	_ =	shalt  }
0x4b: {  	_ =	shalt  }
0x4c: {  	_ =	shalt  }
0x4d: {  	_ =	shalt  }
0x4e: {  	_ =	shalt  }
0x4f: {  	_ =	shalt  }
0x50: {  	_ =	shalt  }
0x51: {  	_ =	shalt  }
0x52: {  	_ =	shalt  }
0x53: {  	_ =	shalt  }
0x54: {  	_ =	shalt  }
0x55: {  	_ =	shalt  }
0x56: {  	_ =	shalt  }
0x57: {  	_ =	shalt  }
0x58: {  	_ =	shalt  }
0x59: {  	_ =	shalt  }
0x5a: {  	_ =	shalt  }
0x5b: {  	_ =	shalt  }
0x5c: {  	_ =	shalt  }
0x5d: {  	_ =	shalt  }
0x5e: {  	_ =	shalt  }
0x5f: {  	_ =	shalt  }
0x60: {  	_ =	shalt  }
0x61: {  	_ =	shalt  }
0x62: {  	_ =	shalt  }
0x63: {  	_ =	shalt  }
0x64: {  	_ =	shalt  }
0x65: {  	_ =	shalt  }
0x66: {  	_ =	shalt  }
0x67: {  	_ =	shalt  }
0x68: {  	_ =	shalt  }
0x69: {  	_ =	shalt  }
0x6a: {  	_ =	shalt  }
0x6b: {  	_ =	shalt  }
0x6c: {  	_ =	shalt  }
0x6d: {  	_ =	shalt  }
0x6e: {  	_ =	shalt  }
0x6f: {  	_ =	shalt  }
0x70: {  	_ =	shalt  }
0x71: {  	_ =	shalt  }
0x72: {  	_ =	shalt  }
0x73: {  	_ =	shalt  }
0x74: {  	_ =	shalt  }
0x75: {  	_ =	shalt  }
0x76: {  	_ =	shalt  }
0x77: {  	_ =	shalt  }
0x78: {  	_ =	shalt  }
0x79: {  	_ =	shalt  }
0x7a: {  	_ =	shalt  }
0x7b: {  	_ =	shalt  }
0x7c: {  	_ =	shalt  }
0x7d: {  	_ =	shalt  }
0x7e: {  	_ =	shalt  }
0x7f: {  	_ =	shalt  }
0x80: {  	_ =	shalt  }
0x81: {  	_ =	shalt  }
0x82: {  	_ =	shalt  }
0x83: {  	_ =	shalt  }
0x84: {  	_ =	shalt  }
0x85: {  	_ =	shalt  }
0x86: {  	_ =	shalt  }
0x87: {  	_ =	shalt  }
.Lfunc_end0:
.L_simem_size_0:
called_computation_lowered:
.L_overlay_start_0:
0x88: {  	s2 =	sld [smem:$0x3FD9]  }
0x89: {  	s3 =	sld [smem:$0x3FFE];
	_ =	sdelay $0x1  }
0x8a: {  	s1 =	srdreg.scid  }
0x8b: {  	s0 =	sand.u32 $0x1, s1  }
0x8c: {  	s14 =	sshll.u32 s0, $0xA;
	s2 =	sadd.s32 s3, s2  }
0x8d: {  	s2 =	sadd.s32 s2, s14  }
0x8e: {  	[smem:$0x3F8C] =	sst s2  }
0x8f: {  	_ = 	snop  }
0x90: {  	s2 =	sld [smem:$0x3FD0];
	_ =	sdelay $0x2  }
0x91: {  	s15 =	simm.s32 $0xA;
	s4 =	simm.s32 $0x10  }
0x92: {  	[smem:s4], [sflag:s15] =	dma.local [hbm:s2], $0x1  }
0x93: {  	_ =	swait.eq [sflag:s15], $0x1  }
0x94: {  	s16 =	sld [smem:$0x10];
	[sflag:s15] =	ssyncset.done $0x0  }
0x95: {  	s17 =	sld [smem:$0x11];
	[sflag:s15] =	ssyncadd.s32 $0xFFFFFFFF  }
0x96: {  	s18 =	sld [smem:$0x12];
	(tm) =	ssettm $0x1  }
0x97: {  	s5 =	sld [smem:$0x3FFB];
	_ =	sdelay $0x3  }
0x98: {  	_ =	strace s5  }
0x99: {  	s5 =	sld [smem:$0x3FFC];
	_ =	sdelay $0x3  }
0x9a: {  	_ =	strace s5  }
0x9b: {  	s5 =	sld [smem:$0x3FFD];
	_ =	sdelay $0x3  }
0x9c: {  	_ =	strace s5  }
0x9d: {  	_ =	strace $0x8FFFFFFF  }
0x9e: {  	s19 =	sld [smem:$0x3FDB];
	_ =	sdelay $0x1  }
0x9f: {  	s6 =	simm.s32 $_scs_section_size  }
0xa0: {  	s7 =	simm.s32 $_size__tile_overlayer_lowered;
	s8 =	simm.s32 $_tile_overlayer_lowered  }
0xa1: {  	s22 =	simm.s32 $0x1BFF;
	s21 =	sshll.u32 s8, $0x1;
	s5 =	sadd.s32 s6, s19  }
0xa2: {  	s9 =	simm.s32 $0x0;
	s20 =	sshll.u32 s7, $0x1;
	s7 =	sadd.s32 s21, s5  }
0xa3: {  	[timem:s9], [sflag:s22] =	dma.local [hbm:s7], s20  }
0xa4: {  	_ =	swait.ge [sflag:s22], s20  }
0xa5: {  	s6 =	ssub.s32 $0x0, s20;
	[sflag:s22] =	ssyncset.done $0x0  }
0xa6: {  	[sflag:s22] =	ssyncadd.s32 s6;
	_ =	sdelay $0x1  }
0xa7: {  	s23 =	simm.s32 $0x1B8B  }
0xa8: {  	_ =	swait.ge [sflag:s23], $0x1  }
0xa9: {  	[sflag:s23] =	ssyncset.done $0x0  }
0xaa: {  	s25 =	simm.s32 $0x1B8E;
	s24 =	sld [smem:$0x3FFE];
	[sflag:s23] =	ssyncadd.s32 $0xFFFFFFFF  }
0xab: {  	s26 =	simm.s32 $execute0_lowered;
	[smem:$0x3FD2] =	sst s25  }
0xac: {  	s7 =	sshll.u32 s26, $0x1;
	_ =	strace $0x80000046;
	[dreg:$0x1] =	wrdreg $0xFFFFFFFF  }
0xad: {  	s28 =	simm.s32 $_size_execute0_lowered;
	s5 =	sadd.s32 s5, s7;
	[dreg:$0x0] =	wrdreg $0x0  }
0xae: {  	s7 =	sshll.u32 s28, $0x1;
	[dreg:$0x2] =	wrdreg s5  }
0xaf: {  	[dreg:$0x3] =	wrdreg s7  }
0xb0: {  	[dreg:$0x4] =	wrdreg $0xC0  }
0xb1: {  	_ =	task [dreg:s9], $0x5FFFF  }
0xb2: {  	[dreg:$0x1] =	wrdreg $0xFFFFFFFF  }
0xb3: {  	[dreg:$0x0] =	wrdreg $0x60  }
0xb4: {  	[dreg:$0x2] =	wrdreg s24  }
0xb5: {  	[dreg:$0x3] =	wrdreg s16  }
0xb6: {  	[dreg:$0x4] =	wrdreg s17  }
0xb7: {  	[dreg:$0x5] =	wrdreg s18  }
0xb8: {  	[dreg:$0x6] =	wrdreg $0x9  }
0xb9: {  	_ =	task.clear_ibuf [dreg:s9], $0x7FFFF;
	_ =	strace $0x90000046  }
0xba: {  	s29 =	simm.s32 $0x9;
	_ =	strace $0x80000048  }
0xbb: {  	_ =	swait.ge [sflag:s29], $0x1  }
0xbc: {  	[sflag:s29] =	ssyncadd.s32 $0xFFFFFFFF  }
0xbd: {  	_ =	strace $0x90000048  }
0xbe: {  	_ =	sfence  }
0xbf: {  	s30 =	sld [smem:$0x0];
	_ =	sdelay $0x2  }
0xc0: {  	s31 =	sshll.u32 s1, $0xD;
	s1 =	sshrl.u32 s1, $0x2  }
0xc1: {  	s3 =	sand.u32 $0x4000, s31;
	s1 =	sadd.s32 s1, s30  }
0xc2: {  	s0 =	sor.u32 s3, s0;
	s1 =	sshll.u32 s1, $0x11  }
0xc3: {  	s0 =	sor.u32 s1, s0  }
0xc4: {  	s0 =	sadd.s32 $0x8F2B, s0  }
0xc5: {  	[sflag:s0] =	ssyncadd.remote.s32 $0x1  }
0xc6: {  	_ =	sfence.sel $0xFFFF  }
0xc7: {  	[dreg:$0x0] =	wrdreg $0xFFFFFFFF;
	(pc) =	sbr.abs _section_cstart, $3  }
0xc8: {  	[dreg:$0x1] =	wrdreg $0xFFFFFFFF  }
0xc9: {  	_ =	task.clear_ibuf [dreg:s9], $0x2FFFF;
	_ =	strace $0x9FFFFFFF  }
0xca: {  	(tm) =	ssettm $0x7FFFFFFF  }
0xcb: {  	_ =	shalt  }
tec
execute0_lowered:
.L_overlay_start_1:
0x0: {  	(tag) =	ssettag $0x1  }
0x1: {  	s4 =	stileid.u32  }
0x2: {  	p0 =	sgt.u32 s4, $0x3  }
.Ltmp0:
0x3: {  	_ = 	snop;
	(pc) =	sbr.rel @p0 .LBB2_9-.Ltmp0, $4  }
0x4: {  	s2 =	rddreg [dreg:$0x0]  }
0x5: {  	s0 =	rddreg [dreg:$0x2];
	s3 =	simm.s32 $0x0  }
0x6: {  	[smem:$0x7FF] =	sst s3  }
0x7: {  	s1 =	rddreg [dreg:$0x3];
	_ =	strace $0x80000047  }
0x8: {  	s6 =	sadd.s32 $0x10C00, s2;
	v0 =	vimm.s32 $0xFEDCBA98;
	s7 =	sadd.s32 $0x14C00, s2;
	s25 =	sadd.s32 $0x15000, s2  }
0x9: {  	s4 =	srdreg.scid;
	s24 =	stileid.u32;
	v1 =	vimm.s32 $0x76543210;
	v3 =	vimm.s32 $0xBA987654;
	v4 =	vimm.s32 $0x10FEDCBA  }
0xa: {  	v5 =	vimm.s32 $0x98765432;
	v6 =	vimm.s32 $0xFEDCBA9;
	s16 =	simm.s32 $0x80;
	s17 =	simm.s32 $0x400;
	s18 =	simm.s32 $0x3  }
0xb: {  	v7 =	vimm.s32 $0x87654321;
	s20 =	simm.s32 $0x8000;
	s21 =	simm.s32 $0xA000;
	s22 =	simm.s32 $0x6000;
	vm0 =	vmmov $0xffff  }
0xc: {  	s23 =	simm.s32 $0x10380;
	s28 =	simm.s32 $0xC380;
	[dreg:$0x5] =	wrdreg s7;
	v0 =	vunpack.c.l.s4.s8 v0;
	v1 =	vunpack.c.l.s4.s8 v1;
	v3 =	vunpack.c.l.s4.s8 v3  }
0xd: {  	s5 =	sand.u32 $0x1, s4;
	s4 =	sshll.u32 s24, $0x1;
	[dreg:$0x6] =	wrdreg s25;
	v4 =	vunpack.c.l.s4.s8 v4;
	v5 =	vunpack.c.l.s4.s8 v5;
	v6 =	vunpack.c.l.s4.s8 v6  }
0xe: {  	v7 =	vunpack.c.l.s4.s8 v7;
	s24 =	simm.s32 $0x10400;
	s25 =	simm.s32 $0xC000;
	s10 =	sor.u32 s5, s4;
	v2 =	vunpack.c.0.s8.s32 v0;
	v0 =	vimm.s32 $0x3210FEDC  }
0xf: {  	s4 =	sadd.s32 $0x8C00, s2;
	s5 =	ssub.s32 $0x2, s5;
	s14 =	sshll.u32 s10, $0x4;
	v3 =	vunpack.c.0.s8.s32 v3;
	v4 =	vunpack.c.0.s8.s32 v4;
	v5 =	vunpack.c.0.s8.s32 v5  }
0x10: {  	s11 =	sshll.u32 s10, $0xA;
	s19 =	sshll.u32 s10, $0x7;
	s30 =	sshrl.u32 s5, $0x1;
	v9 =	vunpack.c.0.s8.s32 v1;
	v1 =	vlaneseq.u32;
	v0 =	vunpack.c.l.s4.s8 v0  }
0x11: {  	v6 =	vunpack.c.0.s8.s32 v6;
	v7 =	vunpack.c.0.s8.s32 v7;
	s9 =	sadd.s32 s14, s2;
	s29 =	sadd.s32 s11, s2;
	s12 =	sadd.s32 s0, s14;
	v10 =	vor.u32 $0x8, v1  }
0x12: {  	s13 =	sadd.s32 s1, s14;
	s31 =	ssub.s32 s5, s30;
	s14 =	sadd.s32 s6, s14;
	v2 =	vand.u32 $0xF, v2;
	v4 =	vcombine.low v5, v4;
	v8 =	vunpack.c.0.s8.s32 v0  }
0x13: {  	s0 =	simm.s32 $0xE380;
	s2 =	simm.s32 $0x1;
	s1 =	simm.s32 $0x2;
	v5 =	vcombine.low v7, v6;
	v6 =	vimm.f32 $-3.000000010e+38;
	v7 =	vimm.s32 $0x0  }
0x14: {  	s26 =	sadd.s32 $0x19600, s9;
	s8 =	sadd.s32 $0x19800, s9;
	s9 =	sadd.s32 $0x15400, s9;
	v0 =	vmov s19;
	v2 =	vcombine.low v2, v9;
	v3 =	vcombine.low v3, v8  }
0x15: {  	s10 =	sadd.s32 $0x15600, s29;
	s11 =	sadd.s32 $0x17600, s29;
	s15 =	smax.u32 s31, $0x1;
	v9 =	vshrl.u32 v1, $0x3;
	v4 =	vand.u32 $0xF, v4;
	v5 =	vand.u32 $0xF, v5  }
0x16: {  	[dreg:$0x7] =	wrdreg s26;
	s26 =	simm.s32 $0xC080;
	s19 =	simm.s32 $0x0;
	v9 =	vmul.u32 $0x8, v9;
	v8 =	vand.u32 $0x7, v1;
	v3 =	vand.u32 $0xF, v3  }
.LBB2_2:
0x17: {  	[tilespmem:s3], [sflag:$0x3] =	stream.strided.gather [hbm4b:s14+s16], $0x4000, s17, s16, $0x38;
	[tilespmem:$0x10480] =	vst v63  }
0x18: {  	_ =	swait.ge [sflag:s18], $0x4000  }
0x19: {  	[sflag:s18] =	ssyncset.done $0x0  }
0x1a: {  	[sflag:s18] =	ssyncadd.s32 $0xFFFFC000  }
0x1b: {  	s6 =	simm.s32 $0x4000;
	s5 =	rddreg [dreg:$0x1]  }
0x1c: {  	[tilespmem:s6], [sflag:$0x3] =	stream.linear.gather [hbm4b:s5+s3], $0x2000, $0x38;
	[tilespmem:$0x10480] =	vst v63  }
0x1d: {  	_ =	swait.ge [sflag:s18], $0x2000  }
0x1e: {  	[sflag:s18] =	ssyncset.done $0x0  }
0x1f: {  	s30 =	rddreg [dreg:$0x5];
	[sflag:s18] =	ssyncadd.s32 $0xFFFFE000  }
0x20: {  	[tilespmem:s20], [sflag:$0x3] =	stream.linear.gather [hbm4b:s30+s3], $0x2000, $0x38;
	[tilespmem:$0x10480] =	vst v63  }
0x21: {  	_ =	swait.ge [sflag:s18], $0x2000  }
0x22: {  	[sflag:s18] =	ssyncset.done $0x0  }
0x23: {  	s31 =	rddreg [dreg:$0x6];
	[sflag:s18] =	ssyncadd.s32 $0xFFFFE000  }
0x24: {  	[tilespmem:s21], [sflag:$0x3] =	stream.linear.gather [hbm4b:s31+s3], $0x2000, $0x38;
	[tilespmem:$0x10480] =	vst v63  }
0x25: {  	_ =	swait.ge [sflag:s18], $0x2000  }
0x26: {  	s29 =	simm.s32 $0x4020;
	[sflag:s18] =	ssyncset.done $0x0  }
0x27: {  	s5 =	simm.s32 $0xFFFFFFFC;
	s6 =	simm.s32 $0x6020;
	[sflag:s18] =	ssyncadd.s32 $0xFFFFE000  }
.LBB2_3:
0x28: {  	v11 =	vld [tilespmem:s29+$0xFFFFFFE0];
	_ =	sdelay $0x7  }
0x29: {  	v11 =	vld.idx.msk [tilespmem:v11+s3+$0x0], $0xffff;
	_ =	sdelay $0x4  }
0x2a: {  	[tilespmem:s6+$0xFFFFFFE0] =	vst v11  }
0x2b: {  	v11 =	vld [tilespmem:s29+$0xFFFFFFF0];
	_ =	sdelay $0x7  }
0x2c: {  	v11 =	vld.idx.msk [tilespmem:v11+s3+$0x0], $0xffff;
	_ =	sdelay $0x4  }
0x2d: {  	[tilespmem:s6+$0xFFFFFFF0] =	vst v11  }
0x2e: {  	v11 =	vld [tilespmem:s29+$0x0];
	_ =	sdelay $0x7  }
0x2f: {  	v11 =	vld.idx.msk [tilespmem:v11+s3+$0x0], $0xffff;
	_ =	sdelay $0x4  }
0x30: {  	[tilespmem:s6+$0x0] =	vst v11  }
0x31: {  	v11 =	vld [tilespmem:s29+$0x10];
	_ =	sdelay $0x6  }
0x32: {  	s5 =	sadd.s32 $0x4, s5  }
0x33: {  	p0 =	slt.u32 s5, $0x1F8;
	v11 =	vld.idx.msk [tilespmem:v11+s3+$0x0], $0xffff  }
.Ltmp1:
0x34: {  	_ = 	snop;
	(pc) =	sbr.rel @p0 .LBB2_3-.Ltmp1, $2  }
0x35: {  	_ =	sdelay $0x2  }
0x36: {  	s29 =	sadd.s32 $0x40, s29;
	[tilespmem:s6+$0x10] =	vst v11;
	s6 =	sadd.s32 $0x40, s6  }
0x37: {  	[hbm4b:s12+s16] =	stream.strided.scatter [tilespmem:s22], [sflag:$0x3], $0x2000, s17, s16, $0x38;
	[tilespmem:$0x10480] =	vst v63  }
0x38: {  	_ =	swait.ge [sflag:s18], $0x2000  }
0x39: {  	[sflag:s18] =	ssyncset.done $0x0  }
0x3a: {  	s29 =	simm.s32 $0x0;
	s30 =	simm.s32 $0x0;
	[sflag:s18] =	ssyncadd.s32 $0xFFFFE000  }
.LBB2_5:
0x3b: {  	s6 =	simm.s32 $0x6020  }
0x3c: {  	v13 =	vld [tilespmem:s6+$0xFFFFFFE0];
	_ =	sdelay $0x1  }
0x3d: {  	v11 =	vld [tilespmem:s6+$0xFFFFFFF0];
	_ =	sdelay $0x1  }
0x3e: {  	v14 =	vimm.f32 $-3.000000010e+38;
	v12 =	vld [tilespmem:s6+$0x0]  }
0x3f: {  	vm1 =	vgt.f32 v13, v14  }
0x40: {  	v16 =	vimm.s32 $0x0;
	v17 =	vor.u32 s29, v1;
	s31 =	simm.s32 $0x10;
	v15 =	vsel vm1, v13, v14;
	v13 =	vld [tilespmem:s6+$0x10]  }
0x41: {  	s5 =	simm.s32 $0x0;
	v14 =	vsel vm1, v17, v16;
	v16 =	vor.u32 s31, v1;
	s6 =	simm.s32 $0x6060;
	s31 =	simm.s32 $0x0;
	vm1 =	vgt.f32 v11, v15  }
.LBB2_6:
0x42: {  	v17 =	vld [tilespmem:s6+$0xFFFFFFE0];
	s5 =	sadd.s32 $0x4, s5;
	v15 =	vsel vm1, v11, v15;
	v14 =	vsel vm1, v16, v14;
	s7 =	sadd.s32 $0x20, s31  }
0x43: {  	p0 =	slt.u32 s5, $0x1F8;
	v16 =	vor.u32 s7, v1;
	vm1 =	vgt.f32 v12, v15  }
0x44: {  	s7 =	sadd.s32 $0x30, s31;
	v11 =	vld [tilespmem:s6+$0xFFFFFFF0];
	v15 =	vsel vm1, v12, v15;
	v14 =	vsel vm1, v16, v14  }
.Ltmp2:
0x45: {  	v16 =	vor.u32 s7, v1;
	vm1 =	vgt.f32 v13, v15;
	(pc) =	sbr.rel @p0 .LBB2_6-.Ltmp2, $4  }
0x46: {  	s31 =	sadd.s32 $0x40, s31;
	v12 =	vld [tilespmem:s6+$0x0];
	v13 =	vsel vm1, v13, v15;
	v14 =	vsel vm1, v16, v14  }
0x47: {  	v16 =	vor.u32 s31, v1;
	vm1 =	vgt.f32 v17, v13  }
0x48: {  	s7 =	sadd.s32 $0x10, s31;
	v15 =	vsel vm1, v17, v13;
	v14 =	vsel vm1, v16, v14;
	v13 =	vld [tilespmem:s6+$0x10]  }
0x49: {  	v16 =	vor.u32 s7, v1;
	s6 =	sadd.s32 $0x40, s6;
	vm1 =	vgt.f32 v11, v15  }
0x4a: {  	v11 =	vsel vm1, v11, v15  }
0x4b: {  	vm2 =	vgt.f32 v12, v11  }
0x4c: {  	s5 =	sadd.s32 $0x20, s31;
	v11 =	vsel vm2, v12, v11  }
0x4d: {  	v52 =	vsel vm1, v16, v14;
	s31 =	sadd.s32 $0x30, s31;
	v53 =	vor.u32 s5, v1;
	vm1 =	vgt.f32 v13, v11  }
0x4e: {  	v54 =	vor.u32 s31, v1;
	v12 =	vsel vm2, v53, v52;
	v11 =	vsel vm1, v13, v11  }
0x4f: {  	v12 =	vsel vm1, v54, v12;
	[tilespmem:$0x10380] =	vst v11  }
0x50: {  	[tilespmem:$0x10400] =	vst v12  }
0x51: {  	v55 =	vld.idx.msk [tilespmem:v2+s23+$0x0], $0xffff  }
0x52: {  	v56 =	vld.idx.msk [tilespmem:v2+s24+$0x0], $0xffff;
	_ =	sdelay $0x4  }
0x53: {  	vm1 =	veq.f32 v55, v11;
	vm2 =	vlt.s32 v56, v12  }
0x54: {  	vm3 =	vgt.f32 v55, v11;
	vm1 =	vmand vm1, vm2  }
0x55: {  	vm1 =	vmor vm3, vm1  }
0x56: {  	v11 =	vsel vm1, v55, v11  }
0x57: {  	v12 =	vsel vm1, v56, v12;
	[tilespmem:$0x10380] =	vst v11  }
0x58: {  	[tilespmem:$0x10400] =	vst v12  }
0x59: {  	v57 =	vld.idx.msk [tilespmem:v3+s23+$0x0], $0xffff  }
0x5a: {  	v58 =	vld.idx.msk [tilespmem:v3+s24+$0x0], $0xffff;
	_ =	sdelay $0x4  }
0x5b: {  	vm1 =	veq.f32 v57, v11;
	vm2 =	vlt.s32 v58, v12  }
0x5c: {  	vm3 =	vgt.f32 v57, v11;
	vm1 =	vmand vm1, vm2  }
0x5d: {  	vm1 =	vmor vm3, vm1  }
0x5e: {  	v11 =	vsel vm1, v57, v11  }
0x5f: {  	v12 =	vsel vm1, v58, v12;
	[tilespmem:$0x10380] =	vst v11  }
0x60: {  	[tilespmem:$0x10400] =	vst v12  }
0x61: {  	v59 =	vld.idx.msk [tilespmem:v4+s23+$0x0], $0xffff  }
0x62: {  	v60 =	vld.idx.msk [tilespmem:v4+s24+$0x0], $0xffff;
	_ =	sdelay $0x4  }
0x63: {  	vm1 =	veq.f32 v59, v11;
	vm2 =	vlt.s32 v60, v12  }
0x64: {  	vm3 =	vgt.f32 v59, v11;
	vm1 =	vmand vm1, vm2  }
0x65: {  	vm1 =	vmor vm3, vm1  }
0x66: {  	v11 =	vsel vm1, v59, v11  }
0x67: {  	v12 =	vsel vm1, v60, v12;
	[tilespmem:$0x10380] =	vst v11  }
0x68: {  	[tilespmem:$0x10400] =	vst v12  }
0x69: {  	v61 =	vld.idx.msk [tilespmem:v5+s23+$0x0], $0xffff  }
0x6a: {  	v62 =	vld.idx.msk [tilespmem:v5+s24+$0x0], $0xffff;
	_ =	sdelay $0x4  }
0x6b: {  	vm1 =	veq.f32 v61, v11;
	vm2 =	vlt.s32 v62, v12  }
0x6c: {  	v63 =	vmov s30;
	vm3 =	vgt.f32 v61, v11;
	vm1 =	vmand vm1, vm2  }
0x6d: {  	s30 =	sadd.s32 $0x1, s30;
	vm1 =	vmor vm3, vm1  }
0x6e: {  	p0 =	sne.s32 s30, $0x20;
	v12 =	vsel vm1, v62, v12  }
.Ltmp3:
0x6f: {  	_ = 	snop;
	(pc) =	sbr.rel @p0 .LBB2_5-.Ltmp3, $4  }
0x70: {  	v11 =	vsel vm1, v61, v11  }
0x71: {  	[tilespmem:v63+s25+$0x0] =	vst.idx.msk $0x1, v11  }
0x72: {  	[tilespmem:v63+s26+$0x0] =	vst.idx.msk $0x1, v12  }
0x73: {  	[tilespmem:v12+s22+$0x0] =	vst.idx.msk $0x1, v6  }
0x74: {  	v11 =	vld [tilespmem:$0xC080];
	_ =	sdelay $0x6  }
0x75: {  	v13 =	vld [tilespmem:$0xC000]  }
0x76: {  	v12 =	vld.idx.msk [tilespmem:v11+s20+$0x0], $0xffff  }
0x77: {  	v11 =	vld.idx.msk [tilespmem:v11+s21+$0x0], $0xffff;
	_ =	sdelay $0x1  }
0x78: {  	v14 =	vld [tilespmem:$0xC090];
	_ =	sdelay $0x1  }
0x79: {  	v15 =	vadd.s32 v0, v12  }
0x7a: {  	vm1 =	vgt.f32 v13, $0.0e+00;
	v55 =	vadd.s32 v0, v11;
	[tilespmem:$0xC100] =	vst v15  }
0x7b: {  	v12 =	vnsel vm1, $0xFFFFFFFF, v12;
	[tilespmem:$0xC180] =	vst v55;
	v56 =	vld [tilespmem:$0xC100]  }
0x7c: {  	v11 =	vnsel vm1, $0xFFFFFFFF, v11;
	[tilespmem:$0xC200] =	vst v12  }
0x7d: {  	[tilespmem:$0xC280] =	vst v11;
	v11 =	vsel vm1, $0x1, v7  }
0x7e: {  	v57 =	vld [tilespmem:$0xC010];
	[tilespmem:$0xC300] =	vst v11  }
0x7f: {  	v11 =	vld.idx.msk [tilespmem:v14+s20+$0x0], $0xffff  }
0x80: {  	v14 =	vld.idx.msk [tilespmem:v14+s21+$0x0], $0xffff;
	v58 =	vshll.u32 v56, $0x1  }
0x81: {  	v12 =	vand.u32 $0x7, v56;
	v15 =	vand.u32 $0xFFFFFFF0, v58  }
0x82: {  	v12 =	vor.u32 v12, v15  }
0x83: {  	v15 =	vperm.xlane v12, v8  }
0x84: {  	vm1 =	vgt.f32 v57, $0.0e+00;
	v59 =	vadd.s32 v0, v11  }
0x85: {  	v60 =	vadd.s32 v0, v14;
	[tilespmem:$0xC110] =	vst v59;
	v12 =	vperm.xlane v12, v10;
	v15 =	vadd.s32 v9, v15  }
0x86: {  	v11 =	vnsel vm1, $0xFFFFFFFF, v11;
	[tilespmem:$0xC190] =	vst v60  }
0x87: {  	[tilespmem:$0xC210] =	vst v11;
	v11 =	vnsel vm1, $0xFFFFFFFF, v14;
	v12 =	vadd.s32 v9, v12  }
0x88: {  	[tilespmem:$0xC290] =	vst v11;
	v11 =	vsel vm1, $0x1, v7  }
0x89: {  	[tilespmem:$0xC310] =	vst v11  }
0x8a: {  	[tilespmem:s28], [sflag:$0x1] =	stream.indirect_vreg.gather [hbm4b:s4+s3], $0x80, v15, vm0, $0xb8;
	[tilespmem:$0x10480] =	vst v63  }
0x8b: {  	s5 =	simm.s32 $0xCB80  }
0x8c: {  	[tilespmem:s5], [sflag:$0x1] =	stream.indirect_vreg.gather [hbm4b:s4+s3], $0x80, v12, vm0, $0xb8;
	[tilespmem:$0x10480] =	vst v63  }
0x8d: {  	v11 =	vld [tilespmem:$0xC110];
	_ =	sdelay $0x4  }
0x8e: {  	v61 =	vshll.u32 v11, $0x1  }
0x8f: {  	v11 =	vand.u32 $0x7, v11;
	v12 =	vand.u32 $0xFFFFFFF0, v61  }
0x90: {  	v11 =	vor.u32 v11, v12  }
0x91: {  	v12 =	vperm.xlane v11, v8;
	_ =	sdelay $0x1  }
0x92: {  	v11 =	vperm.xlane v11, v10;
	v12 =	vadd.s32 v9, v12;
	_ =	sdelay $0x1  }
0x93: {  	v11 =	vadd.s32 v9, v11;
	_ =	sdelay $0x1  }
0x94: {  	s29 =	simm.s32 $0xD380  }
0x95: {  	[tilespmem:s29], [sflag:$0x1] =	stream.indirect_vreg.gather [hbm4b:s4+s3], $0x80, v12, vm0, $0xb8;
	[tilespmem:$0x10480] =	vst v63  }
0x96: {  	s30 =	simm.s32 $0xDB80  }
0x97: {  	[tilespmem:s30], [sflag:$0x1] =	stream.indirect_vreg.gather [hbm4b:s4+s3], $0x80, v11, vm0, $0xb8;
	[tilespmem:$0x10480] =	vst v63  }
0x98: {  	v11 =	vld [tilespmem:$0xC180];
	_ =	sdelay $0x4  }
0x99: {  	v62 =	vshll.u32 v11, $0x1  }
0x9a: {  	v11 =	vand.u32 $0x7, v11;
	v12 =	vand.u32 $0xFFFFFFF0, v62  }
0x9b: {  	v11 =	vor.u32 v11, v12  }
0x9c: {  	v12 =	vperm.xlane v11, v8;
	_ =	sdelay $0x1  }
0x9d: {  	v11 =	vperm.xlane v11, v10;
	v12 =	vadd.s32 v9, v12;
	_ =	sdelay $0x1  }
0x9e: {  	v11 =	vadd.s32 v9, v11;
	_ =	sdelay $0x2  }
0x9f: {  	[tilespmem:s0], [sflag:$0x2] =	stream.indirect_vreg.gather [hbm4b:s4+s3], $0x80, v12, vm0, $0xb8;
	[tilespmem:$0x10480] =	vst v63  }
0xa0: {  	s31 =	simm.s32 $0xEB80  }
0xa1: {  	[tilespmem:s31], [sflag:$0x2] =	stream.indirect_vreg.gather [hbm4b:s4+s3], $0x80, v11, vm0, $0xb8;
	[tilespmem:$0x10480] =	vst v63  }
0xa2: {  	v11 =	vld [tilespmem:$0xC190];
	_ =	sdelay $0x4  }
0xa3: {  	v63 =	vshll.u32 v11, $0x1  }
0xa4: {  	v11 =	vand.u32 $0x7, v11;
	v12 =	vand.u32 $0xFFFFFFF0, v63  }
0xa5: {  	v11 =	vor.u32 v11, v12  }
0xa6: {  	v12 =	vperm.xlane v11, v8;
	_ =	sdelay $0x1  }
0xa7: {  	v11 =	vperm.xlane v11, v10;
	v12 =	vadd.s32 v9, v12;
	_ =	sdelay $0x1  }
0xa8: {  	v11 =	vadd.s32 v9, v11;
	_ =	sdelay $0x1  }
0xa9: {  	s6 =	simm.s32 $0xF380  }
0xaa: {  	[tilespmem:s6], [sflag:$0x2] =	stream.indirect_vreg.gather [hbm4b:s4+s3], $0x80, v12, vm0, $0xb8;
	[tilespmem:$0x10480] =	vst v63  }
0xab: {  	s7 =	simm.s32 $0xFB80  }
0xac: {  	[tilespmem:s7], [sflag:$0x2] =	stream.indirect_vreg.gather [hbm4b:s4+s3], $0x80, v11, vm0, $0xb8;
	[tilespmem:$0x10480] =	vst v63  }
0xad: {  	_ = 	snop  }
0xae: {  	[hbm4b:s13+s3] =	stream.linear.scatter [tilespmem:s25], [sflag:$0x3], $0x80, $0x38;
	[tilespmem:$0x10480] =	vst v63  }
0xaf: {  	_ =	swait.ge [sflag:s18], $0x80  }
0xb0: {  	[sflag:s18] =	ssyncset.done $0x0  }
0xb1: {  	s6 =	simm.s32 $0xC200;
	s29 =	rddreg [dreg:$0x7];
	[sflag:s18] =	ssyncadd.s32 $0xFFFFFF80  }
0xb2: {  	[hbm4b:s29+s3] =	stream.linear.scatter [tilespmem:s6], [sflag:$0x3], $0x80, $0x38;
	[tilespmem:$0x10480] =	vst v63  }
0xb3: {  	_ =	swait.ge [sflag:s18], $0x80  }
0xb4: {  	[sflag:s18] =	ssyncset.done $0x0  }
0xb5: {  	s30 =	simm.s32 $0xC280;
	[sflag:s18] =	ssyncadd.s32 $0xFFFFFF80  }
0xb6: {  	[hbm4b:s8+s3] =	stream.linear.scatter [tilespmem:s30], [sflag:$0x3], $0x80, $0x38;
	[tilespmem:$0x10480] =	vst v63  }
0xb7: {  	_ =	swait.ge [sflag:s18], $0x80  }
0xb8: {  	[sflag:s18] =	ssyncset.done $0x0  }
0xb9: {  	s31 =	simm.s32 $0xC300;
	[sflag:s18] =	ssyncadd.s32 $0xFFFFFF80  }
0xba: {  	[hbm4b:s9+s3] =	stream.linear.scatter [tilespmem:s31], [sflag:$0x3], $0x80, $0x38;
	[tilespmem:$0x10480] =	vst v63  }
0xbb: {  	_ =	swait.ge [sflag:s18], $0x80  }
0xbc: {  	[sflag:s18] =	ssyncset.done $0x0  }
0xbd: {  	[sflag:s18] =	ssyncadd.s32 $0xFFFFFF80  }
0xbe: {  	_ =	swait.ge [sflag:s2], $0x2000  }
0xbf: {  	[sflag:s2] =	ssyncset.done $0x0  }
0xc0: {  	[sflag:s2] =	ssyncadd.s32 $0xFFFFE000  }
0xc1: {  	[hbm4b:s10+s3] =	stream.linear.scatter [tilespmem:s28], [sflag:$0x3], $0x2000, $0x38;
	[tilespmem:$0x10480] =	vst v63  }
0xc2: {  	_ =	swait.ge [sflag:s18], $0x2000  }
0xc3: {  	[sflag:s18] =	ssyncset.done $0x0  }
0xc4: {  	[sflag:s18] =	ssyncadd.s32 $0xFFFFE000  }
0xc5: {  	s19 =	sadd.s32 $0x1, s19;
	_ =	swait.ge [sflag:s1], $0x2000  }
0xc6: {  	p0 =	sne.s32 s19, s15;
	[sflag:s1] =	ssyncset.done $0x0  }
.Ltmp4:
0xc7: {  	[sflag:s1] =	ssyncadd.s32 $0xFFFFE000;
	(pc) =	sbr.rel @p0 .LBB2_2-.Ltmp4, $4  }
0xc8: {  	[hbm4b:s11+s3] =	stream.linear.scatter [tilespmem:s0], [sflag:$0x3], $0x2000, $0x38;
	[tilespmem:$0x10480] =	vst v63  }
0xc9: {  	_ =	swait.ge [sflag:s18], $0x2000  }
0xca: {  	[sflag:s18] =	ssyncset.done $0x0  }
0xcb: {  	[sflag:s18] =	ssyncadd.s32 $0xFFFFE000  }
.LBB2_9:
0xcc: {  	_ =	sfence.sel $0x180000  }
0xcd: {  	[bflag:$0x0] =	sbarrier.arrive $0xFFFF  }
0xce: {  	_ =	strace $0x90000047  }
0xcf: {  	s0 =	stileid.u32;
	[bflag:$0x2] =	sbarrier.arrive $0xFFFF  }
0xd0: {  	p0 =	sne.s32 s0, $0x0;
	s0 =	rddreg [dreg:$0x4]  }
0xd1: {  	s0 =	sadd.s32 @!p0 $0x100000, s0  }
0xd2: {  	[sflag:s0] =	ssyncadd.tile.s32 @!p0 $0x1;
	_ =	shalt  }
.Lfunc_end2:
_tile_overlayer_lowered:
.L_overlay_start_2:
0xd3: {  	(tag) =	ssettag $0x2  }
0xd4: {  	s0 =	rddreg [dreg:$0x0];
	s2 =	stileid.u32  }
0xd5: {  	s1 =	rddreg [dreg:$0x1];
	p0 =	sne.s32 s2, $0x0  }
0xd6: {  	s3 =	rddreg [dreg:$0x2];
	[bflag:$0x3] =	sbarrier.arrive $0xFFFF;
	s2 =	simm.s32 @!p0 $0x1C03  }
0xd7: {  	[timem:s3], [sflag:s2] =	dma.local @!p0 [hbm:s0], s1  }
0xd8: {  	s0 =	simm.s32 @!p0 $0x3  }
0xd9: {  	_ =	swait.ge @!p0 [sflag:s0], s1  }
0xda: {  	s1 =	ssub.s32 @!p0 $0x0, s1;
	[sflag:s0] =	ssyncset.done @!p0 $0x0  }
0xdb: {  	[sflag:s0] =	ssyncadd.s32 @!p0 s1  }
0xdc: {  	[bflag:$0x3] =	sbarrier.arrive $0xFFFF  }
0xdd: {  	_ =	shalt  }

</sc_bundles>
